<compile_context>
chip_gen: v7x
topology: tpu7x:2x2x1
jax: 0.10.2.dev20260603
libtpu: 0.0.44.dev20260713+nightly
codegen_flags: <defaults>
</compile_context>

<pallas_src>
import functools
import jax
import jax.numpy as jnp
from jax import lax
from jax.experimental import pallas as pl
from jax.experimental.pallas import tpu as pltpu
from jax.experimental.pallas import tpu_sc as plsc

_EPS = 1e-5


def _fps_centers(x, y, z, npoint):
    Bb, Nn = x.shape

    def body(x_ref, y_ref, z_ref, nx_ref, ny_ref, nz_ref):
        xv = x_ref[...]
        yv = y_ref[...]
        zv = z_ref[...]
        iota = lax.broadcasted_iota(jnp.int32, (Bb, Nn), 1)
        eye = jnp.eye(Bb, dtype=jnp.float32)
        ones_row = jnp.ones((1, Bb), jnp.float32)
        row_iota = lax.broadcasted_iota(jnp.int32, (8, Bb), 0)

        def trans_row(col):
            return jnp.dot(ones_row, eye * col,
                           precision=lax.Precision.HIGHEST,
                           preferred_element_type=jnp.float32)

        def step(i, carry):
            dists, far, bx, by, bz = carry
            oh = (iota == far).astype(jnp.float32)
            cx = jnp.sum(xv * oh, axis=1, keepdims=True)
            cy = jnp.sum(yv * oh, axis=1, keepdims=True)
            cz = jnp.sum(zv * oh, axis=1, keepdims=True)
            r = i % 8
            sel = row_iota == r
            bx = jnp.where(sel, trans_row(cx), bx)
            by = jnp.where(sel, trans_row(cy), by)
            bz = jnp.where(sel, trans_row(cz), bz)

            @pl.when(r == 7)
            def _():
                base = (i // 8) * 8
                nx_ref[pl.ds(base, 8), :] = bx
                ny_ref[pl.ds(base, 8), :] = by
                nz_ref[pl.ds(base, 8), :] = bz

            dx = xv - cx
            dy = yv - cy
            dz = zv - cz
            d = (dx * dx + dy * dy) + dz * dz
            dists = jnp.minimum(dists, d)
            m = jnp.max(dists, axis=1, keepdims=True)
            far = jnp.min(jnp.where(dists == m, iota, Nn), axis=1,
                          keepdims=True)
            return dists, far, bx, by, bz

        dists0 = jnp.full((Bb, Nn), 1e10, jnp.float32)
        far0 = jnp.zeros((Bb, 1), jnp.int32)
        buf0 = jnp.zeros((8, Bb), jnp.float32)
        lax.fori_loop(0, npoint, step, (dists0, far0, buf0, buf0, buf0))

    return pl.pallas_call(
        body,
        in_specs=[pl.BlockSpec((Bb, Nn), lambda: (0, 0))] * 3,
        out_specs=[pl.BlockSpec((npoint, Bb), lambda: (0, 0))] * 3,
        out_shape=[jax.ShapeDtypeStruct((npoint, Bb), jnp.float32)] * 3,
    )(x, y, z)


def _d2_call(x, y, z, cxT, cyT, czT):
    Bb, Nn = x.shape
    S = cxT.shape[0]
    ST = min(256, S)
    JT = S // ST

    def body(x_ref, y_ref, z_ref, cx_ref, cy_ref, cz_ref, o_ref):
        b = pl.program_id(0)
        riota = lax.broadcasted_iota(jnp.int32, (Bb, Nn), 0)
        ciota = lax.broadcasted_iota(jnp.int32, (ST, Bb), 1)

        def selr(ref):
            return jnp.sum(jnp.where(riota == b, ref[...], 0.0), axis=0,
                           keepdims=True)

        def selc(ref):
            return jnp.sum(jnp.where(ciota == b, ref[...], 0.0), axis=1,
                           keepdims=True)

        dx = selc(cx_ref) - selr(x_ref)
        dy = selc(cy_ref) - selr(y_ref)
        dz = selc(cz_ref) - selr(z_ref)
        o_ref[...] = (dx * dx + dy * dy) + dz * dz

    return pl.pallas_call(
        body,
        grid=(Bb, JT),
        in_specs=[pl.BlockSpec((Bb, Nn), lambda b, j: (0, 0))] * 3
        + [pl.BlockSpec((ST, Bb), lambda b, j: (j, 0))] * 3,
        out_specs=pl.BlockSpec((ST, Nn), lambda b, j: (b * JT + j, 0)),
        out_shape=jax.ShapeDtypeStruct((Bb * S, Nn), jnp.float32),
    )(x, y, z, cxT, cyT, czT)


def _sc_bq_gather(d2, tables, r2s, Ks, Npts, S, outcs=None):
    ncent = d2.shape[0]
    B = ncent // S
    NW = 32
    cpw = ncent // NW
    NCH = Npts // 16
    nr = len(r2s)
    if outcs is None:
        outcs = [t.shape[1] for t in tables]

    mesh = plsc.VectorSubcoreMesh(core_axis_name="c", subcore_axis_name="s")
    cparams = pltpu.CompilerParams(needs_layout_passes=False,
                                   use_tc_tiling_on_sc=False)
    scratch = [pltpu.VMEM((2, Npts), jnp.float32)]
    for i in range(nr):
        scratch += [pltpu.VMEM((Ks[i],), jnp.int32),
                    pltpu.VMEM((Ks[i],), jnp.int32),
                    pltpu.VMEM((Ks[i], tables[i].shape[1]), jnp.float32)]
    scratch += [pltpu.SemaphoreType.DMA, pltpu.SemaphoreType.DMA,
                pltpu.SemaphoreType.DMA, pltpu.SemaphoreType.DMA,
                pltpu.SemaphoreType.DMA]

    @functools.partial(
        pl.kernel, mesh=mesh, compiler_params=cparams,
        out_type=[jax.ShapeDtypeStruct((ncent * Ks[i], outcs[i]),
                                       jnp.float32) for i in range(nr)],
        scratch_types=scratch,
    )
    def k(*refs):
        d2_hbm = refs[0]
        tab_hbm = refs[1:1 + nr]
        out_hbm = refs[1 + nr:1 + 2 * nr]
        sc = refs[1 + 2 * nr:]
        d2buf = sc[0]
        idxb = [sc[1 + 3 * i] for i in range(nr)]
        gidxb = [sc[2 + 3 * i] for i in range(nr)]
        rowsb = [sc[3 + 3 * i] for i in range(nr)]
        sem = sc[1 + 3 * nr]
        osems = sc[2 + 3 * nr:5 + 3 * nr]
        gsem = sc[5 + 3 * nr]

        wid = lax.axis_index("s") * 2 + lax.axis_index("c")
        lanes = lax.iota(jnp.int32, 16)

        pltpu.async_copy(d2_hbm.at[wid * cpw], d2buf.at[0], sem)

        def per_center(t, _):
            cid = wid * cpw + t
            b = cid // S
            pltpu.make_async_copy(d2_hbm.at[cid], d2buf.at[t % 2], sem).wait()

            @pl.when(t + 1 < cpw)
            def _():
                pltpu.async_copy(d2_hbm.at[cid + 1], d2buf.at[(t + 1) % 2],
                                 sem)

            d2row = d2buf.at[t % 2]
            for i in range(nr):
                K = Ks[i]
                r2 = r2s[i]

                def cond(carry):
                    j, cnt = carry
                    return (j < NCH) & (cnt < K)

                def step(carry):
                    j, cnt = carry
                    v = d2row[pl.ds(j * 16, 16)]
                    m = v < r2
                    mi = m.astype(jnp.int32)
                    nhit = jnp.sum(mi)
                    slots = plsc.cumsum(mi) + (cnt - 1)
                    vals = lanes + j * 16
                    wmask = m & (slots < K)
                    plsc.store_scatter(idxb[i], [slots], vals, mask=wmask)
                    return j + 1, cnt + nhit

                _, cnt = lax.while_loop(cond, step,
                                        (jnp.int32(0), jnp.int32(0)))

                v0 = idxb[i][pl.ds(0, 16)]
                fmask = lanes < jnp.minimum(cnt, 16)
                first = jnp.min(jnp.where(fmask, v0, jnp.int32(1 << 30)))
                first_v = jnp.full((16,), first)
                cntv = jnp.full((16,), cnt)
                for kk in range(K // 16):
                    pos = lanes + kk * 16
                    cur = idxb[i][pl.ds(kk * 16, 16)]
                    outv = jnp.where(pos < cntv, cur, first_v)
                    gidxb[i][pl.ds(kk * 16, 16)] = outv + b * Npts
                @pl.when(t > 0)
                def _():
                    pltpu.make_async_copy(
                        rowsb[i].at[:, pl.ds(0, outcs[i])],
                        out_hbm[i].at[pl.ds((cid - 1) * K, K)],
                        osems[i]).wait()

                pltpu.async_copy(tab_hbm[i].at[gidxb[i]], rowsb[i],
                                 gsem).wait()
                pltpu.async_copy(rowsb[i].at[:, pl.ds(0, outcs[i])],
                                 out_hbm[i].at[pl.ds(cid * K, K)], osems[i])

        lax.fori_loop(0, cpw, per_center, None)
        last = wid * cpw + cpw - 1
        for i in range(nr):
            pltpu.make_async_copy(
                rowsb[i].at[:, pl.ds(0, outcs[i])],
                out_hbm[i].at[pl.ds(last * Ks[i], Ks[i])], osems[i]).wait()

    return k(d2, *tables)


def _layer_call(x, wt, scale, shift, relu, pool_k=None, group_k=None):
    M, Cin = x.shape
    Cout = wt.shape[1]
    BM = min(8192, M)
    grid = M // BM
    G = BM // group_k if group_k else None

    if pool_k is None:
        z_shape, z_block = (M, Cout), (BM, Cout)
    else:
        z_shape, z_block = (M // pool_k, Cout), (BM // pool_k, Cout)

    def body(*refs):
        i = 0
        x_ref = refs[i]; i += 1
        wt_ref = refs[i]; i += 1
        sc_ref = None
        sh_ref = None
        if scale is not None:
            sc_ref = refs[i]; i += 1
        if shift is not None:
            sh_ref = refs[i]; i += 1
        z_ref, st_ref = refs[i], refs[i + 1]

        xv = x_ref[...]
        if scale is not None:
            xv = xv * sc_ref[...]
        if shift is not None:
            if group_k:
                xv = (xv.reshape(G, group_k, Cin)
                      + sh_ref[...][:, None, :]).reshape(BM, Cin)
            else:
                xv = xv + sh_ref[...]
        if relu:
            xv = jnp.maximum(xv, 0.0)
        z = jnp.dot(xv, wt_ref[...], preferred_element_type=jnp.float32)
        if pool_k is None:
            z_ref[...] = z
        else:
            z_ref[...] = jnp.max(z.reshape(BM // pool_k, pool_k, Cout), axis=1)

        @pl.when(pl.program_id(0) == 0)
        def _():
            st_ref[...] = jnp.zeros_like(st_ref)

        st_ref[0:1, :] += jnp.sum(z, axis=0)[None, :]
        st_ref[1:2, :] += jnp.sum(z * z, axis=0)[None, :]

    in_specs = [pl.BlockSpec((BM, Cin), lambda i: (i, 0)),
                pl.BlockSpec((Cin, Cout), lambda i: (0, 0))]
    args = [x, wt]
    if scale is not None:
        in_specs.append(pl.BlockSpec((1, Cin), lambda i: (0, 0)))
        args.append(scale)
    if shift is not None:
        if group_k:
            in_specs.append(pl.BlockSpec((G, Cin), lambda i: (i, 0)))
        else:
            in_specs.append(pl.BlockSpec((1, Cin), lambda i: (0, 0)))
        args.append(shift)

    return pl.pallas_call(
        body,
        grid=(grid,),
        in_specs=in_specs,
        out_specs=[pl.BlockSpec(z_block, lambda i: (i, 0)),
                   pl.BlockSpec((8, Cout), lambda i: (0, 0))],
        out_shape=[jax.ShapeDtypeStruct(z_shape, jnp.float32),
                   jax.ShapeDtypeStruct((8, Cout), jnp.float32)],
    )(*args)


def _stats_group(z, gsh, group_k):
    M, C = z.shape
    BM = min(8192, M)
    grid = M // BM
    G = BM // group_k

    def body(z_ref, g_ref, st_ref):
        t = (z_ref[...].reshape(G, group_k, C) + g_ref[...][:, None, :])
        t = t.reshape(BM, C)

        @pl.when(pl.program_id(0) == 0)
        def _():
            st_ref[...] = jnp.zeros_like(st_ref)

        st_ref[0:1, :] += jnp.sum(t, axis=0)[None, :]
        st_ref[1:2, :] += jnp.sum(t * t, axis=0)[None, :]

    return pl.pallas_call(
        body,
        grid=(grid,),
        in_specs=[pl.BlockSpec((BM, C), lambda i: (i, 0)),
                  pl.BlockSpec((G, C), lambda i: (i, 0))],
        out_specs=pl.BlockSpec((8, C), lambda i: (0, 0)),
        out_shape=jax.ShapeDtypeStruct((8, C), jnp.float32),
    )(z, gsh)


def _stats_to_ac(st, count):
    mean = st[0] / count
    var = st[1] / count - mean * mean
    scale = lax.rsqrt(var + _EPS)
    return scale[None, :], (-mean * scale)[None, :]


def _affine_relu(x, a, c):
    M, C = x.shape

    def body(x_ref, a_ref, c_ref, o_ref):
        o_ref[...] = jnp.maximum(x_ref[...] * a_ref[...] + c_ref[...], 0.0)

    return pl.pallas_call(
        body,
        in_specs=[pl.BlockSpec((M, C), lambda: (0, 0)),
                  pl.BlockSpec((1, C), lambda: (0, 0)),
                  pl.BlockSpec((1, C), lambda: (0, 0))],
        out_specs=pl.BlockSpec((M, C), lambda: (0, 0)),
        out_shape=jax.ShapeDtypeStruct((M, C), jnp.float32),
    )(x, a, c)


def _pad_cols(a, c):
    pad = c - a.shape[-1]
    if pad == 0:
        return a
    return jnp.pad(a, [(0, 0)] * (a.ndim - 1) + [(0, pad)])


def _tail_layers(z1, st1, layers, K, M):
    a, c = _stats_to_ac(st1, float(M))
    x = z1
    for li, (W, b, g, bt) in enumerate(layers[1:]):
        last = li == len(layers) - 2
        x, st = _layer_call(x, W.T, a, c, relu=True,
                            pool_k=K if last else None)
        a, c = _stats_to_ac(st, float(M))
    return _affine_relu(x, a, c)


def kernel(pointcloud, params):
    B, N, _ = pointcloud.shape
    x = pointcloud[..., 0]
    y = pointcloud[..., 1]
    z = pointcloud[..., 2]

    S1 = 512
    radii1, ks1 = [0.1, 0.2, 0.4], [16, 32, 128]
    nxT, nyT, nzT = _fps_centers(x, y, z, S1)
    d2 = _d2_call(x, y, z, nxT, nyT, nzT)
    table1 = _pad_cols(pointcloud.reshape(B * N, 6), 8)
    gs = _sc_bq_gather(d2, [table1] * 3, [r * r for r in radii1], ks1, N, S1)
    new_xyz = jnp.stack([nxT.T, nyT.T, nzT.T], axis=-1)
    gshift1 = _pad_cols(-new_xyz.reshape(B * S1, 3), 8)

    outs = []
    for g, K, layers in zip(gs, ks1, params[0]):
        M = B * S1 * K
        w1t = _pad_cols(layers[0][0], 8).T
        z1, st1 = _layer_call(g, w1t, None, gshift1, relu=False, group_k=K)
        outs.append(_tail_layers(z1, st1, layers, K, M))
    feats = jnp.concatenate(outs, axis=-1).reshape(B, S1, -1)

    S2 = 128
    radii2, ks2 = [0.2, 0.4, 0.8], [32, 64, 128]
    x2, y2, z2 = new_xyz[..., 0], new_xyz[..., 1], new_xyz[..., 2]
    nxT2, nyT2, nzT2 = _fps_centers(x2, y2, z2, S2)
    d2b = _d2_call(x2, y2, z2, nxT2, nyT2, nzT2)
    new_xyz2 = jnp.stack([nxT2.T, nyT2.T, nzT2.T], axis=-1)

    pts323 = _pad_cols(
        jnp.concatenate([new_xyz, feats], axis=-1).reshape(B * S1, 323), 384)
    cent3 = _pad_cols(new_xyz2.reshape(B * S2, 3), 8)

    tables, qs = [], []
    for K, layers in zip(ks2, params[1]):
        W1 = layers[0][0]
        W1p = jnp.pad(W1, ((0, 0), (0, 384 - W1.shape[1])))
        R, _ = _layer_call(pts323, W1p.T, None, None, relu=False)
        q, _ = _layer_call(cent3, _pad_cols(W1[:, :3], 8).T, None, None,
                           relu=False)
        tables.append(R)
        qs.append(q)

    g2 = _sc_bq_gather(d2b, tables, [r * r for r in radii2], ks2, S1, S2)

    outs2 = []
    for gz, q, K, layers in zip(g2, qs, ks2, params[1]):
        M = B * S2 * K
        st1 = _stats_group(gz, -q, K)
        mean = st1[0] / M
        var = st1[1] / M - mean * mean
        a1 = lax.rsqrt(var + _EPS)
        E = (-q - mean[None, :]) * a1[None, :]
        zx, st2 = _layer_call(gz, layers[1][0].T, a1[None, :], E,
                              relu=True, group_k=K)
        a, c = _stats_to_ac(st2, float(M))
        zx, st3 = _layer_call(zx, layers[2][0].T, a, c, relu=True, pool_k=K)
        a, c = _stats_to_ac(st3, float(M))
        outs2.append(_affine_relu(zx, a, c))
    feats2 = jnp.concatenate(outs2, axis=-1)

    K3 = S2
    M3 = B * K3
    grouped = _pad_cols(
        jnp.concatenate([new_xyz2.reshape(B * S2, 3), feats2], axis=-1), 768)
    layers = params[2][0]
    z1, st1 = _layer_call(grouped, _pad_cols(layers[0][0], 768).T, None, None,
                          relu=False)
    out = _tail_layers(z1, st1, layers, K3, M3)
    return out

# --- scband reference (transcript-rebuilt; emitter-appended) ---
"""Pipeline reference for scband-pointnet2-msg-54606214201519 (READ-ONLY COPY).

The authoritative reference and input builder live on the scoring server;
editing this copy changes nothing except your own understanding.
"""

import jax, jax.numpy as jnp
import numpy as np

B, N = 8, 4096
CFG = [
    {"npoint": 512, "radii": [0.1, 0.2, 0.4], "nsamples": [16, 32, 128],
     "mlps": [[6, 32, 32, 64], [6, 64, 64, 128], [6, 64, 96, 128]]},
    {"npoint": 128, "radii": [0.2, 0.4, 0.8], "nsamples": [32, 64, 128],
     "mlps": [[323, 64, 64, 128], [323, 128, 128, 256], [323, 128, 128, 256]]},
    {"npoint": None, "radii": [None], "nsamples": [None],
     "mlps": [[643, 256, 512, 1024]]},
]

def setup_inputs(seed: int = 0):
    key = jax.random.key(seed)
    pointcloud = jax.random.uniform(key, (B, N, 6), dtype=jnp.float32)
    rng = np.random.default_rng(0)
    params = []
    for cfg in CFG:
        mod = []
        for spec in cfg["mlps"]:
            layers = []
            for cin, cout in zip(spec[:-1], spec[1:]):
                W = jnp.asarray(rng.normal(0.0, np.sqrt(2.0 / cin), (cout, cin)), dtype=jnp.float32)
                b = jnp.zeros((cout,), jnp.float32)
                g = jnp.ones((cout,), jnp.float32)
                bt = jnp.zeros((cout,), jnp.float32)
                layers.append((W, b, g, bt))
            mod.append(layers)
        params.append(mod)
    return {"pointcloud": pointcloud, "params": params}

def gather(points, idx):
    return jax.vmap(lambda p, i: p[i])(points, idx)

def fps(xyz, npoint):
    Bb, Nn, _ = xyz.shape
    def body(i, state):
        idxs, dists, far = state
        idxs = idxs.at[:, i].set(far)
        cent = jax.vmap(lambda p, j: p[j])(xyz, far)
        d = jnp.sum((xyz - cent[:, None, :]) ** 2, axis=-1)
        dists = jnp.minimum(dists, d)
        far = jnp.argmax(dists, axis=-1).astype(jnp.int32)
        return idxs, dists, far
    idxs = jnp.zeros((Bb, npoint), dtype=jnp.int32)
    dists = jnp.full((Bb, Nn), 1e10, dtype=xyz.dtype)
    far = jnp.zeros((Bb,), dtype=jnp.int32)
    idxs, _, _ = jax.lax.fori_loop(0, npoint, body, (idxs, dists, far))
    return idxs

def ball_query(radius, nsample, xyz, new_xyz):
    Nn = xyz.shape[1]
    d2 = jnp.sum((new_xyz[:, :, None, :] - xyz[:, None, :, :]) ** 2, axis=-1)
    d2 = jax.lax.stop_gradient(d2)
    cand = jnp.where(d2 < radius * radius, jnp.arange(Nn, dtype=jnp.int32)[None, None, :], Nn)
    cand = jnp.sort(cand, axis=-1)[:, :, :nsample]
    first = cand[:, :, :1]
    return jnp.where(cand == Nn, first, cand)

def apply_mlp(x, layers):
    for (W, b, g, bt) in layers:
        x = jnp.einsum("bskc,oc->bsko", x, W) + b
        mean = jnp.mean(x, axis=(0, 1, 2))
        var = jnp.var(x, axis=(0, 1, 2))
        x = (x - mean) * jax.lax.rsqrt(var + 1e-5) * g + bt
        x = jax.nn.relu(x)
    return x

def sa_module(xyz, feats, params_mod, cfg):
    if cfg["npoint"] is None:
        grouped = xyz[:, None, :, :]
        if feats is not None:
            grouped = jnp.concatenate([grouped, feats[:, None, :, :]], axis=-1)
        out = apply_mlp(grouped, params_mod[0])
        return None, jnp.max(out, axis=2)
    fidx = fps(jax.lax.stop_gradient(xyz), cfg["npoint"])
    new_xyz = gather(xyz, fidx)
    outs = []
    for radius, ns, layers in zip(cfg["radii"], cfg["nsamples"], params_mod):
        idx = ball_query(radius, ns, xyz, new_xyz)
        gx = gather(xyz, idx) - new_xyz[:, :, None, :]
        if feats is not None:
            grouped = jnp.concatenate([gx, gather(feats, idx)], axis=-1)
        else:
            grouped = gx
        out = apply_mlp(grouped, layers)
        outs.append(jnp.max(out, axis=2))
    return new_xyz, jnp.concatenate(outs, axis=-1)

def reference(pointcloud, params):
    xyz = pointcloud[..., 0:3]
    feats = pointcloud[..., 3:] if pointcloud.shape[-1] > 3 else None
    for cfg, p in zip(CFG, params):
        xyz, feats = sa_module(xyz, feats, p, cfg)
    return feats[:, 0, :]

if __name__ == "__main__":
    import jax
    _d = setup_inputs()
    print(jax.jit(kernel)(*tuple(_d.values())))

</pallas_src>

<mosaic_0001>
#map = affine_map<(d0, d1) -> (0, 0)>
module attributes {stable_mosaic.version = 14 : i64} {
  func.func @k(%arg0: i32, %arg1: i32, %arg2: memref<1024x512xf32, #tpu.memory_space<hbm>>, %arg3: memref<4096x64xf32, #tpu.memory_space<hbm>>, %arg4: memref<4096x128xf32, #tpu.memory_space<hbm>>, %arg5: memref<4096x128xf32, #tpu.memory_space<hbm>>, %arg6: memref<32768x64xf32, #tpu.memory_space<hbm>>, %arg7: memref<65536x128xf32, #tpu.memory_space<hbm>>, %arg8: memref<131072x128xf32, #tpu.memory_space<hbm>>, %arg9: memref<2x512xf32, #tpu.memory_space<vmem>>, %arg10: memref<32xi32, #tpu.memory_space<vmem>>, %arg11: memref<32xi32, #tpu.memory_space<vmem>>, %arg12: memref<32x64xf32, #tpu.memory_space<vmem>>, %arg13: memref<64xi32, #tpu.memory_space<vmem>>, %arg14: memref<64xi32, #tpu.memory_space<vmem>>, %arg15: memref<64x128xf32, #tpu.memory_space<vmem>>, %arg16: memref<128xi32, #tpu.memory_space<vmem>>, %arg17: memref<128xi32, #tpu.memory_space<vmem>>, %arg18: memref<128x128xf32, #tpu.memory_space<vmem>>, %arg19: memref<!tpu.dma_semaphore, #tpu.memory_space<semaphore_mem>>, %arg20: memref<!tpu.dma_semaphore, #tpu.memory_space<semaphore_mem>>, %arg21: memref<!tpu.dma_semaphore, #tpu.memory_space<semaphore_mem>>, %arg22: memref<!tpu.dma_semaphore, #tpu.memory_space<semaphore_mem>>, %arg23: memref<!tpu.dma_semaphore, #tpu.memory_space<semaphore_mem>>) attributes {dimension_semantics = [#tpu.dimension_semantics<core_parallel>, #tpu.dimension_semantics<subcore_parallel>], iteration_bounds = array<i64: 2, 16>, scalar_prefetch = 0 : i64, scratch_operands = 15 : i64, tpu.core_type = #tpu.core_type<sc_vector_subcore>, window_params = [{transform_indices = #map}, {transform_indices = #map}, {transform_indices = #map}, {transform_indices = #map}, {transform_indices = #map}, {transform_indices = #map}, {transform_indices = #map}]} {
    %mul3A = arith.constant 2 : i32
    %mul3A_0 = arith.muli %arg1, %mul3A : i32
    %add3A = arith.addi %mul3A_0, %arg0 : i32
    %iota3A = tpu.iota {dimensions = array<i32: 0>} : vector<16xi32>
    %mul3A_1 = arith.constant 32 : i32
    %mul3A_2 = arith.muli %add3A, %mul3A_1 : i32
    %dma_start3A = arith.constant 0 : i32
    %dma_start3A_3 = arith.constant 0 : i32
    %dma_start3A_4 = tpu.memref_slice %arg9[%dma_start3A, %dma_start3A_3] : memref<2x512xf32, #tpu.memory_space<vmem>> -> memref<1x512xf32, #tpu.memory_space<vmem>>
    %dma_start3A_5 = tpu.memref_squeeze %dma_start3A_4 : memref<1x512xf32, #tpu.memory_space<vmem>> -> memref<512xf32, #tpu.memory_space<vmem>>
    %dma_start3A_6 = arith.constant 0 : i32
    %dma_start3A_7 = tpu.memref_slice %arg2[%mul3A_2, %dma_start3A_6] : memref<1024x512xf32, #tpu.memory_space<hbm>> -> memref<1x512xf32, #tpu.memory_space<hbm>>
    %dma_start3A_8 = tpu.memref_squeeze %dma_start3A_7 : memref<1x512xf32, #tpu.memory_space<hbm>> -> memref<512xf32, #tpu.memory_space<hbm>>
    %dma_start3A_9 = arith.constant 0 : i32
    %dma_start3A_10 = tpu.memref_slice %arg9[%dma_start3A, %dma_start3A_9] : memref<2x512xf32, #tpu.memory_space<vmem>> -> memref<1x512xf32, #tpu.memory_space<vmem>>
    %dma_start3A_11 = tpu.memref_squeeze %dma_start3A_10 : memref<1x512xf32, #tpu.memory_space<vmem>> -> memref<512xf32, #tpu.memory_space<vmem>>
    %dma_start3A_12 = arith.constant 0 : i32
    %dma_start3A_13 = tpu.memref_slice %arg2[%mul3A_2, %dma_start3A_12] : memref<1024x512xf32, #tpu.memory_space<hbm>> -> memref<1x512xf32, #tpu.memory_space<hbm>>
    %dma_start3A_14 = tpu.memref_squeeze %dma_start3A_13 : memref<1x512xf32, #tpu.memory_space<hbm>> -> memref<512xf32, #tpu.memory_space<hbm>>
    tpu.enqueue_dma source(%dma_start3A_14 : memref<512xf32, #tpu.memory_space<hbm>>) target(%dma_start3A_11 : memref<512xf32, #tpu.memory_space<vmem>>) target_semaphore(%arg19 : memref<!tpu.dma_semaphore, #tpu.memory_space<semaphore_mem>>)
    %scan3A = arith.constant 0 : i32
    %scan3A_15 = arith.constant 32 : i32
    %scan3A_16 = arith.addi %scan3A, %scan3A_15 : i32
    %scan3A_17 = arith.constant 1 : i32
    scf.for %scan3A_59 = %scan3A to %scan3A_16 step %scan3A_17  : i32 {
      %mul3A_60 = arith.constant 32 : i32
      %mul3A_61 = arith.muli %add3A, %mul3A_60 : i32
      %add3A_62 = arith.addi %mul3A_61, %scan3A_59 : i32
      %jit3A = arith.constant 128 : i32
      %div3A = arith.divsi %add3A_62, %jit3A : i32
      %sign3A = arith.constant 0 : i32
      %sign3A_63 = arith.cmpi sgt, %add3A_62, %sign3A : i32
      %sign3A_64 = arith.extui %sign3A_63 : i1 to i32
      %sign3A_65 = arith.constant 0 : i32
      %sign3A_66 = arith.cmpi slt, %add3A_62, %sign3A_65 : i32
      %sign3A_67 = arith.extui %sign3A_66 : i1 to i32
      %sign3A_68 = arith.subi %sign3A_64, %sign3A_67 : i32
      %sign3A_69 = arith.constant 0 : i32
      %sign3A_70 = arith.cmpi sgt, %jit3A, %sign3A_69 : i32
      %sign3A_71 = arith.extui %sign3A_70 : i1 to i32
      %sign3A_72 = arith.constant 0 : i32
      %sign3A_73 = arith.cmpi slt, %jit3A, %sign3A_72 : i32
      %sign3A_74 = arith.extui %sign3A_73 : i1 to i32
      %sign3A_75 = arith.subi %sign3A_71, %sign3A_74 : i32
      %ne3A = arith.cmpi ne, %sign3A_68, %sign3A_75 : i32
      %rem3A = arith.remsi %add3A_62, %jit3A : i32
      %ne3A_76 = arith.constant 0 : i32
      %ne3A_77 = arith.cmpi ne, %rem3A, %ne3A_76 : i32
      %and3A = arith.andi %ne3A, %ne3A_77 : i1
      %sub3A_78 = arith.constant 1 : i32
      %sub3A_79 = arith.subi %div3A, %sub3A_78 : i32
      %select_n3A = arith.select %and3A, %sub3A_79, %div3A : i32
      %jit3A_80 = arith.constant 2 : i32
      %eq3A = arith.constant 0 : i32
      %eq3A_81 = arith.cmpi eq, %jit3A_80, %eq3A : i32
      %jit3A_82 = arith.constant 1 : i32
      %select_n3A_83 = arith.select %eq3A_81, %jit3A_82, %jit3A_80 : i32
      %rem3A_84 = arith.remsi %scan3A_59, %select_n3A_83 : i32
      %ne3A_85 = arith.constant 0 : i32
      %ne3A_86 = arith.cmpi ne, %rem3A_84, %ne3A_85 : i32
      %lt3A = arith.constant 0 : i32
      %lt3A_87 = arith.cmpi slt, %rem3A_84, %lt3A : i32
      %lt3A_88 = arith.constant 0 : i32
      %lt3A_89 = arith.cmpi slt, %select_n3A_83, %lt3A_88 : i32
      %ne3A_90 = arith.xori %lt3A_87, %lt3A_89 : i1
      %and3A_91 = arith.andi %ne3A_90, %ne3A_86 : i1
      %add3A_92 = arith.addi %rem3A_84, %select_n3A_83 : i32
      %select_n3A_93 = arith.select %and3A_91, %add3A_92, %rem3A_84 : i32
      %dma_wait3A_94 = arith.constant 0 : i32
      %dma_wait3A_95 = tpu.memref_slice %arg9[%select_n3A_93, %dma_wait3A_94] : memref<2x512xf32, #tpu.memory_space<vmem>> -> memref<1x512xf32, #tpu.memory_space<vmem>>
      %dma_wait3A_96 = tpu.memref_squeeze %dma_wait3A_95 : memref<1x512xf32, #tpu.memory_space<vmem>> -> memref<512xf32, #tpu.memory_space<vmem>>
      %dma_wait3A_97 = arith.constant 0 : i32
      %dma_wait3A_98 = tpu.memref_slice %arg2[%add3A_62, %dma_wait3A_97] : memref<1024x512xf32, #tpu.memory_space<hbm>> -> memref<1x512xf32, #tpu.memory_space<hbm>>
      %dma_wait3A_99 = tpu.memref_squeeze %dma_wait3A_98 : memref<1x512xf32, #tpu.memory_space<hbm>> -> memref<512xf32, #tpu.memory_space<hbm>>
      %dma_wait3A_100 = arith.constant 0 : i32
      %dma_wait3A_101 = tpu.memref_slice %arg9[%select_n3A_93, %dma_wait3A_100] : memref<2x512xf32, #tpu.memory_space<vmem>> -> memref<1x512xf32, #tpu.memory_space<vmem>>
      %dma_wait3A_102 = tpu.memref_squeeze %dma_wait3A_101 : memref<1x512xf32, #tpu.memory_space<vmem>> -> memref<512xf32, #tpu.memory_space<vmem>>
      %dma_wait3A_103 = arith.constant 0 : i32
      %dma_wait3A_104 = tpu.memref_slice %arg2[%add3A_62, %dma_wait3A_103] : memref<1024x512xf32, #tpu.memory_space<hbm>> -> memref<1x512xf32, #tpu.memory_space<hbm>>
      %dma_wait3A_105 = tpu.memref_squeeze %dma_wait3A_104 : memref<1x512xf32, #tpu.memory_space<hbm>> -> memref<512xf32, #tpu.memory_space<hbm>>
      tpu.wait_dma2 semaphore(%arg19 : memref<!tpu.dma_semaphore, #tpu.memory_space<semaphore_mem>>) src(%dma_wait3A_105 : memref<512xf32, #tpu.memory_space<hbm>>) dst(%dma_wait3A_102 : memref<512xf32, #tpu.memory_space<vmem>>)
      %add3A_106 = arith.constant 1 : i32
      %add3A_107 = arith.addi %scan3A_59, %add3A_106 : i32
      %lt3A_108 = arith.constant 32 : i32
      %lt3A_109 = arith.cmpi slt, %add3A_107, %lt3A_108 : i32
      %convert_element_type3A = arith.extui %lt3A_109 : i1 to i32
      %cond3A = arith.constant 0 : i32
      %cond3A_110 = arith.cmpi ne, %convert_element_type3A, %cond3A : i32
      scf.if %cond3A_110 {
        %add3A_437 = arith.constant 1 : i32
        %add3A_438 = arith.addi %add3A_62, %add3A_437 : i32
        %add3A_439 = arith.constant 1 : i32
        %add3A_440 = arith.addi %scan3A_59, %add3A_439 : i32
        %jit3A_441 = arith.constant 2 : i32
        %eq3A_442 = arith.constant 0 : i32
        %eq3A_443 = arith.cmpi eq, %jit3A_441, %eq3A_442 : i32
        %jit3A_444 = arith.constant 1 : i32
        %select_n3A_445 = arith.select %eq3A_443, %jit3A_444, %jit3A_441 : i32
        %rem3A_446 = arith.remsi %add3A_440, %select_n3A_445 : i32
        %ne3A_447 = arith.constant 0 : i32
        %ne3A_448 = arith.cmpi ne, %rem3A_446, %ne3A_447 : i32
        %lt3A_449 = arith.constant 0 : i32
        %lt3A_450 = arith.cmpi slt, %rem3A_446, %lt3A_449 : i32
        %lt3A_451 = arith.constant 0 : i32
        %lt3A_452 = arith.cmpi slt, %select_n3A_445, %lt3A_451 : i32
        %ne3A_453 = arith.xori %lt3A_450, %lt3A_452 : i1
        %and3A_454 = arith.andi %ne3A_453, %ne3A_448 : i1
        %add3A_455 = arith.addi %rem3A_446, %select_n3A_445 : i32
        %select_n3A_456 = arith.select %and3A_454, %add3A_455, %rem3A_446 : i32
        %dma_start3A_457 = arith.constant 0 : i32
        %dma_start3A_458 = tpu.memref_slice %arg9[%select_n3A_456, %dma_start3A_457] : memref<2x512xf32, #tpu.memory_space<vmem>> -> memref<1x512xf32, #tpu.memory_space<vmem>>
        %dma_start3A_459 = tpu.memref_squeeze %dma_start3A_458 : memref<1x512xf32, #tpu.memory_space<vmem>> -> memref<512xf32, #tpu.memory_space<vmem>>
        %dma_start3A_460 = arith.constant 0 : i32
        %dma_start3A_461 = tpu.memref_slice %arg2[%add3A_438, %dma_start3A_460] : memref<1024x512xf32, #tpu.memory_space<hbm>> -> memref<1x512xf32, #tpu.memory_space<hbm>>
        %dma_start3A_462 = tpu.memref_squeeze %dma_start3A_461 : memref<1x512xf32, #tpu.memory_space<hbm>> -> memref<512xf32, #tpu.memory_space<hbm>>
        %dma_start3A_463 = arith.constant 0 : i32
        %dma_start3A_464 = tpu.memref_slice %arg9[%select_n3A_456, %dma_start3A_463] : memref<2x512xf32, #tpu.memory_space<vmem>> -> memref<1x512xf32, #tpu.memory_space<vmem>>
        %dma_start3A_465 = tpu.memref_squeeze %dma_start3A_464 : memref<1x512xf32, #tpu.memory_space<vmem>> -> memref<512xf32, #tpu.memory_space<vmem>>
        %dma_start3A_466 = arith.constant 0 : i32
        %dma_start3A_467 = tpu.memref_slice %arg2[%add3A_438, %dma_start3A_466] : memref<1024x512xf32, #tpu.memory_space<hbm>> -> memref<1x512xf32, #tpu.memory_space<hbm>>
        %dma_start3A_468 = tpu.memref_squeeze %dma_start3A_467 : memref<1x512xf32, #tpu.memory_space<hbm>> -> memref<512xf32, #tpu.memory_space<hbm>>
        tpu.enqueue_dma source(%dma_start3A_468 : memref<512xf32, #tpu.memory_space<hbm>>) target(%dma_start3A_465 : memref<512xf32, #tpu.memory_space<vmem>>) target_semaphore(%arg19 : memref<!tpu.dma_semaphore, #tpu.memory_space<semaphore_mem>>)
      } else {
      }
      %jit3A_111 = arith.constant 2 : i32
      %eq3A_112 = arith.constant 0 : i32
      %eq3A_113 = arith.cmpi eq, %jit3A_111, %eq3A_112 : i32
      %jit3A_114 = arith.constant 1 : i32
      %select_n3A_115 = arith.select %eq3A_113, %jit3A_114, %jit3A_111 : i32
      %rem3A_116 = arith.remsi %scan3A_59, %select_n3A_115 : i32
      %ne3A_117 = arith.constant 0 : i32
      %ne3A_118 = arith.cmpi ne, %rem3A_116, %ne3A_117 : i32
      %lt3A_119 = arith.constant 0 : i32
      %lt3A_120 = arith.cmpi slt, %rem3A_116, %lt3A_119 : i32
      %lt3A_121 = arith.constant 0 : i32
      %lt3A_122 = arith.cmpi slt, %select_n3A_115, %lt3A_121 : i32
      %ne3A_123 = arith.xori %lt3A_120, %lt3A_122 : i1
      %and3A_124 = arith.andi %ne3A_123, %ne3A_118 : i1
      %add3A_125 = arith.addi %rem3A_116, %select_n3A_115 : i32
      %select_n3A_126 = arith.select %and3A_124, %add3A_125, %rem3A_116 : i32
      %while3A = arith.constant 0 : i32
      %while3A_127 = arith.constant 0 : i32
      %while3A_128:2 = scf.while (%while3A_437 = %while3A, %while3A_438 = %while3A_127) : (i32, i32) -> (i32, i32) {
        %lt3A_439 = arith.constant 32 : i32
        %lt3A_440 = arith.cmpi slt, %while3A_437, %lt3A_439 : i32
        %lt3A_441 = arith.constant 32 : i32
        %lt3A_442 = arith.cmpi slt, %while3A_438, %lt3A_441 : i32
        %and3A_443 = arith.andi %lt3A_440, %lt3A_442 : i1
        scf.condition(%and3A_443) %while3A_437, %while3A_438 : i32, i32
      } do {
      ^bb0(%while3A_437: i32, %while3A_438: i32):
        %mul3A_439 = arith.constant 16 : i32
        %mul3A_440 = arith.muli %while3A_437, %mul3A_439 : i32
        %get3A_441 = arith.constant 0 : i32
        %get3A_442 = tpu.memref_slice %arg9[%select_n3A_126, %get3A_441] : memref<2x512xf32, #tpu.memory_space<vmem>> -> memref<1x512xf32, #tpu.memory_space<vmem>>
        %get3A_443 = tpu.memref_squeeze %get3A_442 : memref<1x512xf32, #tpu.memory_space<vmem>> -> memref<512xf32, #tpu.memory_space<vmem>>
        %get3A_444 = arith.index_cast %mul3A_440 : i32 to index
        %get3A_445 = tpu.vector_load %get3A_443[%get3A_444] {strides = array<i32>} : memref<512xf32, #tpu.memory_space<vmem>>, vector<16xf32>,
        %lt3A_446 = arith.constant 4.000000e-02 : f32
        %lt3A_447 = vector.broadcast %lt3A_446 : f32 to vector<16xf32>
        %lt3A_448 = arith.cmpf olt, %get3A_445, %lt3A_447 : vector<16xf32>
        %convert_element_type3A_449 = arith.extui %lt3A_448 : vector<16xi1> to vector<16xi32>
        %reduce_sum3A = arith.constant true
        %reduce_sum3A_450 = vector.broadcast %reduce_sum3A : i1 to vector<16xi1>
        %reduce_sum3A_451 = tpu.scan <sum>, %convert_element_type3A_449 masked %reduce_sum3A_450 : vector<16xi32>, vector<16xi1> -> vector<16xi32>
        %reduce_sum3A_452 = vector.extract %reduce_sum3A_451[15] : i32 from vector<16xi32>
        %broadcast_in_dim3A_453 = arith.constant true
        %broadcast_in_dim3A_454 = vector.broadcast %broadcast_in_dim3A_453 : i1 to vector<16xi1>
        %masked_cumsum3A = tpu.scan <sum>, %convert_element_type3A_449 masked %broadcast_in_dim3A_454 : vector<16xi32>, vector<16xi1> -> vector<16xi32>
        %sub3A_455 = arith.constant 1 : i32
        %sub3A_456 = arith.subi %while3A_438, %sub3A_455 : i32
        %add3A_457 = vector.broadcast %sub3A_456 : i32 to vector<16xi32>
        %add3A_458 = arith.addi %masked_cumsum3A, %add3A_457 : vector<16xi32>
        %mul3A_459 = arith.constant 16 : i32
        %mul3A_460 = arith.muli %while3A_437, %mul3A_459 : i32
        %add3A_461 = vector.broadcast %mul3A_460 : i32 to vector<16xi32>
        %add3A_462 = arith.addi %iota3A, %add3A_461 : vector<16xi32>
        %lt3A_463 = arith.constant 32 : i32
        %lt3A_464 = vector.broadcast %lt3A_463 : i32 to vector<16xi32>
        %lt3A_465 = arith.cmpi slt, %add3A_458, %lt3A_464 : vector<16xi32>
        %and3A_466 = arith.andi %lt3A_448, %lt3A_465 : vector<16xi1>
        tpu.vector_store_idx %arg10[%add3A_458], %add3A_462 masked %and3A_466 : memref<32xi32, #tpu.memory_space<vmem>>[vector<16xi32>], vector<16xi32>, vector<16xi1>
        %add3A_467 = arith.constant 1 : i32
        %add3A_468 = arith.addi %while3A_437, %add3A_467 : i32
        %add3A_469 = arith.addi %while3A_438, %reduce_sum3A_452 : i32
        scf.yield %add3A_468, %add3A_469 : i32, i32
      }
      %get3A = arith.constant 0 : index
      %get3A_129 = tpu.vector_load %arg10[%get3A] {strides = array<i32>} : memref<32xi32, #tpu.memory_space<vmem>>, vector<16xi32>,
      %min3A = arith.constant 16 : i32
      %min3A_130 = arith.minsi %while3A_128#1, %min3A : i32
      %lt3A_131 = vector.broadcast %min3A_130 : i32 to vector<16xi32>
      %lt3A_132 = arith.cmpi slt, %iota3A, %lt3A_131 : vector<16xi32>
      %jit3A_133 = arith.constant 1073741824 : i32
      %broadcast_in_dim3A = vector.broadcast %jit3A_133 : i32 to vector<16xi32>
      %select_n3A_134 = arith.select %lt3A_132, %get3A_129, %broadcast_in_dim3A : vector<16xi1>, vector<16xi32>
      %reduce_min3A = arith.constant true
      %reduce_min3A_135 = vector.broadcast %reduce_min3A : i1 to vector<16xi1>
      %reduce_min3A_136 = arith.constant -2147483648 : i32
      %reduce_min3A_137 = vector.broadcast %reduce_min3A_136 : i32 to vector<16xi32>
      %reduce_min3A_138 = arith.xori %select_n3A_134, %reduce_min3A_137 : vector<16xi32>
      %reduce_min3A_139 = tpu.scan <min>, %reduce_min3A_138 masked %reduce_min3A_135 : vector<16xi32>, vector<16xi1> -> vector<16xi32>
      %reduce_min3A_140 = arith.xori %reduce_min3A_139, %reduce_min3A_137 : vector<16xi32>
      %reduce_min3A_141 = vector.extract %reduce_min3A_140[15] : i32 from vector<16xi32>
      %broadcast_in_dim3A_142 = vector.broadcast %reduce_min3A_141 : i32 to vector<16xi32>
      %broadcast_in_dim3A_143 = vector.broadcast %while3A_128#1 : i32 to vector<16xi32>
      %add3A_144 = arith.constant 0 : i32
      %add3A_145 = vector.broadcast %add3A_144 : i32 to vector<16xi32>
      %add3A_146 = arith.addi %iota3A, %add3A_145 : vector<16xi32>
      %get3A_147 = arith.constant 0 : index
      %get3A_148 = tpu.vector_load %arg10[%get3A_147] {strides = array<i32>} : memref<32xi32, #tpu.memory_space<vmem>>, vector<16xi32>,
      %lt3A_149 = arith.cmpi slt, %add3A_146, %broadcast_in_dim3A_143 : vector<16xi32>
      %select_n3A_150 = arith.select %lt3A_149, %get3A_148, %broadcast_in_dim3A_142 : vector<16xi1>, vector<16xi32>
      %mul3A_151 = arith.constant 512 : i32
      %mul3A_152 = arith.muli %select_n3A, %mul3A_151 : i32
      %add3A_153 = vector.broadcast %mul3A_152 : i32 to vector<16xi32>
      %add3A_154 = arith.addi %select_n3A_150, %add3A_153 : vector<16xi32>
      %swap3A = arith.constant 0 : index
      %swap3A_155 = tpu.vector_load %arg11[%swap3A] {strides = array<i32>} : memref<32xi32, #tpu.memory_space<vmem>>, vector<16xi32>,
      tpu.vector_store %arg11[%swap3A], %add3A_154 {strides = array<i32>} : memref<32xi32, #tpu.memory_space<vmem>>, vector<16xi32>,
      %add3A_156 = arith.constant 16 : i32
      %add3A_157 = vector.broadcast %add3A_156 : i32 to vector<16xi32>
      %add3A_158 = arith.addi %iota3A, %add3A_157 : vector<16xi32>
      %get3A_159 = arith.constant 16 : index
      %get3A_160 = tpu.vector_load %arg10[%get3A_159] {strides = array<i32>} : memref<32xi32, #tpu.memory_space<vmem>>, vector<16xi32>,
      %lt3A_161 = arith.cmpi slt, %add3A_158, %broadcast_in_dim3A_143 : vector<16xi32>
      %select_n3A_162 = arith.select %lt3A_161, %get3A_160, %broadcast_in_dim3A_142 : vector<16xi1>, vector<16xi32>
      %mul3A_163 = arith.constant 512 : i32
      %mul3A_164 = arith.muli %select_n3A, %mul3A_163 : i32
      %add3A_165 = vector.broadcast %mul3A_164 : i32 to vector<16xi32>
      %add3A_166 = arith.addi %select_n3A_162, %add3A_165 : vector<16xi32>
      %swap3A_167 = arith.constant 16 : index
      %swap3A_168 = tpu.vector_load %arg11[%swap3A_167] {strides = array<i32>} : memref<32xi32, #tpu.memory_space<vmem>>, vector<16xi32>,
      tpu.vector_store %arg11[%swap3A_167], %add3A_166 {strides = array<i32>} : memref<32xi32, #tpu.memory_space<vmem>>, vector<16xi32>,
      %gt3A = arith.constant 0 : i32
      %gt3A_169 = arith.cmpi sgt, %scan3A_59, %gt3A : i32
      %convert_element_type3A_170 = arith.extui %gt3A_169 : i1 to i32
      %cond3A_171 = arith.constant 0 : i32
      %cond3A_172 = arith.cmpi ne, %convert_element_type3A_170, %cond3A_171 : i32
      scf.if %cond3A_172 {
        %sub3A_437 = arith.constant 1 : i32
        %sub3A_438 = arith.subi %add3A_62, %sub3A_437 : i32
        %mul3A_439 = arith.constant 32 : i32
        %mul3A_440 = arith.muli %sub3A_438, %mul3A_439 : i32
        %dma_wait3A_441 = arith.constant 0 : i32
        %dma_wait3A_442 = arith.constant 0 : i32
        %dma_wait3A_443 = tpu.memref_slice %arg12[%dma_wait3A_441, %dma_wait3A_442] : memref<32x64xf32, #tpu.memory_space<vmem>> -> memref<32x64xf32, #tpu.memory_space<vmem>>
        %dma_wait3A_444 = arith.constant 0 : i32
        %dma_wait3A_445 = tpu.memref_slice %arg6[%mul3A_440, %dma_wait3A_444] : memref<32768x64xf32, #tpu.memory_space<hbm>> -> memref<32x64xf32, #tpu.memory_space<hbm>>
        %dma_wait3A_446 = arith.constant 0 : i32
        %dma_wait3A_447 = tpu.memref_slice %arg6[%mul3A_440, %dma_wait3A_446] : memref<32768x64xf32, #tpu.memory_space<hbm>> -> memref<32x64xf32, #tpu.memory_space<hbm>>
        %dma_wait3A_448 = arith.constant 0 : i32
        %dma_wait3A_449 = arith.constant 0 : i32
        %dma_wait3A_450 = tpu.memref_slice %arg12[%dma_wait3A_448, %dma_wait3A_449] : memref<32x64xf32, #tpu.memory_space<vmem>> -> memref<32x64xf32, #tpu.memory_space<vmem>>
        tpu.wait_dma2 semaphore(%arg20 : memref<!tpu.dma_semaphore, #tpu.memory_space<semaphore_mem>>) src(%dma_wait3A_450 : memref<32x64xf32, #tpu.memory_space<vmem>>) dst(%dma_wait3A_447 : memref<32x64xf32, #tpu.memory_space<hbm>>)
      } else {
      }
      %dma_start3A_173 = arith.constant 0 : i32
      %dma_start3A_174 = arith.constant 0 : i32
      %dma_start3A_175 = tpu.memref_slice %arg3[%dma_start3A_173, %dma_start3A_174] : memref<4096x64xf32, #tpu.memory_space<hbm>> -> memref<4096x64xf32, #tpu.memory_space<hbm>>
      tpu.enqueue_indirect_dma source(%dma_start3A_175 : memref<4096x64xf32, #tpu.memory_space<hbm>>) target(%arg12 : memref<32x64xf32, #tpu.memory_space<vmem>>) offsets(%arg11 : memref<32xi32, #tpu.memory_space<vmem>>) semaphore(%arg23 : memref<!tpu.dma_semaphore, #tpu.memory_space<semaphore_mem>>)
      %dma_wait3A_176 = arith.constant 0 : i32
      %dma_wait3A_177 = arith.constant 0 : i32
      %dma_wait3A_178 = tpu.memref_slice %arg3[%dma_wait3A_176, %dma_wait3A_177] : memref<4096x64xf32, #tpu.memory_space<hbm>> -> memref<4096x64xf32, #tpu.memory_space<hbm>>
      tpu.wait_indirect_dma semaphore(%arg23 : memref<!tpu.dma_semaphore, #tpu.memory_space<semaphore_mem>>) src(%dma_wait3A_178 : memref<4096x64xf32, #tpu.memory_space<hbm>>) dst(%arg12 : memref<32x64xf32, #tpu.memory_space<vmem>>)
      %mul3A_179 = arith.constant 32 : i32
      %mul3A_180 = arith.muli %add3A_62, %mul3A_179 : i32
      %dma_start3A_181 = arith.constant 0 : i32
      %dma_start3A_182 = arith.constant 0 : i32
      %dma_start3A_183 = tpu.memref_slice %arg12[%dma_start3A_181, %dma_start3A_182] : memref<32x64xf32, #tpu.memory_space<vmem>> -> memref<32x64xf32, #tpu.memory_space<vmem>>
      %dma_start3A_184 = arith.constant 0 : i32
      %dma_start3A_185 = tpu.memref_slice %arg6[%mul3A_180, %dma_start3A_184] : memref<32768x64xf32, #tpu.memory_space<hbm>> -> memref<32x64xf32, #tpu.memory_space<hbm>>
      %dma_start3A_186 = arith.constant 0 : i32
      %dma_start3A_187 = tpu.memref_slice %arg6[%mul3A_180, %dma_start3A_186] : memref<32768x64xf32, #tpu.memory_space<hbm>> -> memref<32x64xf32, #tpu.memory_space<hbm>>
      %dma_start3A_188 = arith.constant 0 : i32
      %dma_start3A_189 = arith.constant 0 : i32
      %dma_start3A_190 = tpu.memref_slice %arg12[%dma_start3A_188, %dma_start3A_189] : memref<32x64xf32, #tpu.memory_space<vmem>> -> memref<32x64xf32, #tpu.memory_space<vmem>>
      tpu.enqueue_dma source(%dma_start3A_190 : memref<32x64xf32, #tpu.memory_space<vmem>>) target(%dma_start3A_187 : memref<32x64xf32, #tpu.memory_space<hbm>>) target_semaphore(%arg20 : memref<!tpu.dma_semaphore, #tpu.memory_space<semaphore_mem>>)
      %while3A_191 = arith.constant 0 : i32
      %while3A_192 = arith.constant 0 : i32
      %while3A_193:2 = scf.while (%while3A_437 = %while3A_191, %while3A_438 = %while3A_192) : (i32, i32) -> (i32, i32) {
        %lt3A_439 = arith.constant 32 : i32
        %lt3A_440 = arith.cmpi slt, %while3A_437, %lt3A_439 : i32
        %lt3A_441 = arith.constant 64 : i32
        %lt3A_442 = arith.cmpi slt, %while3A_438, %lt3A_441 : i32
        %and3A_443 = arith.andi %lt3A_440, %lt3A_442 : i1
        scf.condition(%and3A_443) %while3A_437, %while3A_438 : i32, i32
      } do {
      ^bb0(%while3A_437: i32, %while3A_438: i32):
        %mul3A_439 = arith.constant 16 : i32
        %mul3A_440 = arith.muli %while3A_437, %mul3A_439 : i32
        %get3A_441 = arith.constant 0 : i32
        %get3A_442 = tpu.memref_slice %arg9[%select_n3A_126, %get3A_441] : memref<2x512xf32, #tpu.memory_space<vmem>> -> memref<1x512xf32, #tpu.memory_space<vmem>>
        %get3A_443 = tpu.memref_squeeze %get3A_442 : memref<1x512xf32, #tpu.memory_space<vmem>> -> memref<512xf32, #tpu.memory_space<vmem>>
        %get3A_444 = arith.index_cast %mul3A_440 : i32 to index
        %get3A_445 = tpu.vector_load %get3A_443[%get3A_444] {strides = array<i32>} : memref<512xf32, #tpu.memory_space<vmem>>, vector<16xf32>,
        %lt3A_446 = arith.constant 1.600000e-01 : f32
        %lt3A_447 = vector.broadcast %lt3A_446 : f32 to vector<16xf32>
        %lt3A_448 = arith.cmpf olt, %get3A_445, %lt3A_447 : vector<16xf32>
        %convert_element_type3A_449 = arith.extui %lt3A_448 : vector<16xi1> to vector<16xi32>
        %reduce_sum3A = arith.constant true
        %reduce_sum3A_450 = vector.broadcast %reduce_sum3A : i1 to vector<16xi1>
        %reduce_sum3A_451 = tpu.scan <sum>, %convert_element_type3A_449 masked %reduce_sum3A_450 : vector<16xi32>, vector<16xi1> -> vector<16xi32>
        %reduce_sum3A_452 = vector.extract %reduce_sum3A_451[15] : i32 from vector<16xi32>
        %broadcast_in_dim3A_453 = arith.constant true
        %broadcast_in_dim3A_454 = vector.broadcast %broadcast_in_dim3A_453 : i1 to vector<16xi1>
        %masked_cumsum3A = tpu.scan <sum>, %convert_element_type3A_449 masked %broadcast_in_dim3A_454 : vector<16xi32>, vector<16xi1> -> vector<16xi32>
        %sub3A_455 = arith.constant 1 : i32
        %sub3A_456 = arith.subi %while3A_438, %sub3A_455 : i32
        %add3A_457 = vector.broadcast %sub3A_456 : i32 to vector<16xi32>
        %add3A_458 = arith.addi %masked_cumsum3A, %add3A_457 : vector<16xi32>
        %mul3A_459 = arith.constant 16 : i32
        %mul3A_460 = arith.muli %while3A_437, %mul3A_459 : i32
        %add3A_461 = vector.broadcast %mul3A_460 : i32 to vector<16xi32>
        %add3A_462 = arith.addi %iota3A, %add3A_461 : vector<16xi32>
        %lt3A_463 = arith.constant 64 : i32
        %lt3A_464 = vector.broadcast %lt3A_463 : i32 to vector<16xi32>
        %lt3A_465 = arith.cmpi slt, %add3A_458, %lt3A_464 : vector<16xi32>
        %and3A_466 = arith.andi %lt3A_448, %lt3A_465 : vector<16xi1>
        tpu.vector_store_idx %arg13[%add3A_458], %add3A_462 masked %and3A_466 : memref<64xi32, #tpu.memory_space<vmem>>[vector<16xi32>], vector<16xi32>, vector<16xi1>
        %add3A_467 = arith.constant 1 : i32
        %add3A_468 = arith.addi %while3A_437, %add3A_467 : i32
        %add3A_469 = arith.addi %while3A_438, %reduce_sum3A_452 : i32
        scf.yield %add3A_468, %add3A_469 : i32, i32
      }
      %get3A_194 = arith.constant 0 : index
      %get3A_195 = tpu.vector_load %arg13[%get3A_194] {strides = array<i32>} : memref<64xi32, #tpu.memory_space<vmem>>, vector<16xi32>,
      %min3A_196 = arith.constant 16 : i32
      %min3A_197 = arith.minsi %while3A_193#1, %min3A_196 : i32
      %lt3A_198 = vector.broadcast %min3A_197 : i32 to vector<16xi32>
      %lt3A_199 = arith.cmpi slt, %iota3A, %lt3A_198 : vector<16xi32>
      %jit3A_200 = arith.constant 1073741824 : i32
      %broadcast_in_dim3A_201 = vector.broadcast %jit3A_200 : i32 to vector<16xi32>
      %select_n3A_202 = arith.select %lt3A_199, %get3A_195, %broadcast_in_dim3A_201 : vector<16xi1>, vector<16xi32>
      %reduce_min3A_203 = arith.constant true
      %reduce_min3A_204 = vector.broadcast %reduce_min3A_203 : i1 to vector<16xi1>
      %reduce_min3A_205 = arith.constant -2147483648 : i32
      %reduce_min3A_206 = vector.broadcast %reduce_min3A_205 : i32 to vector<16xi32>
      %reduce_min3A_207 = arith.xori %select_n3A_202, %reduce_min3A_206 : vector<16xi32>
      %reduce_min3A_208 = tpu.scan <min>, %reduce_min3A_207 masked %reduce_min3A_204 : vector<16xi32>, vector<16xi1> -> vector<16xi32>
      %reduce_min3A_209 = arith.xori %reduce_min3A_208, %reduce_min3A_206 : vector<16xi32>
      %reduce_min3A_210 = vector.extract %reduce_min3A_209[15] : i32 from vector<16xi32>
      %broadcast_in_dim3A_211 = vector.broadcast %reduce_min3A_210 : i32 to vector<16xi32>
      %broadcast_in_dim3A_212 = vector.broadcast %while3A_193#1 : i32 to vector<16xi32>
      %add3A_213 = arith.constant 0 : i32
      %add3A_214 = vector.broadcast %add3A_213 : i32 to vector<16xi32>
      %add3A_215 = arith.addi %iota3A, %add3A_214 : vector<16xi32>
      %get3A_216 = arith.constant 0 : index
      %get3A_217 = tpu.vector_load %arg13[%get3A_216] {strides = array<i32>} : memref<64xi32, #tpu.memory_space<vmem>>, vector<16xi32>,
      %lt3A_218 = arith.cmpi slt, %add3A_215, %broadcast_in_dim3A_212 : vector<16xi32>
      %select_n3A_219 = arith.select %lt3A_218, %get3A_217, %broadcast_in_dim3A_211 : vector<16xi1>, vector<16xi32>
      %mul3A_220 = arith.constant 512 : i32
      %mul3A_221 = arith.muli %select_n3A, %mul3A_220 : i32
      %add3A_222 = vector.broadcast %mul3A_221 : i32 to vector<16xi32>
      %add3A_223 = arith.addi %select_n3A_219, %add3A_222 : vector<16xi32>
      %swap3A_224 = arith.constant 0 : index
      %swap3A_225 = tpu.vector_load %arg14[%swap3A_224] {strides = array<i32>} : memref<64xi32, #tpu.memory_space<vmem>>, vector<16xi32>,
      tpu.vector_store %arg14[%swap3A_224], %add3A_223 {strides = array<i32>} : memref<64xi32, #tpu.memory_space<vmem>>, vector<16xi32>,
      %add3A_226 = arith.constant 16 : i32
      %add3A_227 = vector.broadcast %add3A_226 : i32 to vector<16xi32>
      %add3A_228 = arith.addi %iota3A, %add3A_227 : vector<16xi32>
      %get3A_229 = arith.constant 16 : index
      %get3A_230 = tpu.vector_load %arg13[%get3A_229] {strides = array<i32>} : memref<64xi32, #tpu.memory_space<vmem>>, vector<16xi32>,
      %lt3A_231 = arith.cmpi slt, %add3A_228, %broadcast_in_dim3A_212 : vector<16xi32>
      %select_n3A_232 = arith.select %lt3A_231, %get3A_230, %broadcast_in_dim3A_211 : vector<16xi1>, vector<16xi32>
      %mul3A_233 = arith.constant 512 : i32
      %mul3A_234 = arith.muli %select_n3A, %mul3A_233 : i32
      %add3A_235 = vector.broadcast %mul3A_234 : i32 to vector<16xi32>
      %add3A_236 = arith.addi %select_n3A_232, %add3A_235 : vector<16xi32>
      %swap3A_237 = arith.constant 16 : index
      %swap3A_238 = tpu.vector_load %arg14[%swap3A_237] {strides = array<i32>} : memref<64xi32, #tpu.memory_space<vmem>>, vector<16xi32>,
      tpu.vector_store %arg14[%swap3A_237], %add3A_236 {strides = array<i32>} : memref<64xi32, #tpu.memory_space<vmem>>, vector<16xi32>,
      %add3A_239 = arith.constant 32 : i32
      %add3A_240 = vector.broadcast %add3A_239 : i32 to vector<16xi32>
      %add3A_241 = arith.addi %iota3A, %add3A_240 : vector<16xi32>
      %get3A_242 = arith.constant 32 : index
      %get3A_243 = tpu.vector_load %arg13[%get3A_242] {strides = array<i32>} : memref<64xi32, #tpu.memory_space<vmem>>, vector<16xi32>,
      %lt3A_244 = arith.cmpi slt, %add3A_241, %broadcast_in_dim3A_212 : vector<16xi32>
      %select_n3A_245 = arith.select %lt3A_244, %get3A_243, %broadcast_in_dim3A_211 : vector<16xi1>, vector<16xi32>
      %mul3A_246 = arith.constant 512 : i32
      %mul3A_247 = arith.muli %select_n3A, %mul3A_246 : i32
      %add3A_248 = vector.broadcast %mul3A_247 : i32 to vector<16xi32>
      %add3A_249 = arith.addi %select_n3A_245, %add3A_248 : vector<16xi32>
      %swap3A_250 = arith.constant 32 : index
      %swap3A_251 = tpu.vector_load %arg14[%swap3A_250] {strides = array<i32>} : memref<64xi32, #tpu.memory_space<vmem>>, vector<16xi32>,
      tpu.vector_store %arg14[%swap3A_250], %add3A_249 {strides = array<i32>} : memref<64xi32, #tpu.memory_space<vmem>>, vector<16xi32>,
      %add3A_252 = arith.constant 48 : i32
      %add3A_253 = vector.broadcast %add3A_252 : i32 to vector<16xi32>
      %add3A_254 = arith.addi %iota3A, %add3A_253 : vector<16xi32>
      %get3A_255 = arith.constant 48 : index
      %get3A_256 = tpu.vector_load %arg13[%get3A_255] {strides = array<i32>} : memref<64xi32, #tpu.memory_space<vmem>>, vector<16xi32>,
      %lt3A_257 = arith.cmpi slt, %add3A_254, %broadcast_in_dim3A_212 : vector<16xi32>
      %select_n3A_258 = arith.select %lt3A_257, %get3A_256, %broadcast_in_dim3A_211 : vector<16xi1>, vector<16xi32>
      %mul3A_259 = arith.constant 512 : i32
      %mul3A_260 = arith.muli %select_n3A, %mul3A_259 : i32
      %add3A_261 = vector.broadcast %mul3A_260 : i32 to vector<16xi32>
      %add3A_262 = arith.addi %select_n3A_258, %add3A_261 : vector<16xi32>
      %swap3A_263 = arith.constant 48 : index
      %swap3A_264 = tpu.vector_load %arg14[%swap3A_263] {strides = array<i32>} : memref<64xi32, #tpu.memory_space<vmem>>, vector<16xi32>,
      tpu.vector_store %arg14[%swap3A_263], %add3A_262 {strides = array<i32>} : memref<64xi32, #tpu.memory_space<vmem>>, vector<16xi32>,
      %gt3A_265 = arith.constant 0 : i32
      %gt3A_266 = arith.cmpi sgt, %scan3A_59, %gt3A_265 : i32
      %convert_element_type3A_267 = arith.extui %gt3A_266 : i1 to i32
      %cond3A_268 = arith.constant 0 : i32
      %cond3A_269 = arith.cmpi ne, %convert_element_type3A_267, %cond3A_268 : i32
      scf.if %cond3A_269 {
        %sub3A_437 = arith.constant 1 : i32
        %sub3A_438 = arith.subi %add3A_62, %sub3A_437 : i32
        %mul3A_439 = arith.constant 64 : i32
        %mul3A_440 = arith.muli %sub3A_438, %mul3A_439 : i32
        %dma_wait3A_441 = arith.constant 0 : i32
        %dma_wait3A_442 = arith.constant 0 : i32
        %dma_wait3A_443 = tpu.memref_slice %arg15[%dma_wait3A_441, %dma_wait3A_442] : memref<64x128xf32, #tpu.memory_space<vmem>> -> memref<64x128xf32, #tpu.memory_space<vmem>>
        %dma_wait3A_444 = arith.constant 0 : i32
        %dma_wait3A_445 = tpu.memref_slice %arg7[%mul3A_440, %dma_wait3A_444] : memref<65536x128xf32, #tpu.memory_space<hbm>> -> memref<64x128xf32, #tpu.memory_space<hbm>>
        %dma_wait3A_446 = arith.constant 0 : i32
        %dma_wait3A_447 = tpu.memref_slice %arg7[%mul3A_440, %dma_wait3A_446] : memref<65536x128xf32, #tpu.memory_space<hbm>> -> memref<64x128xf32, #tpu.memory_space<hbm>>
        %dma_wait3A_448 = arith.constant 0 : i32
        %dma_wait3A_449 = arith.constant 0 : i32
        %dma_wait3A_450 = tpu.memref_slice %arg15[%dma_wait3A_448, %dma_wait3A_449] : memref<64x128xf32, #tpu.memory_space<vmem>> -> memref<64x128xf32, #tpu.memory_space<vmem>>
        tpu.wait_dma2 semaphore(%arg21 : memref<!tpu.dma_semaphore, #tpu.memory_space<semaphore_mem>>) src(%dma_wait3A_450 : memref<64x128xf32, #tpu.memory_space<vmem>>) dst(%dma_wait3A_447 : memref<64x128xf32, #tpu.memory_space<hbm>>)
      } else {
      }
      %dma_start3A_270 = arith.constant 0 : i32
      %dma_start3A_271 = arith.constant 0 : i32
      %dma_start3A_272 = tpu.memref_slice %arg4[%dma_start3A_270, %dma_start3A_271] : memref<4096x128xf32, #tpu.memory_space<hbm>> -> memref<4096x128xf32, #tpu.memory_space<hbm>>
      tpu.enqueue_indirect_dma source(%dma_start3A_272 : memref<4096x128xf32, #tpu.memory_space<hbm>>) target(%arg15 : memref<64x128xf32, #tpu.memory_space<vmem>>) offsets(%arg14 : memref<64xi32, #tpu.memory_space<vmem>>) semaphore(%arg23 : memref<!tpu.dma_semaphore, #tpu.memory_space<semaphore_mem>>)
      %dma_wait3A_273 = arith.constant 0 : i32
      %dma_wait3A_274 = arith.constant 0 : i32
      %dma_wait3A_275 = tpu.memref_slice %arg4[%dma_wait3A_273, %dma_wait3A_274] : memref<4096x128xf32, #tpu.memory_space<hbm>> -> memref<4096x128xf32, #tpu.memory_space<hbm>>
      tpu.wait_indirect_dma semaphore(%arg23 : memref<!tpu.dma_semaphore, #tpu.memory_space<semaphore_mem>>) src(%dma_wait3A_275 : memref<4096x128xf32, #tpu.memory_space<hbm>>) dst(%arg15 : memref<64x128xf32, #tpu.memory_space<vmem>>)
      %mul3A_276 = arith.constant 64 : i32
      %mul3A_277 = arith.muli %add3A_62, %mul3A_276 : i32
      %dma_start3A_278 = arith.constant 0 : i32
      %dma_start3A_279 = arith.constant 0 : i32
      %dma_start3A_280 = tpu.memref_slice %arg15[%dma_start3A_278, %dma_start3A_279] : memref<64x128xf32, #tpu.memory_space<vmem>> -> memref<64x128xf32, #tpu.memory_space<vmem>>
      %dma_start3A_281 = arith.constant 0 : i32
      %dma_start3A_282 = tpu.memref_slice %arg7[%mul3A_277, %dma_start3A_281] : memref<65536x128xf32, #tpu.memory_space<hbm>> -> memref<64x128xf32, #tpu.memory_space<hbm>>
      %dma_start3A_283 = arith.constant 0 : i32
      %dma_start3A_284 = tpu.memref_slice %arg7[%mul3A_277, %dma_start3A_283] : memref<65536x128xf32, #tpu.memory_space<hbm>> -> memref<64x128xf32, #tpu.memory_space<hbm>>
      %dma_start3A_285 = arith.constant 0 : i32
      %dma_start3A_286 = arith.constant 0 : i32
      %dma_start3A_287 = tpu.memref_slice %arg15[%dma_start3A_285, %dma_start3A_286] : memref<64x128xf32, #tpu.memory_space<vmem>> -> memref<64x128xf32, #tpu.memory_space<vmem>>
      tpu.enqueue_dma source(%dma_start3A_287 : memref<64x128xf32, #tpu.memory_space<vmem>>) target(%dma_start3A_284 : memref<64x128xf32, #tpu.memory_space<hbm>>) target_semaphore(%arg21 : memref<!tpu.dma_semaphore, #tpu.memory_space<semaphore_mem>>)
      %while3A_288 = arith.constant 0 : i32
      %while3A_289 = arith.constant 0 : i32
      %while3A_290:2 = scf.while (%while3A_437 = %while3A_288, %while3A_438 = %while3A_289) : (i32, i32) -> (i32, i32) {
        %lt3A_439 = arith.constant 32 : i32
        %lt3A_440 = arith.cmpi slt, %while3A_437, %lt3A_439 : i32
        %lt3A_441 = arith.constant 128 : i32
        %lt3A_442 = arith.cmpi slt, %while3A_438, %lt3A_441 : i32
        %and3A_443 = arith.andi %lt3A_440, %lt3A_442 : i1
        scf.condition(%and3A_443) %while3A_437, %while3A_438 : i32, i32
      } do {
      ^bb0(%while3A_437: i32, %while3A_438: i32):
        %mul3A_439 = arith.constant 16 : i32
        %mul3A_440 = arith.muli %while3A_437, %mul3A_439 : i32
        %get3A_441 = arith.constant 0 : i32
        %get3A_442 = tpu.memref_slice %arg9[%select_n3A_126, %get3A_441] : memref<2x512xf32, #tpu.memory_space<vmem>> -> memref<1x512xf32, #tpu.memory_space<vmem>>
        %get3A_443 = tpu.memref_squeeze %get3A_442 : memref<1x512xf32, #tpu.memory_space<vmem>> -> memref<512xf32, #tpu.memory_space<vmem>>
        %get3A_444 = arith.index_cast %mul3A_440 : i32 to index
        %get3A_445 = tpu.vector_load %get3A_443[%get3A_444] {strides = array<i32>} : memref<512xf32, #tpu.memory_space<vmem>>, vector<16xf32>,
        %lt3A_446 = arith.constant 6.400000e-01 : f32
        %lt3A_447 = vector.broadcast %lt3A_446 : f32 to vector<16xf32>
        %lt3A_448 = arith.cmpf olt, %get3A_445, %lt3A_447 : vector<16xf32>
        %convert_element_type3A_449 = arith.extui %lt3A_448 : vector<16xi1> to vector<16xi32>
        %reduce_sum3A = arith.constant true
        %reduce_sum3A_450 = vector.broadcast %reduce_sum3A : i1 to vector<16xi1>
        %reduce_sum3A_451 = tpu.scan <sum>, %convert_element_type3A_449 masked %reduce_sum3A_450 : vector<16xi32>, vector<16xi1> -> vector<16xi32>
        %reduce_sum3A_452 = vector.extract %reduce_sum3A_451[15] : i32 from vector<16xi32>
        %broadcast_in_dim3A_453 = arith.constant true
        %broadcast_in_dim3A_454 = vector.broadcast %broadcast_in_dim3A_453 : i1 to vector<16xi1>
        %masked_cumsum3A = tpu.scan <sum>, %convert_element_type3A_449 masked %broadcast_in_dim3A_454 : vector<16xi32>, vector<16xi1> -> vector<16xi32>
        %sub3A_455 = arith.constant 1 : i32
        %sub3A_456 = arith.subi %while3A_438, %sub3A_455 : i32
        %add3A_457 = vector.broadcast %sub3A_456 : i32 to vector<16xi32>
        %add3A_458 = arith.addi %masked_cumsum3A, %add3A_457 : vector<16xi32>
        %mul3A_459 = arith.constant 16 : i32
        %mul3A_460 = arith.muli %while3A_437, %mul3A_459 : i32
        %add3A_461 = vector.broadcast %mul3A_460 : i32 to vector<16xi32>
        %add3A_462 = arith.addi %iota3A, %add3A_461 : vector<16xi32>
        %lt3A_463 = arith.constant 128 : i32
        %lt3A_464 = vector.broadcast %lt3A_463 : i32 to vector<16xi32>
        %lt3A_465 = arith.cmpi slt, %add3A_458, %lt3A_464 : vector<16xi32>
        %and3A_466 = arith.andi %lt3A_448, %lt3A_465 : vector<16xi1>
        tpu.vector_store_idx %arg16[%add3A_458], %add3A_462 masked %and3A_466 : memref<128xi32, #tpu.memory_space<vmem>>[vector<16xi32>], vector<16xi32>, vector<16xi1>
        %add3A_467 = arith.constant 1 : i32
        %add3A_468 = arith.addi %while3A_437, %add3A_467 : i32
        %add3A_469 = arith.addi %while3A_438, %reduce_sum3A_452 : i32
        scf.yield %add3A_468, %add3A_469 : i32, i32
      }
      %get3A_291 = arith.constant 0 : index
      %get3A_292 = tpu.vector_load %arg16[%get3A_291] {strides = array<i32>} : memref<128xi32, #tpu.memory_space<vmem>>, vector<16xi32>,
      %min3A_293 = arith.constant 16 : i32
      %min3A_294 = arith.minsi %while3A_290#1, %min3A_293 : i32
      %lt3A_295 = vector.broadcast %min3A_294 : i32 to vector<16xi32>
      %lt3A_296 = arith.cmpi slt, %iota3A, %lt3A_295 : vector<16xi32>
      %jit3A_297 = arith.constant 1073741824 : i32
      %broadcast_in_dim3A_298 = vector.broadcast %jit3A_297 : i32 to vector<16xi32>
      %select_n3A_299 = arith.select %lt3A_296, %get3A_292, %broadcast_in_dim3A_298 : vector<16xi1>, vector<16xi32>
      %reduce_min3A_300 = arith.constant true
      %reduce_min3A_301 = vector.broadcast %reduce_min3A_300 : i1 to vector<16xi1>
      %reduce_min3A_302 = arith.constant -2147483648 : i32
      %reduce_min3A_303 = vector.broadcast %reduce_min3A_302 : i32 to vector<16xi32>
      %reduce_min3A_304 = arith.xori %select_n3A_299, %reduce_min3A_303 : vector<16xi32>
      %reduce_min3A_305 = tpu.scan <min>, %reduce_min3A_304 masked %reduce_min3A_301 : vector<16xi32>, vector<16xi1> -> vector<16xi32>
      %reduce_min3A_306 = arith.xori %reduce_min3A_305, %reduce_min3A_303 : vector<16xi32>
      %reduce_min3A_307 = vector.extract %reduce_min3A_306[15] : i32 from vector<16xi32>
      %broadcast_in_dim3A_308 = vector.broadcast %reduce_min3A_307 : i32 to vector<16xi32>
      %broadcast_in_dim3A_309 = vector.broadcast %while3A_290#1 : i32 to vector<16xi32>
      %add3A_310 = arith.constant 0 : i32
      %add3A_311 = vector.broadcast %add3A_310 : i32 to vector<16xi32>
      %add3A_312 = arith.addi %iota3A, %add3A_311 : vector<16xi32>
      %get3A_313 = arith.constant 0 : index
      %get3A_314 = tpu.vector_load %arg16[%get3A_313] {strides = array<i32>} : memref<128xi32, #tpu.memory_space<vmem>>, vector<16xi32>,
      %lt3A_315 = arith.cmpi slt, %add3A_312, %broadcast_in_dim3A_309 : vector<16xi32>
      %select_n3A_316 = arith.select %lt3A_315, %get3A_314, %broadcast_in_dim3A_308 : vector<16xi1>, vector<16xi32>
      %mul3A_317 = arith.constant 512 : i32
      %mul3A_318 = arith.muli %select_n3A, %mul3A_317 : i32
      %add3A_319 = vector.broadcast %mul3A_318 : i32 to vector<16xi32>
      %add3A_320 = arith.addi %select_n3A_316, %add3A_319 : vector<16xi32>
      %swap3A_321 = arith.constant 0 : index
      %swap3A_322 = tpu.vector_load %arg17[%swap3A_321] {strides = array<i32>} : memref<128xi32, #tpu.memory_space<vmem>>, vector<16xi32>,
      tpu.vector_store %arg17[%swap3A_321], %add3A_320 {strides = array<i32>} : memref<128xi32, #tpu.memory_space<vmem>>, vector<16xi32>,
      %add3A_323 = arith.constant 16 : i32
      %add3A_324 = vector.broadcast %add3A_323 : i32 to vector<16xi32>
      %add3A_325 = arith.addi %iota3A, %add3A_324 : vector<16xi32>
      %get3A_326 = arith.constant 16 : index
      %get3A_327 = tpu.vector_load %arg16[%get3A_326] {strides = array<i32>} : memref<128xi32, #tpu.memory_space<vmem>>, vector<16xi32>,
      %lt3A_328 = arith.cmpi slt, %add3A_325, %broadcast_in_dim3A_309 : vector<16xi32>
      %select_n3A_329 = arith.select %lt3A_328, %get3A_327, %broadcast_in_dim3A_308 : vector<16xi1>, vector<16xi32>
      %mul3A_330 = arith.constant 512 : i32
      %mul3A_331 = arith.muli %select_n3A, %mul3A_330 : i32
      %add3A_332 = vector.broadcast %mul3A_331 : i32 to vector<16xi32>
      %add3A_333 = arith.addi %select_n3A_329, %add3A_332 : vector<16xi32>
      %swap3A_334 = arith.constant 16 : index
      %swap3A_335 = tpu.vector_load %arg17[%swap3A_334] {strides = array<i32>} : memref<128xi32, #tpu.memory_space<vmem>>, vector<16xi32>,
      tpu.vector_store %arg17[%swap3A_334], %add3A_333 {strides = array<i32>} : memref<128xi32, #tpu.memory_space<vmem>>, vector<16xi32>,
      %add3A_336 = arith.constant 32 : i32
      %add3A_337 = vector.broadcast %add3A_336 : i32 to vector<16xi32>
      %add3A_338 = arith.addi %iota3A, %add3A_337 : vector<16xi32>
      %get3A_339 = arith.constant 32 : index
      %get3A_340 = tpu.vector_load %arg16[%get3A_339] {strides = array<i32>} : memref<128xi32, #tpu.memory_space<vmem>>, vector<16xi32>,
      %lt3A_341 = arith.cmpi slt, %add3A_338, %broadcast_in_dim3A_309 : vector<16xi32>
      %select_n3A_342 = arith.select %lt3A_341, %get3A_340, %broadcast_in_dim3A_308 : vector<16xi1>, vector<16xi32>
      %mul3A_343 = arith.constant 512 : i32
      %mul3A_344 = arith.muli %select_n3A, %mul3A_343 : i32
      %add3A_345 = vector.broadcast %mul3A_344 : i32 to vector<16xi32>
      %add3A_346 = arith.addi %select_n3A_342, %add3A_345 : vector<16xi32>
      %swap3A_347 = arith.constant 32 : index
      %swap3A_348 = tpu.vector_load %arg17[%swap3A_347] {strides = array<i32>} : memref<128xi32, #tpu.memory_space<vmem>>, vector<16xi32>,
      tpu.vector_store %arg17[%swap3A_347], %add3A_346 {strides = array<i32>} : memref<128xi32, #tpu.memory_space<vmem>>, vector<16xi32>,
      %add3A_349 = arith.constant 48 : i32
      %add3A_350 = vector.broadcast %add3A_349 : i32 to vector<16xi32>
      %add3A_351 = arith.addi %iota3A, %add3A_350 : vector<16xi32>
      %get3A_352 = arith.constant 48 : index
      %get3A_353 = tpu.vector_load %arg16[%get3A_352] {strides = array<i32>} : memref<128xi32, #tpu.memory_space<vmem>>, vector<16xi32>,
      %lt3A_354 = arith.cmpi slt, %add3A_351, %broadcast_in_dim3A_309 : vector<16xi32>
      %select_n3A_355 = arith.select %lt3A_354, %get3A_353, %broadcast_in_dim3A_308 : vector<16xi1>, vector<16xi32>
      %mul3A_356 = arith.constant 512 : i32
      %mul3A_357 = arith.muli %select_n3A, %mul3A_356 : i32
      %add3A_358 = vector.broadcast %mul3A_357 : i32 to vector<16xi32>
      %add3A_359 = arith.addi %select_n3A_355, %add3A_358 : vector<16xi32>
      %swap3A_360 = arith.constant 48 : index
      %swap3A_361 = tpu.vector_load %arg17[%swap3A_360] {strides = array<i32>} : memref<128xi32, #tpu.memory_space<vmem>>, vector<16xi32>,
      tpu.vector_store %arg17[%swap3A_360], %add3A_359 {strides = array<i32>} : memref<128xi32, #tpu.memory_space<vmem>>, vector<16xi32>,
      %add3A_362 = arith.constant 64 : i32
      %add3A_363 = vector.broadcast %add3A_362 : i32 to vector<16xi32>
      %add3A_364 = arith.addi %iota3A, %add3A_363 : vector<16xi32>
      %get3A_365 = arith.constant 64 : index
      %get3A_366 = tpu.vector_load %arg16[%get3A_365] {strides = array<i32>} : memref<128xi32, #tpu.memory_space<vmem>>, vector<16xi32>,
      %lt3A_367 = arith.cmpi slt, %add3A_364, %broadcast_in_dim3A_309 : vector<16xi32>
      %select_n3A_368 = arith.select %lt3A_367, %get3A_366, %broadcast_in_dim3A_308 : vector<16xi1>, vector<16xi32>
      %mul3A_369 = arith.constant 512 : i32
      %mul3A_370 = arith.muli %select_n3A, %mul3A_369 : i32
      %add3A_371 = vector.broadcast %mul3A_370 : i32 to vector<16xi32>
      %add3A_372 = arith.addi %select_n3A_368, %add3A_371 : vector<16xi32>
      %swap3A_373 = arith.constant 64 : index
      %swap3A_374 = tpu.vector_load %arg17[%swap3A_373] {strides = array<i32>} : memref<128xi32, #tpu.memory_space<vmem>>, vector<16xi32>,
      tpu.vector_store %arg17[%swap3A_373], %add3A_372 {strides = array<i32>} : memref<128xi32, #tpu.memory_space<vmem>>, vector<16xi32>,
      %add3A_375 = arith.constant 80 : i32
      %add3A_376 = vector.broadcast %add3A_375 : i32 to vector<16xi32>
      %add3A_377 = arith.addi %iota3A, %add3A_376 : vector<16xi32>
      %get3A_378 = arith.constant 80 : index
      %get3A_379 = tpu.vector_load %arg16[%get3A_378] {strides = array<i32>} : memref<128xi32, #tpu.memory_space<vmem>>, vector<16xi32>,
      %lt3A_380 = arith.cmpi slt, %add3A_377, %broadcast_in_dim3A_309 : vector<16xi32>
      %select_n3A_381 = arith.select %lt3A_380, %get3A_379, %broadcast_in_dim3A_308 : vector<16xi1>, vector<16xi32>
      %mul3A_382 = arith.constant 512 : i32
      %mul3A_383 = arith.muli %select_n3A, %mul3A_382 : i32
      %add3A_384 = vector.broadcast %mul3A_383 : i32 to vector<16xi32>
      %add3A_385 = arith.addi %select_n3A_381, %add3A_384 : vector<16xi32>
      %swap3A_386 = arith.constant 80 : index
      %swap3A_387 = tpu.vector_load %arg17[%swap3A_386] {strides = array<i32>} : memref<128xi32, #tpu.memory_space<vmem>>, vector<16xi32>,
      tpu.vector_store %arg17[%swap3A_386], %add3A_385 {strides = array<i32>} : memref<128xi32, #tpu.memory_space<vmem>>, vector<16xi32>,
      %add3A_388 = arith.constant 96 : i32
      %add3A_389 = vector.broadcast %add3A_388 : i32 to vector<16xi32>
      %add3A_390 = arith.addi %iota3A, %add3A_389 : vector<16xi32>
      %get3A_391 = arith.constant 96 : index
      %get3A_392 = tpu.vector_load %arg16[%get3A_391] {strides = array<i32>} : memref<128xi32, #tpu.memory_space<vmem>>, vector<16xi32>,
      %lt3A_393 = arith.cmpi slt, %add3A_390, %broadcast_in_dim3A_309 : vector<16xi32>
      %select_n3A_394 = arith.select %lt3A_393, %get3A_392, %broadcast_in_dim3A_308 : vector<16xi1>, vector<16xi32>
      %mul3A_395 = arith.constant 512 : i32
      %mul3A_396 = arith.muli %select_n3A, %mul3A_395 : i32
      %add3A_397 = vector.broadcast %mul3A_396 : i32 to vector<16xi32>
      %add3A_398 = arith.addi %select_n3A_394, %add3A_397 : vector<16xi32>
      %swap3A_399 = arith.constant 96 : index
      %swap3A_400 = tpu.vector_load %arg17[%swap3A_399] {strides = array<i32>} : memref<128xi32, #tpu.memory_space<vmem>>, vector<16xi32>,
      tpu.vector_store %arg17[%swap3A_399], %add3A_398 {strides = array<i32>} : memref<128xi32, #tpu.memory_space<vmem>>, vector<16xi32>,
      %add3A_401 = arith.constant 112 : i32
      %add3A_402 = vector.broadcast %add3A_401 : i32 to vector<16xi32>
      %add3A_403 = arith.addi %iota3A, %add3A_402 : vector<16xi32>
      %get3A_404 = arith.constant 112 : index
      %get3A_405 = tpu.vector_load %arg16[%get3A_404] {strides = array<i32>} : memref<128xi32, #tpu.memory_space<vmem>>, vector<16xi32>,
      %lt3A_406 = arith.cmpi slt, %add3A_403, %broadcast_in_dim3A_309 : vector<16xi32>
      %select_n3A_407 = arith.select %lt3A_406, %get3A_405, %broadcast_in_dim3A_308 : vector<16xi1>, vector<16xi32>
      %mul3A_408 = arith.constant 512 : i32
      %mul3A_409 = arith.muli %select_n3A, %mul3A_408 : i32
      %add3A_410 = vector.broadcast %mul3A_409 : i32 to vector<16xi32>
      %add3A_411 = arith.addi %select_n3A_407, %add3A_410 : vector<16xi32>
      %swap3A_412 = arith.constant 112 : index
      %swap3A_413 = tpu.vector_load %arg17[%swap3A_412] {strides = array<i32>} : memref<128xi32, #tpu.memory_space<vmem>>, vector<16xi32>,
      tpu.vector_store %arg17[%swap3A_412], %add3A_411 {strides = array<i32>} : memref<128xi32, #tpu.memory_space<vmem>>, vector<16xi32>,
      %gt3A_414 = arith.constant 0 : i32
      %gt3A_415 = arith.cmpi sgt, %scan3A_59, %gt3A_414 : i32
      %convert_element_type3A_416 = arith.extui %gt3A_415 : i1 to i32
      %cond3A_417 = arith.constant 0 : i32
      %cond3A_418 = arith.cmpi ne, %convert_element_type3A_416, %cond3A_417 : i32
      scf.if %cond3A_418 {
        %sub3A_437 = arith.constant 1 : i32
        %sub3A_438 = arith.subi %add3A_62, %sub3A_437 : i32
        %mul3A_439 = arith.constant 128 : i32
        %mul3A_440 = arith.muli %sub3A_438, %mul3A_439 : i32
        %dma_wait3A_441 = arith.constant 0 : i32
        %dma_wait3A_442 = arith.constant 0 : i32
        %dma_wait3A_443 = tpu.memref_slice %arg18[%dma_wait3A_441, %dma_wait3A_442] : memref<128x128xf32, #tpu.memory_space<vmem>> -> memref<128x128xf32, #tpu.memory_space<vmem>>
        %dma_wait3A_444 = arith.constant 0 : i32
        %dma_wait3A_445 = tpu.memref_slice %arg8[%mul3A_440, %dma_wait3A_444] : memref<131072x128xf32, #tpu.memory_space<hbm>> -> memref<128x128xf32, #tpu.memory_space<hbm>>
        %dma_wait3A_446 = arith.constant 0 : i32
        %dma_wait3A_447 = tpu.memref_slice %arg8[%mul3A_440, %dma_wait3A_446] : memref<131072x128xf32, #tpu.memory_space<hbm>> -> memref<128x128xf32, #tpu.memory_space<hbm>>
        %dma_wait3A_448 = arith.constant 0 : i32
        %dma_wait3A_449 = arith.constant 0 : i32
        %dma_wait3A_450 = tpu.memref_slice %arg18[%dma_wait3A_448, %dma_wait3A_449] : memref<128x128xf32, #tpu.memory_space<vmem>> -> memref<128x128xf32, #tpu.memory_space<vmem>>
        tpu.wait_dma2 semaphore(%arg22 : memref<!tpu.dma_semaphore, #tpu.memory_space<semaphore_mem>>) src(%dma_wait3A_450 : memref<128x128xf32, #tpu.memory_space<vmem>>) dst(%dma_wait3A_447 : memref<128x128xf32, #tpu.memory_space<hbm>>)
      } else {
      }
      %dma_start3A_419 = arith.constant 0 : i32
      %dma_start3A_420 = arith.constant 0 : i32
      %dma_start3A_421 = tpu.memref_slice %arg5[%dma_start3A_419, %dma_start3A_420] : memref<4096x128xf32, #tpu.memory_space<hbm>> -> memref<4096x128xf32, #tpu.memory_space<hbm>>
      tpu.enqueue_indirect_dma source(%dma_start3A_421 : memref<4096x128xf32, #tpu.memory_space<hbm>>) target(%arg18 : memref<128x128xf32, #tpu.memory_space<vmem>>) offsets(%arg17 : memref<128xi32, #tpu.memory_space<vmem>>) semaphore(%arg23 : memref<!tpu.dma_semaphore, #tpu.memory_space<semaphore_mem>>)
      %dma_wait3A_422 = arith.constant 0 : i32
      %dma_wait3A_423 = arith.constant 0 : i32
      %dma_wait3A_424 = tpu.memref_slice %arg5[%dma_wait3A_422, %dma_wait3A_423] : memref<4096x128xf32, #tpu.memory_space<hbm>> -> memref<4096x128xf32, #tpu.memory_space<hbm>>
      tpu.wait_indirect_dma semaphore(%arg23 : memref<!tpu.dma_semaphore, #tpu.memory_space<semaphore_mem>>) src(%dma_wait3A_424 : memref<4096x128xf32, #tpu.memory_space<hbm>>) dst(%arg18 : memref<128x128xf32, #tpu.memory_space<vmem>>)
      %mul3A_425 = arith.constant 128 : i32
      %mul3A_426 = arith.muli %add3A_62, %mul3A_425 : i32
      %dma_start3A_427 = arith.constant 0 : i32
      %dma_start3A_428 = arith.constant 0 : i32
      %dma_start3A_429 = tpu.memref_slice %arg18[%dma_start3A_427, %dma_start3A_428] : memref<128x128xf32, #tpu.memory_space<vmem>> -> memref<128x128xf32, #tpu.memory_space<vmem>>
      %dma_start3A_430 = arith.constant 0 : i32
      %dma_start3A_431 = tpu.memref_slice %arg8[%mul3A_426, %dma_start3A_430] : memref<131072x128xf32, #tpu.memory_space<hbm>> -> memref<128x128xf32, #tpu.memory_space<hbm>>
      %dma_start3A_432 = arith.constant 0 : i32
      %dma_start3A_433 = tpu.memref_slice %arg8[%mul3A_426, %dma_start3A_432] : memref<131072x128xf32, #tpu.memory_space<hbm>> -> memref<128x128xf32, #tpu.memory_space<hbm>>
      %dma_start3A_434 = arith.constant 0 : i32
      %dma_start3A_435 = arith.constant 0 : i32
      %dma_start3A_436 = tpu.memref_slice %arg18[%dma_start3A_434, %dma_start3A_435] : memref<128x128xf32, #tpu.memory_space<vmem>> -> memref<128x128xf32, #tpu.memory_space<vmem>>
      tpu.enqueue_dma source(%dma_start3A_436 : memref<128x128xf32, #tpu.memory_space<vmem>>) target(%dma_start3A_433 : memref<128x128xf32, #tpu.memory_space<hbm>>) target_semaphore(%arg22 : memref<!tpu.dma_semaphore, #tpu.memory_space<semaphore_mem>>)
    }
    %scan3A_18 = arith.constant 32 : i32
    %mul3A_19 = arith.constant 32 : i32
    %mul3A_20 = arith.muli %add3A, %mul3A_19 : i32
    %add3A_21 = arith.constant 32 : i32
    %add3A_22 = arith.addi %mul3A_20, %add3A_21 : i32
    %sub3A = arith.constant 1 : i32
    %sub3A_23 = arith.subi %add3A_22, %sub3A : i32
    %mul3A_24 = arith.constant 32 : i32
    %mul3A_25 = arith.muli %sub3A_23, %mul3A_24 : i32
    %dma_wait3A = arith.constant 0 : i32
    %dma_wait3A_26 = arith.constant 0 : i32
    %dma_wait3A_27 = tpu.memref_slice %arg12[%dma_wait3A, %dma_wait3A_26] : memref<32x64xf32, #tpu.memory_space<vmem>> -> memref<32x64xf32, #tpu.memory_space<vmem>>
    %dma_wait3A_28 = arith.constant 0 : i32
    %dma_wait3A_29 = tpu.memref_slice %arg6[%mul3A_25, %dma_wait3A_28] : memref<32768x64xf32, #tpu.memory_space<hbm>> -> memref<32x64xf32, #tpu.memory_space<hbm>>
    %dma_wait3A_30 = arith.constant 0 : i32
    %dma_wait3A_31 = tpu.memref_slice %arg6[%mul3A_25, %dma_wait3A_30] : memref<32768x64xf32, #tpu.memory_space<hbm>> -> memref<32x64xf32, #tpu.memory_space<hbm>>
    %dma_wait3A_32 = arith.constant 0 : i32
    %dma_wait3A_33 = arith.constant 0 : i32
    %dma_wait3A_34 = tpu.memref_slice %arg12[%dma_wait3A_32, %dma_wait3A_33] : memref<32x64xf32, #tpu.memory_space<vmem>> -> memref<32x64xf32, #tpu.memory_space<vmem>>
    tpu.wait_dma2 semaphore(%arg20 : memref<!tpu.dma_semaphore, #tpu.memory_space<semaphore_mem>>) src(%dma_wait3A_34 : memref<32x64xf32, #tpu.memory_space<vmem>>) dst(%dma_wait3A_31 : memref<32x64xf32, #tpu.memory_space<hbm>>)
    %mul3A_35 = arith.constant 64 : i32
    %mul3A_36 = arith.muli %sub3A_23, %mul3A_35 : i32
    %dma_wait3A_37 = arith.constant 0 : i32
    %dma_wait3A_38 = arith.constant 0 : i32
    %dma_wait3A_39 = tpu.memref_slice %arg15[%dma_wait3A_37, %dma_wait3A_38] : memref<64x128xf32, #tpu.memory_space<vmem>> -> memref<64x128xf32, #tpu.memory_space<vmem>>
    %dma_wait3A_40 = arith.constant 0 : i32
    %dma_wait3A_41 = tpu.memref_slice %arg7[%mul3A_36, %dma_wait3A_40] : memref<65536x128xf32, #tpu.memory_space<hbm>> -> memref<64x128xf32, #tpu.memory_space<hbm>>
    %dma_wait3A_42 = arith.constant 0 : i32
    %dma_wait3A_43 = tpu.memref_slice %arg7[%mul3A_36, %dma_wait3A_42] : memref<65536x128xf32, #tpu.memory_space<hbm>> -> memref<64x128xf32, #tpu.memory_space<hbm>>
    %dma_wait3A_44 = arith.constant 0 : i32
    %dma_wait3A_45 = arith.constant 0 : i32
    %dma_wait3A_46 = tpu.memref_slice %arg15[%dma_wait3A_44, %dma_wait3A_45] : memref<64x128xf32, #tpu.memory_space<vmem>> -> memref<64x128xf32, #tpu.memory_space<vmem>>
    tpu.wait_dma2 semaphore(%arg21 : memref<!tpu.dma_semaphore, #tpu.memory_space<semaphore_mem>>) src(%dma_wait3A_46 : memref<64x128xf32, #tpu.memory_space<vmem>>) dst(%dma_wait3A_43 : memref<64x128xf32, #tpu.memory_space<hbm>>)
    %mul3A_47 = arith.constant 128 : i32
    %mul3A_48 = arith.muli %sub3A_23, %mul3A_47 : i32
    %dma_wait3A_49 = arith.constant 0 : i32
    %dma_wait3A_50 = arith.constant 0 : i32
    %dma_wait3A_51 = tpu.memref_slice %arg18[%dma_wait3A_49, %dma_wait3A_50] : memref<128x128xf32, #tpu.memory_space<vmem>> -> memref<128x128xf32, #tpu.memory_space<vmem>>
    %dma_wait3A_52 = arith.constant 0 : i32
    %dma_wait3A_53 = tpu.memref_slice %arg8[%mul3A_48, %dma_wait3A_52] : memref<131072x128xf32, #tpu.memory_space<hbm>> -> memref<128x128xf32, #tpu.memory_space<hbm>>
    %dma_wait3A_54 = arith.constant 0 : i32
    %dma_wait3A_55 = tpu.memref_slice %arg8[%mul3A_48, %dma_wait3A_54] : memref<131072x128xf32, #tpu.memory_space<hbm>> -> memref<128x128xf32, #tpu.memory_space<hbm>>
    %dma_wait3A_56 = arith.constant 0 : i32
    %dma_wait3A_57 = arith.constant 0 : i32
    %dma_wait3A_58 = tpu.memref_slice %arg18[%dma_wait3A_56, %dma_wait3A_57] : memref<128x128xf32, #tpu.memory_space<vmem>> -> memref<128x128xf32, #tpu.memory_space<vmem>>
    tpu.wait_dma2 semaphore(%arg22 : memref<!tpu.dma_semaphore, #tpu.memory_space<semaphore_mem>>) src(%dma_wait3A_58 : memref<128x128xf32, #tpu.memory_space<vmem>>) dst(%dma_wait3A_55 : memref<128x128xf32, #tpu.memory_space<hbm>>)
    return
  }
}

#map = affine_map<(d0, d1) -> (0, 0)>
module attributes {stable_mosaic.version = 14 : i64} {
  func.func @k(%arg0: i32, %arg1: i32, %arg2: memref<4096x4096xf32, #tpu.memory_space<hbm>>, %arg3: memref<32768x8xf32, #tpu.memory_space<hbm>>, %arg4: memref<32768x8xf32, #tpu.memory_space<hbm>>, %arg5: memref<32768x8xf32, #tpu.memory_space<hbm>>, %arg6: memref<65536x8xf32, #tpu.memory_space<hbm>>, %arg7: memref<131072x8xf32, #tpu.memory_space<hbm>>, %arg8: memref<524288x8xf32, #tpu.memory_space<hbm>>, %arg9: memref<2x4096xf32, #tpu.memory_space<vmem>>, %arg10: memref<16xi32, #tpu.memory_space<vmem>>, %arg11: memref<16xi32, #tpu.memory_space<vmem>>, %arg12: memref<16x8xf32, #tpu.memory_space<vmem>>, %arg13: memref<32xi32, #tpu.memory_space<vmem>>, %arg14: memref<32xi32, #tpu.memory_space<vmem>>, %arg15: memref<32x8xf32, #tpu.memory_space<vmem>>, %arg16: memref<128xi32, #tpu.memory_space<vmem>>, %arg17: memref<128xi32, #tpu.memory_space<vmem>>, %arg18: memref<128x8xf32, #tpu.memory_space<vmem>>, %arg19: memref<!tpu.dma_semaphore, #tpu.memory_space<semaphore_mem>>, %arg20: memref<!tpu.dma_semaphore, #tpu.memory_space<semaphore_mem>>, %arg21: memref<!tpu.dma_semaphore, #tpu.memory_space<semaphore_mem>>, %arg22: memref<!tpu.dma_semaphore, #tpu.memory_space<semaphore_mem>>, %arg23: memref<!tpu.dma_semaphore, #tpu.memory_space<semaphore_mem>>) attributes {dimension_semantics = [#tpu.dimension_semantics<core_parallel>, #tpu.dimension_semantics<subcore_parallel>], iteration_bounds = array<i64: 2, 16>, scalar_prefetch = 0 : i64, scratch_operands = 15 : i64, tpu.core_type = #tpu.core_type<sc_vector_subcore>, window_params = [{transform_indices = #map}, {transform_indices = #map}, {transform_indices = #map}, {transform_indices = #map}, {transform_indices = #map}, {transform_indices = #map}, {transform_indices = #map}]} {
    %mul3A = arith.constant 2 : i32
    %mul3A_0 = arith.muli %arg1, %mul3A : i32
    %add3A = arith.addi %mul3A_0, %arg0 : i32
    %iota3A = tpu.iota {dimensions = array<i32: 0>} : vector<16xi32>
    %mul3A_1 = arith.constant 128 : i32
    %mul3A_2 = arith.muli %add3A, %mul3A_1 : i32
    %dma_start3A = arith.constant 0 : i32
    %dma_start3A_3 = arith.constant 0 : i32
    %dma_start3A_4 = tpu.memref_slice %arg9[%dma_start3A, %dma_start3A_3] : memref<2x4096xf32, #tpu.memory_space<vmem>> -> memref<1x4096xf32, #tpu.memory_space<vmem>>
    %dma_start3A_5 = tpu.memref_squeeze %dma_start3A_4 : memref<1x4096xf32, #tpu.memory_space<vmem>> -> memref<4096xf32, #tpu.memory_space<vmem>>
    %dma_start3A_6 = arith.constant 0 : i32
    %dma_start3A_7 = tpu.memref_slice %arg2[%mul3A_2, %dma_start3A_6] : memref<4096x4096xf32, #tpu.memory_space<hbm>> -> memref<1x4096xf32, #tpu.memory_space<hbm>>
    %dma_start3A_8 = tpu.memref_squeeze %dma_start3A_7 : memref<1x4096xf32, #tpu.memory_space<hbm>> -> memref<4096xf32, #tpu.memory_space<hbm>>
    %dma_start3A_9 = arith.constant 0 : i32
    %dma_start3A_10 = tpu.memref_slice %arg9[%dma_start3A, %dma_start3A_9] : memref<2x4096xf32, #tpu.memory_space<vmem>> -> memref<1x4096xf32, #tpu.memory_space<vmem>>
    %dma_start3A_11 = tpu.memref_squeeze %dma_start3A_10 : memref<1x4096xf32, #tpu.memory_space<vmem>> -> memref<4096xf32, #tpu.memory_space<vmem>>
    %dma_start3A_12 = arith.constant 0 : i32
    %dma_start3A_13 = tpu.memref_slice %arg2[%mul3A_2, %dma_start3A_12] : memref<4096x4096xf32, #tpu.memory_space<hbm>> -> memref<1x4096xf32, #tpu.memory_space<hbm>>
    %dma_start3A_14 = tpu.memref_squeeze %dma_start3A_13 : memref<1x4096xf32, #tpu.memory_space<hbm>> -> memref<4096xf32, #tpu.memory_space<hbm>>
    tpu.enqueue_dma source(%dma_start3A_14 : memref<4096xf32, #tpu.memory_space<hbm>>) target(%dma_start3A_11 : memref<4096xf32, #tpu.memory_space<vmem>>) target_semaphore(%arg19 : memref<!tpu.dma_semaphore, #tpu.memory_space<semaphore_mem>>)
    %scan3A = arith.constant 0 : i32
    %scan3A_15 = arith.constant 128 : i32
    %scan3A_16 = arith.addi %scan3A, %scan3A_15 : i32
    %scan3A_17 = arith.constant 1 : i32
    scf.for %scan3A_59 = %scan3A to %scan3A_16 step %scan3A_17  : i32 {
      %mul3A_60 = arith.constant 128 : i32
      %mul3A_61 = arith.muli %add3A, %mul3A_60 : i32
      %add3A_62 = arith.addi %mul3A_61, %scan3A_59 : i32
      %jit3A = arith.constant 512 : i32
      %div3A = arith.divsi %add3A_62, %jit3A : i32
      %sign3A = arith.constant 0 : i32
      %sign3A_63 = arith.cmpi sgt, %add3A_62, %sign3A : i32
      %sign3A_64 = arith.extui %sign3A_63 : i1 to i32
      %sign3A_65 = arith.constant 0 : i32
      %sign3A_66 = arith.cmpi slt, %add3A_62, %sign3A_65 : i32
      %sign3A_67 = arith.extui %sign3A_66 : i1 to i32
      %sign3A_68 = arith.subi %sign3A_64, %sign3A_67 : i32
      %sign3A_69 = arith.constant 0 : i32
      %sign3A_70 = arith.cmpi sgt, %jit3A, %sign3A_69 : i32
      %sign3A_71 = arith.extui %sign3A_70 : i1 to i32
      %sign3A_72 = arith.constant 0 : i32
      %sign3A_73 = arith.cmpi slt, %jit3A, %sign3A_72 : i32
      %sign3A_74 = arith.extui %sign3A_73 : i1 to i32
      %sign3A_75 = arith.subi %sign3A_71, %sign3A_74 : i32
      %ne3A = arith.cmpi ne, %sign3A_68, %sign3A_75 : i32
      %rem3A = arith.remsi %add3A_62, %jit3A : i32
      %ne3A_76 = arith.constant 0 : i32
      %ne3A_77 = arith.cmpi ne, %rem3A, %ne3A_76 : i32
      %and3A = arith.andi %ne3A, %ne3A_77 : i1
      %sub3A_78 = arith.constant 1 : i32
      %sub3A_79 = arith.subi %div3A, %sub3A_78 : i32
      %select_n3A = arith.select %and3A, %sub3A_79, %div3A : i32
      %jit3A_80 = arith.constant 2 : i32
      %eq3A = arith.constant 0 : i32
      %eq3A_81 = arith.cmpi eq, %jit3A_80, %eq3A : i32
      %jit3A_82 = arith.constant 1 : i32
      %select_n3A_83 = arith.select %eq3A_81, %jit3A_82, %jit3A_80 : i32
      %rem3A_84 = arith.remsi %scan3A_59, %select_n3A_83 : i32
      %ne3A_85 = arith.constant 0 : i32
      %ne3A_86 = arith.cmpi ne, %rem3A_84, %ne3A_85 : i32
      %lt3A = arith.constant 0 : i32
      %lt3A_87 = arith.cmpi slt, %rem3A_84, %lt3A : i32
      %lt3A_88 = arith.constant 0 : i32
      %lt3A_89 = arith.cmpi slt, %select_n3A_83, %lt3A_88 : i32
      %ne3A_90 = arith.xori %lt3A_87, %lt3A_89 : i1
      %and3A_91 = arith.andi %ne3A_90, %ne3A_86 : i1
      %add3A_92 = arith.addi %rem3A_84, %select_n3A_83 : i32
      %select_n3A_93 = arith.select %and3A_91, %add3A_92, %rem3A_84 : i32
      %dma_wait3A_94 = arith.constant 0 : i32
      %dma_wait3A_95 = tpu.memref_slice %arg9[%select_n3A_93, %dma_wait3A_94] : memref<2x4096xf32, #tpu.memory_space<vmem>> -> memref<1x4096xf32, #tpu.memory_space<vmem>>
      %dma_wait3A_96 = tpu.memref_squeeze %dma_wait3A_95 : memref<1x4096xf32, #tpu.memory_space<vmem>> -> memref<4096xf32, #tpu.memory_space<vmem>>
      %dma_wait3A_97 = arith.constant 0 : i32
      %dma_wait3A_98 = tpu.memref_slice %arg2[%add3A_62, %dma_wait3A_97] : memref<4096x4096xf32, #tpu.memory_space<hbm>> -> memref<1x4096xf32, #tpu.memory_space<hbm>>
      %dma_wait3A_99 = tpu.memref_squeeze %dma_wait3A_98 : memref<1x4096xf32, #tpu.memory_space<hbm>> -> memref<4096xf32, #tpu.memory_space<hbm>>
      %dma_wait3A_100 = arith.constant 0 : i32
      %dma_wait3A_101 = tpu.memref_slice %arg9[%select_n3A_93, %dma_wait3A_100] : memref<2x4096xf32, #tpu.memory_space<vmem>> -> memref<1x4096xf32, #tpu.memory_space<vmem>>
      %dma_wait3A_102 = tpu.memref_squeeze %dma_wait3A_101 : memref<1x4096xf32, #tpu.memory_space<vmem>> -> memref<4096xf32, #tpu.memory_space<vmem>>
      %dma_wait3A_103 = arith.constant 0 : i32
      %dma_wait3A_104 = tpu.memref_slice %arg2[%add3A_62, %dma_wait3A_103] : memref<4096x4096xf32, #tpu.memory_space<hbm>> -> memref<1x4096xf32, #tpu.memory_space<hbm>>
      %dma_wait3A_105 = tpu.memref_squeeze %dma_wait3A_104 : memref<1x4096xf32, #tpu.memory_space<hbm>> -> memref<4096xf32, #tpu.memory_space<hbm>>
      tpu.wait_dma2 semaphore(%arg19 : memref<!tpu.dma_semaphore, #tpu.memory_space<semaphore_mem>>) src(%dma_wait3A_105 : memref<4096xf32, #tpu.memory_space<hbm>>) dst(%dma_wait3A_102 : memref<4096xf32, #tpu.memory_space<vmem>>)
      %add3A_106 = arith.constant 1 : i32
      %add3A_107 = arith.addi %scan3A_59, %add3A_106 : i32
      %lt3A_108 = arith.constant 128 : i32
      %lt3A_109 = arith.cmpi slt, %add3A_107, %lt3A_108 : i32
      %convert_element_type3A = arith.extui %lt3A_109 : i1 to i32
      %cond3A = arith.constant 0 : i32
      %cond3A_110 = arith.cmpi ne, %convert_element_type3A, %cond3A : i32
      scf.if %cond3A_110 {
        %add3A_398 = arith.constant 1 : i32
        %add3A_399 = arith.addi %add3A_62, %add3A_398 : i32
        %add3A_400 = arith.constant 1 : i32
        %add3A_401 = arith.addi %scan3A_59, %add3A_400 : i32
        %jit3A_402 = arith.constant 2 : i32
        %eq3A_403 = arith.constant 0 : i32
        %eq3A_404 = arith.cmpi eq, %jit3A_402, %eq3A_403 : i32
        %jit3A_405 = arith.constant 1 : i32
        %select_n3A_406 = arith.select %eq3A_404, %jit3A_405, %jit3A_402 : i32
        %rem3A_407 = arith.remsi %add3A_401, %select_n3A_406 : i32
        %ne3A_408 = arith.constant 0 : i32
        %ne3A_409 = arith.cmpi ne, %rem3A_407, %ne3A_408 : i32
        %lt3A_410 = arith.constant 0 : i32
        %lt3A_411 = arith.cmpi slt, %rem3A_407, %lt3A_410 : i32
        %lt3A_412 = arith.constant 0 : i32
        %lt3A_413 = arith.cmpi slt, %select_n3A_406, %lt3A_412 : i32
        %ne3A_414 = arith.xori %lt3A_411, %lt3A_413 : i1
        %and3A_415 = arith.andi %ne3A_414, %ne3A_409 : i1
        %add3A_416 = arith.addi %rem3A_407, %select_n3A_406 : i32
        %select_n3A_417 = arith.select %and3A_415, %add3A_416, %rem3A_407 : i32
        %dma_start3A_418 = arith.constant 0 : i32
        %dma_start3A_419 = tpu.memref_slice %arg9[%select_n3A_417, %dma_start3A_418] : memref<2x4096xf32, #tpu.memory_space<vmem>> -> memref<1x4096xf32, #tpu.memory_space<vmem>>
        %dma_start3A_420 = tpu.memref_squeeze %dma_start3A_419 : memref<1x4096xf32, #tpu.memory_space<vmem>> -> memref<4096xf32, #tpu.memory_space<vmem>>
        %dma_start3A_421 = arith.constant 0 : i32
        %dma_start3A_422 = tpu.memref_slice %arg2[%add3A_399, %dma_start3A_421] : memref<4096x4096xf32, #tpu.memory_space<hbm>> -> memref<1x4096xf32, #tpu.memory_space<hbm>>
        %dma_start3A_423 = tpu.memref_squeeze %dma_start3A_422 : memref<1x4096xf32, #tpu.memory_space<hbm>> -> memref<4096xf32, #tpu.memory_space<hbm>>
        %dma_start3A_424 = arith.constant 0 : i32
        %dma_start3A_425 = tpu.memref_slice %arg9[%select_n3A_417, %dma_start3A_424] : memref<2x4096xf32, #tpu.memory_space<vmem>> -> memref<1x4096xf32, #tpu.memory_space<vmem>>
        %dma_start3A_426 = tpu.memref_squeeze %dma_start3A_425 : memref<1x4096xf32, #tpu.memory_space<vmem>> -> memref<4096xf32, #tpu.memory_space<vmem>>
        %dma_start3A_427 = arith.constant 0 : i32
        %dma_start3A_428 = tpu.memref_slice %arg2[%add3A_399, %dma_start3A_427] : memref<4096x4096xf32, #tpu.memory_space<hbm>> -> memref<1x4096xf32, #tpu.memory_space<hbm>>
        %dma_start3A_429 = tpu.memref_squeeze %dma_start3A_428 : memref<1x4096xf32, #tpu.memory_space<hbm>> -> memref<4096xf32, #tpu.memory_space<hbm>>
        tpu.enqueue_dma source(%dma_start3A_429 : memref<4096xf32, #tpu.memory_space<hbm>>) target(%dma_start3A_426 : memref<4096xf32, #tpu.memory_space<vmem>>) target_semaphore(%arg19 : memref<!tpu.dma_semaphore, #tpu.memory_space<semaphore_mem>>)
      } else {
      }
      %jit3A_111 = arith.constant 2 : i32
      %eq3A_112 = arith.constant 0 : i32
      %eq3A_113 = arith.cmpi eq, %jit3A_111, %eq3A_112 : i32
      %jit3A_114 = arith.constant 1 : i32
      %select_n3A_115 = arith.select %eq3A_113, %jit3A_114, %jit3A_111 : i32
      %rem3A_116 = arith.remsi %scan3A_59, %select_n3A_115 : i32
      %ne3A_117 = arith.constant 0 : i32
      %ne3A_118 = arith.cmpi ne, %rem3A_116, %ne3A_117 : i32
      %lt3A_119 = arith.constant 0 : i32
      %lt3A_120 = arith.cmpi slt, %rem3A_116, %lt3A_119 : i32
      %lt3A_121 = arith.constant 0 : i32
      %lt3A_122 = arith.cmpi slt, %select_n3A_115, %lt3A_121 : i32
      %ne3A_123 = arith.xori %lt3A_120, %lt3A_122 : i1
      %and3A_124 = arith.andi %ne3A_123, %ne3A_118 : i1
      %add3A_125 = arith.addi %rem3A_116, %select_n3A_115 : i32
      %select_n3A_126 = arith.select %and3A_124, %add3A_125, %rem3A_116 : i32
      %while3A = arith.constant 0 : i32
      %while3A_127 = arith.constant 0 : i32
      %while3A_128:2 = scf.while (%while3A_398 = %while3A, %while3A_399 = %while3A_127) : (i32, i32) -> (i32, i32) {
        %lt3A_400 = arith.constant 256 : i32
        %lt3A_401 = arith.cmpi slt, %while3A_398, %lt3A_400 : i32
        %lt3A_402 = arith.constant 16 : i32
        %lt3A_403 = arith.cmpi slt, %while3A_399, %lt3A_402 : i32
        %and3A_404 = arith.andi %lt3A_401, %lt3A_403 : i1
        scf.condition(%and3A_404) %while3A_398, %while3A_399 : i32, i32
      } do {
      ^bb0(%while3A_398: i32, %while3A_399: i32):
        %mul3A_400 = arith.constant 16 : i32
        %mul3A_401 = arith.muli %while3A_398, %mul3A_400 : i32
        %get3A_402 = arith.constant 0 : i32
        %get3A_403 = tpu.memref_slice %arg9[%select_n3A_126, %get3A_402] : memref<2x4096xf32, #tpu.memory_space<vmem>> -> memref<1x4096xf32, #tpu.memory_space<vmem>>
        %get3A_404 = tpu.memref_squeeze %get3A_403 : memref<1x4096xf32, #tpu.memory_space<vmem>> -> memref<4096xf32, #tpu.memory_space<vmem>>
        %get3A_405 = arith.index_cast %mul3A_401 : i32 to index
        %get3A_406 = tpu.vector_load %get3A_404[%get3A_405] {strides = array<i32>} : memref<4096xf32, #tpu.memory_space<vmem>>, vector<16xf32>,
        %lt3A_407 = arith.constant 0.00999999977 : f32
        %lt3A_408 = vector.broadcast %lt3A_407 : f32 to vector<16xf32>
        %lt3A_409 = arith.cmpf olt, %get3A_406, %lt3A_408 : vector<16xf32>
        %convert_element_type3A_410 = arith.extui %lt3A_409 : vector<16xi1> to vector<16xi32>
        %reduce_sum3A = arith.constant true
        %reduce_sum3A_411 = vector.broadcast %reduce_sum3A : i1 to vector<16xi1>
        %reduce_sum3A_412 = tpu.scan <sum>, %convert_element_type3A_410 masked %reduce_sum3A_411 : vector<16xi32>, vector<16xi1> -> vector<16xi32>
        %reduce_sum3A_413 = vector.extract %reduce_sum3A_412[15] : i32 from vector<16xi32>
        %broadcast_in_dim3A_414 = arith.constant true
        %broadcast_in_dim3A_415 = vector.broadcast %broadcast_in_dim3A_414 : i1 to vector<16xi1>
        %masked_cumsum3A = tpu.scan <sum>, %convert_element_type3A_410 masked %broadcast_in_dim3A_415 : vector<16xi32>, vector<16xi1> -> vector<16xi32>
        %sub3A_416 = arith.constant 1 : i32
        %sub3A_417 = arith.subi %while3A_399, %sub3A_416 : i32
        %add3A_418 = vector.broadcast %sub3A_417 : i32 to vector<16xi32>
        %add3A_419 = arith.addi %masked_cumsum3A, %add3A_418 : vector<16xi32>
        %mul3A_420 = arith.constant 16 : i32
        %mul3A_421 = arith.muli %while3A_398, %mul3A_420 : i32
        %add3A_422 = vector.broadcast %mul3A_421 : i32 to vector<16xi32>
        %add3A_423 = arith.addi %iota3A, %add3A_422 : vector<16xi32>
        %lt3A_424 = arith.constant 16 : i32
        %lt3A_425 = vector.broadcast %lt3A_424 : i32 to vector<16xi32>
        %lt3A_426 = arith.cmpi slt, %add3A_419, %lt3A_425 : vector<16xi32>
        %and3A_427 = arith.andi %lt3A_409, %lt3A_426 : vector<16xi1>
        tpu.vector_store_idx %arg10[%add3A_419], %add3A_423 masked %and3A_427 : memref<16xi32, #tpu.memory_space<vmem>>[vector<16xi32>], vector<16xi32>, vector<16xi1>
        %add3A_428 = arith.constant 1 : i32
        %add3A_429 = arith.addi %while3A_398, %add3A_428 : i32
        %add3A_430 = arith.addi %while3A_399, %reduce_sum3A_413 : i32
        scf.yield %add3A_429, %add3A_430 : i32, i32
      }
      %get3A = arith.constant 0 : index
      %get3A_129 = tpu.vector_load %arg10[%get3A] {strides = array<i32>} : memref<16xi32, #tpu.memory_space<vmem>>, vector<16xi32>,
      %min3A = arith.constant 16 : i32
      %min3A_130 = arith.minsi %while3A_128#1, %min3A : i32
      %lt3A_131 = vector.broadcast %min3A_130 : i32 to vector<16xi32>
      %lt3A_132 = arith.cmpi slt, %iota3A, %lt3A_131 : vector<16xi32>
      %jit3A_133 = arith.constant 1073741824 : i32
      %broadcast_in_dim3A = vector.broadcast %jit3A_133 : i32 to vector<16xi32>
      %select_n3A_134 = arith.select %lt3A_132, %get3A_129, %broadcast_in_dim3A : vector<16xi1>, vector<16xi32>
      %reduce_min3A = arith.constant true
      %reduce_min3A_135 = vector.broadcast %reduce_min3A : i1 to vector<16xi1>
      %reduce_min3A_136 = arith.constant -2147483648 : i32
      %reduce_min3A_137 = vector.broadcast %reduce_min3A_136 : i32 to vector<16xi32>
      %reduce_min3A_138 = arith.xori %select_n3A_134, %reduce_min3A_137 : vector<16xi32>
      %reduce_min3A_139 = tpu.scan <min>, %reduce_min3A_138 masked %reduce_min3A_135 : vector<16xi32>, vector<16xi1> -> vector<16xi32>
      %reduce_min3A_140 = arith.xori %reduce_min3A_139, %reduce_min3A_137 : vector<16xi32>
      %reduce_min3A_141 = vector.extract %reduce_min3A_140[15] : i32 from vector<16xi32>
      %broadcast_in_dim3A_142 = vector.broadcast %reduce_min3A_141 : i32 to vector<16xi32>
      %broadcast_in_dim3A_143 = vector.broadcast %while3A_128#1 : i32 to vector<16xi32>
      %add3A_144 = arith.constant 0 : i32
      %add3A_145 = vector.broadcast %add3A_144 : i32 to vector<16xi32>
      %add3A_146 = arith.addi %iota3A, %add3A_145 : vector<16xi32>
      %get3A_147 = arith.constant 0 : index
      %get3A_148 = tpu.vector_load %arg10[%get3A_147] {strides = array<i32>} : memref<16xi32, #tpu.memory_space<vmem>>, vector<16xi32>,
      %lt3A_149 = arith.cmpi slt, %add3A_146, %broadcast_in_dim3A_143 : vector<16xi32>
      %select_n3A_150 = arith.select %lt3A_149, %get3A_148, %broadcast_in_dim3A_142 : vector<16xi1>, vector<16xi32>
      %mul3A_151 = arith.constant 4096 : i32
      %mul3A_152 = arith.muli %select_n3A, %mul3A_151 : i32
      %add3A_153 = vector.broadcast %mul3A_152 : i32 to vector<16xi32>
      %add3A_154 = arith.addi %select_n3A_150, %add3A_153 : vector<16xi32>
      %swap3A = arith.constant 0 : index
      %swap3A_155 = tpu.vector_load %arg11[%swap3A] {strides = array<i32>} : memref<16xi32, #tpu.memory_space<vmem>>, vector<16xi32>,
      tpu.vector_store %arg11[%swap3A], %add3A_154 {strides = array<i32>} : memref<16xi32, #tpu.memory_space<vmem>>, vector<16xi32>,
      %gt3A = arith.constant 0 : i32
      %gt3A_156 = arith.cmpi sgt, %scan3A_59, %gt3A : i32
      %convert_element_type3A_157 = arith.extui %gt3A_156 : i1 to i32
      %cond3A_158 = arith.constant 0 : i32
      %cond3A_159 = arith.cmpi ne, %convert_element_type3A_157, %cond3A_158 : i32
      scf.if %cond3A_159 {
        %sub3A_398 = arith.constant 1 : i32
        %sub3A_399 = arith.subi %add3A_62, %sub3A_398 : i32
        %mul3A_400 = arith.constant 16 : i32
        %mul3A_401 = arith.muli %sub3A_399, %mul3A_400 : i32
        %dma_wait3A_402 = arith.constant 0 : i32
        %dma_wait3A_403 = arith.constant 0 : i32
        %dma_wait3A_404 = tpu.memref_slice %arg12[%dma_wait3A_402, %dma_wait3A_403] : memref<16x8xf32, #tpu.memory_space<vmem>> -> memref<16x8xf32, #tpu.memory_space<vmem>>
        %dma_wait3A_405 = arith.constant 0 : i32
        %dma_wait3A_406 = tpu.memref_slice %arg6[%mul3A_401, %dma_wait3A_405] : memref<65536x8xf32, #tpu.memory_space<hbm>> -> memref<16x8xf32, #tpu.memory_space<hbm>>
        %dma_wait3A_407 = arith.constant 0 : i32
        %dma_wait3A_408 = tpu.memref_slice %arg6[%mul3A_401, %dma_wait3A_407] : memref<65536x8xf32, #tpu.memory_space<hbm>> -> memref<16x8xf32, #tpu.memory_space<hbm>>
        %dma_wait3A_409 = arith.constant 0 : i32
        %dma_wait3A_410 = arith.constant 0 : i32
        %dma_wait3A_411 = tpu.memref_slice %arg12[%dma_wait3A_409, %dma_wait3A_410] : memref<16x8xf32, #tpu.memory_space<vmem>> -> memref<16x8xf32, #tpu.memory_space<vmem>>
        tpu.wait_dma2 semaphore(%arg20 : memref<!tpu.dma_semaphore, #tpu.memory_space<semaphore_mem>>) src(%dma_wait3A_411 : memref<16x8xf32, #tpu.memory_space<vmem>>) dst(%dma_wait3A_408 : memref<16x8xf32, #tpu.memory_space<hbm>>)
      } else {
      }
      %dma_start3A_160 = arith.constant 0 : i32
      %dma_start3A_161 = arith.constant 0 : i32
      %dma_start3A_162 = tpu.memref_slice %arg3[%dma_start3A_160, %dma_start3A_161] : memref<32768x8xf32, #tpu.memory_space<hbm>> -> memref<32768x8xf32, #tpu.memory_space<hbm>>
      tpu.enqueue_indirect_dma source(%dma_start3A_162 : memref<32768x8xf32, #tpu.memory_space<hbm>>) target(%arg12 : memref<16x8xf32, #tpu.memory_space<vmem>>) offsets(%arg11 : memref<16xi32, #tpu.memory_space<vmem>>) semaphore(%arg23 : memref<!tpu.dma_semaphore, #tpu.memory_space<semaphore_mem>>)
      %dma_wait3A_163 = arith.constant 0 : i32
      %dma_wait3A_164 = arith.constant 0 : i32
      %dma_wait3A_165 = tpu.memref_slice %arg3[%dma_wait3A_163, %dma_wait3A_164] : memref<32768x8xf32, #tpu.memory_space<hbm>> -> memref<32768x8xf32, #tpu.memory_space<hbm>>
      tpu.wait_indirect_dma semaphore(%arg23 : memref<!tpu.dma_semaphore, #tpu.memory_space<semaphore_mem>>) src(%dma_wait3A_165 : memref<32768x8xf32, #tpu.memory_space<hbm>>) dst(%arg12 : memref<16x8xf32, #tpu.memory_space<vmem>>)
      %mul3A_166 = arith.constant 16 : i32
      %mul3A_167 = arith.muli %add3A_62, %mul3A_166 : i32
      %dma_start3A_168 = arith.constant 0 : i32
      %dma_start3A_169 = arith.constant 0 : i32
      %dma_start3A_170 = tpu.memref_slice %arg12[%dma_start3A_168, %dma_start3A_169] : memref<16x8xf32, #tpu.memory_space<vmem>> -> memref<16x8xf32, #tpu.memory_space<vmem>>
      %dma_start3A_171 = arith.constant 0 : i32
      %dma_start3A_172 = tpu.memref_slice %arg6[%mul3A_167, %dma_start3A_171] : memref<65536x8xf32, #tpu.memory_space<hbm>> -> memref<16x8xf32, #tpu.memory_space<hbm>>
      %dma_start3A_173 = arith.constant 0 : i32
      %dma_start3A_174 = tpu.memref_slice %arg6[%mul3A_167, %dma_start3A_173] : memref<65536x8xf32, #tpu.memory_space<hbm>> -> memref<16x8xf32, #tpu.memory_space<hbm>>
      %dma_start3A_175 = arith.constant 0 : i32
      %dma_start3A_176 = arith.constant 0 : i32
      %dma_start3A_177 = tpu.memref_slice %arg12[%dma_start3A_175, %dma_start3A_176] : memref<16x8xf32, #tpu.memory_space<vmem>> -> memref<16x8xf32, #tpu.memory_space<vmem>>
      tpu.enqueue_dma source(%dma_start3A_177 : memref<16x8xf32, #tpu.memory_space<vmem>>) target(%dma_start3A_174 : memref<16x8xf32, #tpu.memory_space<hbm>>) target_semaphore(%arg20 : memref<!tpu.dma_semaphore, #tpu.memory_space<semaphore_mem>>)
      %while3A_178 = arith.constant 0 : i32
      %while3A_179 = arith.constant 0 : i32
      %while3A_180:2 = scf.while (%while3A_398 = %while3A_178, %while3A_399 = %while3A_179) : (i32, i32) -> (i32, i32) {
        %lt3A_400 = arith.constant 256 : i32
        %lt3A_401 = arith.cmpi slt, %while3A_398, %lt3A_400 : i32
        %lt3A_402 = arith.constant 32 : i32
        %lt3A_403 = arith.cmpi slt, %while3A_399, %lt3A_402 : i32
        %and3A_404 = arith.andi %lt3A_401, %lt3A_403 : i1
        scf.condition(%and3A_404) %while3A_398, %while3A_399 : i32, i32
      } do {
      ^bb0(%while3A_398: i32, %while3A_399: i32):
        %mul3A_400 = arith.constant 16 : i32
        %mul3A_401 = arith.muli %while3A_398, %mul3A_400 : i32
        %get3A_402 = arith.constant 0 : i32
        %get3A_403 = tpu.memref_slice %arg9[%select_n3A_126, %get3A_402] : memref<2x4096xf32, #tpu.memory_space<vmem>> -> memref<1x4096xf32, #tpu.memory_space<vmem>>
        %get3A_404 = tpu.memref_squeeze %get3A_403 : memref<1x4096xf32, #tpu.memory_space<vmem>> -> memref<4096xf32, #tpu.memory_space<vmem>>
        %get3A_405 = arith.index_cast %mul3A_401 : i32 to index
        %get3A_406 = tpu.vector_load %get3A_404[%get3A_405] {strides = array<i32>} : memref<4096xf32, #tpu.memory_space<vmem>>, vector<16xf32>,
        %lt3A_407 = arith.constant 4.000000e-02 : f32
        %lt3A_408 = vector.broadcast %lt3A_407 : f32 to vector<16xf32>
        %lt3A_409 = arith.cmpf olt, %get3A_406, %lt3A_408 : vector<16xf32>
        %convert_element_type3A_410 = arith.extui %lt3A_409 : vector<16xi1> to vector<16xi32>
        %reduce_sum3A = arith.constant true
        %reduce_sum3A_411 = vector.broadcast %reduce_sum3A : i1 to vector<16xi1>
        %reduce_sum3A_412 = tpu.scan <sum>, %convert_element_type3A_410 masked %reduce_sum3A_411 : vector<16xi32>, vector<16xi1> -> vector<16xi32>
        %reduce_sum3A_413 = vector.extract %reduce_sum3A_412[15] : i32 from vector<16xi32>
        %broadcast_in_dim3A_414 = arith.constant true
        %broadcast_in_dim3A_415 = vector.broadcast %broadcast_in_dim3A_414 : i1 to vector<16xi1>
        %masked_cumsum3A = tpu.scan <sum>, %convert_element_type3A_410 masked %broadcast_in_dim3A_415 : vector<16xi32>, vector<16xi1> -> vector<16xi32>
        %sub3A_416 = arith.constant 1 : i32
        %sub3A_417 = arith.subi %while3A_399, %sub3A_416 : i32
        %add3A_418 = vector.broadcast %sub3A_417 : i32 to vector<16xi32>
        %add3A_419 = arith.addi %masked_cumsum3A, %add3A_418 : vector<16xi32>
        %mul3A_420 = arith.constant 16 : i32
        %mul3A_421 = arith.muli %while3A_398, %mul3A_420 : i32
        %add3A_422 = vector.broadcast %mul3A_421 : i32 to vector<16xi32>
        %add3A_423 = arith.addi %iota3A, %add3A_422 : vector<16xi32>
        %lt3A_424 = arith.constant 32 : i32
        %lt3A_425 = vector.broadcast %lt3A_424 : i32 to vector<16xi32>
        %lt3A_426 = arith.cmpi slt, %add3A_419, %lt3A_425 : vector<16xi32>
        %and3A_427 = arith.andi %lt3A_409, %lt3A_426 : vector<16xi1>
        tpu.vector_store_idx %arg13[%add3A_419], %add3A_423 masked %and3A_427 : memref<32xi32, #tpu.memory_space<vmem>>[vector<16xi32>], vector<16xi32>, vector<16xi1>
        %add3A_428 = arith.constant 1 : i32
        %add3A_429 = arith.addi %while3A_398, %add3A_428 : i32
        %add3A_430 = arith.addi %while3A_399, %reduce_sum3A_413 : i32
        scf.yield %add3A_429, %add3A_430 : i32, i32
      }
      %get3A_181 = arith.constant 0 : index
      %get3A_182 = tpu.vector_load %arg13[%get3A_181] {strides = array<i32>} : memref<32xi32, #tpu.memory_space<vmem>>, vector<16xi32>,
      %min3A_183 = arith.constant 16 : i32
      %min3A_184 = arith.minsi %while3A_180#1, %min3A_183 : i32
      %lt3A_185 = vector.broadcast %min3A_184 : i32 to vector<16xi32>
      %lt3A_186 = arith.cmpi slt, %iota3A, %lt3A_185 : vector<16xi32>
      %jit3A_187 = arith.constant 1073741824 : i32
      %broadcast_in_dim3A_188 = vector.broadcast %jit3A_187 : i32 to vector<16xi32>
      %select_n3A_189 = arith.select %lt3A_186, %get3A_182, %broadcast_in_dim3A_188 : vector<16xi1>, vector<16xi32>
      %reduce_min3A_190 = arith.constant true
      %reduce_min3A_191 = vector.broadcast %reduce_min3A_190 : i1 to vector<16xi1>
      %reduce_min3A_192 = arith.constant -2147483648 : i32
      %reduce_min3A_193 = vector.broadcast %reduce_min3A_192 : i32 to vector<16xi32>
      %reduce_min3A_194 = arith.xori %select_n3A_189, %reduce_min3A_193 : vector<16xi32>
      %reduce_min3A_195 = tpu.scan <min>, %reduce_min3A_194 masked %reduce_min3A_191 : vector<16xi32>, vector<16xi1> -> vector<16xi32>
      %reduce_min3A_196 = arith.xori %reduce_min3A_195, %reduce_min3A_193 : vector<16xi32>
      %reduce_min3A_197 = vector.extract %reduce_min3A_196[15] : i32 from vector<16xi32>
      %broadcast_in_dim3A_198 = vector.broadcast %reduce_min3A_197 : i32 to vector<16xi32>
      %broadcast_in_dim3A_199 = vector.broadcast %while3A_180#1 : i32 to vector<16xi32>
      %add3A_200 = arith.constant 0 : i32
      %add3A_201 = vector.broadcast %add3A_200 : i32 to vector<16xi32>
      %add3A_202 = arith.addi %iota3A, %add3A_201 : vector<16xi32>
      %get3A_203 = arith.constant 0 : index
      %get3A_204 = tpu.vector_load %arg13[%get3A_203] {strides = array<i32>} : memref<32xi32, #tpu.memory_space<vmem>>, vector<16xi32>,
      %lt3A_205 = arith.cmpi slt, %add3A_202, %broadcast_in_dim3A_199 : vector<16xi32>
      %select_n3A_206 = arith.select %lt3A_205, %get3A_204, %broadcast_in_dim3A_198 : vector<16xi1>, vector<16xi32>
      %mul3A_207 = arith.constant 4096 : i32
      %mul3A_208 = arith.muli %select_n3A, %mul3A_207 : i32
      %add3A_209 = vector.broadcast %mul3A_208 : i32 to vector<16xi32>
      %add3A_210 = arith.addi %select_n3A_206, %add3A_209 : vector<16xi32>
      %swap3A_211 = arith.constant 0 : index
      %swap3A_212 = tpu.vector_load %arg14[%swap3A_211] {strides = array<i32>} : memref<32xi32, #tpu.memory_space<vmem>>, vector<16xi32>,
      tpu.vector_store %arg14[%swap3A_211], %add3A_210 {strides = array<i32>} : memref<32xi32, #tpu.memory_space<vmem>>, vector<16xi32>,
      %add3A_213 = arith.constant 16 : i32
      %add3A_214 = vector.broadcast %add3A_213 : i32 to vector<16xi32>
      %add3A_215 = arith.addi %iota3A, %add3A_214 : vector<16xi32>
      %get3A_216 = arith.constant 16 : index
      %get3A_217 = tpu.vector_load %arg13[%get3A_216] {strides = array<i32>} : memref<32xi32, #tpu.memory_space<vmem>>, vector<16xi32>,
      %lt3A_218 = arith.cmpi slt, %add3A_215, %broadcast_in_dim3A_199 : vector<16xi32>
      %select_n3A_219 = arith.select %lt3A_218, %get3A_217, %broadcast_in_dim3A_198 : vector<16xi1>, vector<16xi32>
      %mul3A_220 = arith.constant 4096 : i32
      %mul3A_221 = arith.muli %select_n3A, %mul3A_220 : i32
      %add3A_222 = vector.broadcast %mul3A_221 : i32 to vector<16xi32>
      %add3A_223 = arith.addi %select_n3A_219, %add3A_222 : vector<16xi32>
      %swap3A_224 = arith.constant 16 : index
      %swap3A_225 = tpu.vector_load %arg14[%swap3A_224] {strides = array<i32>} : memref<32xi32, #tpu.memory_space<vmem>>, vector<16xi32>,
      tpu.vector_store %arg14[%swap3A_224], %add3A_223 {strides = array<i32>} : memref<32xi32, #tpu.memory_space<vmem>>, vector<16xi32>,
      %gt3A_226 = arith.constant 0 : i32
      %gt3A_227 = arith.cmpi sgt, %scan3A_59, %gt3A_226 : i32
      %convert_element_type3A_228 = arith.extui %gt3A_227 : i1 to i32
      %cond3A_229 = arith.constant 0 : i32
      %cond3A_230 = arith.cmpi ne, %convert_element_type3A_228, %cond3A_229 : i32
      scf.if %cond3A_230 {
        %sub3A_398 = arith.constant 1 : i32
        %sub3A_399 = arith.subi %add3A_62, %sub3A_398 : i32
        %mul3A_400 = arith.constant 32 : i32
        %mul3A_401 = arith.muli %sub3A_399, %mul3A_400 : i32
        %dma_wait3A_402 = arith.constant 0 : i32
        %dma_wait3A_403 = arith.constant 0 : i32
        %dma_wait3A_404 = tpu.memref_slice %arg15[%dma_wait3A_402, %dma_wait3A_403] : memref<32x8xf32, #tpu.memory_space<vmem>> -> memref<32x8xf32, #tpu.memory_space<vmem>>
        %dma_wait3A_405 = arith.constant 0 : i32
        %dma_wait3A_406 = tpu.memref_slice %arg7[%mul3A_401, %dma_wait3A_405] : memref<131072x8xf32, #tpu.memory_space<hbm>> -> memref<32x8xf32, #tpu.memory_space<hbm>>
        %dma_wait3A_407 = arith.constant 0 : i32
        %dma_wait3A_408 = tpu.memref_slice %arg7[%mul3A_401, %dma_wait3A_407] : memref<131072x8xf32, #tpu.memory_space<hbm>> -> memref<32x8xf32, #tpu.memory_space<hbm>>
        %dma_wait3A_409 = arith.constant 0 : i32
        %dma_wait3A_410 = arith.constant 0 : i32
        %dma_wait3A_411 = tpu.memref_slice %arg15[%dma_wait3A_409, %dma_wait3A_410] : memref<32x8xf32, #tpu.memory_space<vmem>> -> memref<32x8xf32, #tpu.memory_space<vmem>>
        tpu.wait_dma2 semaphore(%arg21 : memref<!tpu.dma_semaphore, #tpu.memory_space<semaphore_mem>>) src(%dma_wait3A_411 : memref<32x8xf32, #tpu.memory_space<vmem>>) dst(%dma_wait3A_408 : memref<32x8xf32, #tpu.memory_space<hbm>>)
      } else {
      }
      %dma_start3A_231 = arith.constant 0 : i32
      %dma_start3A_232 = arith.constant 0 : i32
      %dma_start3A_233 = tpu.memref_slice %arg4[%dma_start3A_231, %dma_start3A_232] : memref<32768x8xf32, #tpu.memory_space<hbm>> -> memref<32768x8xf32, #tpu.memory_space<hbm>>
      tpu.enqueue_indirect_dma source(%dma_start3A_233 : memref<32768x8xf32, #tpu.memory_space<hbm>>) target(%arg15 : memref<32x8xf32, #tpu.memory_space<vmem>>) offsets(%arg14 : memref<32xi32, #tpu.memory_space<vmem>>) semaphore(%arg23 : memref<!tpu.dma_semaphore, #tpu.memory_space<semaphore_mem>>)
      %dma_wait3A_234 = arith.constant 0 : i32
      %dma_wait3A_235 = arith.constant 0 : i32
      %dma_wait3A_236 = tpu.memref_slice %arg4[%dma_wait3A_234, %dma_wait3A_235] : memref<32768x8xf32, #tpu.memory_space<hbm>> -> memref<32768x8xf32, #tpu.memory_space<hbm>>
      tpu.wait_indirect_dma semaphore(%arg23 : memref<!tpu.dma_semaphore, #tpu.memory_space<semaphore_mem>>) src(%dma_wait3A_236 : memref<32768x8xf32, #tpu.memory_space<hbm>>) dst(%arg15 : memref<32x8xf32, #tpu.memory_space<vmem>>)
      %mul3A_237 = arith.constant 32 : i32
      %mul3A_238 = arith.muli %add3A_62, %mul3A_237 : i32
      %dma_start3A_239 = arith.constant 0 : i32
      %dma_start3A_240 = arith.constant 0 : i32
      %dma_start3A_241 = tpu.memref_slice %arg15[%dma_start3A_239, %dma_start3A_240] : memref<32x8xf32, #tpu.memory_space<vmem>> -> memref<32x8xf32, #tpu.memory_space<vmem>>
      %dma_start3A_242 = arith.constant 0 : i32
      %dma_start3A_243 = tpu.memref_slice %arg7[%mul3A_238, %dma_start3A_242] : memref<131072x8xf32, #tpu.memory_space<hbm>> -> memref<32x8xf32, #tpu.memory_space<hbm>>
      %dma_start3A_244 = arith.constant 0 : i32
      %dma_start3A_245 = tpu.memref_slice %arg7[%mul3A_238, %dma_start3A_244] : memref<131072x8xf32, #tpu.memory_space<hbm>> -> memref<32x8xf32, #tpu.memory_space<hbm>>
      %dma_start3A_246 = arith.constant 0 : i32
      %dma_start3A_247 = arith.constant 0 : i32
      %dma_start3A_248 = tpu.memref_slice %arg15[%dma_start3A_246, %dma_start3A_247] : memref<32x8xf32, #tpu.memory_space<vmem>> -> memref<32x8xf32, #tpu.memory_space<vmem>>
      tpu.enqueue_dma source(%dma_start3A_248 : memref<32x8xf32, #tpu.memory_space<vmem>>) target(%dma_start3A_245 : memref<32x8xf32, #tpu.memory_space<hbm>>) target_semaphore(%arg21 : memref<!tpu.dma_semaphore, #tpu.memory_space<semaphore_mem>>)
      %while3A_249 = arith.constant 0 : i32
      %while3A_250 = arith.constant 0 : i32
      %while3A_251:2 = scf.while (%while3A_398 = %while3A_249, %while3A_399 = %while3A_250) : (i32, i32) -> (i32, i32) {
        %lt3A_400 = arith.constant 256 : i32
        %lt3A_401 = arith.cmpi slt, %while3A_398, %lt3A_400 : i32
        %lt3A_402 = arith.constant 128 : i32
        %lt3A_403 = arith.cmpi slt, %while3A_399, %lt3A_402 : i32
        %and3A_404 = arith.andi %lt3A_401, %lt3A_403 : i1
        scf.condition(%and3A_404) %while3A_398, %while3A_399 : i32, i32
      } do {
      ^bb0(%while3A_398: i32, %while3A_399: i32):
        %mul3A_400 = arith.constant 16 : i32
        %mul3A_401 = arith.muli %while3A_398, %mul3A_400 : i32
        %get3A_402 = arith.constant 0 : i32
        %get3A_403 = tpu.memref_slice %arg9[%select_n3A_126, %get3A_402] : memref<2x4096xf32, #tpu.memory_space<vmem>> -> memref<1x4096xf32, #tpu.memory_space<vmem>>
        %get3A_404 = tpu.memref_squeeze %get3A_403 : memref<1x4096xf32, #tpu.memory_space<vmem>> -> memref<4096xf32, #tpu.memory_space<vmem>>
        %get3A_405 = arith.index_cast %mul3A_401 : i32 to index
        %get3A_406 = tpu.vector_load %get3A_404[%get3A_405] {strides = array<i32>} : memref<4096xf32, #tpu.memory_space<vmem>>, vector<16xf32>,
        %lt3A_407 = arith.constant 1.600000e-01 : f32
        %lt3A_408 = vector.broadcast %lt3A_407 : f32 to vector<16xf32>
        %lt3A_409 = arith.cmpf olt, %get3A_406, %lt3A_408 : vector<16xf32>
        %convert_element_type3A_410 = arith.extui %lt3A_409 : vector<16xi1> to vector<16xi32>
        %reduce_sum3A = arith.constant true
        %reduce_sum3A_411 = vector.broadcast %reduce_sum3A : i1 to vector<16xi1>
        %reduce_sum3A_412 = tpu.scan <sum>, %convert_element_type3A_410 masked %reduce_sum3A_411 : vector<16xi32>, vector<16xi1> -> vector<16xi32>
        %reduce_sum3A_413 = vector.extract %reduce_sum3A_412[15] : i32 from vector<16xi32>
        %broadcast_in_dim3A_414 = arith.constant true
        %broadcast_in_dim3A_415 = vector.broadcast %broadcast_in_dim3A_414 : i1 to vector<16xi1>
        %masked_cumsum3A = tpu.scan <sum>, %convert_element_type3A_410 masked %broadcast_in_dim3A_415 : vector<16xi32>, vector<16xi1> -> vector<16xi32>
        %sub3A_416 = arith.constant 1 : i32
        %sub3A_417 = arith.subi %while3A_399, %sub3A_416 : i32
        %add3A_418 = vector.broadcast %sub3A_417 : i32 to vector<16xi32>
        %add3A_419 = arith.addi %masked_cumsum3A, %add3A_418 : vector<16xi32>
        %mul3A_420 = arith.constant 16 : i32
        %mul3A_421 = arith.muli %while3A_398, %mul3A_420 : i32
        %add3A_422 = vector.broadcast %mul3A_421 : i32 to vector<16xi32>
        %add3A_423 = arith.addi %iota3A, %add3A_422 : vector<16xi32>
        %lt3A_424 = arith.constant 128 : i32
        %lt3A_425 = vector.broadcast %lt3A_424 : i32 to vector<16xi32>
        %lt3A_426 = arith.cmpi slt, %add3A_419, %lt3A_425 : vector<16xi32>
        %and3A_427 = arith.andi %lt3A_409, %lt3A_426 : vector<16xi1>
        tpu.vector_store_idx %arg16[%add3A_419], %add3A_423 masked %and3A_427 : memref<128xi32, #tpu.memory_space<vmem>>[vector<16xi32>], vector<16xi32>, vector<16xi1>
        %add3A_428 = arith.constant 1 : i32
        %add3A_429 = arith.addi %while3A_398, %add3A_428 : i32
        %add3A_430 = arith.addi %while3A_399, %reduce_sum3A_413 : i32
        scf.yield %add3A_429, %add3A_430 : i32, i32
      }
      %get3A_252 = arith.constant 0 : index
      %get3A_253 = tpu.vector_load %arg16[%get3A_252] {strides = array<i32>} : memref<128xi32, #tpu.memory_space<vmem>>, vector<16xi32>,
      %min3A_254 = arith.constant 16 : i32
      %min3A_255 = arith.minsi %while3A_251#1, %min3A_254 : i32
      %lt3A_256 = vector.broadcast %min3A_255 : i32 to vector<16xi32>
      %lt3A_257 = arith.cmpi slt, %iota3A, %lt3A_256 : vector<16xi32>
      %jit3A_258 = arith.constant 1073741824 : i32
      %broadcast_in_dim3A_259 = vector.broadcast %jit3A_258 : i32 to vector<16xi32>
      %select_n3A_260 = arith.select %lt3A_257, %get3A_253, %broadcast_in_dim3A_259 : vector<16xi1>, vector<16xi32>
      %reduce_min3A_261 = arith.constant true
      %reduce_min3A_262 = vector.broadcast %reduce_min3A_261 : i1 to vector<16xi1>
      %reduce_min3A_263 = arith.constant -2147483648 : i32
      %reduce_min3A_264 = vector.broadcast %reduce_min3A_263 : i32 to vector<16xi32>
      %reduce_min3A_265 = arith.xori %select_n3A_260, %reduce_min3A_264 : vector<16xi32>
      %reduce_min3A_266 = tpu.scan <min>, %reduce_min3A_265 masked %reduce_min3A_262 : vector<16xi32>, vector<16xi1> -> vector<16xi32>
      %reduce_min3A_267 = arith.xori %reduce_min3A_266, %reduce_min3A_264 : vector<16xi32>
      %reduce_min3A_268 = vector.extract %reduce_min3A_267[15] : i32 from vector<16xi32>
      %broadcast_in_dim3A_269 = vector.broadcast %reduce_min3A_268 : i32 to vector<16xi32>
      %broadcast_in_dim3A_270 = vector.broadcast %while3A_251#1 : i32 to vector<16xi32>
      %add3A_271 = arith.constant 0 : i32
      %add3A_272 = vector.broadcast %add3A_271 : i32 to vector<16xi32>
      %add3A_273 = arith.addi %iota3A, %add3A_272 : vector<16xi32>
      %get3A_274 = arith.constant 0 : index
      %get3A_275 = tpu.vector_load %arg16[%get3A_274] {strides = array<i32>} : memref<128xi32, #tpu.memory_space<vmem>>, vector<16xi32>,
      %lt3A_276 = arith.cmpi slt, %add3A_273, %broadcast_in_dim3A_270 : vector<16xi32>
      %select_n3A_277 = arith.select %lt3A_276, %get3A_275, %broadcast_in_dim3A_269 : vector<16xi1>, vector<16xi32>
      %mul3A_278 = arith.constant 4096 : i32
      %mul3A_279 = arith.muli %select_n3A, %mul3A_278 : i32
      %add3A_280 = vector.broadcast %mul3A_279 : i32 to vector<16xi32>
      %add3A_281 = arith.addi %select_n3A_277, %add3A_280 : vector<16xi32>
      %swap3A_282 = arith.constant 0 : index
      %swap3A_283 = tpu.vector_load %arg17[%swap3A_282] {strides = array<i32>} : memref<128xi32, #tpu.memory_space<vmem>>, vector<16xi32>,
      tpu.vector_store %arg17[%swap3A_282], %add3A_281 {strides = array<i32>} : memref<128xi32, #tpu.memory_space<vmem>>, vector<16xi32>,
      %add3A_284 = arith.constant 16 : i32
      %add3A_285 = vector.broadcast %add3A_284 : i32 to vector<16xi32>
      %add3A_286 = arith.addi %iota3A, %add3A_285 : vector<16xi32>
      %get3A_287 = arith.constant 16 : index
      %get3A_288 = tpu.vector_load %arg16[%get3A_287] {strides = array<i32>} : memref<128xi32, #tpu.memory_space<vmem>>, vector<16xi32>,
      %lt3A_289 = arith.cmpi slt, %add3A_286, %broadcast_in_dim3A_270 : vector<16xi32>
      %select_n3A_290 = arith.select %lt3A_289, %get3A_288, %broadcast_in_dim3A_269 : vector<16xi1>, vector<16xi32>
      %mul3A_291 = arith.constant 4096 : i32
      %mul3A_292 = arith.muli %select_n3A, %mul3A_291 : i32
      %add3A_293 = vector.broadcast %mul3A_292 : i32 to vector<16xi32>
      %add3A_294 = arith.addi %select_n3A_290, %add3A_293 : vector<16xi32>
      %swap3A_295 = arith.constant 16 : index
      %swap3A_296 = tpu.vector_load %arg17[%swap3A_295] {strides = array<i32>} : memref<128xi32, #tpu.memory_space<vmem>>, vector<16xi32>,
      tpu.vector_store %arg17[%swap3A_295], %add3A_294 {strides = array<i32>} : memref<128xi32, #tpu.memory_space<vmem>>, vector<16xi32>,
      %add3A_297 = arith.constant 32 : i32
      %add3A_298 = vector.broadcast %add3A_297 : i32 to vector<16xi32>
      %add3A_299 = arith.addi %iota3A, %add3A_298 : vector<16xi32>
      %get3A_300 = arith.constant 32 : index
      %get3A_301 = tpu.vector_load %arg16[%get3A_300] {strides = array<i32>} : memref<128xi32, #tpu.memory_space<vmem>>, vector<16xi32>,
      %lt3A_302 = arith.cmpi slt, %add3A_299, %broadcast_in_dim3A_270 : vector<16xi32>
      %select_n3A_303 = arith.select %lt3A_302, %get3A_301, %broadcast_in_dim3A_269 : vector<16xi1>, vector<16xi32>
      %mul3A_304 = arith.constant 4096 : i32
      %mul3A_305 = arith.muli %select_n3A, %mul3A_304 : i32
      %add3A_306 = vector.broadcast %mul3A_305 : i32 to vector<16xi32>
      %add3A_307 = arith.addi %select_n3A_303, %add3A_306 : vector<16xi32>
      %swap3A_308 = arith.constant 32 : index
      %swap3A_309 = tpu.vector_load %arg17[%swap3A_308] {strides = array<i32>} : memref<128xi32, #tpu.memory_space<vmem>>, vector<16xi32>,
      tpu.vector_store %arg17[%swap3A_308], %add3A_307 {strides = array<i32>} : memref<128xi32, #tpu.memory_space<vmem>>, vector<16xi32>,
      %add3A_310 = arith.constant 48 : i32
      %add3A_311 = vector.broadcast %add3A_310 : i32 to vector<16xi32>
      %add3A_312 = arith.addi %iota3A, %add3A_311 : vector<16xi32>
      %get3A_313 = arith.constant 48 : index
      %get3A_314 = tpu.vector_load %arg16[%get3A_313] {strides = array<i32>} : memref<128xi32, #tpu.memory_space<vmem>>, vector<16xi32>,
      %lt3A_315 = arith.cmpi slt, %add3A_312, %broadcast_in_dim3A_270 : vector<16xi32>
      %select_n3A_316 = arith.select %lt3A_315, %get3A_314, %broadcast_in_dim3A_269 : vector<16xi1>, vector<16xi32>
      %mul3A_317 = arith.constant 4096 : i32
      %mul3A_318 = arith.muli %select_n3A, %mul3A_317 : i32
      %add3A_319 = vector.broadcast %mul3A_318 : i32 to vector<16xi32>
      %add3A_320 = arith.addi %select_n3A_316, %add3A_319 : vector<16xi32>
      %swap3A_321 = arith.constant 48 : index
      %swap3A_322 = tpu.vector_load %arg17[%swap3A_321] {strides = array<i32>} : memref<128xi32, #tpu.memory_space<vmem>>, vector<16xi32>,
      tpu.vector_store %arg17[%swap3A_321], %add3A_320 {strides = array<i32>} : memref<128xi32, #tpu.memory_space<vmem>>, vector<16xi32>,
      %add3A_323 = arith.constant 64 : i32
      %add3A_324 = vector.broadcast %add3A_323 : i32 to vector<16xi32>
      %add3A_325 = arith.addi %iota3A, %add3A_324 : vector<16xi32>
      %get3A_326 = arith.constant 64 : index
      %get3A_327 = tpu.vector_load %arg16[%get3A_326] {strides = array<i32>} : memref<128xi32, #tpu.memory_space<vmem>>, vector<16xi32>,
      %lt3A_328 = arith.cmpi slt, %add3A_325, %broadcast_in_dim3A_270 : vector<16xi32>
      %select_n3A_329 = arith.select %lt3A_328, %get3A_327, %broadcast_in_dim3A_269 : vector<16xi1>, vector<16xi32>
      %mul3A_330 = arith.constant 4096 : i32
      %mul3A_331 = arith.muli %select_n3A, %mul3A_330 : i32
      %add3A_332 = vector.broadcast %mul3A_331 : i32 to vector<16xi32>
      %add3A_333 = arith.addi %select_n3A_329, %add3A_332 : vector<16xi32>
      %swap3A_334 = arith.constant 64 : index
      %swap3A_335 = tpu.vector_load %arg17[%swap3A_334] {strides = array<i32>} : memref<128xi32, #tpu.memory_space<vmem>>, vector<16xi32>,
      tpu.vector_store %arg17[%swap3A_334], %add3A_333 {strides = array<i32>} : memref<128xi32, #tpu.memory_space<vmem>>, vector<16xi32>,
      %add3A_336 = arith.constant 80 : i32
      %add3A_337 = vector.broadcast %add3A_336 : i32 to vector<16xi32>
      %add3A_338 = arith.addi %iota3A, %add3A_337 : vector<16xi32>
      %get3A_339 = arith.constant 80 : index
      %get3A_340 = tpu.vector_load %arg16[%get3A_339] {strides = array<i32>} : memref<128xi32, #tpu.memory_space<vmem>>, vector<16xi32>,
      %lt3A_341 = arith.cmpi slt, %add3A_338, %broadcast_in_dim3A_270 : vector<16xi32>
      %select_n3A_342 = arith.select %lt3A_341, %get3A_340, %broadcast_in_dim3A_269 : vector<16xi1>, vector<16xi32>
      %mul3A_343 = arith.constant 4096 : i32
      %mul3A_344 = arith.muli %select_n3A, %mul3A_343 : i32
      %add3A_345 = vector.broadcast %mul3A_344 : i32 to vector<16xi32>
      %add3A_346 = arith.addi %select_n3A_342, %add3A_345 : vector<16xi32>
      %swap3A_347 = arith.constant 80 : index
      %swap3A_348 = tpu.vector_load %arg17[%swap3A_347] {strides = array<i32>} : memref<128xi32, #tpu.memory_space<vmem>>, vector<16xi32>,
      tpu.vector_store %arg17[%swap3A_347], %add3A_346 {strides = array<i32>} : memref<128xi32, #tpu.memory_space<vmem>>, vector<16xi32>,
      %add3A_349 = arith.constant 96 : i32
      %add3A_350 = vector.broadcast %add3A_349 : i32 to vector<16xi32>
      %add3A_351 = arith.addi %iota3A, %add3A_350 : vector<16xi32>
      %get3A_352 = arith.constant 96 : index
      %get3A_353 = tpu.vector_load %arg16[%get3A_352] {strides = array<i32>} : memref<128xi32, #tpu.memory_space<vmem>>, vector<16xi32>,
      %lt3A_354 = arith.cmpi slt, %add3A_351, %broadcast_in_dim3A_270 : vector<16xi32>
      %select_n3A_355 = arith.select %lt3A_354, %get3A_353, %broadcast_in_dim3A_269 : vector<16xi1>, vector<16xi32>
      %mul3A_356 = arith.constant 4096 : i32
      %mul3A_357 = arith.muli %select_n3A, %mul3A_356 : i32
      %add3A_358 = vector.broadcast %mul3A_357 : i32 to vector<16xi32>
      %add3A_359 = arith.addi %select_n3A_355, %add3A_358 : vector<16xi32>
      %swap3A_360 = arith.constant 96 : index
      %swap3A_361 = tpu.vector_load %arg17[%swap3A_360] {strides = array<i32>} : memref<128xi32, #tpu.memory_space<vmem>>, vector<16xi32>,
      tpu.vector_store %arg17[%swap3A_360], %add3A_359 {strides = array<i32>} : memref<128xi32, #tpu.memory_space<vmem>>, vector<16xi32>,
      %add3A_362 = arith.constant 112 : i32
      %add3A_363 = vector.broadcast %add3A_362 : i32 to vector<16xi32>
      %add3A_364 = arith.addi %iota3A, %add3A_363 : vector<16xi32>
      %get3A_365 = arith.constant 112 : index
      %get3A_366 = tpu.vector_load %arg16[%get3A_365] {strides = array<i32>} : memref<128xi32, #tpu.memory_space<vmem>>, vector<16xi32>,
      %lt3A_367 = arith.cmpi slt, %add3A_364, %broadcast_in_dim3A_270 : vector<16xi32>
      %select_n3A_368 = arith.select %lt3A_367, %get3A_366, %broadcast_in_dim3A_269 : vector<16xi1>, vector<16xi32>
      %mul3A_369 = arith.constant 4096 : i32
      %mul3A_370 = arith.muli %select_n3A, %mul3A_369 : i32
      %add3A_371 = vector.broadcast %mul3A_370 : i32 to vector<16xi32>
      %add3A_372 = arith.addi %select_n3A_368, %add3A_371 : vector<16xi32>
      %swap3A_373 = arith.constant 112 : index
      %swap3A_374 = tpu.vector_load %arg17[%swap3A_373] {strides = array<i32>} : memref<128xi32, #tpu.memory_space<vmem>>, vector<16xi32>,
      tpu.vector_store %arg17[%swap3A_373], %add3A_372 {strides = array<i32>} : memref<128xi32, #tpu.memory_space<vmem>>, vector<16xi32>,
      %gt3A_375 = arith.constant 0 : i32
      %gt3A_376 = arith.cmpi sgt, %scan3A_59, %gt3A_375 : i32
      %convert_element_type3A_377 = arith.extui %gt3A_376 : i1 to i32
      %cond3A_378 = arith.constant 0 : i32
      %cond3A_379 = arith.cmpi ne, %convert_element_type3A_377, %cond3A_378 : i32
      scf.if %cond3A_379 {
        %sub3A_398 = arith.constant 1 : i32
        %sub3A_399 = arith.subi %add3A_62, %sub3A_398 : i32
        %mul3A_400 = arith.constant 128 : i32
        %mul3A_401 = arith.muli %sub3A_399, %mul3A_400 : i32
        %dma_wait3A_402 = arith.constant 0 : i32
        %dma_wait3A_403 = arith.constant 0 : i32
        %dma_wait3A_404 = tpu.memref_slice %arg18[%dma_wait3A_402, %dma_wait3A_403] : memref<128x8xf32, #tpu.memory_space<vmem>> -> memref<128x8xf32, #tpu.memory_space<vmem>>
        %dma_wait3A_405 = arith.constant 0 : i32
        %dma_wait3A_406 = tpu.memref_slice %arg8[%mul3A_401, %dma_wait3A_405] : memref<524288x8xf32, #tpu.memory_space<hbm>> -> memref<128x8xf32, #tpu.memory_space<hbm>>
        %dma_wait3A_407 = arith.constant 0 : i32
        %dma_wait3A_408 = tpu.memref_slice %arg8[%mul3A_401, %dma_wait3A_407] : memref<524288x8xf32, #tpu.memory_space<hbm>> -> memref<128x8xf32, #tpu.memory_space<hbm>>
        %dma_wait3A_409 = arith.constant 0 : i32
        %dma_wait3A_410 = arith.constant 0 : i32
        %dma_wait3A_411 = tpu.memref_slice %arg18[%dma_wait3A_409, %dma_wait3A_410] : memref<128x8xf32, #tpu.memory_space<vmem>> -> memref<128x8xf32, #tpu.memory_space<vmem>>
        tpu.wait_dma2 semaphore(%arg22 : memref<!tpu.dma_semaphore, #tpu.memory_space<semaphore_mem>>) src(%dma_wait3A_411 : memref<128x8xf32, #tpu.memory_space<vmem>>) dst(%dma_wait3A_408 : memref<128x8xf32, #tpu.memory_space<hbm>>)
      } else {
      }
      %dma_start3A_380 = arith.constant 0 : i32
      %dma_start3A_381 = arith.constant 0 : i32
      %dma_start3A_382 = tpu.memref_slice %arg5[%dma_start3A_380, %dma_start3A_381] : memref<32768x8xf32, #tpu.memory_space<hbm>> -> memref<32768x8xf32, #tpu.memory_space<hbm>>
      tpu.enqueue_indirect_dma source(%dma_start3A_382 : memref<32768x8xf32, #tpu.memory_space<hbm>>) target(%arg18 : memref<128x8xf32, #tpu.memory_space<vmem>>) offsets(%arg17 : memref<128xi32, #tpu.memory_space<vmem>>) semaphore(%arg23 : memref<!tpu.dma_semaphore, #tpu.memory_space<semaphore_mem>>)
      %dma_wait3A_383 = arith.constant 0 : i32
      %dma_wait3A_384 = arith.constant 0 : i32
      %dma_wait3A_385 = tpu.memref_slice %arg5[%dma_wait3A_383, %dma_wait3A_384] : memref<32768x8xf32, #tpu.memory_space<hbm>> -> memref<32768x8xf32, #tpu.memory_space<hbm>>
      tpu.wait_indirect_dma semaphore(%arg23 : memref<!tpu.dma_semaphore, #tpu.memory_space<semaphore_mem>>) src(%dma_wait3A_385 : memref<32768x8xf32, #tpu.memory_space<hbm>>) dst(%arg18 : memref<128x8xf32, #tpu.memory_space<vmem>>)
      %mul3A_386 = arith.constant 128 : i32
      %mul3A_387 = arith.muli %add3A_62, %mul3A_386 : i32
      %dma_start3A_388 = arith.constant 0 : i32
      %dma_start3A_389 = arith.constant 0 : i32
      %dma_start3A_390 = tpu.memref_slice %arg18[%dma_start3A_388, %dma_start3A_389] : memref<128x8xf32, #tpu.memory_space<vmem>> -> memref<128x8xf32, #tpu.memory_space<vmem>>
      %dma_start3A_391 = arith.constant 0 : i32
      %dma_start3A_392 = tpu.memref_slice %arg8[%mul3A_387, %dma_start3A_391] : memref<524288x8xf32, #tpu.memory_space<hbm>> -> memref<128x8xf32, #tpu.memory_space<hbm>>
      %dma_start3A_393 = arith.constant 0 : i32
      %dma_start3A_394 = tpu.memref_slice %arg8[%mul3A_387, %dma_start3A_393] : memref<524288x8xf32, #tpu.memory_space<hbm>> -> memref<128x8xf32, #tpu.memory_space<hbm>>
      %dma_start3A_395 = arith.constant 0 : i32
      %dma_start3A_396 = arith.constant 0 : i32
      %dma_start3A_397 = tpu.memref_slice %arg18[%dma_start3A_395, %dma_start3A_396] : memref<128x8xf32, #tpu.memory_space<vmem>> -> memref<128x8xf32, #tpu.memory_space<vmem>>
      tpu.enqueue_dma source(%dma_start3A_397 : memref<128x8xf32, #tpu.memory_space<vmem>>) target(%dma_start3A_394 : memref<128x8xf32, #tpu.memory_space<hbm>>) target_semaphore(%arg22 : memref<!tpu.dma_semaphore, #tpu.memory_space<semaphore_mem>>)
    }
    %scan3A_18 = arith.constant 128 : i32
    %mul3A_19 = arith.constant 128 : i32
    %mul3A_20 = arith.muli %add3A, %mul3A_19 : i32
    %add3A_21 = arith.constant 128 : i32
    %add3A_22 = arith.addi %mul3A_20, %add3A_21 : i32
    %sub3A = arith.constant 1 : i32
    %sub3A_23 = arith.subi %add3A_22, %sub3A : i32
    %mul3A_24 = arith.constant 16 : i32
    %mul3A_25 = arith.muli %sub3A_23, %mul3A_24 : i32
    %dma_wait3A = arith.constant 0 : i32
    %dma_wait3A_26 = arith.constant 0 : i32
    %dma_wait3A_27 = tpu.memref_slice %arg12[%dma_wait3A, %dma_wait3A_26] : memref<16x8xf32, #tpu.memory_space<vmem>> -> memref<16x8xf32, #tpu.memory_space<vmem>>
    %dma_wait3A_28 = arith.constant 0 : i32
    %dma_wait3A_29 = tpu.memref_slice %arg6[%mul3A_25, %dma_wait3A_28] : memref<65536x8xf32, #tpu.memory_space<hbm>> -> memref<16x8xf32, #tpu.memory_space<hbm>>
    %dma_wait3A_30 = arith.constant 0 : i32
    %dma_wait3A_31 = tpu.memref_slice %arg6[%mul3A_25, %dma_wait3A_30] : memref<65536x8xf32, #tpu.memory_space<hbm>> -> memref<16x8xf32, #tpu.memory_space<hbm>>
    %dma_wait3A_32 = arith.constant 0 : i32
    %dma_wait3A_33 = arith.constant 0 : i32
    %dma_wait3A_34 = tpu.memref_slice %arg12[%dma_wait3A_32, %dma_wait3A_33] : memref<16x8xf32, #tpu.memory_space<vmem>> -> memref<16x8xf32, #tpu.memory_space<vmem>>
    tpu.wait_dma2 semaphore(%arg20 : memref<!tpu.dma_semaphore, #tpu.memory_space<semaphore_mem>>) src(%dma_wait3A_34 : memref<16x8xf32, #tpu.memory_space<vmem>>) dst(%dma_wait3A_31 : memref<16x8xf32, #tpu.memory_space<hbm>>)
    %mul3A_35 = arith.constant 32 : i32
    %mul3A_36 = arith.muli %sub3A_23, %mul3A_35 : i32
    %dma_wait3A_37 = arith.constant 0 : i32
    %dma_wait3A_38 = arith.constant 0 : i32
    %dma_wait3A_39 = tpu.memref_slice %arg15[%dma_wait3A_37, %dma_wait3A_38] : memref<32x8xf32, #tpu.memory_space<vmem>> -> memref<32x8xf32, #tpu.memory_space<vmem>>
    %dma_wait3A_40 = arith.constant 0 : i32
    %dma_wait3A_41 = tpu.memref_slice %arg7[%mul3A_36, %dma_wait3A_40] : memref<131072x8xf32, #tpu.memory_space<hbm>> -> memref<32x8xf32, #tpu.memory_space<hbm>>
    %dma_wait3A_42 = arith.constant 0 : i32
    %dma_wait3A_43 = tpu.memref_slice %arg7[%mul3A_36, %dma_wait3A_42] : memref<131072x8xf32, #tpu.memory_space<hbm>> -> memref<32x8xf32, #tpu.memory_space<hbm>>
    %dma_wait3A_44 = arith.constant 0 : i32
    %dma_wait3A_45 = arith.constant 0 : i32
    %dma_wait3A_46 = tpu.memref_slice %arg15[%dma_wait3A_44, %dma_wait3A_45] : memref<32x8xf32, #tpu.memory_space<vmem>> -> memref<32x8xf32, #tpu.memory_space<vmem>>
    tpu.wait_dma2 semaphore(%arg21 : memref<!tpu.dma_semaphore, #tpu.memory_space<semaphore_mem>>) src(%dma_wait3A_46 : memref<32x8xf32, #tpu.memory_space<vmem>>) dst(%dma_wait3A_43 : memref<32x8xf32, #tpu.memory_space<hbm>>)
    %mul3A_47 = arith.constant 128 : i32
    %mul3A_48 = arith.muli %sub3A_23, %mul3A_47 : i32
    %dma_wait3A_49 = arith.constant 0 : i32
    %dma_wait3A_50 = arith.constant 0 : i32
    %dma_wait3A_51 = tpu.memref_slice %arg18[%dma_wait3A_49, %dma_wait3A_50] : memref<128x8xf32, #tpu.memory_space<vmem>> -> memref<128x8xf32, #tpu.memory_space<vmem>>
    %dma_wait3A_52 = arith.constant 0 : i32
    %dma_wait3A_53 = tpu.memref_slice %arg8[%mul3A_48, %dma_wait3A_52] : memref<524288x8xf32, #tpu.memory_space<hbm>> -> memref<128x8xf32, #tpu.memory_space<hbm>>
    %dma_wait3A_54 = arith.constant 0 : i32
    %dma_wait3A_55 = tpu.memref_slice %arg8[%mul3A_48, %dma_wait3A_54] : memref<524288x8xf32, #tpu.memory_space<hbm>> -> memref<128x8xf32, #tpu.memory_space<hbm>>
    %dma_wait3A_56 = arith.constant 0 : i32
    %dma_wait3A_57 = arith.constant 0 : i32
    %dma_wait3A_58 = tpu.memref_slice %arg18[%dma_wait3A_56, %dma_wait3A_57] : memref<128x8xf32, #tpu.memory_space<vmem>> -> memref<128x8xf32, #tpu.memory_space<vmem>>
    tpu.wait_dma2 semaphore(%arg22 : memref<!tpu.dma_semaphore, #tpu.memory_space<semaphore_mem>>) src(%dma_wait3A_58 : memref<128x8xf32, #tpu.memory_space<vmem>>) dst(%dma_wait3A_55 : memref<128x8xf32, #tpu.memory_space<hbm>>)
    return
  }
}

module attributes {stable_mosaic.version = 14 : i64} {
  func.func @body(%arg0: i32, %arg1: i32, %arg2: memref<8x4096xf32, #tpu.memory_space<vmem>>, %arg3: memref<8x4096xf32, #tpu.memory_space<vmem>>, %arg4: memref<8x4096xf32, #tpu.memory_space<vmem>>, %arg5: memref<256x8xf32, #tpu.memory_space<vmem>>, %arg6: memref<256x8xf32, #tpu.memory_space<vmem>>, %arg7: memref<256x8xf32, #tpu.memory_space<vmem>>, %arg8: memref<256x4096xf32, #tpu.memory_space<vmem>>) attributes {dimension_semantics = [#tpu.dimension_semantics<arbitrary>, #tpu.dimension_semantics<arbitrary>], iteration_bounds = array<i64: 8, 2>, scalar_prefetch = 0 : i64, scratch_operands = 0 : i64, tpu.core_type = #tpu.core_type<tc>, window_params = [{pipeline_mode = #tpu.pipeline_mode<synchronous>, transform_indices = @transform_0, window_bounds = array<i64: 8, 4096>}, {pipeline_mode = #tpu.pipeline_mode<synchronous>, transform_indices = @transform_1, window_bounds = array<i64: 8, 4096>}, {pipeline_mode = #tpu.pipeline_mode<synchronous>, transform_indices = @transform_2, window_bounds = array<i64: 8, 4096>}, {transform_indices = @transform_3, window_bounds = array<i64: 256, 8>}, {transform_indices = @transform_4, window_bounds = array<i64: 256, 8>}, {transform_indices = @transform_5, window_bounds = array<i64: 256, 8>}, {transform_indices = @transform_6, window_bounds = array<i64: 256, 4096>}]} {
    %iota3A = tpu.iota {dimensions = array<i32: 0>} : vector<8x4096xi32>
    %iota3A_0 = tpu.iota {dimensions = array<i32: 1>} : vector<256x8xi32>
    %eq3A = vector.broadcast %arg0 : i32 to vector<256x8xi32>
    %eq3A_1 = arith.cmpi eq, %iota3A_0, %eq3A : vector<256x8xi32>
    %get3A = arith.constant 0 : index
    %get3A_2 = arith.constant 0 : index
    %get3A_3 = vector.load %arg5[%get3A, %get3A_2] : memref<256x8xf32, #tpu.memory_space<vmem>>, vector<256x8xf32>
    %jit3A = arith.constant 0.000000e+00 : f32
    %broadcast_in_dim3A = vector.broadcast %jit3A : f32 to vector<256x8xf32>
    %select_n3A = arith.select %eq3A_1, %get3A_3, %broadcast_in_dim3A : vector<256x8xi1>, vector<256x8xf32>
    %reduce_sum3A = arith.constant dense<0.000000e+00> : vector<256xf32>
    %reduce_sum3A_4 = vector.multi_reduction <add>, %select_n3A, %reduce_sum3A [1] : vector<256x8xf32> to vector<256xf32>
    %broadcast_in_dim3A_5 = vector.shape_cast %reduce_sum3A_4 : vector<256xf32> to vector<256x1xf32>
    %eq3A_6 = vector.broadcast %arg0 : i32 to vector<8x4096xi32>
    %eq3A_7 = arith.cmpi eq, %iota3A, %eq3A_6 : vector<8x4096xi32>
    %get3A_8 = arith.constant 0 : index
    %get3A_9 = arith.constant 0 : index
    %get3A_10 = vector.load %arg2[%get3A_8, %get3A_9] : memref<8x4096xf32, #tpu.memory_space<vmem>>, vector<8x4096xf32>
    %jit3A_11 = arith.constant 0.000000e+00 : f32
    %broadcast_in_dim3A_12 = vector.broadcast %jit3A_11 : f32 to vector<8x4096xf32>
    %select_n3A_13 = arith.select %eq3A_7, %get3A_10, %broadcast_in_dim3A_12 : vector<8x4096xi1>, vector<8x4096xf32>
    %reduce_sum3A_14 = arith.constant dense<0.000000e+00> : vector<4096xf32>
    %reduce_sum3A_15 = vector.multi_reduction <add>, %select_n3A_13, %reduce_sum3A_14 [0] : vector<8x4096xf32> to vector<4096xf32>
    %broadcast_in_dim3A_16 = vector.shape_cast %reduce_sum3A_15 : vector<4096xf32> to vector<1x4096xf32>
    %sub3A = vector.broadcast %broadcast_in_dim3A_5 : vector<256x1xf32> to vector<256x4096xf32>
    %sub3A_17 = vector.broadcast %broadcast_in_dim3A_16 : vector<1x4096xf32> to vector<256x4096xf32>
    %sub3A_18 = arith.subf %sub3A, %sub3A_17 : vector<256x4096xf32>
    %eq3A_19 = vector.broadcast %arg0 : i32 to vector<256x8xi32>
    %eq3A_20 = arith.cmpi eq, %iota3A_0, %eq3A_19 : vector<256x8xi32>
    %get3A_21 = arith.constant 0 : index
    %get3A_22 = arith.constant 0 : index
    %get3A_23 = vector.load %arg6[%get3A_21, %get3A_22] : memref<256x8xf32, #tpu.memory_space<vmem>>, vector<256x8xf32>
    %jit3A_24 = arith.constant 0.000000e+00 : f32
    %broadcast_in_dim3A_25 = vector.broadcast %jit3A_24 : f32 to vector<256x8xf32>
    %select_n3A_26 = arith.select %eq3A_20, %get3A_23, %broadcast_in_dim3A_25 : vector<256x8xi1>, vector<256x8xf32>
    %reduce_sum3A_27 = arith.constant dense<0.000000e+00> : vector<256xf32>
    %reduce_sum3A_28 = vector.multi_reduction <add>, %select_n3A_26, %reduce_sum3A_27 [1] : vector<256x8xf32> to vector<256xf32>
    %broadcast_in_dim3A_29 = vector.shape_cast %reduce_sum3A_28 : vector<256xf32> to vector<256x1xf32>
    %eq3A_30 = vector.broadcast %arg0 : i32 to vector<8x4096xi32>
    %eq3A_31 = arith.cmpi eq, %iota3A, %eq3A_30 : vector<8x4096xi32>
    %get3A_32 = arith.constant 0 : index
    %get3A_33 = arith.constant 0 : index
    %get3A_34 = vector.load %arg3[%get3A_32, %get3A_33] : memref<8x4096xf32, #tpu.memory_space<vmem>>, vector<8x4096xf32>
    %jit3A_35 = arith.constant 0.000000e+00 : f32
    %broadcast_in_dim3A_36 = vector.broadcast %jit3A_35 : f32 to vector<8x4096xf32>
    %select_n3A_37 = arith.select %eq3A_31, %get3A_34, %broadcast_in_dim3A_36 : vector<8x4096xi1>, vector<8x4096xf32>
    %reduce_sum3A_38 = arith.constant dense<0.000000e+00> : vector<4096xf32>
    %reduce_sum3A_39 = vector.multi_reduction <add>, %select_n3A_37, %reduce_sum3A_38 [0] : vector<8x4096xf32> to vector<4096xf32>
    %broadcast_in_dim3A_40 = vector.shape_cast %reduce_sum3A_39 : vector<4096xf32> to vector<1x4096xf32>
    %sub3A_41 = vector.broadcast %broadcast_in_dim3A_29 : vector<256x1xf32> to vector<256x4096xf32>
    %sub3A_42 = vector.broadcast %broadcast_in_dim3A_40 : vector<1x4096xf32> to vector<256x4096xf32>
    %sub3A_43 = arith.subf %sub3A_41, %sub3A_42 : vector<256x4096xf32>
    %eq3A_44 = vector.broadcast %arg0 : i32 to vector<256x8xi32>
    %eq3A_45 = arith.cmpi eq, %iota3A_0, %eq3A_44 : vector<256x8xi32>
    %get3A_46 = arith.constant 0 : index
    %get3A_47 = arith.constant 0 : index
    %get3A_48 = vector.load %arg7[%get3A_46, %get3A_47] : memref<256x8xf32, #tpu.memory_space<vmem>>, vector<256x8xf32>
    %jit3A_49 = arith.constant 0.000000e+00 : f32
    %broadcast_in_dim3A_50 = vector.broadcast %jit3A_49 : f32 to vector<256x8xf32>
    %select_n3A_51 = arith.select %eq3A_45, %get3A_48, %broadcast_in_dim3A_50 : vector<256x8xi1>, vector<256x8xf32>
    %reduce_sum3A_52 = arith.constant dense<0.000000e+00> : vector<256xf32>
    %reduce_sum3A_53 = vector.multi_reduction <add>, %select_n3A_51, %reduce_sum3A_52 [1] : vector<256x8xf32> to vector<256xf32>
    %broadcast_in_dim3A_54 = vector.shape_cast %reduce_sum3A_53 : vector<256xf32> to vector<256x1xf32>
    %eq3A_55 = vector.broadcast %arg0 : i32 to vector<8x4096xi32>
    %eq3A_56 = arith.cmpi eq, %iota3A, %eq3A_55 : vector<8x4096xi32>
    %get3A_57 = arith.constant 0 : index
    %get3A_58 = arith.constant 0 : index
    %get3A_59 = vector.load %arg4[%get3A_57, %get3A_58] : memref<8x4096xf32, #tpu.memory_space<vmem>>, vector<8x4096xf32>
    %jit3A_60 = arith.constant 0.000000e+00 : f32
    %broadcast_in_dim3A_61 = vector.broadcast %jit3A_60 : f32 to vector<8x4096xf32>
    %select_n3A_62 = arith.select %eq3A_56, %get3A_59, %broadcast_in_dim3A_61 : vector<8x4096xi1>, vector<8x4096xf32>
    %reduce_sum3A_63 = arith.constant dense<0.000000e+00> : vector<4096xf32>
    %reduce_sum3A_64 = vector.multi_reduction <add>, %select_n3A_62, %reduce_sum3A_63 [0] : vector<8x4096xf32> to vector<4096xf32>
    %broadcast_in_dim3A_65 = vector.shape_cast %reduce_sum3A_64 : vector<4096xf32> to vector<1x4096xf32>
    %sub3A_66 = vector.broadcast %broadcast_in_dim3A_54 : vector<256x1xf32> to vector<256x4096xf32>
    %sub3A_67 = vector.broadcast %broadcast_in_dim3A_65 : vector<1x4096xf32> to vector<256x4096xf32>
    %sub3A_68 = arith.subf %sub3A_66, %sub3A_67 : vector<256x4096xf32>
    %mul3A = arith.mulf %sub3A_18, %sub3A_18 : vector<256x4096xf32>
    %mul3A_69 = arith.mulf %sub3A_43, %sub3A_43 : vector<256x4096xf32>
    %add3A = arith.addf %mul3A, %mul3A_69 : vector<256x4096xf32>
    %mul3A_70 = arith.mulf %sub3A_68, %sub3A_68 : vector<256x4096xf32>
    %add3A_71 = arith.addf %add3A, %mul3A_70 : vector<256x4096xf32>
    %swap3A = arith.constant 0 : index
    %swap3A_72 = arith.constant 0 : index
    %swap3A_73 = vector.load %arg8[%swap3A, %swap3A_72] : memref<256x4096xf32, #tpu.memory_space<vmem>>, vector<256x4096xf32>
    tpu.vector_store %arg8[%swap3A, %swap3A_72], %add3A_71 {strides = array<i32>} : memref<256x4096xf32, #tpu.memory_space<vmem>>, vector<256x4096xf32>,
    return
  }
  func.func @transform_0(%arg0: i32, %arg1: i32) -> (i32, i32) {
    %c0_i32 = arith.constant 0 : i32
    %c0_i32_0 = arith.constant 0 : i32
    %c0_i32_1 = arith.constant 0 : i32
    return %c0_i32, %c0_i32_0 : i32, i32
  }
  func.func @transform_1(%arg0: i32, %arg1: i32) -> (i32, i32) {
    %c0_i32 = arith.constant 0 : i32
    %c0_i32_0 = arith.constant 0 : i32
    %c0_i32_1 = arith.constant 0 : i32
    return %c0_i32, %c0_i32_0 : i32, i32
  }
  func.func @transform_2(%arg0: i32, %arg1: i32) -> (i32, i32) {
    %c0_i32 = arith.constant 0 : i32
    %c0_i32_0 = arith.constant 0 : i32
    %c0_i32_1 = arith.constant 0 : i32
    return %c0_i32, %c0_i32_0 : i32, i32
  }
  func.func @transform_3(%arg0: i32, %arg1: i32) -> (i32, i32) {
    %c0_i32 = arith.constant 0 : i32
    %c0_i32_0 = arith.constant 0 : i32
    return %arg1, %c0_i32 : i32, i32
  }
  func.func @transform_4(%arg0: i32, %arg1: i32) -> (i32, i32) {
    %c0_i32 = arith.constant 0 : i32
    %c0_i32_0 = arith.constant 0 : i32
    return %arg1, %c0_i32 : i32, i32
  }
  func.func @transform_5(%arg0: i32, %arg1: i32) -> (i32, i32) {
    %c0_i32 = arith.constant 0 : i32
    %c0_i32_0 = arith.constant 0 : i32
    return %arg1, %c0_i32 : i32, i32
  }
  func.func @transform_6(%arg0: i32, %arg1: i32) -> (i32, i32) {
    %mul3A = arith.constant 2 : i32
    %mul3A_0 = arith.muli %arg0, %mul3A : i32
    %add3A = arith.addi %mul3A_0, %arg1 : i32
    %c0_i32 = arith.constant 0 : i32
    %c0_i32_1 = arith.constant 0 : i32
    return %add3A, %c0_i32 : i32, i32
  }
}

module attributes {stable_mosaic.version = 14 : i64} {
  func.func @body(%arg0: memref<8x4096xf32, #tpu.memory_space<vmem>>, %arg1: memref<8x4096xf32, #tpu.memory_space<vmem>>, %arg2: memref<8x4096xf32, #tpu.memory_space<vmem>>, %arg3: memref<512x8xf32, #tpu.memory_space<vmem>>, %arg4: memref<512x8xf32, #tpu.memory_space<vmem>>, %arg5: memref<512x8xf32, #tpu.memory_space<vmem>>) attributes {dimension_semantics = [], scalar_prefetch = 0 : i64, scratch_operands = 0 : i64, tpu.core_type = #tpu.core_type<tc>} {
    %get3A = arith.constant 0 : index
    %get3A_0 = arith.constant 0 : index
    %get3A_1 = vector.load %arg0[%get3A, %get3A_0] : memref<8x4096xf32, #tpu.memory_space<vmem>>, vector<8x4096xf32>
    %get3A_2 = arith.constant 0 : index
    %get3A_3 = arith.constant 0 : index
    %get3A_4 = vector.load %arg1[%get3A_2, %get3A_3] : memref<8x4096xf32, #tpu.memory_space<vmem>>, vector<8x4096xf32>
    %get3A_5 = arith.constant 0 : index
    %get3A_6 = arith.constant 0 : index
    %get3A_7 = vector.load %arg2[%get3A_5, %get3A_6] : memref<8x4096xf32, #tpu.memory_space<vmem>>, vector<8x4096xf32>
    %iota3A = tpu.iota {dimensions = array<i32: 1>} : vector<8x4096xi32>
    %iota3A_8 = tpu.iota {dimensions = array<i32: 0>} : vector<8x8xi32>
    %iota3A_9 = tpu.iota {dimensions = array<i32: 1>} : vector<8x8xi32>
    %add3A = arith.constant 0 : i32
    %add3A_10 = vector.broadcast %add3A : i32 to vector<8x8xi32>
    %add3A_11 = arith.addi %iota3A_8, %add3A_10 : vector<8x8xi32>
    %eq3A = arith.cmpi eq, %add3A_11, %iota3A_9 : vector<8x8xi32>
    %convert_element_type3A = arith.extui %eq3A : vector<8x8xi1> to vector<8x8xi32>
    %convert_element_type3A_12 = arith.sitofp %convert_element_type3A : vector<8x8xi32> to vector<8x8xf32>
    %broadcast_in_dim3A = arith.constant 1.000000e+00 : f32
    %broadcast_in_dim3A_13 = vector.broadcast %broadcast_in_dim3A : f32 to vector<1x8xf32>
    %iota3A_14 = tpu.iota {dimensions = array<i32: 0>} : vector<8x8xi32>
    %broadcast_in_dim3A_15 = arith.constant 1.000000e+10 : f32
    %broadcast_in_dim3A_16 = vector.broadcast %broadcast_in_dim3A_15 : f32 to vector<8x4096xf32>
    %broadcast_in_dim3A_17 = arith.constant 0 : i32
    %broadcast_in_dim3A_18 = vector.broadcast %broadcast_in_dim3A_17 : i32 to vector<8x1xi32>
    %broadcast_in_dim3A_19 = arith.constant 0.000000e+00 : f32
    %broadcast_in_dim3A_20 = vector.broadcast %broadcast_in_dim3A_19 : f32 to vector<8x8xf32>
    %scan3A = arith.constant 0 : i32
    %scan3A_21 = arith.constant 512 : i32
    %scan3A_22 = arith.addi %scan3A, %scan3A_21 : i32
    %scan3A_23 = arith.constant 1 : i32
    %scan3A_24:5 = scf.for %scan3A_26 = %scan3A to %scan3A_22 step %scan3A_23 iter_args(%scan3A_27 = %broadcast_in_dim3A_16, %scan3A_28 = %broadcast_in_dim3A_18, %scan3A_29 = %broadcast_in_dim3A_20, %scan3A_30 = %broadcast_in_dim3A_20, %scan3A_31 = %broadcast_in_dim3A_20) -> (vector<8x4096xf32>, vector<8x1xi32>, vector<8x8xf32>, vector<8x8xf32>, vector<8x8xf32>)  : i32 {
      %eq3A_32 = vector.broadcast %scan3A_28 : vector<8x1xi32> to vector<8x4096xi32>
      %eq3A_33 = arith.cmpi eq, %iota3A, %eq3A_32 : vector<8x4096xi32>
      %convert_element_type3A_34 = arith.extui %eq3A_33 : vector<8x4096xi1> to vector<8x4096xi32>
      %convert_element_type3A_35 = arith.sitofp %convert_element_type3A_34 : vector<8x4096xi32> to vector<8x4096xf32>
      %mul3A = arith.mulf %get3A_1, %convert_element_type3A_35 : vector<8x4096xf32>
      %reduce_sum3A = arith.constant dense<0.000000e+00> : vector<8xf32>
      %reduce_sum3A_36 = vector.multi_reduction <add>, %mul3A, %reduce_sum3A [1] : vector<8x4096xf32> to vector<8xf32>
      %broadcast_in_dim3A_37 = vector.shape_cast %reduce_sum3A_36 : vector<8xf32> to vector<8x1xf32>
      %mul3A_38 = arith.mulf %get3A_4, %convert_element_type3A_35 : vector<8x4096xf32>
      %reduce_sum3A_39 = arith.constant dense<0.000000e+00> : vector<8xf32>
      %reduce_sum3A_40 = vector.multi_reduction <add>, %mul3A_38, %reduce_sum3A_39 [1] : vector<8x4096xf32> to vector<8xf32>
      %broadcast_in_dim3A_41 = vector.shape_cast %reduce_sum3A_40 : vector<8xf32> to vector<8x1xf32>
      %mul3A_42 = arith.mulf %get3A_7, %convert_element_type3A_35 : vector<8x4096xf32>
      %reduce_sum3A_43 = arith.constant dense<0.000000e+00> : vector<8xf32>
      %reduce_sum3A_44 = vector.multi_reduction <add>, %mul3A_42, %reduce_sum3A_43 [1] : vector<8x4096xf32> to vector<8xf32>
      %broadcast_in_dim3A_45 = vector.shape_cast %reduce_sum3A_44 : vector<8xf32> to vector<8x1xf32>
      %jit3A = arith.constant 8 : i32
      %eq3A_46 = arith.constant 0 : i32
      %eq3A_47 = arith.cmpi eq, %jit3A, %eq3A_46 : i32
      %jit3A_48 = arith.constant 1 : i32
      %select_n3A = arith.select %eq3A_47, %jit3A_48, %jit3A : i32
      %rem3A = arith.remsi %scan3A_26, %select_n3A : i32
      %ne3A = arith.constant 0 : i32
      %ne3A_49 = arith.cmpi ne, %rem3A, %ne3A : i32
      %lt3A = arith.constant 0 : i32
      %lt3A_50 = arith.cmpi slt, %rem3A, %lt3A : i32
      %lt3A_51 = arith.constant 0 : i32
      %lt3A_52 = arith.cmpi slt, %select_n3A, %lt3A_51 : i32
      %ne3A_53 = arith.xori %lt3A_50, %lt3A_52 : i1
      %and3A = arith.andi %ne3A_53, %ne3A_49 : i1
      %add3A_54 = arith.addi %rem3A, %select_n3A : i32
      %select_n3A_55 = arith.select %and3A, %add3A_54, %rem3A : i32
      %eq3A_56 = vector.broadcast %select_n3A_55 : i32 to vector<8x8xi32>
      %eq3A_57 = arith.cmpi eq, %iota3A_14, %eq3A_56 : vector<8x8xi32>
      %mul3A_58 = vector.broadcast %broadcast_in_dim3A_37 : vector<8x1xf32> to vector<8x8xf32>
      %mul3A_59 = arith.mulf %convert_element_type3A_12, %mul3A_58 : vector<8x8xf32>
      %dot_general3A = arith.constant dense<0.000000e+00> : vector<1x8xf32>
      %dot_general3A_60 = tpu.matmul %broadcast_in_dim3A_13, %mul3A_59, %dot_general3A {dimension_numbers = #tpu.dot_dimension_numbers<[1], [0], [0], [1], [0, 0, 1, 1], [], []>, precision = #tpu.contract_precision<fp32>, transpose_lhs_hint = false} : vector<1x8xf32>, vector<8x8xf32>, vector<1x8xf32> -> vector<1x8xf32>
      %broadcast_in_dim3A_61 = vector.shape_cast %dot_general3A_60 : vector<1x8xf32> to vector<1x8xf32>
      %broadcast_in_dim3A_62 = vector.broadcast %broadcast_in_dim3A_61 : vector<1x8xf32> to vector<8x8xf32>
      %select_n3A_63 = arith.select %eq3A_57, %broadcast_in_dim3A_62, %scan3A_29 : vector<8x8xi1>, vector<8x8xf32>
      %mul3A_64 = vector.broadcast %broadcast_in_dim3A_41 : vector<8x1xf32> to vector<8x8xf32>
      %mul3A_65 = arith.mulf %convert_element_type3A_12, %mul3A_64 : vector<8x8xf32>
      %dot_general3A_66 = arith.constant dense<0.000000e+00> : vector<1x8xf32>
      %dot_general3A_67 = tpu.matmul %broadcast_in_dim3A_13, %mul3A_65, %dot_general3A_66 {dimension_numbers = #tpu.dot_dimension_numbers<[1], [0], [0], [1], [0, 0, 1, 1], [], []>, precision = #tpu.contract_precision<fp32>, transpose_lhs_hint = false} : vector<1x8xf32>, vector<8x8xf32>, vector<1x8xf32> -> vector<1x8xf32>
      %broadcast_in_dim3A_68 = vector.shape_cast %dot_general3A_67 : vector<1x8xf32> to vector<1x8xf32>
      %broadcast_in_dim3A_69 = vector.broadcast %broadcast_in_dim3A_68 : vector<1x8xf32> to vector<8x8xf32>
      %select_n3A_70 = arith.select %eq3A_57, %broadcast_in_dim3A_69, %scan3A_30 : vector<8x8xi1>, vector<8x8xf32>
      %mul3A_71 = vector.broadcast %broadcast_in_dim3A_45 : vector<8x1xf32> to vector<8x8xf32>
      %mul3A_72 = arith.mulf %convert_element_type3A_12, %mul3A_71 : vector<8x8xf32>
      %dot_general3A_73 = arith.constant dense<0.000000e+00> : vector<1x8xf32>
      %dot_general3A_74 = tpu.matmul %broadcast_in_dim3A_13, %mul3A_72, %dot_general3A_73 {dimension_numbers = #tpu.dot_dimension_numbers<[1], [0], [0], [1], [0, 0, 1, 1], [], []>, precision = #tpu.contract_precision<fp32>, transpose_lhs_hint = false} : vector<1x8xf32>, vector<8x8xf32>, vector<1x8xf32> -> vector<1x8xf32>
      %broadcast_in_dim3A_75 = vector.shape_cast %dot_general3A_74 : vector<1x8xf32> to vector<1x8xf32>
      %broadcast_in_dim3A_76 = vector.broadcast %broadcast_in_dim3A_75 : vector<1x8xf32> to vector<8x8xf32>
      %select_n3A_77 = arith.select %eq3A_57, %broadcast_in_dim3A_76, %scan3A_31 : vector<8x8xi1>, vector<8x8xf32>
      %eq3A_78 = arith.constant 7 : i32
      %eq3A_79 = arith.cmpi eq, %select_n3A_55, %eq3A_78 : i32
      %convert_element_type3A_80 = arith.extui %eq3A_79 : i1 to i32
      %cond3A = arith.constant 0 : i32
      %cond3A_81 = arith.cmpi ne, %convert_element_type3A_80, %cond3A : i32
      scf.if %cond3A_81 {
        %jit3A_101 = arith.constant 8 : i32
        %div3A = arith.divsi %scan3A_26, %jit3A_101 : i32
        %sign3A = arith.constant 0 : i32
        %sign3A_102 = arith.cmpi sgt, %scan3A_26, %sign3A : i32
        %sign3A_103 = arith.extui %sign3A_102 : i1 to i32
        %sign3A_104 = arith.constant 0 : i32
        %sign3A_105 = arith.cmpi slt, %scan3A_26, %sign3A_104 : i32
        %sign3A_106 = arith.extui %sign3A_105 : i1 to i32
        %sign3A_107 = arith.subi %sign3A_103, %sign3A_106 : i32
        %sign3A_108 = arith.constant 0 : i32
        %sign3A_109 = arith.cmpi sgt, %jit3A_101, %sign3A_108 : i32
        %sign3A_110 = arith.extui %sign3A_109 : i1 to i32
        %sign3A_111 = arith.constant 0 : i32
        %sign3A_112 = arith.cmpi slt, %jit3A_101, %sign3A_111 : i32
        %sign3A_113 = arith.extui %sign3A_112 : i1 to i32
        %sign3A_114 = arith.subi %sign3A_110, %sign3A_113 : i32
        %ne3A_115 = arith.cmpi ne, %sign3A_107, %sign3A_114 : i32
        %rem3A_116 = arith.remsi %scan3A_26, %jit3A_101 : i32
        %ne3A_117 = arith.constant 0 : i32
        %ne3A_118 = arith.cmpi ne, %rem3A_116, %ne3A_117 : i32
        %and3A_119 = arith.andi %ne3A_115, %ne3A_118 : i1
        %sub3A_120 = arith.constant 1 : i32
        %sub3A_121 = arith.subi %div3A, %sub3A_120 : i32
        %select_n3A_122 = arith.select %and3A_119, %sub3A_121, %div3A : i32
        %mul3A_123 = arith.constant 8 : i32
        %mul3A_124 = arith.muli %select_n3A_122, %mul3A_123 : i32
        %swap3A = arith.index_cast %mul3A_124 : i32 to index
        %swap3A_125 = arith.constant 0 : index
        %swap3A_126 = vector.load %arg3[%swap3A, %swap3A_125] : memref<512x8xf32, #tpu.memory_space<vmem>>, vector<8x8xf32>
        tpu.vector_store %arg3[%swap3A, %swap3A_125], %select_n3A_63 {strides = array<i32>} : memref<512x8xf32, #tpu.memory_space<vmem>>, vector<8x8xf32>,
        %swap3A_127 = arith.index_cast %mul3A_124 : i32 to index
        %swap3A_128 = arith.constant 0 : index
        %swap3A_129 = vector.load %arg4[%swap3A_127, %swap3A_128] : memref<512x8xf32, #tpu.memory_space<vmem>>, vector<8x8xf32>
        tpu.vector_store %arg4[%swap3A_127, %swap3A_128], %select_n3A_70 {strides = array<i32>} : memref<512x8xf32, #tpu.memory_space<vmem>>, vector<8x8xf32>,
        %swap3A_130 = arith.index_cast %mul3A_124 : i32 to index
        %swap3A_131 = arith.constant 0 : index
        %swap3A_132 = vector.load %arg5[%swap3A_130, %swap3A_131] : memref<512x8xf32, #tpu.memory_space<vmem>>, vector<8x8xf32>
        tpu.vector_store %arg5[%swap3A_130, %swap3A_131], %select_n3A_77 {strides = array<i32>} : memref<512x8xf32, #tpu.memory_space<vmem>>, vector<8x8xf32>,
      } else {
      }
      %sub3A = vector.broadcast %broadcast_in_dim3A_37 : vector<8x1xf32> to vector<8x4096xf32>
      %sub3A_82 = arith.subf %get3A_1, %sub3A : vector<8x4096xf32>
      %sub3A_83 = vector.broadcast %broadcast_in_dim3A_41 : vector<8x1xf32> to vector<8x4096xf32>
      %sub3A_84 = arith.subf %get3A_4, %sub3A_83 : vector<8x4096xf32>
      %sub3A_85 = vector.broadcast %broadcast_in_dim3A_45 : vector<8x1xf32> to vector<8x4096xf32>
      %sub3A_86 = arith.subf %get3A_7, %sub3A_85 : vector<8x4096xf32>
      %mul3A_87 = arith.mulf %sub3A_82, %sub3A_82 : vector<8x4096xf32>
      %mul3A_88 = arith.mulf %sub3A_84, %sub3A_84 : vector<8x4096xf32>
      %add3A_89 = arith.addf %mul3A_87, %mul3A_88 : vector<8x4096xf32>
      %mul3A_90 = arith.mulf %sub3A_86, %sub3A_86 : vector<8x4096xf32>
      %add3A_91 = arith.addf %add3A_89, %mul3A_90 : vector<8x4096xf32>
      %min3A = arith.minimumf %scan3A_27, %add3A_91 : vector<8x4096xf32>
      %reduce_max3A = arith.constant dense<0xFF800000> : vector<8xf32>
      %reduce_max3A_92 = vector.multi_reduction <maximumf>, %min3A, %reduce_max3A [1] : vector<8x4096xf32> to vector<8xf32>
      %broadcast_in_dim3A_93 = vector.shape_cast %reduce_max3A_92 : vector<8xf32> to vector<8x1xf32>
      %eq3A_94 = vector.broadcast %broadcast_in_dim3A_93 : vector<8x1xf32> to vector<8x4096xf32>
      %eq3A_95 = arith.cmpf oeq, %min3A, %eq3A_94 : vector<8x4096xf32>
      %jit3A_96 = arith.constant 4096 : i32
      %broadcast_in_dim3A_97 = vector.broadcast %jit3A_96 : i32 to vector<8x4096xi32>
      %select_n3A_98 = arith.select %eq3A_95, %iota3A, %broadcast_in_dim3A_97 : vector<8x4096xi1>, vector<8x4096xi32>
      %reduce_min3A = arith.constant dense<2147483647> : vector<8xi32>
      %reduce_min3A_99 = vector.multi_reduction <minsi>, %select_n3A_98, %reduce_min3A [1] : vector<8x4096xi32> to vector<8xi32>
      %broadcast_in_dim3A_100 = vector.shape_cast %reduce_min3A_99 : vector<8xi32> to vector<8x1xi32>
      scf.yield %min3A, %broadcast_in_dim3A_100, %select_n3A_63, %select_n3A_70, %select_n3A_77 : vector<8x4096xf32>, vector<8x1xi32>, vector<8x8xf32>, vector<8x8xf32>, vector<8x8xf32>
    }
    %scan3A_25 = arith.constant 512 : i32
    return
  }
}

module attributes {stable_mosaic.version = 14 : i64} {
  func.func @body(%arg0: i32, %arg1: i32, %arg2: memref<8x512xf32, #tpu.memory_space<vmem>>, %arg3: memref<8x512xf32, #tpu.memory_space<vmem>>, %arg4: memref<8x512xf32, #tpu.memory_space<vmem>>, %arg5: memref<128x8xf32, #tpu.memory_space<vmem>>, %arg6: memref<128x8xf32, #tpu.memory_space<vmem>>, %arg7: memref<128x8xf32, #tpu.memory_space<vmem>>, %arg8: memref<128x512xf32, #tpu.memory_space<vmem>>) attributes {dimension_semantics = [#tpu.dimension_semantics<arbitrary>, #tpu.dimension_semantics<arbitrary>], iteration_bounds = array<i64: 8, 1>, scalar_prefetch = 0 : i64, scratch_operands = 0 : i64, tpu.core_type = #tpu.core_type<tc>, window_params = [{pipeline_mode = #tpu.pipeline_mode<synchronous>, transform_indices = @transform_0, window_bounds = array<i64: 8, 512>}, {pipeline_mode = #tpu.pipeline_mode<synchronous>, transform_indices = @transform_1, window_bounds = array<i64: 8, 512>}, {pipeline_mode = #tpu.pipeline_mode<synchronous>, transform_indices = @transform_2, window_bounds = array<i64: 8, 512>}, {transform_indices = @transform_3, window_bounds = array<i64: 128, 8>}, {transform_indices = @transform_4, window_bounds = array<i64: 128, 8>}, {transform_indices = @transform_5, window_bounds = array<i64: 128, 8>}, {transform_indices = @transform_6, window_bounds = array<i64: 128, 512>}]} {
    %iota3A = tpu.iota {dimensions = array<i32: 0>} : vector<8x512xi32>
    %iota3A_0 = tpu.iota {dimensions = array<i32: 1>} : vector<128x8xi32>
    %eq3A = vector.broadcast %arg0 : i32 to vector<128x8xi32>
    %eq3A_1 = arith.cmpi eq, %iota3A_0, %eq3A : vector<128x8xi32>
    %get3A = arith.constant 0 : index
    %get3A_2 = arith.constant 0 : index
    %get3A_3 = vector.load %arg5[%get3A, %get3A_2] : memref<128x8xf32, #tpu.memory_space<vmem>>, vector<128x8xf32>
    %jit3A = arith.constant 0.000000e+00 : f32
    %broadcast_in_dim3A = vector.broadcast %jit3A : f32 to vector<128x8xf32>
    %select_n3A = arith.select %eq3A_1, %get3A_3, %broadcast_in_dim3A : vector<128x8xi1>, vector<128x8xf32>
    %reduce_sum3A = arith.constant dense<0.000000e+00> : vector<128xf32>
    %reduce_sum3A_4 = vector.multi_reduction <add>, %select_n3A, %reduce_sum3A [1] : vector<128x8xf32> to vector<128xf32>
    %broadcast_in_dim3A_5 = vector.shape_cast %reduce_sum3A_4 : vector<128xf32> to vector<128x1xf32>
    %eq3A_6 = vector.broadcast %arg0 : i32 to vector<8x512xi32>
    %eq3A_7 = arith.cmpi eq, %iota3A, %eq3A_6 : vector<8x512xi32>
    %get3A_8 = arith.constant 0 : index
    %get3A_9 = arith.constant 0 : index
    %get3A_10 = vector.load %arg2[%get3A_8, %get3A_9] : memref<8x512xf32, #tpu.memory_space<vmem>>, vector<8x512xf32>
    %jit3A_11 = arith.constant 0.000000e+00 : f32
    %broadcast_in_dim3A_12 = vector.broadcast %jit3A_11 : f32 to vector<8x512xf32>
    %select_n3A_13 = arith.select %eq3A_7, %get3A_10, %broadcast_in_dim3A_12 : vector<8x512xi1>, vector<8x512xf32>
    %reduce_sum3A_14 = arith.constant dense<0.000000e+00> : vector<512xf32>
    %reduce_sum3A_15 = vector.multi_reduction <add>, %select_n3A_13, %reduce_sum3A_14 [0] : vector<8x512xf32> to vector<512xf32>
    %broadcast_in_dim3A_16 = vector.shape_cast %reduce_sum3A_15 : vector<512xf32> to vector<1x512xf32>
    %sub3A = vector.broadcast %broadcast_in_dim3A_5 : vector<128x1xf32> to vector<128x512xf32>
    %sub3A_17 = vector.broadcast %broadcast_in_dim3A_16 : vector<1x512xf32> to vector<128x512xf32>
    %sub3A_18 = arith.subf %sub3A, %sub3A_17 : vector<128x512xf32>
    %eq3A_19 = vector.broadcast %arg0 : i32 to vector<128x8xi32>
    %eq3A_20 = arith.cmpi eq, %iota3A_0, %eq3A_19 : vector<128x8xi32>
    %get3A_21 = arith.constant 0 : index
    %get3A_22 = arith.constant 0 : index
    %get3A_23 = vector.load %arg6[%get3A_21, %get3A_22] : memref<128x8xf32, #tpu.memory_space<vmem>>, vector<128x8xf32>
    %jit3A_24 = arith.constant 0.000000e+00 : f32
    %broadcast_in_dim3A_25 = vector.broadcast %jit3A_24 : f32 to vector<128x8xf32>
    %select_n3A_26 = arith.select %eq3A_20, %get3A_23, %broadcast_in_dim3A_25 : vector<128x8xi1>, vector<128x8xf32>
    %reduce_sum3A_27 = arith.constant dense<0.000000e+00> : vector<128xf32>
    %reduce_sum3A_28 = vector.multi_reduction <add>, %select_n3A_26, %reduce_sum3A_27 [1] : vector<128x8xf32> to vector<128xf32>
    %broadcast_in_dim3A_29 = vector.shape_cast %reduce_sum3A_28 : vector<128xf32> to vector<128x1xf32>
    %eq3A_30 = vector.broadcast %arg0 : i32 to vector<8x512xi32>
    %eq3A_31 = arith.cmpi eq, %iota3A, %eq3A_30 : vector<8x512xi32>
    %get3A_32 = arith.constant 0 : index
    %get3A_33 = arith.constant 0 : index
    %get3A_34 = vector.load %arg3[%get3A_32, %get3A_33] : memref<8x512xf32, #tpu.memory_space<vmem>>, vector<8x512xf32>
    %jit3A_35 = arith.constant 0.000000e+00 : f32
    %broadcast_in_dim3A_36 = vector.broadcast %jit3A_35 : f32 to vector<8x512xf32>
    %select_n3A_37 = arith.select %eq3A_31, %get3A_34, %broadcast_in_dim3A_36 : vector<8x512xi1>, vector<8x512xf32>
    %reduce_sum3A_38 = arith.constant dense<0.000000e+00> : vector<512xf32>
    %reduce_sum3A_39 = vector.multi_reduction <add>, %select_n3A_37, %reduce_sum3A_38 [0] : vector<8x512xf32> to vector<512xf32>
    %broadcast_in_dim3A_40 = vector.shape_cast %reduce_sum3A_39 : vector<512xf32> to vector<1x512xf32>
    %sub3A_41 = vector.broadcast %broadcast_in_dim3A_29 : vector<128x1xf32> to vector<128x512xf32>
    %sub3A_42 = vector.broadcast %broadcast_in_dim3A_40 : vector<1x512xf32> to vector<128x512xf32>
    %sub3A_43 = arith.subf %sub3A_41, %sub3A_42 : vector<128x512xf32>
    %eq3A_44 = vector.broadcast %arg0 : i32 to vector<128x8xi32>
    %eq3A_45 = arith.cmpi eq, %iota3A_0, %eq3A_44 : vector<128x8xi32>
    %get3A_46 = arith.constant 0 : index
    %get3A_47 = arith.constant 0 : index
    %get3A_48 = vector.load %arg7[%get3A_46, %get3A_47] : memref<128x8xf32, #tpu.memory_space<vmem>>, vector<128x8xf32>
    %jit3A_49 = arith.constant 0.000000e+00 : f32
    %broadcast_in_dim3A_50 = vector.broadcast %jit3A_49 : f32 to vector<128x8xf32>
    %select_n3A_51 = arith.select %eq3A_45, %get3A_48, %broadcast_in_dim3A_50 : vector<128x8xi1>, vector<128x8xf32>
    %reduce_sum3A_52 = arith.constant dense<0.000000e+00> : vector<128xf32>
    %reduce_sum3A_53 = vector.multi_reduction <add>, %select_n3A_51, %reduce_sum3A_52 [1] : vector<128x8xf32> to vector<128xf32>
    %broadcast_in_dim3A_54 = vector.shape_cast %reduce_sum3A_53 : vector<128xf32> to vector<128x1xf32>
    %eq3A_55 = vector.broadcast %arg0 : i32 to vector<8x512xi32>
    %eq3A_56 = arith.cmpi eq, %iota3A, %eq3A_55 : vector<8x512xi32>
    %get3A_57 = arith.constant 0 : index
    %get3A_58 = arith.constant 0 : index
    %get3A_59 = vector.load %arg4[%get3A_57, %get3A_58] : memref<8x512xf32, #tpu.memory_space<vmem>>, vector<8x512xf32>
    %jit3A_60 = arith.constant 0.000000e+00 : f32
    %broadcast_in_dim3A_61 = vector.broadcast %jit3A_60 : f32 to vector<8x512xf32>
    %select_n3A_62 = arith.select %eq3A_56, %get3A_59, %broadcast_in_dim3A_61 : vector<8x512xi1>, vector<8x512xf32>
    %reduce_sum3A_63 = arith.constant dense<0.000000e+00> : vector<512xf32>
    %reduce_sum3A_64 = vector.multi_reduction <add>, %select_n3A_62, %reduce_sum3A_63 [0] : vector<8x512xf32> to vector<512xf32>
    %broadcast_in_dim3A_65 = vector.shape_cast %reduce_sum3A_64 : vector<512xf32> to vector<1x512xf32>
    %sub3A_66 = vector.broadcast %broadcast_in_dim3A_54 : vector<128x1xf32> to vector<128x512xf32>
    %sub3A_67 = vector.broadcast %broadcast_in_dim3A_65 : vector<1x512xf32> to vector<128x512xf32>
    %sub3A_68 = arith.subf %sub3A_66, %sub3A_67 : vector<128x512xf32>
    %mul3A = arith.mulf %sub3A_18, %sub3A_18 : vector<128x512xf32>
    %mul3A_69 = arith.mulf %sub3A_43, %sub3A_43 : vector<128x512xf32>
    %add3A = arith.addf %mul3A, %mul3A_69 : vector<128x512xf32>
    %mul3A_70 = arith.mulf %sub3A_68, %sub3A_68 : vector<128x512xf32>
    %add3A_71 = arith.addf %add3A, %mul3A_70 : vector<128x512xf32>
    %swap3A = arith.constant 0 : index
    %swap3A_72 = arith.constant 0 : index
    %swap3A_73 = vector.load %arg8[%swap3A, %swap3A_72] : memref<128x512xf32, #tpu.memory_space<vmem>>, vector<128x512xf32>
    tpu.vector_store %arg8[%swap3A, %swap3A_72], %add3A_71 {strides = array<i32>} : memref<128x512xf32, #tpu.memory_space<vmem>>, vector<128x512xf32>,
    return
  }
  func.func @transform_0(%arg0: i32, %arg1: i32) -> (i32, i32) {
    %c0_i32 = arith.constant 0 : i32
    %c0_i32_0 = arith.constant 0 : i32
    %c0_i32_1 = arith.constant 0 : i32
    return %c0_i32, %c0_i32_0 : i32, i32
  }
  func.func @transform_1(%arg0: i32, %arg1: i32) -> (i32, i32) {
    %c0_i32 = arith.constant 0 : i32
    %c0_i32_0 = arith.constant 0 : i32
    %c0_i32_1 = arith.constant 0 : i32
    return %c0_i32, %c0_i32_0 : i32, i32
  }
  func.func @transform_2(%arg0: i32, %arg1: i32) -> (i32, i32) {
    %c0_i32 = arith.constant 0 : i32
    %c0_i32_0 = arith.constant 0 : i32
    %c0_i32_1 = arith.constant 0 : i32
    return %c0_i32, %c0_i32_0 : i32, i32
  }
  func.func @transform_3(%arg0: i32, %arg1: i32) -> (i32, i32) {
    %c0_i32 = arith.constant 0 : i32
    %c0_i32_0 = arith.constant 0 : i32
    return %arg1, %c0_i32 : i32, i32
  }
  func.func @transform_4(%arg0: i32, %arg1: i32) -> (i32, i32) {
    %c0_i32 = arith.constant 0 : i32
    %c0_i32_0 = arith.constant 0 : i32
    return %arg1, %c0_i32 : i32, i32
  }
  func.func @transform_5(%arg0: i32, %arg1: i32) -> (i32, i32) {
    %c0_i32 = arith.constant 0 : i32
    %c0_i32_0 = arith.constant 0 : i32
    return %arg1, %c0_i32 : i32, i32
  }
  func.func @transform_6(%arg0: i32, %arg1: i32) -> (i32, i32) {
    %mul3A = arith.constant 1 : i32
    %mul3A_0 = arith.muli %arg0, %mul3A : i32
    %add3A = arith.addi %mul3A_0, %arg1 : i32
    %c0_i32 = arith.constant 0 : i32
    %c0_i32_1 = arith.constant 0 : i32
    return %add3A, %c0_i32 : i32, i32
  }
}

module attributes {stable_mosaic.version = 14 : i64} {
  func.func @body(%arg0: memref<8x512xf32, #tpu.memory_space<vmem>>, %arg1: memref<8x512xf32, #tpu.memory_space<vmem>>, %arg2: memref<8x512xf32, #tpu.memory_space<vmem>>, %arg3: memref<128x8xf32, #tpu.memory_space<vmem>>, %arg4: memref<128x8xf32, #tpu.memory_space<vmem>>, %arg5: memref<128x8xf32, #tpu.memory_space<vmem>>) attributes {dimension_semantics = [], scalar_prefetch = 0 : i64, scratch_operands = 0 : i64, tpu.core_type = #tpu.core_type<tc>} {
    %get3A = arith.constant 0 : index
    %get3A_0 = arith.constant 0 : index
    %get3A_1 = vector.load %arg0[%get3A, %get3A_0] : memref<8x512xf32, #tpu.memory_space<vmem>>, vector<8x512xf32>
    %get3A_2 = arith.constant 0 : index
    %get3A_3 = arith.constant 0 : index
    %get3A_4 = vector.load %arg1[%get3A_2, %get3A_3] : memref<8x512xf32, #tpu.memory_space<vmem>>, vector<8x512xf32>
    %get3A_5 = arith.constant 0 : index
    %get3A_6 = arith.constant 0 : index
    %get3A_7 = vector.load %arg2[%get3A_5, %get3A_6] : memref<8x512xf32, #tpu.memory_space<vmem>>, vector<8x512xf32>
    %iota3A = tpu.iota {dimensions = array<i32: 1>} : vector<8x512xi32>
    %iota3A_8 = tpu.iota {dimensions = array<i32: 0>} : vector<8x8xi32>
    %iota3A_9 = tpu.iota {dimensions = array<i32: 1>} : vector<8x8xi32>
    %add3A = arith.constant 0 : i32
    %add3A_10 = vector.broadcast %add3A : i32 to vector<8x8xi32>
    %add3A_11 = arith.addi %iota3A_8, %add3A_10 : vector<8x8xi32>
    %eq3A = arith.cmpi eq, %add3A_11, %iota3A_9 : vector<8x8xi32>
    %convert_element_type3A = arith.extui %eq3A : vector<8x8xi1> to vector<8x8xi32>
    %convert_element_type3A_12 = arith.sitofp %convert_element_type3A : vector<8x8xi32> to vector<8x8xf32>
    %broadcast_in_dim3A = arith.constant 1.000000e+00 : f32
    %broadcast_in_dim3A_13 = vector.broadcast %broadcast_in_dim3A : f32 to vector<1x8xf32>
    %iota3A_14 = tpu.iota {dimensions = array<i32: 0>} : vector<8x8xi32>
    %broadcast_in_dim3A_15 = arith.constant 1.000000e+10 : f32
    %broadcast_in_dim3A_16 = vector.broadcast %broadcast_in_dim3A_15 : f32 to vector<8x512xf32>
    %broadcast_in_dim3A_17 = arith.constant 0 : i32
    %broadcast_in_dim3A_18 = vector.broadcast %broadcast_in_dim3A_17 : i32 to vector<8x1xi32>
    %broadcast_in_dim3A_19 = arith.constant 0.000000e+00 : f32
    %broadcast_in_dim3A_20 = vector.broadcast %broadcast_in_dim3A_19 : f32 to vector<8x8xf32>
    %scan3A = arith.constant 0 : i32
    %scan3A_21 = arith.constant 128 : i32
    %scan3A_22 = arith.addi %scan3A, %scan3A_21 : i32
    %scan3A_23 = arith.constant 1 : i32
    %scan3A_24:5 = scf.for %scan3A_26 = %scan3A to %scan3A_22 step %scan3A_23 iter_args(%scan3A_27 = %broadcast_in_dim3A_16, %scan3A_28 = %broadcast_in_dim3A_18, %scan3A_29 = %broadcast_in_dim3A_20, %scan3A_30 = %broadcast_in_dim3A_20, %scan3A_31 = %broadcast_in_dim3A_20) -> (vector<8x512xf32>, vector<8x1xi32>, vector<8x8xf32>, vector<8x8xf32>, vector<8x8xf32>)  : i32 {
      %eq3A_32 = vector.broadcast %scan3A_28 : vector<8x1xi32> to vector<8x512xi32>
      %eq3A_33 = arith.cmpi eq, %iota3A, %eq3A_32 : vector<8x512xi32>
      %convert_element_type3A_34 = arith.extui %eq3A_33 : vector<8x512xi1> to vector<8x512xi32>
      %convert_element_type3A_35 = arith.sitofp %convert_element_type3A_34 : vector<8x512xi32> to vector<8x512xf32>
      %mul3A = arith.mulf %get3A_1, %convert_element_type3A_35 : vector<8x512xf32>
      %reduce_sum3A = arith.constant dense<0.000000e+00> : vector<8xf32>
      %reduce_sum3A_36 = vector.multi_reduction <add>, %mul3A, %reduce_sum3A [1] : vector<8x512xf32> to vector<8xf32>
      %broadcast_in_dim3A_37 = vector.shape_cast %reduce_sum3A_36 : vector<8xf32> to vector<8x1xf32>
      %mul3A_38 = arith.mulf %get3A_4, %convert_element_type3A_35 : vector<8x512xf32>
      %reduce_sum3A_39 = arith.constant dense<0.000000e+00> : vector<8xf32>
      %reduce_sum3A_40 = vector.multi_reduction <add>, %mul3A_38, %reduce_sum3A_39 [1] : vector<8x512xf32> to vector<8xf32>
      %broadcast_in_dim3A_41 = vector.shape_cast %reduce_sum3A_40 : vector<8xf32> to vector<8x1xf32>
      %mul3A_42 = arith.mulf %get3A_7, %convert_element_type3A_35 : vector<8x512xf32>
      %reduce_sum3A_43 = arith.constant dense<0.000000e+00> : vector<8xf32>
      %reduce_sum3A_44 = vector.multi_reduction <add>, %mul3A_42, %reduce_sum3A_43 [1] : vector<8x512xf32> to vector<8xf32>
      %broadcast_in_dim3A_45 = vector.shape_cast %reduce_sum3A_44 : vector<8xf32> to vector<8x1xf32>
      %jit3A = arith.constant 8 : i32
      %eq3A_46 = arith.constant 0 : i32
      %eq3A_47 = arith.cmpi eq, %jit3A, %eq3A_46 : i32
      %jit3A_48 = arith.constant 1 : i32
      %select_n3A = arith.select %eq3A_47, %jit3A_48, %jit3A : i32
      %rem3A = arith.remsi %scan3A_26, %select_n3A : i32
      %ne3A = arith.constant 0 : i32
      %ne3A_49 = arith.cmpi ne, %rem3A, %ne3A : i32
      %lt3A = arith.constant 0 : i32
      %lt3A_50 = arith.cmpi slt, %rem3A, %lt3A : i32
      %lt3A_51 = arith.constant 0 : i32
      %lt3A_52 = arith.cmpi slt, %select_n3A, %lt3A_51 : i32
      %ne3A_53 = arith.xori %lt3A_50, %lt3A_52 : i1
      %and3A = arith.andi %ne3A_53, %ne3A_49 : i1
      %add3A_54 = arith.addi %rem3A, %select_n3A : i32
      %select_n3A_55 = arith.select %and3A, %add3A_54, %rem3A : i32
      %eq3A_56 = vector.broadcast %select_n3A_55 : i32 to vector<8x8xi32>
      %eq3A_57 = arith.cmpi eq, %iota3A_14, %eq3A_56 : vector<8x8xi32>
      %mul3A_58 = vector.broadcast %broadcast_in_dim3A_37 : vector<8x1xf32> to vector<8x8xf32>
      %mul3A_59 = arith.mulf %convert_element_type3A_12, %mul3A_58 : vector<8x8xf32>
      %dot_general3A = arith.constant dense<0.000000e+00> : vector<1x8xf32>
      %dot_general3A_60 = tpu.matmul %broadcast_in_dim3A_13, %mul3A_59, %dot_general3A {dimension_numbers = #tpu.dot_dimension_numbers<[1], [0], [0], [1], [0, 0, 1, 1], [], []>, precision = #tpu.contract_precision<fp32>, transpose_lhs_hint = false} : vector<1x8xf32>, vector<8x8xf32>, vector<1x8xf32> -> vector<1x8xf32>
      %broadcast_in_dim3A_61 = vector.shape_cast %dot_general3A_60 : vector<1x8xf32> to vector<1x8xf32>
      %broadcast_in_dim3A_62 = vector.broadcast %broadcast_in_dim3A_61 : vector<1x8xf32> to vector<8x8xf32>
      %select_n3A_63 = arith.select %eq3A_57, %broadcast_in_dim3A_62, %scan3A_29 : vector<8x8xi1>, vector<8x8xf32>
      %mul3A_64 = vector.broadcast %broadcast_in_dim3A_41 : vector<8x1xf32> to vector<8x8xf32>
      %mul3A_65 = arith.mulf %convert_element_type3A_12, %mul3A_64 : vector<8x8xf32>
      %dot_general3A_66 = arith.constant dense<0.000000e+00> : vector<1x8xf32>
      %dot_general3A_67 = tpu.matmul %broadcast_in_dim3A_13, %mul3A_65, %dot_general3A_66 {dimension_numbers = #tpu.dot_dimension_numbers<[1], [0], [0], [1], [0, 0, 1, 1], [], []>, precision = #tpu.contract_precision<fp32>, transpose_lhs_hint = false} : vector<1x8xf32>, vector<8x8xf32>, vector<1x8xf32> -> vector<1x8xf32>
      %broadcast_in_dim3A_68 = vector.shape_cast %dot_general3A_67 : vector<1x8xf32> to vector<1x8xf32>
      %broadcast_in_dim3A_69 = vector.broadcast %broadcast_in_dim3A_68 : vector<1x8xf32> to vector<8x8xf32>
      %select_n3A_70 = arith.select %eq3A_57, %broadcast_in_dim3A_69, %scan3A_30 : vector<8x8xi1>, vector<8x8xf32>
      %mul3A_71 = vector.broadcast %broadcast_in_dim3A_45 : vector<8x1xf32> to vector<8x8xf32>
      %mul3A_72 = arith.mulf %convert_element_type3A_12, %mul3A_71 : vector<8x8xf32>
      %dot_general3A_73 = arith.constant dense<0.000000e+00> : vector<1x8xf32>
      %dot_general3A_74 = tpu.matmul %broadcast_in_dim3A_13, %mul3A_72, %dot_general3A_73 {dimension_numbers = #tpu.dot_dimension_numbers<[1], [0], [0], [1], [0, 0, 1, 1], [], []>, precision = #tpu.contract_precision<fp32>, transpose_lhs_hint = false} : vector<1x8xf32>, vector<8x8xf32>, vector<1x8xf32> -> vector<1x8xf32>
      %broadcast_in_dim3A_75 = vector.shape_cast %dot_general3A_74 : vector<1x8xf32> to vector<1x8xf32>
      %broadcast_in_dim3A_76 = vector.broadcast %broadcast_in_dim3A_75 : vector<1x8xf32> to vector<8x8xf32>
      %select_n3A_77 = arith.select %eq3A_57, %broadcast_in_dim3A_76, %scan3A_31 : vector<8x8xi1>, vector<8x8xf32>
      %eq3A_78 = arith.constant 7 : i32
      %eq3A_79 = arith.cmpi eq, %select_n3A_55, %eq3A_78 : i32
      %convert_element_type3A_80 = arith.extui %eq3A_79 : i1 to i32
      %cond3A = arith.constant 0 : i32
      %cond3A_81 = arith.cmpi ne, %convert_element_type3A_80, %cond3A : i32
      scf.if %cond3A_81 {
        %jit3A_101 = arith.constant 8 : i32
        %div3A = arith.divsi %scan3A_26, %jit3A_101 : i32
        %sign3A = arith.constant 0 : i32
        %sign3A_102 = arith.cmpi sgt, %scan3A_26, %sign3A : i32
        %sign3A_103 = arith.extui %sign3A_102 : i1 to i32
        %sign3A_104 = arith.constant 0 : i32
        %sign3A_105 = arith.cmpi slt, %scan3A_26, %sign3A_104 : i32
        %sign3A_106 = arith.extui %sign3A_105 : i1 to i32
        %sign3A_107 = arith.subi %sign3A_103, %sign3A_106 : i32
        %sign3A_108 = arith.constant 0 : i32
        %sign3A_109 = arith.cmpi sgt, %jit3A_101, %sign3A_108 : i32
        %sign3A_110 = arith.extui %sign3A_109 : i1 to i32
        %sign3A_111 = arith.constant 0 : i32
        %sign3A_112 = arith.cmpi slt, %jit3A_101, %sign3A_111 : i32
        %sign3A_113 = arith.extui %sign3A_112 : i1 to i32
        %sign3A_114 = arith.subi %sign3A_110, %sign3A_113 : i32
        %ne3A_115 = arith.cmpi ne, %sign3A_107, %sign3A_114 : i32
        %rem3A_116 = arith.remsi %scan3A_26, %jit3A_101 : i32
        %ne3A_117 = arith.constant 0 : i32
        %ne3A_118 = arith.cmpi ne, %rem3A_116, %ne3A_117 : i32
        %and3A_119 = arith.andi %ne3A_115, %ne3A_118 : i1
        %sub3A_120 = arith.constant 1 : i32
        %sub3A_121 = arith.subi %div3A, %sub3A_120 : i32
        %select_n3A_122 = arith.select %and3A_119, %sub3A_121, %div3A : i32
        %mul3A_123 = arith.constant 8 : i32
        %mul3A_124 = arith.muli %select_n3A_122, %mul3A_123 : i32
        %swap3A = arith.index_cast %mul3A_124 : i32 to index
        %swap3A_125 = arith.constant 0 : index
        %swap3A_126 = vector.load %arg3[%swap3A, %swap3A_125] : memref<128x8xf32, #tpu.memory_space<vmem>>, vector<8x8xf32>
        tpu.vector_store %arg3[%swap3A, %swap3A_125], %select_n3A_63 {strides = array<i32>} : memref<128x8xf32, #tpu.memory_space<vmem>>, vector<8x8xf32>,
        %swap3A_127 = arith.index_cast %mul3A_124 : i32 to index
        %swap3A_128 = arith.constant 0 : index
        %swap3A_129 = vector.load %arg4[%swap3A_127, %swap3A_128] : memref<128x8xf32, #tpu.memory_space<vmem>>, vector<8x8xf32>
        tpu.vector_store %arg4[%swap3A_127, %swap3A_128], %select_n3A_70 {strides = array<i32>} : memref<128x8xf32, #tpu.memory_space<vmem>>, vector<8x8xf32>,
        %swap3A_130 = arith.index_cast %mul3A_124 : i32 to index
        %swap3A_131 = arith.constant 0 : index
        %swap3A_132 = vector.load %arg5[%swap3A_130, %swap3A_131] : memref<128x8xf32, #tpu.memory_space<vmem>>, vector<8x8xf32>
        tpu.vector_store %arg5[%swap3A_130, %swap3A_131], %select_n3A_77 {strides = array<i32>} : memref<128x8xf32, #tpu.memory_space<vmem>>, vector<8x8xf32>,
      } else {
      }
      %sub3A = vector.broadcast %broadcast_in_dim3A_37 : vector<8x1xf32> to vector<8x512xf32>
      %sub3A_82 = arith.subf %get3A_1, %sub3A : vector<8x512xf32>
      %sub3A_83 = vector.broadcast %broadcast_in_dim3A_41 : vector<8x1xf32> to vector<8x512xf32>
      %sub3A_84 = arith.subf %get3A_4, %sub3A_83 : vector<8x512xf32>
      %sub3A_85 = vector.broadcast %broadcast_in_dim3A_45 : vector<8x1xf32> to vector<8x512xf32>
      %sub3A_86 = arith.subf %get3A_7, %sub3A_85 : vector<8x512xf32>
      %mul3A_87 = arith.mulf %sub3A_82, %sub3A_82 : vector<8x512xf32>
      %mul3A_88 = arith.mulf %sub3A_84, %sub3A_84 : vector<8x512xf32>
      %add3A_89 = arith.addf %mul3A_87, %mul3A_88 : vector<8x512xf32>
      %mul3A_90 = arith.mulf %sub3A_86, %sub3A_86 : vector<8x512xf32>
      %add3A_91 = arith.addf %add3A_89, %mul3A_90 : vector<8x512xf32>
      %min3A = arith.minimumf %scan3A_27, %add3A_91 : vector<8x512xf32>
      %reduce_max3A = arith.constant dense<0xFF800000> : vector<8xf32>
      %reduce_max3A_92 = vector.multi_reduction <maximumf>, %min3A, %reduce_max3A [1] : vector<8x512xf32> to vector<8xf32>
      %broadcast_in_dim3A_93 = vector.shape_cast %reduce_max3A_92 : vector<8xf32> to vector<8x1xf32>
      %eq3A_94 = vector.broadcast %broadcast_in_dim3A_93 : vector<8x1xf32> to vector<8x512xf32>
      %eq3A_95 = arith.cmpf oeq, %min3A, %eq3A_94 : vector<8x512xf32>
      %jit3A_96 = arith.constant 512 : i32
      %broadcast_in_dim3A_97 = vector.broadcast %jit3A_96 : i32 to vector<8x512xi32>
      %select_n3A_98 = arith.select %eq3A_95, %iota3A, %broadcast_in_dim3A_97 : vector<8x512xi1>, vector<8x512xi32>
      %reduce_min3A = arith.constant dense<2147483647> : vector<8xi32>
      %reduce_min3A_99 = vector.multi_reduction <minsi>, %select_n3A_98, %reduce_min3A [1] : vector<8x512xi32> to vector<8xi32>
      %broadcast_in_dim3A_100 = vector.shape_cast %reduce_min3A_99 : vector<8xi32> to vector<8x1xi32>
      scf.yield %min3A, %broadcast_in_dim3A_100, %select_n3A_63, %select_n3A_70, %select_n3A_77 : vector<8x512xf32>, vector<8x1xi32>, vector<8x8xf32>, vector<8x8xf32>, vector<8x8xf32>
    }
    %scan3A_25 = arith.constant 128 : i32
    return
  }
}

module attributes {stable_mosaic.version = 14 : i64} {
  func.func @body(%arg0: i32, %arg1: memref<8192x8xf32, #tpu.memory_space<vmem>>, %arg2: memref<8x64xf32, #tpu.memory_space<vmem>>, %arg3: memref<64x8xf32, #tpu.memory_space<vmem>>, %arg4: memref<8192x64xf32, #tpu.memory_space<vmem>>, %arg5: memref<8x64xf32, #tpu.memory_space<vmem>>) attributes {dimension_semantics = [#tpu.dimension_semantics<arbitrary>], iteration_bounds = array<i64: 64>, scalar_prefetch = 0 : i64, scratch_operands = 0 : i64, tpu.core_type = #tpu.core_type<tc>, window_params = [{transform_indices = @transform_0, window_bounds = array<i64: 8192, 8>}, {pipeline_mode = #tpu.pipeline_mode<synchronous>, transform_indices = @transform_1, window_bounds = array<i64: 8, 64>}, {transform_indices = @transform_2, window_bounds = array<i64: 64, 8>}, {transform_indices = @transform_3, window_bounds = array<i64: 8192, 64>}, {pipeline_mode = #tpu.pipeline_mode<synchronous>, transform_indices = @transform_4, window_bounds = array<i64: 8, 64>}]} {
    %get3A = arith.constant 0 : index
    %get3A_0 = arith.constant 0 : index
    %get3A_1 = vector.load %arg1[%get3A, %get3A_0] : memref<8192x8xf32, #tpu.memory_space<vmem>>, vector<8192x8xf32>
    %reshape3A = vector.shape_cast %get3A_1 : vector<8192x8xf32> to vector<64x128x8xf32>
    %get3A_2 = arith.constant 0 : index
    %get3A_3 = arith.constant 0 : index
    %get3A_4 = vector.load %arg3[%get3A_2, %get3A_3] : memref<64x8xf32, #tpu.memory_space<vmem>>, vector<64x8xf32>
    %broadcast_in_dim3A = vector.shape_cast %get3A_4 : vector<64x8xf32> to vector<64x1x8xf32>
    %add3A = vector.broadcast %broadcast_in_dim3A : vector<64x1x8xf32> to vector<64x128x8xf32>
    %add3A_5 = arith.addf %reshape3A, %add3A : vector<64x128x8xf32>
    %reshape3A_6 = vector.shape_cast %add3A_5 : vector<64x128x8xf32> to vector<8192x8xf32>
    %get3A_7 = arith.constant 0 : index
    %get3A_8 = arith.constant 0 : index
    %get3A_9 = vector.load %arg2[%get3A_7, %get3A_8] : memref<8x64xf32, #tpu.memory_space<vmem>>, vector<8x64xf32>
    %dot_general3A = arith.constant dense<0.000000e+00> : vector<8192x64xf32>
    %dot_general3A_10 = tpu.matmul %reshape3A_6, %get3A_9, %dot_general3A {dimension_numbers = #tpu.dot_dimension_numbers<[1], [0], [0], [1], [0, 0, 1, 1], [], []>, transpose_lhs_hint = false} : vector<8192x8xf32>, vector<8x64xf32>, vector<8192x64xf32> -> vector<8192x64xf32>
    %swap3A = arith.constant 0 : index
    %swap3A_11 = arith.constant 0 : index
    %swap3A_12 = vector.load %arg4[%swap3A, %swap3A_11] : memref<8192x64xf32, #tpu.memory_space<vmem>>, vector<8192x64xf32>
    tpu.vector_store %arg4[%swap3A, %swap3A_11], %dot_general3A_10 {strides = array<i32>} : memref<8192x64xf32, #tpu.memory_space<vmem>>, vector<8192x64xf32>,
    %eq3A = arith.constant 0 : i32
    %eq3A_13 = arith.cmpi eq, %arg0, %eq3A : i32
    %convert_element_type3A = arith.extui %eq3A_13 : i1 to i32
    %cond3A = arith.constant 0 : i32
    %cond3A_14 = arith.cmpi ne, %convert_element_type3A, %cond3A : i32
    scf.if %cond3A_14 {
      %broadcast_in_dim3A_34 = arith.constant 0.000000e+00 : f32
      %broadcast_in_dim3A_35 = vector.broadcast %broadcast_in_dim3A_34 : f32 to vector<8x64xf32>
      %swap3A_36 = arith.constant 0 : index
      %swap3A_37 = arith.constant 0 : index
      %swap3A_38 = vector.load %arg5[%swap3A_36, %swap3A_37] : memref<8x64xf32, #tpu.memory_space<vmem>>, vector<8x64xf32>
      tpu.vector_store %arg5[%swap3A_36, %swap3A_37], %broadcast_in_dim3A_35 {strides = array<i32>} : memref<8x64xf32, #tpu.memory_space<vmem>>, vector<8x64xf32>,
    } else {
    }
    %get3A_15 = arith.constant 0 : index
    %get3A_16 = arith.constant 0 : index
    %get3A_17 = vector.load %arg5[%get3A_15, %get3A_16] : memref<8x64xf32, #tpu.memory_space<vmem>>, vector<1x64xf32>
    %reduce_sum3A = arith.constant dense<0.000000e+00> : vector<64xf32>
    %reduce_sum3A_18 = vector.multi_reduction <add>, %dot_general3A_10, %reduce_sum3A [0] : vector<8192x64xf32> to vector<64xf32>
    %broadcast_in_dim3A_19 = vector.shape_cast %reduce_sum3A_18 : vector<64xf32> to vector<1x64xf32>
    %add3A_20 = arith.addf %get3A_17, %broadcast_in_dim3A_19 : vector<1x64xf32>
    %swap3A_21 = arith.constant 0 : index
    %swap3A_22 = arith.constant 0 : index
    %swap3A_23 = vector.load %arg5[%swap3A_21, %swap3A_22] : memref<8x64xf32, #tpu.memory_space<vmem>>, vector<1x64xf32>
    tpu.vector_store %arg5[%swap3A_21, %swap3A_22], %add3A_20 {strides = array<i32>} : memref<8x64xf32, #tpu.memory_space<vmem>>, vector<1x64xf32>,
    %get3A_24 = arith.constant 1 : index
    %get3A_25 = arith.constant 0 : index
    %get3A_26 = vector.load %arg5[%get3A_24, %get3A_25] : memref<8x64xf32, #tpu.memory_space<vmem>>, vector<1x64xf32>
    %mul3A = arith.mulf %dot_general3A_10, %dot_general3A_10 : vector<8192x64xf32>
    %reduce_sum3A_27 = arith.constant dense<0.000000e+00> : vector<64xf32>
    %reduce_sum3A_28 = vector.multi_reduction <add>, %mul3A, %reduce_sum3A_27 [0] : vector<8192x64xf32> to vector<64xf32>
    %broadcast_in_dim3A_29 = vector.shape_cast %reduce_sum3A_28 : vector<64xf32> to vector<1x64xf32>
    %add3A_30 = arith.addf %get3A_26, %broadcast_in_dim3A_29 : vector<1x64xf32>
    %swap3A_31 = arith.constant 1 : index
    %swap3A_32 = arith.constant 0 : index
    %swap3A_33 = vector.load %arg5[%swap3A_31, %swap3A_32] : memref<8x64xf32, #tpu.memory_space<vmem>>, vector<1x64xf32>
    tpu.vector_store %arg5[%swap3A_31, %swap3A_32], %add3A_30 {strides = array<i32>} : memref<8x64xf32, #tpu.memory_space<vmem>>, vector<1x64xf32>,
    return
  }
  func.func @transform_0(%arg0: i32) -> (i32, i32) {
    %c0_i32 = arith.constant 0 : i32
    %c0_i32_0 = arith.constant 0 : i32
    return %arg0, %c0_i32 : i32, i32
  }
  func.func @transform_1(%arg0: i32) -> (i32, i32) {
    %c0_i32 = arith.constant 0 : i32
    %c0_i32_0 = arith.constant 0 : i32
    %c0_i32_1 = arith.constant 0 : i32
    return %c0_i32, %c0_i32_0 : i32, i32
  }
  func.func @transform_2(%arg0: i32) -> (i32, i32) {
    %c0_i32 = arith.constant 0 : i32
    %c0_i32_0 = arith.constant 0 : i32
    return %arg0, %c0_i32 : i32, i32
  }
  func.func @transform_3(%arg0: i32) -> (i32, i32) {
    %c0_i32 = arith.constant 0 : i32
    %c0_i32_0 = arith.constant 0 : i32
    return %arg0, %c0_i32 : i32, i32
  }
  func.func @transform_4(%arg0: i32) -> (i32, i32) {
    %c0_i32 = arith.constant 0 : i32
    %c0_i32_0 = arith.constant 0 : i32
    %c0_i32_1 = arith.constant 0 : i32
    return %c0_i32, %c0_i32_0 : i32, i32
  }
}

module attributes {stable_mosaic.version = 14 : i64} {
  func.func @body(%arg0: i32, %arg1: memref<8192x64xf32, #tpu.memory_space<vmem>>, %arg2: memref<64x96xf32, #tpu.memory_space<vmem>>, %arg3: memref<1x64xf32, #tpu.memory_space<vmem>>, %arg4: memref<1x64xf32, #tpu.memory_space<vmem>>, %arg5: memref<8192x96xf32, #tpu.memory_space<vmem>>, %arg6: memref<8x96xf32, #tpu.memory_space<vmem>>) attributes {dimension_semantics = [#tpu.dimension_semantics<arbitrary>], iteration_bounds = array<i64: 64>, scalar_prefetch = 0 : i64, scratch_operands = 0 : i64, tpu.core_type = #tpu.core_type<tc>, window_params = [{transform_indices = @transform_0, window_bounds = array<i64: 8192, 64>}, {pipeline_mode = #tpu.pipeline_mode<synchronous>, transform_indices = @transform_1, window_bounds = array<i64: 64, 96>}, {pipeline_mode = #tpu.pipeline_mode<synchronous>, transform_indices = @transform_2, window_bounds = array<i64: 1, 64>}, {pipeline_mode = #tpu.pipeline_mode<synchronous>, transform_indices = @transform_3, window_bounds = array<i64: 1, 64>}, {transform_indices = @transform_4, window_bounds = array<i64: 8192, 96>}, {pipeline_mode = #tpu.pipeline_mode<synchronous>, transform_indices = @transform_5, window_bounds = array<i64: 8, 96>}]} {
    %get3A = arith.constant 0 : index
    %get3A_0 = arith.constant 0 : index
    %get3A_1 = vector.load %arg1[%get3A, %get3A_0] : memref<8192x64xf32, #tpu.memory_space<vmem>>, vector<8192x64xf32>
    %get3A_2 = arith.constant 0 : index
    %get3A_3 = arith.constant 0 : index
    %get3A_4 = vector.load %arg3[%get3A_2, %get3A_3] : memref<1x64xf32, #tpu.memory_space<vmem>>, vector<1x64xf32>
    %mul3A = vector.broadcast %get3A_4 : vector<1x64xf32> to vector<8192x64xf32>
    %mul3A_5 = arith.mulf %get3A_1, %mul3A : vector<8192x64xf32>
    %get3A_6 = arith.constant 0 : index
    %get3A_7 = arith.constant 0 : index
    %get3A_8 = vector.load %arg4[%get3A_6, %get3A_7] : memref<1x64xf32, #tpu.memory_space<vmem>>, vector<1x64xf32>
    %add3A = vector.broadcast %get3A_8 : vector<1x64xf32> to vector<8192x64xf32>
    %add3A_9 = arith.addf %mul3A_5, %add3A : vector<8192x64xf32>
    %max3A = arith.constant 0.000000e+00 : f32
    %max3A_10 = vector.broadcast %max3A : f32 to vector<8192x64xf32>
    %max3A_11 = arith.maximumf %add3A_9, %max3A_10 : vector<8192x64xf32>
    %get3A_12 = arith.constant 0 : index
    %get3A_13 = arith.constant 0 : index
    %get3A_14 = vector.load %arg2[%get3A_12, %get3A_13] : memref<64x96xf32, #tpu.memory_space<vmem>>, vector<64x96xf32>
    %dot_general3A = arith.constant dense<0.000000e+00> : vector<8192x96xf32>
    %dot_general3A_15 = tpu.matmul %max3A_11, %get3A_14, %dot_general3A {dimension_numbers = #tpu.dot_dimension_numbers<[1], [0], [0], [1], [0, 0, 1, 1], [], []>, transpose_lhs_hint = false} : vector<8192x64xf32>, vector<64x96xf32>, vector<8192x96xf32> -> vector<8192x96xf32>
    %swap3A = arith.constant 0 : index
    %swap3A_16 = arith.constant 0 : index
    %swap3A_17 = vector.load %arg5[%swap3A, %swap3A_16] : memref<8192x96xf32, #tpu.memory_space<vmem>>, vector<8192x96xf32>
    tpu.vector_store %arg5[%swap3A, %swap3A_16], %dot_general3A_15 {strides = array<i32>} : memref<8192x96xf32, #tpu.memory_space<vmem>>, vector<8192x96xf32>,
    %eq3A = arith.constant 0 : i32
    %eq3A_18 = arith.cmpi eq, %arg0, %eq3A : i32
    %convert_element_type3A = arith.extui %eq3A_18 : i1 to i32
    %cond3A = arith.constant 0 : i32
    %cond3A_19 = arith.cmpi ne, %convert_element_type3A, %cond3A : i32
    scf.if %cond3A_19 {
      %broadcast_in_dim3A_39 = arith.constant 0.000000e+00 : f32
      %broadcast_in_dim3A_40 = vector.broadcast %broadcast_in_dim3A_39 : f32 to vector<8x96xf32>
      %swap3A_41 = arith.constant 0 : index
      %swap3A_42 = arith.constant 0 : index
      %swap3A_43 = vector.load %arg6[%swap3A_41, %swap3A_42] : memref<8x96xf32, #tpu.memory_space<vmem>>, vector<8x96xf32>
      tpu.vector_store %arg6[%swap3A_41, %swap3A_42], %broadcast_in_dim3A_40 {strides = array<i32>} : memref<8x96xf32, #tpu.memory_space<vmem>>, vector<8x96xf32>,
    } else {
    }
    %get3A_20 = arith.constant 0 : index
    %get3A_21 = arith.constant 0 : index
    %get3A_22 = vector.load %arg6[%get3A_20, %get3A_21] : memref<8x96xf32, #tpu.memory_space<vmem>>, vector<1x96xf32>
    %reduce_sum3A = arith.constant dense<0.000000e+00> : vector<96xf32>
    %reduce_sum3A_23 = vector.multi_reduction <add>, %dot_general3A_15, %reduce_sum3A [0] : vector<8192x96xf32> to vector<96xf32>
    %broadcast_in_dim3A = vector.shape_cast %reduce_sum3A_23 : vector<96xf32> to vector<1x96xf32>
    %add3A_24 = arith.addf %get3A_22, %broadcast_in_dim3A : vector<1x96xf32>
    %swap3A_25 = arith.constant 0 : index
    %swap3A_26 = arith.constant 0 : index
    %swap3A_27 = vector.load %arg6[%swap3A_25, %swap3A_26] : memref<8x96xf32, #tpu.memory_space<vmem>>, vector<1x96xf32>
    tpu.vector_store %arg6[%swap3A_25, %swap3A_26], %add3A_24 {strides = array<i32>} : memref<8x96xf32, #tpu.memory_space<vmem>>, vector<1x96xf32>,
    %get3A_28 = arith.constant 1 : index
    %get3A_29 = arith.constant 0 : index
    %get3A_30 = vector.load %arg6[%get3A_28, %get3A_29] : memref<8x96xf32, #tpu.memory_space<vmem>>, vector<1x96xf32>
    %mul3A_31 = arith.mulf %dot_general3A_15, %dot_general3A_15 : vector<8192x96xf32>
    %reduce_sum3A_32 = arith.constant dense<0.000000e+00> : vector<96xf32>
    %reduce_sum3A_33 = vector.multi_reduction <add>, %mul3A_31, %reduce_sum3A_32 [0] : vector<8192x96xf32> to vector<96xf32>
    %broadcast_in_dim3A_34 = vector.shape_cast %reduce_sum3A_33 : vector<96xf32> to vector<1x96xf32>
    %add3A_35 = arith.addf %get3A_30, %broadcast_in_dim3A_34 : vector<1x96xf32>
    %swap3A_36 = arith.constant 1 : index
    %swap3A_37 = arith.constant 0 : index
    %swap3A_38 = vector.load %arg6[%swap3A_36, %swap3A_37] : memref<8x96xf32, #tpu.memory_space<vmem>>, vector<1x96xf32>
    tpu.vector_store %arg6[%swap3A_36, %swap3A_37], %add3A_35 {strides = array<i32>} : memref<8x96xf32, #tpu.memory_space<vmem>>, vector<1x96xf32>,
    return
  }
  func.func @transform_0(%arg0: i32) -> (i32, i32) {
    %c0_i32 = arith.constant 0 : i32
    %c0_i32_0 = arith.constant 0 : i32
    return %arg0, %c0_i32 : i32, i32
  }
  func.func @transform_1(%arg0: i32) -> (i32, i32) {
    %c0_i32 = arith.constant 0 : i32
    %c0_i32_0 = arith.constant 0 : i32
    %c0_i32_1 = arith.constant 0 : i32
    return %c0_i32, %c0_i32_0 : i32, i32
  }
  func.func @transform_2(%arg0: i32) -> (i32, i32) {
    %c0_i32 = arith.constant 0 : i32
    %c0_i32_0 = arith.constant 0 : i32
    %c0_i32_1 = arith.constant 0 : i32
    return %c0_i32, %c0_i32_0 : i32, i32
  }
  func.func @transform_3(%arg0: i32) -> (i32, i32) {
    %c0_i32 = arith.constant 0 : i32
    %c0_i32_0 = arith.constant 0 : i32
    %c0_i32_1 = arith.constant 0 : i32
    return %c0_i32, %c0_i32_0 : i32, i32
  }
  func.func @transform_4(%arg0: i32) -> (i32, i32) {
    %c0_i32 = arith.constant 0 : i32
    %c0_i32_0 = arith.constant 0 : i32
    return %arg0, %c0_i32 : i32, i32
  }
  func.func @transform_5(%arg0: i32) -> (i32, i32) {
    %c0_i32 = arith.constant 0 : i32
    %c0_i32_0 = arith.constant 0 : i32
    %c0_i32_1 = arith.constant 0 : i32
    return %c0_i32, %c0_i32_0 : i32, i32
  }
}

module attributes {stable_mosaic.version = 14 : i64} {
  func.func @body(%arg0: i32, %arg1: memref<8192x96xf32, #tpu.memory_space<vmem>>, %arg2: memref<96x128xf32, #tpu.memory_space<vmem>>, %arg3: memref<1x96xf32, #tpu.memory_space<vmem>>, %arg4: memref<1x96xf32, #tpu.memory_space<vmem>>, %arg5: memref<64x128xf32, #tpu.memory_space<vmem>>, %arg6: memref<8x128xf32, #tpu.memory_space<vmem>>) attributes {dimension_semantics = [#tpu.dimension_semantics<arbitrary>], iteration_bounds = array<i64: 64>, scalar_prefetch = 0 : i64, scratch_operands = 0 : i64, tpu.core_type = #tpu.core_type<tc>, window_params = [{transform_indices = @transform_0, window_bounds = array<i64: 8192, 96>}, {pipeline_mode = #tpu.pipeline_mode<synchronous>, transform_indices = @transform_1, window_bounds = array<i64: 96, 128>}, {pipeline_mode = #tpu.pipeline_mode<synchronous>, transform_indices = @transform_2, window_bounds = array<i64: 1, 96>}, {pipeline_mode = #tpu.pipeline_mode<synchronous>, transform_indices = @transform_3, window_bounds = array<i64: 1, 96>}, {transform_indices = @transform_4, window_bounds = array<i64: 64, 128>}, {pipeline_mode = #tpu.pipeline_mode<synchronous>, transform_indices = @transform_5, window_bounds = array<i64: 8, 128>}]} {
    %get3A = arith.constant 0 : index
    %get3A_0 = arith.constant 0 : index
    %get3A_1 = vector.load %arg1[%get3A, %get3A_0] : memref<8192x96xf32, #tpu.memory_space<vmem>>, vector<8192x96xf32>
    %get3A_2 = arith.constant 0 : index
    %get3A_3 = arith.constant 0 : index
    %get3A_4 = vector.load %arg3[%get3A_2, %get3A_3] : memref<1x96xf32, #tpu.memory_space<vmem>>, vector<1x96xf32>
    %mul3A = vector.broadcast %get3A_4 : vector<1x96xf32> to vector<8192x96xf32>
    %mul3A_5 = arith.mulf %get3A_1, %mul3A : vector<8192x96xf32>
    %get3A_6 = arith.constant 0 : index
    %get3A_7 = arith.constant 0 : index
    %get3A_8 = vector.load %arg4[%get3A_6, %get3A_7] : memref<1x96xf32, #tpu.memory_space<vmem>>, vector<1x96xf32>
    %add3A = vector.broadcast %get3A_8 : vector<1x96xf32> to vector<8192x96xf32>
    %add3A_9 = arith.addf %mul3A_5, %add3A : vector<8192x96xf32>
    %max3A = arith.constant 0.000000e+00 : f32
    %max3A_10 = vector.broadcast %max3A : f32 to vector<8192x96xf32>
    %max3A_11 = arith.maximumf %add3A_9, %max3A_10 : vector<8192x96xf32>
    %get3A_12 = arith.constant 0 : index
    %get3A_13 = arith.constant 0 : index
    %get3A_14 = vector.load %arg2[%get3A_12, %get3A_13] : memref<96x128xf32, #tpu.memory_space<vmem>>, vector<96x128xf32>
    %dot_general3A = arith.constant dense<0.000000e+00> : vector<8192x128xf32>
    %dot_general3A_15 = tpu.matmul %max3A_11, %get3A_14, %dot_general3A {dimension_numbers = #tpu.dot_dimension_numbers<[1], [0], [0], [1], [0, 0, 1, 1], [], []>, transpose_lhs_hint = false} : vector<8192x96xf32>, vector<96x128xf32>, vector<8192x128xf32> -> vector<8192x128xf32>
    %reshape3A = vector.shape_cast %dot_general3A_15 : vector<8192x128xf32> to vector<64x128x128xf32>
    %reduce_max3A = arith.constant dense<0xFF800000> : vector<64x128xf32>
    %reduce_max3A_16 = vector.multi_reduction <maximumf>, %reshape3A, %reduce_max3A [1] : vector<64x128x128xf32> to vector<64x128xf32>
    %swap3A = arith.constant 0 : index
    %swap3A_17 = arith.constant 0 : index
    %swap3A_18 = vector.load %arg5[%swap3A, %swap3A_17] : memref<64x128xf32, #tpu.memory_space<vmem>>, vector<64x128xf32>
    tpu.vector_store %arg5[%swap3A, %swap3A_17], %reduce_max3A_16 {strides = array<i32>} : memref<64x128xf32, #tpu.memory_space<vmem>>, vector<64x128xf32>,
    %eq3A = arith.constant 0 : i32
    %eq3A_19 = arith.cmpi eq, %arg0, %eq3A : i32
    %convert_element_type3A = arith.extui %eq3A_19 : i1 to i32
    %cond3A = arith.constant 0 : i32
    %cond3A_20 = arith.cmpi ne, %convert_element_type3A, %cond3A : i32
    scf.if %cond3A_20 {
      %broadcast_in_dim3A_40 = arith.constant 0.000000e+00 : f32
      %broadcast_in_dim3A_41 = vector.broadcast %broadcast_in_dim3A_40 : f32 to vector<8x128xf32>
      %swap3A_42 = arith.constant 0 : index
      %swap3A_43 = arith.constant 0 : index
      %swap3A_44 = vector.load %arg6[%swap3A_42, %swap3A_43] : memref<8x128xf32, #tpu.memory_space<vmem>>, vector<8x128xf32>
      tpu.vector_store %arg6[%swap3A_42, %swap3A_43], %broadcast_in_dim3A_41 {strides = array<i32>} : memref<8x128xf32, #tpu.memory_space<vmem>>, vector<8x128xf32>,
    } else {
    }
    %get3A_21 = arith.constant 0 : index
    %get3A_22 = arith.constant 0 : index
    %get3A_23 = vector.load %arg6[%get3A_21, %get3A_22] : memref<8x128xf32, #tpu.memory_space<vmem>>, vector<1x128xf32>
    %reduce_sum3A = arith.constant dense<0.000000e+00> : vector<128xf32>
    %reduce_sum3A_24 = vector.multi_reduction <add>, %dot_general3A_15, %reduce_sum3A [0] : vector<8192x128xf32> to vector<128xf32>
    %broadcast_in_dim3A = vector.shape_cast %reduce_sum3A_24 : vector<128xf32> to vector<1x128xf32>
    %add3A_25 = arith.addf %get3A_23, %broadcast_in_dim3A : vector<1x128xf32>
    %swap3A_26 = arith.constant 0 : index
    %swap3A_27 = arith.constant 0 : index
    %swap3A_28 = vector.load %arg6[%swap3A_26, %swap3A_27] : memref<8x128xf32, #tpu.memory_space<vmem>>, vector<1x128xf32>
    tpu.vector_store %arg6[%swap3A_26, %swap3A_27], %add3A_25 {strides = array<i32>} : memref<8x128xf32, #tpu.memory_space<vmem>>, vector<1x128xf32>,
    %get3A_29 = arith.constant 1 : index
    %get3A_30 = arith.constant 0 : index
    %get3A_31 = vector.load %arg6[%get3A_29, %get3A_30] : memref<8x128xf32, #tpu.memory_space<vmem>>, vector<1x128xf32>
    %mul3A_32 = arith.mulf %dot_general3A_15, %dot_general3A_15 : vector<8192x128xf32>
    %reduce_sum3A_33 = arith.constant dense<0.000000e+00> : vector<128xf32>
    %reduce_sum3A_34 = vector.multi_reduction <add>, %mul3A_32, %reduce_sum3A_33 [0] : vector<8192x128xf32> to vector<128xf32>
    %broadcast_in_dim3A_35 = vector.shape_cast %reduce_sum3A_34 : vector<128xf32> to vector<1x128xf32>
    %add3A_36 = arith.addf %get3A_31, %broadcast_in_dim3A_35 : vector<1x128xf32>
    %swap3A_37 = arith.constant 1 : index
    %swap3A_38 = arith.constant 0 : index
    %swap3A_39 = vector.load %arg6[%swap3A_37, %swap3A_38] : memref<8x128xf32, #tpu.memory_space<vmem>>, vector<1x128xf32>
    tpu.vector_store %arg6[%swap3A_37, %swap3A_38], %add3A_36 {strides = array<i32>} : memref<8x128xf32, #tpu.memory_space<vmem>>, vector<1x128xf32>,
    return
  }
  func.func @transform_0(%arg0: i32) -> (i32, i32) {
    %c0_i32 = arith.constant 0 : i32
    %c0_i32_0 = arith.constant 0 : i32
    return %arg0, %c0_i32 : i32, i32
  }
  func.func @transform_1(%arg0: i32) -> (i32, i32) {
    %c0_i32 = arith.constant 0 : i32
    %c0_i32_0 = arith.constant 0 : i32
    %c0_i32_1 = arith.constant 0 : i32
    return %c0_i32, %c0_i32_0 : i32, i32
  }
  func.func @transform_2(%arg0: i32) -> (i32, i32) {
    %c0_i32 = arith.constant 0 : i32
    %c0_i32_0 = arith.constant 0 : i32
    %c0_i32_1 = arith.constant 0 : i32
    return %c0_i32, %c0_i32_0 : i32, i32
  }
  func.func @transform_3(%arg0: i32) -> (i32, i32) {
    %c0_i32 = arith.constant 0 : i32
    %c0_i32_0 = arith.constant 0 : i32
    %c0_i32_1 = arith.constant 0 : i32
    return %c0_i32, %c0_i32_0 : i32, i32
  }
  func.func @transform_4(%arg0: i32) -> (i32, i32) {
    %c0_i32 = arith.constant 0 : i32
    %c0_i32_0 = arith.constant 0 : i32
    return %arg0, %c0_i32 : i32, i32
  }
  func.func @transform_5(%arg0: i32) -> (i32, i32) {
    %c0_i32 = arith.constant 0 : i32
    %c0_i32_0 = arith.constant 0 : i32
    %c0_i32_1 = arith.constant 0 : i32
    return %c0_i32, %c0_i32_0 : i32, i32
  }
}

module attributes {stable_mosaic.version = 14 : i64} {
  func.func @body(%arg0: i32, %arg1: memref<8192x8xf32, #tpu.memory_space<vmem>>, %arg2: memref<8x64xf32, #tpu.memory_space<vmem>>, %arg3: memref<256x8xf32, #tpu.memory_space<vmem>>, %arg4: memref<8192x64xf32, #tpu.memory_space<vmem>>, %arg5: memref<8x64xf32, #tpu.memory_space<vmem>>) attributes {dimension_semantics = [#tpu.dimension_semantics<arbitrary>], iteration_bounds = array<i64: 16>, scalar_prefetch = 0 : i64, scratch_operands = 0 : i64, tpu.core_type = #tpu.core_type<tc>, window_params = [{transform_indices = @transform_0, window_bounds = array<i64: 8192, 8>}, {pipeline_mode = #tpu.pipeline_mode<synchronous>, transform_indices = @transform_1, window_bounds = array<i64: 8, 64>}, {transform_indices = @transform_2, window_bounds = array<i64: 256, 8>}, {transform_indices = @transform_3, window_bounds = array<i64: 8192, 64>}, {pipeline_mode = #tpu.pipeline_mode<synchronous>, transform_indices = @transform_4, window_bounds = array<i64: 8, 64>}]} {
    %get3A = arith.constant 0 : index
    %get3A_0 = arith.constant 0 : index
    %get3A_1 = vector.load %arg1[%get3A, %get3A_0] : memref<8192x8xf32, #tpu.memory_space<vmem>>, vector<8192x8xf32>
    %reshape3A = vector.shape_cast %get3A_1 : vector<8192x8xf32> to vector<256x32x8xf32>
    %get3A_2 = arith.constant 0 : index
    %get3A_3 = arith.constant 0 : index
    %get3A_4 = vector.load %arg3[%get3A_2, %get3A_3] : memref<256x8xf32, #tpu.memory_space<vmem>>, vector<256x8xf32>
    %broadcast_in_dim3A = vector.shape_cast %get3A_4 : vector<256x8xf32> to vector<256x1x8xf32>
    %add3A = vector.broadcast %broadcast_in_dim3A : vector<256x1x8xf32> to vector<256x32x8xf32>
    %add3A_5 = arith.addf %reshape3A, %add3A : vector<256x32x8xf32>
    %reshape3A_6 = vector.shape_cast %add3A_5 : vector<256x32x8xf32> to vector<8192x8xf32>
    %get3A_7 = arith.constant 0 : index
    %get3A_8 = arith.constant 0 : index
    %get3A_9 = vector.load %arg2[%get3A_7, %get3A_8] : memref<8x64xf32, #tpu.memory_space<vmem>>, vector<8x64xf32>
    %dot_general3A = arith.constant dense<0.000000e+00> : vector<8192x64xf32>
    %dot_general3A_10 = tpu.matmul %reshape3A_6, %get3A_9, %dot_general3A {dimension_numbers = #tpu.dot_dimension_numbers<[1], [0], [0], [1], [0, 0, 1, 1], [], []>, transpose_lhs_hint = false} : vector<8192x8xf32>, vector<8x64xf32>, vector<8192x64xf32> -> vector<8192x64xf32>
    %swap3A = arith.constant 0 : index
    %swap3A_11 = arith.constant 0 : index
    %swap3A_12 = vector.load %arg4[%swap3A, %swap3A_11] : memref<8192x64xf32, #tpu.memory_space<vmem>>, vector<8192x64xf32>
    tpu.vector_store %arg4[%swap3A, %swap3A_11], %dot_general3A_10 {strides = array<i32>} : memref<8192x64xf32, #tpu.memory_space<vmem>>, vector<8192x64xf32>,
    %eq3A = arith.constant 0 : i32
    %eq3A_13 = arith.cmpi eq, %arg0, %eq3A : i32
    %convert_element_type3A = arith.extui %eq3A_13 : i1 to i32
    %cond3A = arith.constant 0 : i32
    %cond3A_14 = arith.cmpi ne, %convert_element_type3A, %cond3A : i32
    scf.if %cond3A_14 {
      %broadcast_in_dim3A_34 = arith.constant 0.000000e+00 : f32
      %broadcast_in_dim3A_35 = vector.broadcast %broadcast_in_dim3A_34 : f32 to vector<8x64xf32>
      %swap3A_36 = arith.constant 0 : index
      %swap3A_37 = arith.constant 0 : index
      %swap3A_38 = vector.load %arg5[%swap3A_36, %swap3A_37] : memref<8x64xf32, #tpu.memory_space<vmem>>, vector<8x64xf32>
      tpu.vector_store %arg5[%swap3A_36, %swap3A_37], %broadcast_in_dim3A_35 {strides = array<i32>} : memref<8x64xf32, #tpu.memory_space<vmem>>, vector<8x64xf32>,
    } else {
    }
    %get3A_15 = arith.constant 0 : index
    %get3A_16 = arith.constant 0 : index
    %get3A_17 = vector.load %arg5[%get3A_15, %get3A_16] : memref<8x64xf32, #tpu.memory_space<vmem>>, vector<1x64xf32>
    %reduce_sum3A = arith.constant dense<0.000000e+00> : vector<64xf32>
    %reduce_sum3A_18 = vector.multi_reduction <add>, %dot_general3A_10, %reduce_sum3A [0] : vector<8192x64xf32> to vector<64xf32>
    %broadcast_in_dim3A_19 = vector.shape_cast %reduce_sum3A_18 : vector<64xf32> to vector<1x64xf32>
    %add3A_20 = arith.addf %get3A_17, %broadcast_in_dim3A_19 : vector<1x64xf32>
    %swap3A_21 = arith.constant 0 : index
    %swap3A_22 = arith.constant 0 : index
    %swap3A_23 = vector.load %arg5[%swap3A_21, %swap3A_22] : memref<8x64xf32, #tpu.memory_space<vmem>>, vector<1x64xf32>
    tpu.vector_store %arg5[%swap3A_21, %swap3A_22], %add3A_20 {strides = array<i32>} : memref<8x64xf32, #tpu.memory_space<vmem>>, vector<1x64xf32>,
    %get3A_24 = arith.constant 1 : index
    %get3A_25 = arith.constant 0 : index
    %get3A_26 = vector.load %arg5[%get3A_24, %get3A_25] : memref<8x64xf32, #tpu.memory_space<vmem>>, vector<1x64xf32>
    %mul3A = arith.mulf %dot_general3A_10, %dot_general3A_10 : vector<8192x64xf32>
    %reduce_sum3A_27 = arith.constant dense<0.000000e+00> : vector<64xf32>
    %reduce_sum3A_28 = vector.multi_reduction <add>, %mul3A, %reduce_sum3A_27 [0] : vector<8192x64xf32> to vector<64xf32>
    %broadcast_in_dim3A_29 = vector.shape_cast %reduce_sum3A_28 : vector<64xf32> to vector<1x64xf32>
    %add3A_30 = arith.addf %get3A_26, %broadcast_in_dim3A_29 : vector<1x64xf32>
    %swap3A_31 = arith.constant 1 : index
    %swap3A_32 = arith.constant 0 : index
    %swap3A_33 = vector.load %arg5[%swap3A_31, %swap3A_32] : memref<8x64xf32, #tpu.memory_space<vmem>>, vector<1x64xf32>
    tpu.vector_store %arg5[%swap3A_31, %swap3A_32], %add3A_30 {strides = array<i32>} : memref<8x64xf32, #tpu.memory_space<vmem>>, vector<1x64xf32>,
    return
  }
  func.func @transform_0(%arg0: i32) -> (i32, i32) {
    %c0_i32 = arith.constant 0 : i32
    %c0_i32_0 = arith.constant 0 : i32
    return %arg0, %c0_i32 : i32, i32
  }
  func.func @transform_1(%arg0: i32) -> (i32, i32) {
    %c0_i32 = arith.constant 0 : i32
    %c0_i32_0 = arith.constant 0 : i32
    %c0_i32_1 = arith.constant 0 : i32
    return %c0_i32, %c0_i32_0 : i32, i32
  }
  func.func @transform_2(%arg0: i32) -> (i32, i32) {
    %c0_i32 = arith.constant 0 : i32
    %c0_i32_0 = arith.constant 0 : i32
    return %arg0, %c0_i32 : i32, i32
  }
  func.func @transform_3(%arg0: i32) -> (i32, i32) {
    %c0_i32 = arith.constant 0 : i32
    %c0_i32_0 = arith.constant 0 : i32
    return %arg0, %c0_i32 : i32, i32
  }
  func.func @transform_4(%arg0: i32) -> (i32, i32) {
    %c0_i32 = arith.constant 0 : i32
    %c0_i32_0 = arith.constant 0 : i32
    %c0_i32_1 = arith.constant 0 : i32
    return %c0_i32, %c0_i32_0 : i32, i32
  }
}

module attributes {stable_mosaic.version = 14 : i64} {
  func.func @body(%arg0: i32, %arg1: memref<8192x64xf32, #tpu.memory_space<vmem>>, %arg2: memref<64x64xf32, #tpu.memory_space<vmem>>, %arg3: memref<1x64xf32, #tpu.memory_space<vmem>>, %arg4: memref<1x64xf32, #tpu.memory_space<vmem>>, %arg5: memref<8192x64xf32, #tpu.memory_space<vmem>>, %arg6: memref<8x64xf32, #tpu.memory_space<vmem>>) attributes {dimension_semantics = [#tpu.dimension_semantics<arbitrary>], iteration_bounds = array<i64: 16>, scalar_prefetch = 0 : i64, scratch_operands = 0 : i64, tpu.core_type = #tpu.core_type<tc>, window_params = [{transform_indices = @transform_0, window_bounds = array<i64: 8192, 64>}, {pipeline_mode = #tpu.pipeline_mode<synchronous>, transform_indices = @transform_1, window_bounds = array<i64: 64, 64>}, {pipeline_mode = #tpu.pipeline_mode<synchronous>, transform_indices = @transform_2, window_bounds = array<i64: 1, 64>}, {pipeline_mode = #tpu.pipeline_mode<synchronous>, transform_indices = @transform_3, window_bounds = array<i64: 1, 64>}, {transform_indices = @transform_4, window_bounds = array<i64: 8192, 64>}, {pipeline_mode = #tpu.pipeline_mode<synchronous>, transform_indices = @transform_5, window_bounds = array<i64: 8, 64>}]} {
    %get3A = arith.constant 0 : index
    %get3A_0 = arith.constant 0 : index
    %get3A_1 = vector.load %arg1[%get3A, %get3A_0] : memref<8192x64xf32, #tpu.memory_space<vmem>>, vector<8192x64xf32>
    %get3A_2 = arith.constant 0 : index
    %get3A_3 = arith.constant 0 : index
    %get3A_4 = vector.load %arg3[%get3A_2, %get3A_3] : memref<1x64xf32, #tpu.memory_space<vmem>>, vector<1x64xf32>
    %mul3A = vector.broadcast %get3A_4 : vector<1x64xf32> to vector<8192x64xf32>
    %mul3A_5 = arith.mulf %get3A_1, %mul3A : vector<8192x64xf32>
    %get3A_6 = arith.constant 0 : index
    %get3A_7 = arith.constant 0 : index
    %get3A_8 = vector.load %arg4[%get3A_6, %get3A_7] : memref<1x64xf32, #tpu.memory_space<vmem>>, vector<1x64xf32>
    %add3A = vector.broadcast %get3A_8 : vector<1x64xf32> to vector<8192x64xf32>
    %add3A_9 = arith.addf %mul3A_5, %add3A : vector<8192x64xf32>
    %max3A = arith.constant 0.000000e+00 : f32
    %max3A_10 = vector.broadcast %max3A : f32 to vector<8192x64xf32>
    %max3A_11 = arith.maximumf %add3A_9, %max3A_10 : vector<8192x64xf32>
    %get3A_12 = arith.constant 0 : index
    %get3A_13 = arith.constant 0 : index
    %get3A_14 = vector.load %arg2[%get3A_12, %get3A_13] : memref<64x64xf32, #tpu.memory_space<vmem>>, vector<64x64xf32>
    %dot_general3A = arith.constant dense<0.000000e+00> : vector<8192x64xf32>
    %dot_general3A_15 = tpu.matmul %max3A_11, %get3A_14, %dot_general3A {dimension_numbers = #tpu.dot_dimension_numbers<[1], [0], [0], [1], [0, 0, 1, 1], [], []>, transpose_lhs_hint = false} : vector<8192x64xf32>, vector<64x64xf32>, vector<8192x64xf32> -> vector<8192x64xf32>
    %swap3A = arith.constant 0 : index
    %swap3A_16 = arith.constant 0 : index
    %swap3A_17 = vector.load %arg5[%swap3A, %swap3A_16] : memref<8192x64xf32, #tpu.memory_space<vmem>>, vector<8192x64xf32>
    tpu.vector_store %arg5[%swap3A, %swap3A_16], %dot_general3A_15 {strides = array<i32>} : memref<8192x64xf32, #tpu.memory_space<vmem>>, vector<8192x64xf32>,
    %eq3A = arith.constant 0 : i32
    %eq3A_18 = arith.cmpi eq, %arg0, %eq3A : i32
    %convert_element_type3A = arith.extui %eq3A_18 : i1 to i32
    %cond3A = arith.constant 0 : i32
    %cond3A_19 = arith.cmpi ne, %convert_element_type3A, %cond3A : i32
    scf.if %cond3A_19 {
      %broadcast_in_dim3A_39 = arith.constant 0.000000e+00 : f32
      %broadcast_in_dim3A_40 = vector.broadcast %broadcast_in_dim3A_39 : f32 to vector<8x64xf32>
      %swap3A_41 = arith.constant 0 : index
      %swap3A_42 = arith.constant 0 : index
      %swap3A_43 = vector.load %arg6[%swap3A_41, %swap3A_42] : memref<8x64xf32, #tpu.memory_space<vmem>>, vector<8x64xf32>
      tpu.vector_store %arg6[%swap3A_41, %swap3A_42], %broadcast_in_dim3A_40 {strides = array<i32>} : memref<8x64xf32, #tpu.memory_space<vmem>>, vector<8x64xf32>,
    } else {
    }
    %get3A_20 = arith.constant 0 : index
    %get3A_21 = arith.constant 0 : index
    %get3A_22 = vector.load %arg6[%get3A_20, %get3A_21] : memref<8x64xf32, #tpu.memory_space<vmem>>, vector<1x64xf32>
    %reduce_sum3A = arith.constant dense<0.000000e+00> : vector<64xf32>
    %reduce_sum3A_23 = vector.multi_reduction <add>, %dot_general3A_15, %reduce_sum3A [0] : vector<8192x64xf32> to vector<64xf32>
    %broadcast_in_dim3A = vector.shape_cast %reduce_sum3A_23 : vector<64xf32> to vector<1x64xf32>
    %add3A_24 = arith.addf %get3A_22, %broadcast_in_dim3A : vector<1x64xf32>
    %swap3A_25 = arith.constant 0 : index
    %swap3A_26 = arith.constant 0 : index
    %swap3A_27 = vector.load %arg6[%swap3A_25, %swap3A_26] : memref<8x64xf32, #tpu.memory_space<vmem>>, vector<1x64xf32>
    tpu.vector_store %arg6[%swap3A_25, %swap3A_26], %add3A_24 {strides = array<i32>} : memref<8x64xf32, #tpu.memory_space<vmem>>, vector<1x64xf32>,
    %get3A_28 = arith.constant 1 : index
    %get3A_29 = arith.constant 0 : index
    %get3A_30 = vector.load %arg6[%get3A_28, %get3A_29] : memref<8x64xf32, #tpu.memory_space<vmem>>, vector<1x64xf32>
    %mul3A_31 = arith.mulf %dot_general3A_15, %dot_general3A_15 : vector<8192x64xf32>
    %reduce_sum3A_32 = arith.constant dense<0.000000e+00> : vector<64xf32>
    %reduce_sum3A_33 = vector.multi_reduction <add>, %mul3A_31, %reduce_sum3A_32 [0] : vector<8192x64xf32> to vector<64xf32>
    %broadcast_in_dim3A_34 = vector.shape_cast %reduce_sum3A_33 : vector<64xf32> to vector<1x64xf32>
    %add3A_35 = arith.addf %get3A_30, %broadcast_in_dim3A_34 : vector<1x64xf32>
    %swap3A_36 = arith.constant 1 : index
    %swap3A_37 = arith.constant 0 : index
    %swap3A_38 = vector.load %arg6[%swap3A_36, %swap3A_37] : memref<8x64xf32, #tpu.memory_space<vmem>>, vector<1x64xf32>
    tpu.vector_store %arg6[%swap3A_36, %swap3A_37], %add3A_35 {strides = array<i32>} : memref<8x64xf32, #tpu.memory_space<vmem>>, vector<1x64xf32>,
    return
  }
  func.func @transform_0(%arg0: i32) -> (i32, i32) {
    %c0_i32 = arith.constant 0 : i32
    %c0_i32_0 = arith.constant 0 : i32
    return %arg0, %c0_i32 : i32, i32
  }
  func.func @transform_1(%arg0: i32) -> (i32, i32) {
    %c0_i32 = arith.constant 0 : i32
    %c0_i32_0 = arith.constant 0 : i32
    %c0_i32_1 = arith.constant 0 : i32
    return %c0_i32, %c0_i32_0 : i32, i32
  }
  func.func @transform_2(%arg0: i32) -> (i32, i32) {
    %c0_i32 = arith.constant 0 : i32
    %c0_i32_0 = arith.constant 0 : i32
    %c0_i32_1 = arith.constant 0 : i32
    return %c0_i32, %c0_i32_0 : i32, i32
  }
  func.func @transform_3(%arg0: i32) -> (i32, i32) {
    %c0_i32 = arith.constant 0 : i32
    %c0_i32_0 = arith.constant 0 : i32
    %c0_i32_1 = arith.constant 0 : i32
    return %c0_i32, %c0_i32_0 : i32, i32
  }
  func.func @transform_4(%arg0: i32) -> (i32, i32) {
    %c0_i32 = arith.constant 0 : i32
    %c0_i32_0 = arith.constant 0 : i32
    return %arg0, %c0_i32 : i32, i32
  }
  func.func @transform_5(%arg0: i32) -> (i32, i32) {
    %c0_i32 = arith.constant 0 : i32
    %c0_i32_0 = arith.constant 0 : i32
    %c0_i32_1 = arith.constant 0 : i32
    return %c0_i32, %c0_i32_0 : i32, i32
  }
}

module attributes {stable_mosaic.version = 14 : i64} {
  func.func @body(%arg0: i32, %arg1: memref<8192x64xf32, #tpu.memory_space<vmem>>, %arg2: memref<64x128xf32, #tpu.memory_space<vmem>>, %arg3: memref<1x64xf32, #tpu.memory_space<vmem>>, %arg4: memref<1x64xf32, #tpu.memory_space<vmem>>, %arg5: memref<256x128xf32, #tpu.memory_space<vmem>>, %arg6: memref<8x128xf32, #tpu.memory_space<vmem>>) attributes {dimension_semantics = [#tpu.dimension_semantics<arbitrary>], iteration_bounds = array<i64: 16>, scalar_prefetch = 0 : i64, scratch_operands = 0 : i64, tpu.core_type = #tpu.core_type<tc>, window_params = [{transform_indices = @transform_0, window_bounds = array<i64: 8192, 64>}, {pipeline_mode = #tpu.pipeline_mode<synchronous>, transform_indices = @transform_1, window_bounds = array<i64: 64, 128>}, {pipeline_mode = #tpu.pipeline_mode<synchronous>, transform_indices = @transform_2, window_bounds = array<i64: 1, 64>}, {pipeline_mode = #tpu.pipeline_mode<synchronous>, transform_indices = @transform_3, window_bounds = array<i64: 1, 64>}, {transform_indices = @transform_4, window_bounds = array<i64: 256, 128>}, {pipeline_mode = #tpu.pipeline_mode<synchronous>, transform_indices = @transform_5, window_bounds = array<i64: 8, 128>}]} {
    %get3A = arith.constant 0 : index
    %get3A_0 = arith.constant 0 : index
    %get3A_1 = vector.load %arg1[%get3A, %get3A_0] : memref<8192x64xf32, #tpu.memory_space<vmem>>, vector<8192x64xf32>
    %get3A_2 = arith.constant 0 : index
    %get3A_3 = arith.constant 0 : index
    %get3A_4 = vector.load %arg3[%get3A_2, %get3A_3] : memref<1x64xf32, #tpu.memory_space<vmem>>, vector<1x64xf32>
    %mul3A = vector.broadcast %get3A_4 : vector<1x64xf32> to vector<8192x64xf32>
    %mul3A_5 = arith.mulf %get3A_1, %mul3A : vector<8192x64xf32>
    %get3A_6 = arith.constant 0 : index
    %get3A_7 = arith.constant 0 : index
    %get3A_8 = vector.load %arg4[%get3A_6, %get3A_7] : memref<1x64xf32, #tpu.memory_space<vmem>>, vector<1x64xf32>
    %add3A = vector.broadcast %get3A_8 : vector<1x64xf32> to vector<8192x64xf32>
    %add3A_9 = arith.addf %mul3A_5, %add3A : vector<8192x64xf32>
    %max3A = arith.constant 0.000000e+00 : f32
    %max3A_10 = vector.broadcast %max3A : f32 to vector<8192x64xf32>
    %max3A_11 = arith.maximumf %add3A_9, %max3A_10 : vector<8192x64xf32>
    %get3A_12 = arith.constant 0 : index
    %get3A_13 = arith.constant 0 : index
    %get3A_14 = vector.load %arg2[%get3A_12, %get3A_13] : memref<64x128xf32, #tpu.memory_space<vmem>>, vector<64x128xf32>
    %dot_general3A = arith.constant dense<0.000000e+00> : vector<8192x128xf32>
    %dot_general3A_15 = tpu.matmul %max3A_11, %get3A_14, %dot_general3A {dimension_numbers = #tpu.dot_dimension_numbers<[1], [0], [0], [1], [0, 0, 1, 1], [], []>, transpose_lhs_hint = false} : vector<8192x64xf32>, vector<64x128xf32>, vector<8192x128xf32> -> vector<8192x128xf32>
    %reshape3A = vector.shape_cast %dot_general3A_15 : vector<8192x128xf32> to vector<256x32x128xf32>
    %reduce_max3A = arith.constant dense<0xFF800000> : vector<256x128xf32>
    %reduce_max3A_16 = vector.multi_reduction <maximumf>, %reshape3A, %reduce_max3A [1] : vector<256x32x128xf32> to vector<256x128xf32>
    %swap3A = arith.constant 0 : index
    %swap3A_17 = arith.constant 0 : index
    %swap3A_18 = vector.load %arg5[%swap3A, %swap3A_17] : memref<256x128xf32, #tpu.memory_space<vmem>>, vector<256x128xf32>
    tpu.vector_store %arg5[%swap3A, %swap3A_17], %reduce_max3A_16 {strides = array<i32>} : memref<256x128xf32, #tpu.memory_space<vmem>>, vector<256x128xf32>,
    %eq3A = arith.constant 0 : i32
    %eq3A_19 = arith.cmpi eq, %arg0, %eq3A : i32
    %convert_element_type3A = arith.extui %eq3A_19 : i1 to i32
    %cond3A = arith.constant 0 : i32
    %cond3A_20 = arith.cmpi ne, %convert_element_type3A, %cond3A : i32
    scf.if %cond3A_20 {
      %broadcast_in_dim3A_40 = arith.constant 0.000000e+00 : f32
      %broadcast_in_dim3A_41 = vector.broadcast %broadcast_in_dim3A_40 : f32 to vector<8x128xf32>
      %swap3A_42 = arith.constant 0 : index
      %swap3A_43 = arith.constant 0 : index
      %swap3A_44 = vector.load %arg6[%swap3A_42, %swap3A_43] : memref<8x128xf32, #tpu.memory_space<vmem>>, vector<8x128xf32>
      tpu.vector_store %arg6[%swap3A_42, %swap3A_43], %broadcast_in_dim3A_41 {strides = array<i32>} : memref<8x128xf32, #tpu.memory_space<vmem>>, vector<8x128xf32>,
    } else {
    }
    %get3A_21 = arith.constant 0 : index
    %get3A_22 = arith.constant 0 : index
    %get3A_23 = vector.load %arg6[%get3A_21, %get3A_22] : memref<8x128xf32, #tpu.memory_space<vmem>>, vector<1x128xf32>
    %reduce_sum3A = arith.constant dense<0.000000e+00> : vector<128xf32>
    %reduce_sum3A_24 = vector.multi_reduction <add>, %dot_general3A_15, %reduce_sum3A [0] : vector<8192x128xf32> to vector<128xf32>
    %broadcast_in_dim3A = vector.shape_cast %reduce_sum3A_24 : vector<128xf32> to vector<1x128xf32>
    %add3A_25 = arith.addf %get3A_23, %broadcast_in_dim3A : vector<1x128xf32>
    %swap3A_26 = arith.constant 0 : index
    %swap3A_27 = arith.constant 0 : index
    %swap3A_28 = vector.load %arg6[%swap3A_26, %swap3A_27] : memref<8x128xf32, #tpu.memory_space<vmem>>, vector<1x128xf32>
    tpu.vector_store %arg6[%swap3A_26, %swap3A_27], %add3A_25 {strides = array<i32>} : memref<8x128xf32, #tpu.memory_space<vmem>>, vector<1x128xf32>,
    %get3A_29 = arith.constant 1 : index
    %get3A_30 = arith.constant 0 : index
    %get3A_31 = vector.load %arg6[%get3A_29, %get3A_30] : memref<8x128xf32, #tpu.memory_space<vmem>>, vector<1x128xf32>
    %mul3A_32 = arith.mulf %dot_general3A_15, %dot_general3A_15 : vector<8192x128xf32>
    %reduce_sum3A_33 = arith.constant dense<0.000000e+00> : vector<128xf32>
    %reduce_sum3A_34 = vector.multi_reduction <add>, %mul3A_32, %reduce_sum3A_33 [0] : vector<8192x128xf32> to vector<128xf32>
    %broadcast_in_dim3A_35 = vector.shape_cast %reduce_sum3A_34 : vector<128xf32> to vector<1x128xf32>
    %add3A_36 = arith.addf %get3A_31, %broadcast_in_dim3A_35 : vector<1x128xf32>
    %swap3A_37 = arith.constant 1 : index
    %swap3A_38 = arith.constant 0 : index
    %swap3A_39 = vector.load %arg6[%swap3A_37, %swap3A_38] : memref<8x128xf32, #tpu.memory_space<vmem>>, vector<1x128xf32>
    tpu.vector_store %arg6[%swap3A_37, %swap3A_38], %add3A_36 {strides = array<i32>} : memref<8x128xf32, #tpu.memory_space<vmem>>, vector<1x128xf32>,
    return
  }
  func.func @transform_0(%arg0: i32) -> (i32, i32) {
    %c0_i32 = arith.constant 0 : i32
    %c0_i32_0 = arith.constant 0 : i32
    return %arg0, %c0_i32 : i32, i32
  }
  func.func @transform_1(%arg0: i32) -> (i32, i32) {
    %c0_i32 = arith.constant 0 : i32
    %c0_i32_0 = arith.constant 0 : i32
    %c0_i32_1 = arith.constant 0 : i32
    return %c0_i32, %c0_i32_0 : i32, i32
  }
  func.func @transform_2(%arg0: i32) -> (i32, i32) {
    %c0_i32 = arith.constant 0 : i32
    %c0_i32_0 = arith.constant 0 : i32
    %c0_i32_1 = arith.constant 0 : i32
    return %c0_i32, %c0_i32_0 : i32, i32
  }
  func.func @transform_3(%arg0: i32) -> (i32, i32) {
    %c0_i32 = arith.constant 0 : i32
    %c0_i32_0 = arith.constant 0 : i32
    %c0_i32_1 = arith.constant 0 : i32
    return %c0_i32, %c0_i32_0 : i32, i32
  }
  func.func @transform_4(%arg0: i32) -> (i32, i32) {
    %c0_i32 = arith.constant 0 : i32
    %c0_i32_0 = arith.constant 0 : i32
    return %arg0, %c0_i32 : i32, i32
  }
  func.func @transform_5(%arg0: i32) -> (i32, i32) {
    %c0_i32 = arith.constant 0 : i32
    %c0_i32_0 = arith.constant 0 : i32
    %c0_i32_1 = arith.constant 0 : i32
    return %c0_i32, %c0_i32_0 : i32, i32
  }
}

module attributes {stable_mosaic.version = 14 : i64} {
  func.func @body(%arg0: i32, %arg1: memref<8192x8xf32, #tpu.memory_space<vmem>>, %arg2: memref<8x32xf32, #tpu.memory_space<vmem>>, %arg3: memref<512x8xf32, #tpu.memory_space<vmem>>, %arg4: memref<8192x32xf32, #tpu.memory_space<vmem>>, %arg5: memref<8x32xf32, #tpu.memory_space<vmem>>) attributes {dimension_semantics = [#tpu.dimension_semantics<arbitrary>], iteration_bounds = array<i64: 8>, scalar_prefetch = 0 : i64, scratch_operands = 0 : i64, tpu.core_type = #tpu.core_type<tc>, window_params = [{transform_indices = @transform_0, window_bounds = array<i64: 8192, 8>}, {pipeline_mode = #tpu.pipeline_mode<synchronous>, transform_indices = @transform_1, window_bounds = array<i64: 8, 32>}, {transform_indices = @transform_2, window_bounds = array<i64: 512, 8>}, {transform_indices = @transform_3, window_bounds = array<i64: 8192, 32>}, {pipeline_mode = #tpu.pipeline_mode<synchronous>, transform_indices = @transform_4, window_bounds = array<i64: 8, 32>}]} {
    %get3A = arith.constant 0 : index
    %get3A_0 = arith.constant 0 : index
    %get3A_1 = vector.load %arg1[%get3A, %get3A_0] : memref<8192x8xf32, #tpu.memory_space<vmem>>, vector<8192x8xf32>
    %reshape3A = vector.shape_cast %get3A_1 : vector<8192x8xf32> to vector<512x16x8xf32>
    %get3A_2 = arith.constant 0 : index
    %get3A_3 = arith.constant 0 : index
    %get3A_4 = vector.load %arg3[%get3A_2, %get3A_3] : memref<512x8xf32, #tpu.memory_space<vmem>>, vector<512x8xf32>
    %broadcast_in_dim3A = vector.shape_cast %get3A_4 : vector<512x8xf32> to vector<512x1x8xf32>
    %add3A = vector.broadcast %broadcast_in_dim3A : vector<512x1x8xf32> to vector<512x16x8xf32>
    %add3A_5 = arith.addf %reshape3A, %add3A : vector<512x16x8xf32>
    %reshape3A_6 = vector.shape_cast %add3A_5 : vector<512x16x8xf32> to vector<8192x8xf32>
    %get3A_7 = arith.constant 0 : index
    %get3A_8 = arith.constant 0 : index
    %get3A_9 = vector.load %arg2[%get3A_7, %get3A_8] : memref<8x32xf32, #tpu.memory_space<vmem>>, vector<8x32xf32>
    %dot_general3A = arith.constant dense<0.000000e+00> : vector<8192x32xf32>
    %dot_general3A_10 = tpu.matmul %reshape3A_6, %get3A_9, %dot_general3A {dimension_numbers = #tpu.dot_dimension_numbers<[1], [0], [0], [1], [0, 0, 1, 1], [], []>, transpose_lhs_hint = false} : vector<8192x8xf32>, vector<8x32xf32>, vector<8192x32xf32> -> vector<8192x32xf32>
    %swap3A = arith.constant 0 : index
    %swap3A_11 = arith.constant 0 : index
    %swap3A_12 = vector.load %arg4[%swap3A, %swap3A_11] : memref<8192x32xf32, #tpu.memory_space<vmem>>, vector<8192x32xf32>
    tpu.vector_store %arg4[%swap3A, %swap3A_11], %dot_general3A_10 {strides = array<i32>} : memref<8192x32xf32, #tpu.memory_space<vmem>>, vector<8192x32xf32>,
    %eq3A = arith.constant 0 : i32
    %eq3A_13 = arith.cmpi eq, %arg0, %eq3A : i32
    %convert_element_type3A = arith.extui %eq3A_13 : i1 to i32
    %cond3A = arith.constant 0 : i32
    %cond3A_14 = arith.cmpi ne, %convert_element_type3A, %cond3A : i32
    scf.if %cond3A_14 {
      %broadcast_in_dim3A_34 = arith.constant 0.000000e+00 : f32
      %broadcast_in_dim3A_35 = vector.broadcast %broadcast_in_dim3A_34 : f32 to vector<8x32xf32>
      %swap3A_36 = arith.constant 0 : index
      %swap3A_37 = arith.constant 0 : index
      %swap3A_38 = vector.load %arg5[%swap3A_36, %swap3A_37] : memref<8x32xf32, #tpu.memory_space<vmem>>, vector<8x32xf32>
      tpu.vector_store %arg5[%swap3A_36, %swap3A_37], %broadcast_in_dim3A_35 {strides = array<i32>} : memref<8x32xf32, #tpu.memory_space<vmem>>, vector<8x32xf32>,
    } else {
    }
    %get3A_15 = arith.constant 0 : index
    %get3A_16 = arith.constant 0 : index
    %get3A_17 = vector.load %arg5[%get3A_15, %get3A_16] : memref<8x32xf32, #tpu.memory_space<vmem>>, vector<1x32xf32>
    %reduce_sum3A = arith.constant dense<0.000000e+00> : vector<32xf32>
    %reduce_sum3A_18 = vector.multi_reduction <add>, %dot_general3A_10, %reduce_sum3A [0] : vector<8192x32xf32> to vector<32xf32>
    %broadcast_in_dim3A_19 = vector.shape_cast %reduce_sum3A_18 : vector<32xf32> to vector<1x32xf32>
    %add3A_20 = arith.addf %get3A_17, %broadcast_in_dim3A_19 : vector<1x32xf32>
    %swap3A_21 = arith.constant 0 : index
    %swap3A_22 = arith.constant 0 : index
    %swap3A_23 = vector.load %arg5[%swap3A_21, %swap3A_22] : memref<8x32xf32, #tpu.memory_space<vmem>>, vector<1x32xf32>
    tpu.vector_store %arg5[%swap3A_21, %swap3A_22], %add3A_20 {strides = array<i32>} : memref<8x32xf32, #tpu.memory_space<vmem>>, vector<1x32xf32>,
    %get3A_24 = arith.constant 1 : index
    %get3A_25 = arith.constant 0 : index
    %get3A_26 = vector.load %arg5[%get3A_24, %get3A_25] : memref<8x32xf32, #tpu.memory_space<vmem>>, vector<1x32xf32>
    %mul3A = arith.mulf %dot_general3A_10, %dot_general3A_10 : vector<8192x32xf32>
    %reduce_sum3A_27 = arith.constant dense<0.000000e+00> : vector<32xf32>
    %reduce_sum3A_28 = vector.multi_reduction <add>, %mul3A, %reduce_sum3A_27 [0] : vector<8192x32xf32> to vector<32xf32>
    %broadcast_in_dim3A_29 = vector.shape_cast %reduce_sum3A_28 : vector<32xf32> to vector<1x32xf32>
    %add3A_30 = arith.addf %get3A_26, %broadcast_in_dim3A_29 : vector<1x32xf32>
    %swap3A_31 = arith.constant 1 : index
    %swap3A_32 = arith.constant 0 : index
    %swap3A_33 = vector.load %arg5[%swap3A_31, %swap3A_32] : memref<8x32xf32, #tpu.memory_space<vmem>>, vector<1x32xf32>
    tpu.vector_store %arg5[%swap3A_31, %swap3A_32], %add3A_30 {strides = array<i32>} : memref<8x32xf32, #tpu.memory_space<vmem>>, vector<1x32xf32>,
    return
  }
  func.func @transform_0(%arg0: i32) -> (i32, i32) {
    %c0_i32 = arith.constant 0 : i32
    %c0_i32_0 = arith.constant 0 : i32
    return %arg0, %c0_i32 : i32, i32
  }
  func.func @transform_1(%arg0: i32) -> (i32, i32) {
    %c0_i32 = arith.constant 0 : i32
    %c0_i32_0 = arith.constant 0 : i32
    %c0_i32_1 = arith.constant 0 : i32
    return %c0_i32, %c0_i32_0 : i32, i32
  }
  func.func @transform_2(%arg0: i32) -> (i32, i32) {
    %c0_i32 = arith.constant 0 : i32
    %c0_i32_0 = arith.constant 0 : i32
    return %arg0, %c0_i32 : i32, i32
  }
  func.func @transform_3(%arg0: i32) -> (i32, i32) {
    %c0_i32 = arith.constant 0 : i32
    %c0_i32_0 = arith.constant 0 : i32
    return %arg0, %c0_i32 : i32, i32
  }
  func.func @transform_4(%arg0: i32) -> (i32, i32) {
    %c0_i32 = arith.constant 0 : i32
    %c0_i32_0 = arith.constant 0 : i32
    %c0_i32_1 = arith.constant 0 : i32
    return %c0_i32, %c0_i32_0 : i32, i32
  }
}

module attributes {stable_mosaic.version = 14 : i64} {
  func.func @body(%arg0: i32, %arg1: memref<8192x32xf32, #tpu.memory_space<vmem>>, %arg2: memref<32x32xf32, #tpu.memory_space<vmem>>, %arg3: memref<1x32xf32, #tpu.memory_space<vmem>>, %arg4: memref<1x32xf32, #tpu.memory_space<vmem>>, %arg5: memref<8192x32xf32, #tpu.memory_space<vmem>>, %arg6: memref<8x32xf32, #tpu.memory_space<vmem>>) attributes {dimension_semantics = [#tpu.dimension_semantics<arbitrary>], iteration_bounds = array<i64: 8>, scalar_prefetch = 0 : i64, scratch_operands = 0 : i64, tpu.core_type = #tpu.core_type<tc>, window_params = [{transform_indices = @transform_0, window_bounds = array<i64: 8192, 32>}, {pipeline_mode = #tpu.pipeline_mode<synchronous>, transform_indices = @transform_1, window_bounds = array<i64: 32, 32>}, {pipeline_mode = #tpu.pipeline_mode<synchronous>, transform_indices = @transform_2, window_bounds = array<i64: 1, 32>}, {pipeline_mode = #tpu.pipeline_mode<synchronous>, transform_indices = @transform_3, window_bounds = array<i64: 1, 32>}, {transform_indices = @transform_4, window_bounds = array<i64: 8192, 32>}, {pipeline_mode = #tpu.pipeline_mode<synchronous>, transform_indices = @transform_5, window_bounds = array<i64: 8, 32>}]} {
    %get3A = arith.constant 0 : index
    %get3A_0 = arith.constant 0 : index
    %get3A_1 = vector.load %arg1[%get3A, %get3A_0] : memref<8192x32xf32, #tpu.memory_space<vmem>>, vector<8192x32xf32>
    %get3A_2 = arith.constant 0 : index
    %get3A_3 = arith.constant 0 : index
    %get3A_4 = vector.load %arg3[%get3A_2, %get3A_3] : memref<1x32xf32, #tpu.memory_space<vmem>>, vector<1x32xf32>
    %mul3A = vector.broadcast %get3A_4 : vector<1x32xf32> to vector<8192x32xf32>
    %mul3A_5 = arith.mulf %get3A_1, %mul3A : vector<8192x32xf32>
    %get3A_6 = arith.constant 0 : index
    %get3A_7 = arith.constant 0 : index
    %get3A_8 = vector.load %arg4[%get3A_6, %get3A_7] : memref<1x32xf32, #tpu.memory_space<vmem>>, vector<1x32xf32>
    %add3A = vector.broadcast %get3A_8 : vector<1x32xf32> to vector<8192x32xf32>
    %add3A_9 = arith.addf %mul3A_5, %add3A : vector<8192x32xf32>
    %max3A = arith.constant 0.000000e+00 : f32
    %max3A_10 = vector.broadcast %max3A : f32 to vector<8192x32xf32>
    %max3A_11 = arith.maximumf %add3A_9, %max3A_10 : vector<8192x32xf32>
    %get3A_12 = arith.constant 0 : index
    %get3A_13 = arith.constant 0 : index
    %get3A_14 = vector.load %arg2[%get3A_12, %get3A_13] : memref<32x32xf32, #tpu.memory_space<vmem>>, vector<32x32xf32>
    %dot_general3A = arith.constant dense<0.000000e+00> : vector<8192x32xf32>
    %dot_general3A_15 = tpu.matmul %max3A_11, %get3A_14, %dot_general3A {dimension_numbers = #tpu.dot_dimension_numbers<[1], [0], [0], [1], [0, 0, 1, 1], [], []>, transpose_lhs_hint = false} : vector<8192x32xf32>, vector<32x32xf32>, vector<8192x32xf32> -> vector<8192x32xf32>
    %swap3A = arith.constant 0 : index
    %swap3A_16 = arith.constant 0 : index
    %swap3A_17 = vector.load %arg5[%swap3A, %swap3A_16] : memref<8192x32xf32, #tpu.memory_space<vmem>>, vector<8192x32xf32>
    tpu.vector_store %arg5[%swap3A, %swap3A_16], %dot_general3A_15 {strides = array<i32>} : memref<8192x32xf32, #tpu.memory_space<vmem>>, vector<8192x32xf32>,
    %eq3A = arith.constant 0 : i32
    %eq3A_18 = arith.cmpi eq, %arg0, %eq3A : i32
    %convert_element_type3A = arith.extui %eq3A_18 : i1 to i32
    %cond3A = arith.constant 0 : i32
    %cond3A_19 = arith.cmpi ne, %convert_element_type3A, %cond3A : i32
    scf.if %cond3A_19 {
      %broadcast_in_dim3A_39 = arith.constant 0.000000e+00 : f32
      %broadcast_in_dim3A_40 = vector.broadcast %broadcast_in_dim3A_39 : f32 to vector<8x32xf32>
      %swap3A_41 = arith.constant 0 : index
      %swap3A_42 = arith.constant 0 : index
      %swap3A_43 = vector.load %arg6[%swap3A_41, %swap3A_42] : memref<8x32xf32, #tpu.memory_space<vmem>>, vector<8x32xf32>
      tpu.vector_store %arg6[%swap3A_41, %swap3A_42], %broadcast_in_dim3A_40 {strides = array<i32>} : memref<8x32xf32, #tpu.memory_space<vmem>>, vector<8x32xf32>,
    } else {
    }
    %get3A_20 = arith.constant 0 : index
    %get3A_21 = arith.constant 0 : index
    %get3A_22 = vector.load %arg6[%get3A_20, %get3A_21] : memref<8x32xf32, #tpu.memory_space<vmem>>, vector<1x32xf32>
    %reduce_sum3A = arith.constant dense<0.000000e+00> : vector<32xf32>
    %reduce_sum3A_23 = vector.multi_reduction <add>, %dot_general3A_15, %reduce_sum3A [0] : vector<8192x32xf32> to vector<32xf32>
    %broadcast_in_dim3A = vector.shape_cast %reduce_sum3A_23 : vector<32xf32> to vector<1x32xf32>
    %add3A_24 = arith.addf %get3A_22, %broadcast_in_dim3A : vector<1x32xf32>
    %swap3A_25 = arith.constant 0 : index
    %swap3A_26 = arith.constant 0 : index
    %swap3A_27 = vector.load %arg6[%swap3A_25, %swap3A_26] : memref<8x32xf32, #tpu.memory_space<vmem>>, vector<1x32xf32>
    tpu.vector_store %arg6[%swap3A_25, %swap3A_26], %add3A_24 {strides = array<i32>} : memref<8x32xf32, #tpu.memory_space<vmem>>, vector<1x32xf32>,
    %get3A_28 = arith.constant 1 : index
    %get3A_29 = arith.constant 0 : index
    %get3A_30 = vector.load %arg6[%get3A_28, %get3A_29] : memref<8x32xf32, #tpu.memory_space<vmem>>, vector<1x32xf32>
    %mul3A_31 = arith.mulf %dot_general3A_15, %dot_general3A_15 : vector<8192x32xf32>
    %reduce_sum3A_32 = arith.constant dense<0.000000e+00> : vector<32xf32>
    %reduce_sum3A_33 = vector.multi_reduction <add>, %mul3A_31, %reduce_sum3A_32 [0] : vector<8192x32xf32> to vector<32xf32>
    %broadcast_in_dim3A_34 = vector.shape_cast %reduce_sum3A_33 : vector<32xf32> to vector<1x32xf32>
    %add3A_35 = arith.addf %get3A_30, %broadcast_in_dim3A_34 : vector<1x32xf32>
    %swap3A_36 = arith.constant 1 : index
    %swap3A_37 = arith.constant 0 : index
    %swap3A_38 = vector.load %arg6[%swap3A_36, %swap3A_37] : memref<8x32xf32, #tpu.memory_space<vmem>>, vector<1x32xf32>
    tpu.vector_store %arg6[%swap3A_36, %swap3A_37], %add3A_35 {strides = array<i32>} : memref<8x32xf32, #tpu.memory_space<vmem>>, vector<1x32xf32>,
    return
  }
  func.func @transform_0(%arg0: i32) -> (i32, i32) {
    %c0_i32 = arith.constant 0 : i32
    %c0_i32_0 = arith.constant 0 : i32
    return %arg0, %c0_i32 : i32, i32
  }
  func.func @transform_1(%arg0: i32) -> (i32, i32) {
    %c0_i32 = arith.constant 0 : i32
    %c0_i32_0 = arith.constant 0 : i32
    %c0_i32_1 = arith.constant 0 : i32
    return %c0_i32, %c0_i32_0 : i32, i32
  }
  func.func @transform_2(%arg0: i32) -> (i32, i32) {
    %c0_i32 = arith.constant 0 : i32
    %c0_i32_0 = arith.constant 0 : i32
    %c0_i32_1 = arith.constant 0 : i32
    return %c0_i32, %c0_i32_0 : i32, i32
  }
  func.func @transform_3(%arg0: i32) -> (i32, i32) {
    %c0_i32 = arith.constant 0 : i32
    %c0_i32_0 = arith.constant 0 : i32
    %c0_i32_1 = arith.constant 0 : i32
    return %c0_i32, %c0_i32_0 : i32, i32
  }
  func.func @transform_4(%arg0: i32) -> (i32, i32) {
    %c0_i32 = arith.constant 0 : i32
    %c0_i32_0 = arith.constant 0 : i32
    return %arg0, %c0_i32 : i32, i32
  }
  func.func @transform_5(%arg0: i32) -> (i32, i32) {
    %c0_i32 = arith.constant 0 : i32
    %c0_i32_0 = arith.constant 0 : i32
    %c0_i32_1 = arith.constant 0 : i32
    return %c0_i32, %c0_i32_0 : i32, i32
  }
}

module attributes {stable_mosaic.version = 14 : i64} {
  func.func @body(%arg0: i32, %arg1: memref<8192x32xf32, #tpu.memory_space<vmem>>, %arg2: memref<32x64xf32, #tpu.memory_space<vmem>>, %arg3: memref<1x32xf32, #tpu.memory_space<vmem>>, %arg4: memref<1x32xf32, #tpu.memory_space<vmem>>, %arg5: memref<512x64xf32, #tpu.memory_space<vmem>>, %arg6: memref<8x64xf32, #tpu.memory_space<vmem>>) attributes {dimension_semantics = [#tpu.dimension_semantics<arbitrary>], iteration_bounds = array<i64: 8>, scalar_prefetch = 0 : i64, scratch_operands = 0 : i64, tpu.core_type = #tpu.core_type<tc>, window_params = [{transform_indices = @transform_0, window_bounds = array<i64: 8192, 32>}, {pipeline_mode = #tpu.pipeline_mode<synchronous>, transform_indices = @transform_1, window_bounds = array<i64: 32, 64>}, {pipeline_mode = #tpu.pipeline_mode<synchronous>, transform_indices = @transform_2, window_bounds = array<i64: 1, 32>}, {pipeline_mode = #tpu.pipeline_mode<synchronous>, transform_indices = @transform_3, window_bounds = array<i64: 1, 32>}, {transform_indices = @transform_4, window_bounds = array<i64: 512, 64>}, {pipeline_mode = #tpu.pipeline_mode<synchronous>, transform_indices = @transform_5, window_bounds = array<i64: 8, 64>}]} {
    %get3A = arith.constant 0 : index
    %get3A_0 = arith.constant 0 : index
    %get3A_1 = vector.load %arg1[%get3A, %get3A_0] : memref<8192x32xf32, #tpu.memory_space<vmem>>, vector<8192x32xf32>
    %get3A_2 = arith.constant 0 : index
    %get3A_3 = arith.constant 0 : index
    %get3A_4 = vector.load %arg3[%get3A_2, %get3A_3] : memref<1x32xf32, #tpu.memory_space<vmem>>, vector<1x32xf32>
    %mul3A = vector.broadcast %get3A_4 : vector<1x32xf32> to vector<8192x32xf32>
    %mul3A_5 = arith.mulf %get3A_1, %mul3A : vector<8192x32xf32>
    %get3A_6 = arith.constant 0 : index
    %get3A_7 = arith.constant 0 : index
    %get3A_8 = vector.load %arg4[%get3A_6, %get3A_7] : memref<1x32xf32, #tpu.memory_space<vmem>>, vector<1x32xf32>
    %add3A = vector.broadcast %get3A_8 : vector<1x32xf32> to vector<8192x32xf32>
    %add3A_9 = arith.addf %mul3A_5, %add3A : vector<8192x32xf32>
    %max3A = arith.constant 0.000000e+00 : f32
    %max3A_10 = vector.broadcast %max3A : f32 to vector<8192x32xf32>
    %max3A_11 = arith.maximumf %add3A_9, %max3A_10 : vector<8192x32xf32>
    %get3A_12 = arith.constant 0 : index
    %get3A_13 = arith.constant 0 : index
    %get3A_14 = vector.load %arg2[%get3A_12, %get3A_13] : memref<32x64xf32, #tpu.memory_space<vmem>>, vector<32x64xf32>
    %dot_general3A = arith.constant dense<0.000000e+00> : vector<8192x64xf32>
    %dot_general3A_15 = tpu.matmul %max3A_11, %get3A_14, %dot_general3A {dimension_numbers = #tpu.dot_dimension_numbers<[1], [0], [0], [1], [0, 0, 1, 1], [], []>, transpose_lhs_hint = false} : vector<8192x32xf32>, vector<32x64xf32>, vector<8192x64xf32> -> vector<8192x64xf32>
    %reshape3A = vector.shape_cast %dot_general3A_15 : vector<8192x64xf32> to vector<512x16x64xf32>
    %reduce_max3A = arith.constant dense<0xFF800000> : vector<512x64xf32>
    %reduce_max3A_16 = vector.multi_reduction <maximumf>, %reshape3A, %reduce_max3A [1] : vector<512x16x64xf32> to vector<512x64xf32>
    %swap3A = arith.constant 0 : index
    %swap3A_17 = arith.constant 0 : index
    %swap3A_18 = vector.load %arg5[%swap3A, %swap3A_17] : memref<512x64xf32, #tpu.memory_space<vmem>>, vector<512x64xf32>
    tpu.vector_store %arg5[%swap3A, %swap3A_17], %reduce_max3A_16 {strides = array<i32>} : memref<512x64xf32, #tpu.memory_space<vmem>>, vector<512x64xf32>,
    %eq3A = arith.constant 0 : i32
    %eq3A_19 = arith.cmpi eq, %arg0, %eq3A : i32
    %convert_element_type3A = arith.extui %eq3A_19 : i1 to i32
    %cond3A = arith.constant 0 : i32
    %cond3A_20 = arith.cmpi ne, %convert_element_type3A, %cond3A : i32
    scf.if %cond3A_20 {
      %broadcast_in_dim3A_40 = arith.constant 0.000000e+00 : f32
      %broadcast_in_dim3A_41 = vector.broadcast %broadcast_in_dim3A_40 : f32 to vector<8x64xf32>
      %swap3A_42 = arith.constant 0 : index
      %swap3A_43 = arith.constant 0 : index
      %swap3A_44 = vector.load %arg6[%swap3A_42, %swap3A_43] : memref<8x64xf32, #tpu.memory_space<vmem>>, vector<8x64xf32>
      tpu.vector_store %arg6[%swap3A_42, %swap3A_43], %broadcast_in_dim3A_41 {strides = array<i32>} : memref<8x64xf32, #tpu.memory_space<vmem>>, vector<8x64xf32>,
    } else {
    }
    %get3A_21 = arith.constant 0 : index
    %get3A_22 = arith.constant 0 : index
    %get3A_23 = vector.load %arg6[%get3A_21, %get3A_22] : memref<8x64xf32, #tpu.memory_space<vmem>>, vector<1x64xf32>
    %reduce_sum3A = arith.constant dense<0.000000e+00> : vector<64xf32>
    %reduce_sum3A_24 = vector.multi_reduction <add>, %dot_general3A_15, %reduce_sum3A [0] : vector<8192x64xf32> to vector<64xf32>
    %broadcast_in_dim3A = vector.shape_cast %reduce_sum3A_24 : vector<64xf32> to vector<1x64xf32>
    %add3A_25 = arith.addf %get3A_23, %broadcast_in_dim3A : vector<1x64xf32>
    %swap3A_26 = arith.constant 0 : index
    %swap3A_27 = arith.constant 0 : index
    %swap3A_28 = vector.load %arg6[%swap3A_26, %swap3A_27] : memref<8x64xf32, #tpu.memory_space<vmem>>, vector<1x64xf32>
    tpu.vector_store %arg6[%swap3A_26, %swap3A_27], %add3A_25 {strides = array<i32>} : memref<8x64xf32, #tpu.memory_space<vmem>>, vector<1x64xf32>,
    %get3A_29 = arith.constant 1 : index
    %get3A_30 = arith.constant 0 : index
    %get3A_31 = vector.load %arg6[%get3A_29, %get3A_30] : memref<8x64xf32, #tpu.memory_space<vmem>>, vector<1x64xf32>
    %mul3A_32 = arith.mulf %dot_general3A_15, %dot_general3A_15 : vector<8192x64xf32>
    %reduce_sum3A_33 = arith.constant dense<0.000000e+00> : vector<64xf32>
    %reduce_sum3A_34 = vector.multi_reduction <add>, %mul3A_32, %reduce_sum3A_33 [0] : vector<8192x64xf32> to vector<64xf32>
    %broadcast_in_dim3A_35 = vector.shape_cast %reduce_sum3A_34 : vector<64xf32> to vector<1x64xf32>
    %add3A_36 = arith.addf %get3A_31, %broadcast_in_dim3A_35 : vector<1x64xf32>
    %swap3A_37 = arith.constant 1 : index
    %swap3A_38 = arith.constant 0 : index
    %swap3A_39 = vector.load %arg6[%swap3A_37, %swap3A_38] : memref<8x64xf32, #tpu.memory_space<vmem>>, vector<1x64xf32>
    tpu.vector_store %arg6[%swap3A_37, %swap3A_38], %add3A_36 {strides = array<i32>} : memref<8x64xf32, #tpu.memory_space<vmem>>, vector<1x64xf32>,
    return
  }
  func.func @transform_0(%arg0: i32) -> (i32, i32) {
    %c0_i32 = arith.constant 0 : i32
    %c0_i32_0 = arith.constant 0 : i32
    return %arg0, %c0_i32 : i32, i32
  }
  func.func @transform_1(%arg0: i32) -> (i32, i32) {
    %c0_i32 = arith.constant 0 : i32
    %c0_i32_0 = arith.constant 0 : i32
    %c0_i32_1 = arith.constant 0 : i32
    return %c0_i32, %c0_i32_0 : i32, i32
  }
  func.func @transform_2(%arg0: i32) -> (i32, i32) {
    %c0_i32 = arith.constant 0 : i32
    %c0_i32_0 = arith.constant 0 : i32
    %c0_i32_1 = arith.constant 0 : i32
    return %c0_i32, %c0_i32_0 : i32, i32
  }
  func.func @transform_3(%arg0: i32) -> (i32, i32) {
    %c0_i32 = arith.constant 0 : i32
    %c0_i32_0 = arith.constant 0 : i32
    %c0_i32_1 = arith.constant 0 : i32
    return %c0_i32, %c0_i32_0 : i32, i32
  }
  func.func @transform_4(%arg0: i32) -> (i32, i32) {
    %c0_i32 = arith.constant 0 : i32
    %c0_i32_0 = arith.constant 0 : i32
    return %arg0, %c0_i32 : i32, i32
  }
  func.func @transform_5(%arg0: i32) -> (i32, i32) {
    %c0_i32 = arith.constant 0 : i32
    %c0_i32_0 = arith.constant 0 : i32
    %c0_i32_1 = arith.constant 0 : i32
    return %c0_i32, %c0_i32_0 : i32, i32
  }
}

module attributes {stable_mosaic.version = 14 : i64} {
  func.func @body(%arg0: memref<4096x128xf32, #tpu.memory_space<vmem>>, %arg1: memref<1x128xf32, #tpu.memory_space<vmem>>, %arg2: memref<1x128xf32, #tpu.memory_space<vmem>>, %arg3: memref<4096x128xf32, #tpu.memory_space<vmem>>) attributes {dimension_semantics = [], scalar_prefetch = 0 : i64, scratch_operands = 0 : i64, tpu.core_type = #tpu.core_type<tc>} {
    %get3A = arith.constant 0 : index
    %get3A_0 = arith.constant 0 : index
    %get3A_1 = vector.load %arg0[%get3A, %get3A_0] : memref<4096x128xf32, #tpu.memory_space<vmem>>, vector<4096x128xf32>
    %get3A_2 = arith.constant 0 : index
    %get3A_3 = arith.constant 0 : index
    %get3A_4 = vector.load %arg1[%get3A_2, %get3A_3] : memref<1x128xf32, #tpu.memory_space<vmem>>, vector<1x128xf32>
    %mul3A = vector.broadcast %get3A_4 : vector<1x128xf32> to vector<4096x128xf32>
    %mul3A_5 = arith.mulf %get3A_1, %mul3A : vector<4096x128xf32>
    %get3A_6 = arith.constant 0 : index
    %get3A_7 = arith.constant 0 : index
    %get3A_8 = vector.load %arg2[%get3A_6, %get3A_7] : memref<1x128xf32, #tpu.memory_space<vmem>>, vector<1x128xf32>
    %add3A = vector.broadcast %get3A_8 : vector<1x128xf32> to vector<4096x128xf32>
    %add3A_9 = arith.addf %mul3A_5, %add3A : vector<4096x128xf32>
    %max3A = arith.constant 0.000000e+00 : f32
    %max3A_10 = vector.broadcast %max3A : f32 to vector<4096x128xf32>
    %max3A_11 = arith.maximumf %add3A_9, %max3A_10 : vector<4096x128xf32>
    %swap3A = arith.constant 0 : index
    %swap3A_12 = arith.constant 0 : index
    %swap3A_13 = vector.load %arg3[%swap3A, %swap3A_12] : memref<4096x128xf32, #tpu.memory_space<vmem>>, vector<4096x128xf32>
    tpu.vector_store %arg3[%swap3A, %swap3A_12], %max3A_11 {strides = array<i32>} : memref<4096x128xf32, #tpu.memory_space<vmem>>, vector<4096x128xf32>,
    return
  }
}

module attributes {stable_mosaic.version = 14 : i64} {
  func.func @body(%arg0: memref<4096x64xf32, #tpu.memory_space<vmem>>, %arg1: memref<1x64xf32, #tpu.memory_space<vmem>>, %arg2: memref<1x64xf32, #tpu.memory_space<vmem>>, %arg3: memref<4096x64xf32, #tpu.memory_space<vmem>>) attributes {dimension_semantics = [], scalar_prefetch = 0 : i64, scratch_operands = 0 : i64, tpu.core_type = #tpu.core_type<tc>} {
    %get3A = arith.constant 0 : index
    %get3A_0 = arith.constant 0 : index
    %get3A_1 = vector.load %arg0[%get3A, %get3A_0] : memref<4096x64xf32, #tpu.memory_space<vmem>>, vector<4096x64xf32>
    %get3A_2 = arith.constant 0 : index
    %get3A_3 = arith.constant 0 : index
    %get3A_4 = vector.load %arg1[%get3A_2, %get3A_3] : memref<1x64xf32, #tpu.memory_space<vmem>>, vector<1x64xf32>
    %mul3A = vector.broadcast %get3A_4 : vector<1x64xf32> to vector<4096x64xf32>
    %mul3A_5 = arith.mulf %get3A_1, %mul3A : vector<4096x64xf32>
    %get3A_6 = arith.constant 0 : index
    %get3A_7 = arith.constant 0 : index
    %get3A_8 = vector.load %arg2[%get3A_6, %get3A_7] : memref<1x64xf32, #tpu.memory_space<vmem>>, vector<1x64xf32>
    %add3A = vector.broadcast %get3A_8 : vector<1x64xf32> to vector<4096x64xf32>
    %add3A_9 = arith.addf %mul3A_5, %add3A : vector<4096x64xf32>
    %max3A = arith.constant 0.000000e+00 : f32
    %max3A_10 = vector.broadcast %max3A : f32 to vector<4096x64xf32>
    %max3A_11 = arith.maximumf %add3A_9, %max3A_10 : vector<4096x64xf32>
    %swap3A = arith.constant 0 : index
    %swap3A_12 = arith.constant 0 : index
    %swap3A_13 = vector.load %arg3[%swap3A, %swap3A_12] : memref<4096x64xf32, #tpu.memory_space<vmem>>, vector<4096x64xf32>
    tpu.vector_store %arg3[%swap3A, %swap3A_12], %max3A_11 {strides = array<i32>} : memref<4096x64xf32, #tpu.memory_space<vmem>>, vector<4096x64xf32>,
    return
  }
}

module attributes {stable_mosaic.version = 14 : i64} {
  func.func @body(%arg0: i32, %arg1: memref<4096x384xf32, #tpu.memory_space<vmem>>, %arg2: memref<384x64xf32, #tpu.memory_space<vmem>>, %arg3: memref<4096x64xf32, #tpu.memory_space<vmem>>, %arg4: memref<8x64xf32, #tpu.memory_space<vmem>>) attributes {dimension_semantics = [#tpu.dimension_semantics<arbitrary>], iteration_bounds = array<i64: 1>, scalar_prefetch = 0 : i64, scratch_operands = 0 : i64, tpu.core_type = #tpu.core_type<tc>, window_params = [{transform_indices = @transform_0, window_bounds = array<i64: 4096, 384>}, {pipeline_mode = #tpu.pipeline_mode<synchronous>, transform_indices = @transform_1, window_bounds = array<i64: 384, 64>}, {transform_indices = @transform_2, window_bounds = array<i64: 4096, 64>}, {pipeline_mode = #tpu.pipeline_mode<synchronous>, transform_indices = @transform_3, window_bounds = array<i64: 8, 64>}]} {
    %get3A = arith.constant 0 : index
    %get3A_0 = arith.constant 0 : index
    %get3A_1 = vector.load %arg1[%get3A, %get3A_0] : memref<4096x384xf32, #tpu.memory_space<vmem>>, vector<4096x384xf32>
    %get3A_2 = arith.constant 0 : index
    %get3A_3 = arith.constant 0 : index
    %get3A_4 = vector.load %arg2[%get3A_2, %get3A_3] : memref<384x64xf32, #tpu.memory_space<vmem>>, vector<384x64xf32>
    %dot_general3A = arith.constant dense<0.000000e+00> : vector<4096x64xf32>
    %dot_general3A_5 = tpu.matmul %get3A_1, %get3A_4, %dot_general3A {dimension_numbers = #tpu.dot_dimension_numbers<[1], [0], [0], [1], [0, 0, 1, 1], [], []>, transpose_lhs_hint = false} : vector<4096x384xf32>, vector<384x64xf32>, vector<4096x64xf32> -> vector<4096x64xf32>
    %swap3A = arith.constant 0 : index
    %swap3A_6 = arith.constant 0 : index
    %swap3A_7 = vector.load %arg3[%swap3A, %swap3A_6] : memref<4096x64xf32, #tpu.memory_space<vmem>>, vector<4096x64xf32>
    tpu.vector_store %arg3[%swap3A, %swap3A_6], %dot_general3A_5 {strides = array<i32>} : memref<4096x64xf32, #tpu.memory_space<vmem>>, vector<4096x64xf32>,
    %eq3A = arith.constant 0 : i32
    %eq3A_8 = arith.cmpi eq, %arg0, %eq3A : i32
    %convert_element_type3A = arith.extui %eq3A_8 : i1 to i32
    %cond3A = arith.constant 0 : i32
    %cond3A_9 = arith.cmpi ne, %convert_element_type3A, %cond3A : i32
    scf.if %cond3A_9 {
      %broadcast_in_dim3A_27 = arith.constant 0.000000e+00 : f32
      %broadcast_in_dim3A_28 = vector.broadcast %broadcast_in_dim3A_27 : f32 to vector<8x64xf32>
      %swap3A_29 = arith.constant 0 : index
      %swap3A_30 = arith.constant 0 : index
      %swap3A_31 = vector.load %arg4[%swap3A_29, %swap3A_30] : memref<8x64xf32, #tpu.memory_space<vmem>>, vector<8x64xf32>
      tpu.vector_store %arg4[%swap3A_29, %swap3A_30], %broadcast_in_dim3A_28 {strides = array<i32>} : memref<8x64xf32, #tpu.memory_space<vmem>>, vector<8x64xf32>,
    } else {
    }
    %get3A_10 = arith.constant 0 : index
    %get3A_11 = arith.constant 0 : index
    %get3A_12 = vector.load %arg4[%get3A_10, %get3A_11] : memref<8x64xf32, #tpu.memory_space<vmem>>, vector<1x64xf32>
    %reduce_sum3A = arith.constant dense<0.000000e+00> : vector<64xf32>
    %reduce_sum3A_13 = vector.multi_reduction <add>, %dot_general3A_5, %reduce_sum3A [0] : vector<4096x64xf32> to vector<64xf32>
    %broadcast_in_dim3A = vector.shape_cast %reduce_sum3A_13 : vector<64xf32> to vector<1x64xf32>
    %add3A = arith.addf %get3A_12, %broadcast_in_dim3A : vector<1x64xf32>
    %swap3A_14 = arith.constant 0 : index
    %swap3A_15 = arith.constant 0 : index
    %swap3A_16 = vector.load %arg4[%swap3A_14, %swap3A_15] : memref<8x64xf32, #tpu.memory_space<vmem>>, vector<1x64xf32>
    tpu.vector_store %arg4[%swap3A_14, %swap3A_15], %add3A {strides = array<i32>} : memref<8x64xf32, #tpu.memory_space<vmem>>, vector<1x64xf32>,
    %get3A_17 = arith.constant 1 : index
    %get3A_18 = arith.constant 0 : index
    %get3A_19 = vector.load %arg4[%get3A_17, %get3A_18] : memref<8x64xf32, #tpu.memory_space<vmem>>, vector<1x64xf32>
    %mul3A = arith.mulf %dot_general3A_5, %dot_general3A_5 : vector<4096x64xf32>
    %reduce_sum3A_20 = arith.constant dense<0.000000e+00> : vector<64xf32>
    %reduce_sum3A_21 = vector.multi_reduction <add>, %mul3A, %reduce_sum3A_20 [0] : vector<4096x64xf32> to vector<64xf32>
    %broadcast_in_dim3A_22 = vector.shape_cast %reduce_sum3A_21 : vector<64xf32> to vector<1x64xf32>
    %add3A_23 = arith.addf %get3A_19, %broadcast_in_dim3A_22 : vector<1x64xf32>
    %swap3A_24 = arith.constant 1 : index
    %swap3A_25 = arith.constant 0 : index
    %swap3A_26 = vector.load %arg4[%swap3A_24, %swap3A_25] : memref<8x64xf32, #tpu.memory_space<vmem>>, vector<1x64xf32>
    tpu.vector_store %arg4[%swap3A_24, %swap3A_25], %add3A_23 {strides = array<i32>} : memref<8x64xf32, #tpu.memory_space<vmem>>, vector<1x64xf32>,
    return
  }
  func.func @transform_0(%arg0: i32) -> (i32, i32) {
    %c0_i32 = arith.constant 0 : i32
    %c0_i32_0 = arith.constant 0 : i32
    return %arg0, %c0_i32 : i32, i32
  }
  func.func @transform_1(%arg0: i32) -> (i32, i32) {
    %c0_i32 = arith.constant 0 : i32
    %c0_i32_0 = arith.constant 0 : i32
    %c0_i32_1 = arith.constant 0 : i32
    return %c0_i32, %c0_i32_0 : i32, i32
  }
  func.func @transform_2(%arg0: i32) -> (i32, i32) {
    %c0_i32 = arith.constant 0 : i32
    %c0_i32_0 = arith.constant 0 : i32
    return %arg0, %c0_i32 : i32, i32
  }
  func.func @transform_3(%arg0: i32) -> (i32, i32) {
    %c0_i32 = arith.constant 0 : i32
    %c0_i32_0 = arith.constant 0 : i32
    %c0_i32_1 = arith.constant 0 : i32
    return %c0_i32, %c0_i32_0 : i32, i32
  }
}

module attributes {stable_mosaic.version = 14 : i64} {
  func.func @body(%arg0: i32, %arg1: memref<4096x384xf32, #tpu.memory_space<vmem>>, %arg2: memref<384x128xf32, #tpu.memory_space<vmem>>, %arg3: memref<4096x128xf32, #tpu.memory_space<vmem>>, %arg4: memref<8x128xf32, #tpu.memory_space<vmem>>) attributes {dimension_semantics = [#tpu.dimension_semantics<arbitrary>], iteration_bounds = array<i64: 1>, scalar_prefetch = 0 : i64, scratch_operands = 0 : i64, tpu.core_type = #tpu.core_type<tc>, window_params = [{transform_indices = @transform_0, window_bounds = array<i64: 4096, 384>}, {pipeline_mode = #tpu.pipeline_mode<synchronous>, transform_indices = @transform_1, window_bounds = array<i64: 384, 128>}, {transform_indices = @transform_2, window_bounds = array<i64: 4096, 128>}, {pipeline_mode = #tpu.pipeline_mode<synchronous>, transform_indices = @transform_3, window_bounds = array<i64: 8, 128>}]} {
    %get3A = arith.constant 0 : index
    %get3A_0 = arith.constant 0 : index
    %get3A_1 = vector.load %arg1[%get3A, %get3A_0] : memref<4096x384xf32, #tpu.memory_space<vmem>>, vector<4096x384xf32>
    %get3A_2 = arith.constant 0 : index
    %get3A_3 = arith.constant 0 : index
    %get3A_4 = vector.load %arg2[%get3A_2, %get3A_3] : memref<384x128xf32, #tpu.memory_space<vmem>>, vector<384x128xf32>
    %dot_general3A = arith.constant dense<0.000000e+00> : vector<4096x128xf32>
    %dot_general3A_5 = tpu.matmul %get3A_1, %get3A_4, %dot_general3A {dimension_numbers = #tpu.dot_dimension_numbers<[1], [0], [0], [1], [0, 0, 1, 1], [], []>, transpose_lhs_hint = false} : vector<4096x384xf32>, vector<384x128xf32>, vector<4096x128xf32> -> vector<4096x128xf32>
    %swap3A = arith.constant 0 : index
    %swap3A_6 = arith.constant 0 : index
    %swap3A_7 = vector.load %arg3[%swap3A, %swap3A_6] : memref<4096x128xf32, #tpu.memory_space<vmem>>, vector<4096x128xf32>
    tpu.vector_store %arg3[%swap3A, %swap3A_6], %dot_general3A_5 {strides = array<i32>} : memref<4096x128xf32, #tpu.memory_space<vmem>>, vector<4096x128xf32>,
    %eq3A = arith.constant 0 : i32
    %eq3A_8 = arith.cmpi eq, %arg0, %eq3A : i32
    %convert_element_type3A = arith.extui %eq3A_8 : i1 to i32
    %cond3A = arith.constant 0 : i32
    %cond3A_9 = arith.cmpi ne, %convert_element_type3A, %cond3A : i32
    scf.if %cond3A_9 {
      %broadcast_in_dim3A_27 = arith.constant 0.000000e+00 : f32
      %broadcast_in_dim3A_28 = vector.broadcast %broadcast_in_dim3A_27 : f32 to vector<8x128xf32>
      %swap3A_29 = arith.constant 0 : index
      %swap3A_30 = arith.constant 0 : index
      %swap3A_31 = vector.load %arg4[%swap3A_29, %swap3A_30] : memref<8x128xf32, #tpu.memory_space<vmem>>, vector<8x128xf32>
      tpu.vector_store %arg4[%swap3A_29, %swap3A_30], %broadcast_in_dim3A_28 {strides = array<i32>} : memref<8x128xf32, #tpu.memory_space<vmem>>, vector<8x128xf32>,
    } else {
    }
    %get3A_10 = arith.constant 0 : index
    %get3A_11 = arith.constant 0 : index
    %get3A_12 = vector.load %arg4[%get3A_10, %get3A_11] : memref<8x128xf32, #tpu.memory_space<vmem>>, vector<1x128xf32>
    %reduce_sum3A = arith.constant dense<0.000000e+00> : vector<128xf32>
    %reduce_sum3A_13 = vector.multi_reduction <add>, %dot_general3A_5, %reduce_sum3A [0] : vector<4096x128xf32> to vector<128xf32>
    %broadcast_in_dim3A = vector.shape_cast %reduce_sum3A_13 : vector<128xf32> to vector<1x128xf32>
    %add3A = arith.addf %get3A_12, %broadcast_in_dim3A : vector<1x128xf32>
    %swap3A_14 = arith.constant 0 : index
    %swap3A_15 = arith.constant 0 : index
    %swap3A_16 = vector.load %arg4[%swap3A_14, %swap3A_15] : memref<8x128xf32, #tpu.memory_space<vmem>>, vector<1x128xf32>
    tpu.vector_store %arg4[%swap3A_14, %swap3A_15], %add3A {strides = array<i32>} : memref<8x128xf32, #tpu.memory_space<vmem>>, vector<1x128xf32>,
    %get3A_17 = arith.constant 1 : index
    %get3A_18 = arith.constant 0 : index
    %get3A_19 = vector.load %arg4[%get3A_17, %get3A_18] : memref<8x128xf32, #tpu.memory_space<vmem>>, vector<1x128xf32>
    %mul3A = arith.mulf %dot_general3A_5, %dot_general3A_5 : vector<4096x128xf32>
    %reduce_sum3A_20 = arith.constant dense<0.000000e+00> : vector<128xf32>
    %reduce_sum3A_21 = vector.multi_reduction <add>, %mul3A, %reduce_sum3A_20 [0] : vector<4096x128xf32> to vector<128xf32>
    %broadcast_in_dim3A_22 = vector.shape_cast %reduce_sum3A_21 : vector<128xf32> to vector<1x128xf32>
    %add3A_23 = arith.addf %get3A_19, %broadcast_in_dim3A_22 : vector<1x128xf32>
    %swap3A_24 = arith.constant 1 : index
    %swap3A_25 = arith.constant 0 : index
    %swap3A_26 = vector.load %arg4[%swap3A_24, %swap3A_25] : memref<8x128xf32, #tpu.memory_space<vmem>>, vector<1x128xf32>
    tpu.vector_store %arg4[%swap3A_24, %swap3A_25], %add3A_23 {strides = array<i32>} : memref<8x128xf32, #tpu.memory_space<vmem>>, vector<1x128xf32>,
    return
  }
  func.func @transform_0(%arg0: i32) -> (i32, i32) {
    %c0_i32 = arith.constant 0 : i32
    %c0_i32_0 = arith.constant 0 : i32
    return %arg0, %c0_i32 : i32, i32
  }
  func.func @transform_1(%arg0: i32) -> (i32, i32) {
    %c0_i32 = arith.constant 0 : i32
    %c0_i32_0 = arith.constant 0 : i32
    %c0_i32_1 = arith.constant 0 : i32
    return %c0_i32, %c0_i32_0 : i32, i32
  }
  func.func @transform_2(%arg0: i32) -> (i32, i32) {
    %c0_i32 = arith.constant 0 : i32
    %c0_i32_0 = arith.constant 0 : i32
    return %arg0, %c0_i32 : i32, i32
  }
  func.func @transform_3(%arg0: i32) -> (i32, i32) {
    %c0_i32 = arith.constant 0 : i32
    %c0_i32_0 = arith.constant 0 : i32
    %c0_i32_1 = arith.constant 0 : i32
    return %c0_i32, %c0_i32_0 : i32, i32
  }
}

module attributes {stable_mosaic.version = 14 : i64} {
  func.func @body(%arg0: i32, %arg1: memref<1024x8xf32, #tpu.memory_space<vmem>>, %arg2: memref<8x128xf32, #tpu.memory_space<vmem>>, %arg3: memref<1024x128xf32, #tpu.memory_space<vmem>>, %arg4: memref<8x128xf32, #tpu.memory_space<vmem>>) attributes {dimension_semantics = [#tpu.dimension_semantics<arbitrary>], iteration_bounds = array<i64: 1>, scalar_prefetch = 0 : i64, scratch_operands = 0 : i64, tpu.core_type = #tpu.core_type<tc>, window_params = [{transform_indices = @transform_0, window_bounds = array<i64: 1024, 8>}, {pipeline_mode = #tpu.pipeline_mode<synchronous>, transform_indices = @transform_1, window_bounds = array<i64: 8, 128>}, {transform_indices = @transform_2, window_bounds = array<i64: 1024, 128>}, {pipeline_mode = #tpu.pipeline_mode<synchronous>, transform_indices = @transform_3, window_bounds = array<i64: 8, 128>}]} {
    %get3A = arith.constant 0 : index
    %get3A_0 = arith.constant 0 : index
    %get3A_1 = vector.load %arg1[%get3A, %get3A_0] : memref<1024x8xf32, #tpu.memory_space<vmem>>, vector<1024x8xf32>
    %get3A_2 = arith.constant 0 : index
    %get3A_3 = arith.constant 0 : index
    %get3A_4 = vector.load %arg2[%get3A_2, %get3A_3] : memref<8x128xf32, #tpu.memory_space<vmem>>, vector<8x128xf32>
    %dot_general3A = arith.constant dense<0.000000e+00> : vector<1024x128xf32>
    %dot_general3A_5 = tpu.matmul %get3A_1, %get3A_4, %dot_general3A {dimension_numbers = #tpu.dot_dimension_numbers<[1], [0], [0], [1], [0, 0, 1, 1], [], []>, transpose_lhs_hint = false} : vector<1024x8xf32>, vector<8x128xf32>, vector<1024x128xf32> -> vector<1024x128xf32>
    %swap3A = arith.constant 0 : index
    %swap3A_6 = arith.constant 0 : index
    %swap3A_7 = vector.load %arg3[%swap3A, %swap3A_6] : memref<1024x128xf32, #tpu.memory_space<vmem>>, vector<1024x128xf32>
    tpu.vector_store %arg3[%swap3A, %swap3A_6], %dot_general3A_5 {strides = array<i32>} : memref<1024x128xf32, #tpu.memory_space<vmem>>, vector<1024x128xf32>,
    %eq3A = arith.constant 0 : i32
    %eq3A_8 = arith.cmpi eq, %arg0, %eq3A : i32
    %convert_element_type3A = arith.extui %eq3A_8 : i1 to i32
    %cond3A = arith.constant 0 : i32
    %cond3A_9 = arith.cmpi ne, %convert_element_type3A, %cond3A : i32
    scf.if %cond3A_9 {
      %broadcast_in_dim3A_27 = arith.constant 0.000000e+00 : f32
      %broadcast_in_dim3A_28 = vector.broadcast %broadcast_in_dim3A_27 : f32 to vector<8x128xf32>
      %swap3A_29 = arith.constant 0 : index
      %swap3A_30 = arith.constant 0 : index
      %swap3A_31 = vector.load %arg4[%swap3A_29, %swap3A_30] : memref<8x128xf32, #tpu.memory_space<vmem>>, vector<8x128xf32>
      tpu.vector_store %arg4[%swap3A_29, %swap3A_30], %broadcast_in_dim3A_28 {strides = array<i32>} : memref<8x128xf32, #tpu.memory_space<vmem>>, vector<8x128xf32>,
    } else {
    }
    %get3A_10 = arith.constant 0 : index
    %get3A_11 = arith.constant 0 : index
    %get3A_12 = vector.load %arg4[%get3A_10, %get3A_11] : memref<8x128xf32, #tpu.memory_space<vmem>>, vector<1x128xf32>
    %reduce_sum3A = arith.constant dense<0.000000e+00> : vector<128xf32>
    %reduce_sum3A_13 = vector.multi_reduction <add>, %dot_general3A_5, %reduce_sum3A [0] : vector<1024x128xf32> to vector<128xf32>
    %broadcast_in_dim3A = vector.shape_cast %reduce_sum3A_13 : vector<128xf32> to vector<1x128xf32>
    %add3A = arith.addf %get3A_12, %broadcast_in_dim3A : vector<1x128xf32>
    %swap3A_14 = arith.constant 0 : index
    %swap3A_15 = arith.constant 0 : index
    %swap3A_16 = vector.load %arg4[%swap3A_14, %swap3A_15] : memref<8x128xf32, #tpu.memory_space<vmem>>, vector<1x128xf32>
    tpu.vector_store %arg4[%swap3A_14, %swap3A_15], %add3A {strides = array<i32>} : memref<8x128xf32, #tpu.memory_space<vmem>>, vector<1x128xf32>,
    %get3A_17 = arith.constant 1 : index
    %get3A_18 = arith.constant 0 : index
    %get3A_19 = vector.load %arg4[%get3A_17, %get3A_18] : memref<8x128xf32, #tpu.memory_space<vmem>>, vector<1x128xf32>
    %mul3A = arith.mulf %dot_general3A_5, %dot_general3A_5 : vector<1024x128xf32>
    %reduce_sum3A_20 = arith.constant dense<0.000000e+00> : vector<128xf32>
    %reduce_sum3A_21 = vector.multi_reduction <add>, %mul3A, %reduce_sum3A_20 [0] : vector<1024x128xf32> to vector<128xf32>
    %broadcast_in_dim3A_22 = vector.shape_cast %reduce_sum3A_21 : vector<128xf32> to vector<1x128xf32>
    %add3A_23 = arith.addf %get3A_19, %broadcast_in_dim3A_22 : vector<1x128xf32>
    %swap3A_24 = arith.constant 1 : index
    %swap3A_25 = arith.constant 0 : index
    %swap3A_26 = vector.load %arg4[%swap3A_24, %swap3A_25] : memref<8x128xf32, #tpu.memory_space<vmem>>, vector<1x128xf32>
    tpu.vector_store %arg4[%swap3A_24, %swap3A_25], %add3A_23 {strides = array<i32>} : memref<8x128xf32, #tpu.memory_space<vmem>>, vector<1x128xf32>,
    return
  }
  func.func @transform_0(%arg0: i32) -> (i32, i32) {
    %c0_i32 = arith.constant 0 : i32
    %c0_i32_0 = arith.constant 0 : i32
    return %arg0, %c0_i32 : i32, i32
  }
  func.func @transform_1(%arg0: i32) -> (i32, i32) {
    %c0_i32 = arith.constant 0 : i32
    %c0_i32_0 = arith.constant 0 : i32
    %c0_i32_1 = arith.constant 0 : i32
    return %c0_i32, %c0_i32_0 : i32, i32
  }
  func.func @transform_2(%arg0: i32) -> (i32, i32) {
    %c0_i32 = arith.constant 0 : i32
    %c0_i32_0 = arith.constant 0 : i32
    return %arg0, %c0_i32 : i32, i32
  }
  func.func @transform_3(%arg0: i32) -> (i32, i32) {
    %c0_i32 = arith.constant 0 : i32
    %c0_i32_0 = arith.constant 0 : i32
    %c0_i32_1 = arith.constant 0 : i32
    return %c0_i32, %c0_i32_0 : i32, i32
  }
}

module attributes {stable_mosaic.version = 14 : i64} {
  func.func @body(%arg0: i32, %arg1: memref<1024x8xf32, #tpu.memory_space<vmem>>, %arg2: memref<8x64xf32, #tpu.memory_space<vmem>>, %arg3: memref<1024x64xf32, #tpu.memory_space<vmem>>, %arg4: memref<8x64xf32, #tpu.memory_space<vmem>>) attributes {dimension_semantics = [#tpu.dimension_semantics<arbitrary>], iteration_bounds = array<i64: 1>, scalar_prefetch = 0 : i64, scratch_operands = 0 : i64, tpu.core_type = #tpu.core_type<tc>, window_params = [{transform_indices = @transform_0, window_bounds = array<i64: 1024, 8>}, {pipeline_mode = #tpu.pipeline_mode<synchronous>, transform_indices = @transform_1, window_bounds = array<i64: 8, 64>}, {transform_indices = @transform_2, window_bounds = array<i64: 1024, 64>}, {pipeline_mode = #tpu.pipeline_mode<synchronous>, transform_indices = @transform_3, window_bounds = array<i64: 8, 64>}]} {
    %get3A = arith.constant 0 : index
    %get3A_0 = arith.constant 0 : index
    %get3A_1 = vector.load %arg1[%get3A, %get3A_0] : memref<1024x8xf32, #tpu.memory_space<vmem>>, vector<1024x8xf32>
    %get3A_2 = arith.constant 0 : index
    %get3A_3 = arith.constant 0 : index
    %get3A_4 = vector.load %arg2[%get3A_2, %get3A_3] : memref<8x64xf32, #tpu.memory_space<vmem>>, vector<8x64xf32>
    %dot_general3A = arith.constant dense<0.000000e+00> : vector<1024x64xf32>
    %dot_general3A_5 = tpu.matmul %get3A_1, %get3A_4, %dot_general3A {dimension_numbers = #tpu.dot_dimension_numbers<[1], [0], [0], [1], [0, 0, 1, 1], [], []>, transpose_lhs_hint = false} : vector<1024x8xf32>, vector<8x64xf32>, vector<1024x64xf32> -> vector<1024x64xf32>
    %swap3A = arith.constant 0 : index
    %swap3A_6 = arith.constant 0 : index
    %swap3A_7 = vector.load %arg3[%swap3A, %swap3A_6] : memref<1024x64xf32, #tpu.memory_space<vmem>>, vector<1024x64xf32>
    tpu.vector_store %arg3[%swap3A, %swap3A_6], %dot_general3A_5 {strides = array<i32>} : memref<1024x64xf32, #tpu.memory_space<vmem>>, vector<1024x64xf32>,
    %eq3A = arith.constant 0 : i32
    %eq3A_8 = arith.cmpi eq, %arg0, %eq3A : i32
    %convert_element_type3A = arith.extui %eq3A_8 : i1 to i32
    %cond3A = arith.constant 0 : i32
    %cond3A_9 = arith.cmpi ne, %convert_element_type3A, %cond3A : i32
    scf.if %cond3A_9 {
      %broadcast_in_dim3A_27 = arith.constant 0.000000e+00 : f32
      %broadcast_in_dim3A_28 = vector.broadcast %broadcast_in_dim3A_27 : f32 to vector<8x64xf32>
      %swap3A_29 = arith.constant 0 : index
      %swap3A_30 = arith.constant 0 : index
      %swap3A_31 = vector.load %arg4[%swap3A_29, %swap3A_30] : memref<8x64xf32, #tpu.memory_space<vmem>>, vector<8x64xf32>
      tpu.vector_store %arg4[%swap3A_29, %swap3A_30], %broadcast_in_dim3A_28 {strides = array<i32>} : memref<8x64xf32, #tpu.memory_space<vmem>>, vector<8x64xf32>,
    } else {
    }
    %get3A_10 = arith.constant 0 : index
    %get3A_11 = arith.constant 0 : index
    %get3A_12 = vector.load %arg4[%get3A_10, %get3A_11] : memref<8x64xf32, #tpu.memory_space<vmem>>, vector<1x64xf32>
    %reduce_sum3A = arith.constant dense<0.000000e+00> : vector<64xf32>
    %reduce_sum3A_13 = vector.multi_reduction <add>, %dot_general3A_5, %reduce_sum3A [0] : vector<1024x64xf32> to vector<64xf32>
    %broadcast_in_dim3A = vector.shape_cast %reduce_sum3A_13 : vector<64xf32> to vector<1x64xf32>
    %add3A = arith.addf %get3A_12, %broadcast_in_dim3A : vector<1x64xf32>
    %swap3A_14 = arith.constant 0 : index
    %swap3A_15 = arith.constant 0 : index
    %swap3A_16 = vector.load %arg4[%swap3A_14, %swap3A_15] : memref<8x64xf32, #tpu.memory_space<vmem>>, vector<1x64xf32>
    tpu.vector_store %arg4[%swap3A_14, %swap3A_15], %add3A {strides = array<i32>} : memref<8x64xf32, #tpu.memory_space<vmem>>, vector<1x64xf32>,
    %get3A_17 = arith.constant 1 : index
    %get3A_18 = arith.constant 0 : index
    %get3A_19 = vector.load %arg4[%get3A_17, %get3A_18] : memref<8x64xf32, #tpu.memory_space<vmem>>, vector<1x64xf32>
    %mul3A = arith.mulf %dot_general3A_5, %dot_general3A_5 : vector<1024x64xf32>
    %reduce_sum3A_20 = arith.constant dense<0.000000e+00> : vector<64xf32>
    %reduce_sum3A_21 = vector.multi_reduction <add>, %mul3A, %reduce_sum3A_20 [0] : vector<1024x64xf32> to vector<64xf32>
    %broadcast_in_dim3A_22 = vector.shape_cast %reduce_sum3A_21 : vector<64xf32> to vector<1x64xf32>
    %add3A_23 = arith.addf %get3A_19, %broadcast_in_dim3A_22 : vector<1x64xf32>
    %swap3A_24 = arith.constant 1 : index
    %swap3A_25 = arith.constant 0 : index
    %swap3A_26 = vector.load %arg4[%swap3A_24, %swap3A_25] : memref<8x64xf32, #tpu.memory_space<vmem>>, vector<1x64xf32>
    tpu.vector_store %arg4[%swap3A_24, %swap3A_25], %add3A_23 {strides = array<i32>} : memref<8x64xf32, #tpu.memory_space<vmem>>, vector<1x64xf32>,
    return
  }
  func.func @transform_0(%arg0: i32) -> (i32, i32) {
    %c0_i32 = arith.constant 0 : i32
    %c0_i32_0 = arith.constant 0 : i32
    return %arg0, %c0_i32 : i32, i32
  }
  func.func @transform_1(%arg0: i32) -> (i32, i32) {
    %c0_i32 = arith.constant 0 : i32
    %c0_i32_0 = arith.constant 0 : i32
    %c0_i32_1 = arith.constant 0 : i32
    return %c0_i32, %c0_i32_0 : i32, i32
  }
  func.func @transform_2(%arg0: i32) -> (i32, i32) {
    %c0_i32 = arith.constant 0 : i32
    %c0_i32_0 = arith.constant 0 : i32
    return %arg0, %c0_i32 : i32, i32
  }
  func.func @transform_3(%arg0: i32) -> (i32, i32) {
    %c0_i32 = arith.constant 0 : i32
    %c0_i32_0 = arith.constant 0 : i32
    %c0_i32_1 = arith.constant 0 : i32
    return %c0_i32, %c0_i32_0 : i32, i32
  }
}

module attributes {stable_mosaic.version = 14 : i64} {
  func.func @body(%arg0: i32, %arg1: memref<8192x128xf32, #tpu.memory_space<vmem>>, %arg2: memref<64x128xf32, #tpu.memory_space<vmem>>, %arg3: memref<8x128xf32, #tpu.memory_space<vmem>>) attributes {dimension_semantics = [#tpu.dimension_semantics<arbitrary>], iteration_bounds = array<i64: 16>, scalar_prefetch = 0 : i64, scratch_operands = 0 : i64, tpu.core_type = #tpu.core_type<tc>, window_params = [{transform_indices = @transform_0, window_bounds = array<i64: 8192, 128>}, {transform_indices = @transform_1, window_bounds = array<i64: 64, 128>}, {pipeline_mode = #tpu.pipeline_mode<synchronous>, transform_indices = @transform_2, window_bounds = array<i64: 8, 128>}]} {
    %get3A = arith.constant 0 : index
    %get3A_0 = arith.constant 0 : index
    %get3A_1 = vector.load %arg1[%get3A, %get3A_0] : memref<8192x128xf32, #tpu.memory_space<vmem>>, vector<8192x128xf32>
    %reshape3A = vector.shape_cast %get3A_1 : vector<8192x128xf32> to vector<64x128x128xf32>
    %get3A_2 = arith.constant 0 : index
    %get3A_3 = arith.constant 0 : index
    %get3A_4 = vector.load %arg2[%get3A_2, %get3A_3] : memref<64x128xf32, #tpu.memory_space<vmem>>, vector<64x128xf32>
    %broadcast_in_dim3A = vector.shape_cast %get3A_4 : vector<64x128xf32> to vector<64x1x128xf32>
    %add3A = vector.broadcast %broadcast_in_dim3A : vector<64x1x128xf32> to vector<64x128x128xf32>
    %add3A_5 = arith.addf %reshape3A, %add3A : vector<64x128x128xf32>
    %reshape3A_6 = vector.shape_cast %add3A_5 : vector<64x128x128xf32> to vector<8192x128xf32>
    %eq3A = arith.constant 0 : i32
    %eq3A_7 = arith.cmpi eq, %arg0, %eq3A : i32
    %convert_element_type3A = arith.extui %eq3A_7 : i1 to i32
    %cond3A = arith.constant 0 : i32
    %cond3A_8 = arith.cmpi ne, %convert_element_type3A, %cond3A : i32
    scf.if %cond3A_8 {
      %broadcast_in_dim3A_27 = arith.constant 0.000000e+00 : f32
      %broadcast_in_dim3A_28 = vector.broadcast %broadcast_in_dim3A_27 : f32 to vector<8x128xf32>
      %swap3A_29 = arith.constant 0 : index
      %swap3A_30 = arith.constant 0 : index
      %swap3A_31 = vector.load %arg3[%swap3A_29, %swap3A_30] : memref<8x128xf32, #tpu.memory_space<vmem>>, vector<8x128xf32>
      tpu.vector_store %arg3[%swap3A_29, %swap3A_30], %broadcast_in_dim3A_28 {strides = array<i32>} : memref<8x128xf32, #tpu.memory_space<vmem>>, vector<8x128xf32>,
    } else {
    }
    %get3A_9 = arith.constant 0 : index
    %get3A_10 = arith.constant 0 : index
    %get3A_11 = vector.load %arg3[%get3A_9, %get3A_10] : memref<8x128xf32, #tpu.memory_space<vmem>>, vector<1x128xf32>
    %reduce_sum3A = arith.constant dense<0.000000e+00> : vector<128xf32>
    %reduce_sum3A_12 = vector.multi_reduction <add>, %reshape3A_6, %reduce_sum3A [0] : vector<8192x128xf32> to vector<128xf32>
    %broadcast_in_dim3A_13 = vector.shape_cast %reduce_sum3A_12 : vector<128xf32> to vector<1x128xf32>
    %add3A_14 = arith.addf %get3A_11, %broadcast_in_dim3A_13 : vector<1x128xf32>
    %swap3A = arith.constant 0 : index
    %swap3A_15 = arith.constant 0 : index
    %swap3A_16 = vector.load %arg3[%swap3A, %swap3A_15] : memref<8x128xf32, #tpu.memory_space<vmem>>, vector<1x128xf32>
    tpu.vector_store %arg3[%swap3A, %swap3A_15], %add3A_14 {strides = array<i32>} : memref<8x128xf32, #tpu.memory_space<vmem>>, vector<1x128xf32>,
    %get3A_17 = arith.constant 1 : index
    %get3A_18 = arith.constant 0 : index
    %get3A_19 = vector.load %arg3[%get3A_17, %get3A_18] : memref<8x128xf32, #tpu.memory_space<vmem>>, vector<1x128xf32>
    %mul3A = arith.mulf %reshape3A_6, %reshape3A_6 : vector<8192x128xf32>
    %reduce_sum3A_20 = arith.constant dense<0.000000e+00> : vector<128xf32>
    %reduce_sum3A_21 = vector.multi_reduction <add>, %mul3A, %reduce_sum3A_20 [0] : vector<8192x128xf32> to vector<128xf32>
    %broadcast_in_dim3A_22 = vector.shape_cast %reduce_sum3A_21 : vector<128xf32> to vector<1x128xf32>
    %add3A_23 = arith.addf %get3A_19, %broadcast_in_dim3A_22 : vector<1x128xf32>
    %swap3A_24 = arith.constant 1 : index
    %swap3A_25 = arith.constant 0 : index
    %swap3A_26 = vector.load %arg3[%swap3A_24, %swap3A_25] : memref<8x128xf32, #tpu.memory_space<vmem>>, vector<1x128xf32>
    tpu.vector_store %arg3[%swap3A_24, %swap3A_25], %add3A_23 {strides = array<i32>} : memref<8x128xf32, #tpu.memory_space<vmem>>, vector<1x128xf32>,
    return
  }
  func.func @transform_0(%arg0: i32) -> (i32, i32) {
    %c0_i32 = arith.constant 0 : i32
    %c0_i32_0 = arith.constant 0 : i32
    return %arg0, %c0_i32 : i32, i32
  }
  func.func @transform_1(%arg0: i32) -> (i32, i32) {
    %c0_i32 = arith.constant 0 : i32
    %c0_i32_0 = arith.constant 0 : i32
    return %arg0, %c0_i32 : i32, i32
  }
  func.func @transform_2(%arg0: i32) -> (i32, i32) {
    %c0_i32 = arith.constant 0 : i32
    %c0_i32_0 = arith.constant 0 : i32
    %c0_i32_1 = arith.constant 0 : i32
    return %c0_i32, %c0_i32_0 : i32, i32
  }
}

module attributes {stable_mosaic.version = 14 : i64} {
  func.func @body(%arg0: i32, %arg1: memref<8192x128xf32, #tpu.memory_space<vmem>>, %arg2: memref<128x128xf32, #tpu.memory_space<vmem>>, %arg3: memref<1x128xf32, #tpu.memory_space<vmem>>, %arg4: memref<64x128xf32, #tpu.memory_space<vmem>>, %arg5: memref<8192x128xf32, #tpu.memory_space<vmem>>, %arg6: memref<8x128xf32, #tpu.memory_space<vmem>>) attributes {dimension_semantics = [#tpu.dimension_semantics<arbitrary>], iteration_bounds = array<i64: 16>, scalar_prefetch = 0 : i64, scratch_operands = 0 : i64, tpu.core_type = #tpu.core_type<tc>, window_params = [{transform_indices = @transform_0, window_bounds = array<i64: 8192, 128>}, {pipeline_mode = #tpu.pipeline_mode<synchronous>, transform_indices = @transform_1, window_bounds = array<i64: 128, 128>}, {pipeline_mode = #tpu.pipeline_mode<synchronous>, transform_indices = @transform_2, window_bounds = array<i64: 1, 128>}, {transform_indices = @transform_3, window_bounds = array<i64: 64, 128>}, {transform_indices = @transform_4, window_bounds = array<i64: 8192, 128>}, {pipeline_mode = #tpu.pipeline_mode<synchronous>, transform_indices = @transform_5, window_bounds = array<i64: 8, 128>}]} {
    %get3A = arith.constant 0 : index
    %get3A_0 = arith.constant 0 : index
    %get3A_1 = vector.load %arg1[%get3A, %get3A_0] : memref<8192x128xf32, #tpu.memory_space<vmem>>, vector<8192x128xf32>
    %get3A_2 = arith.constant 0 : index
    %get3A_3 = arith.constant 0 : index
    %get3A_4 = vector.load %arg3[%get3A_2, %get3A_3] : memref<1x128xf32, #tpu.memory_space<vmem>>, vector<1x128xf32>
    %mul3A = vector.broadcast %get3A_4 : vector<1x128xf32> to vector<8192x128xf32>
    %mul3A_5 = arith.mulf %get3A_1, %mul3A : vector<8192x128xf32>
    %reshape3A = vector.shape_cast %mul3A_5 : vector<8192x128xf32> to vector<64x128x128xf32>
    %get3A_6 = arith.constant 0 : index
    %get3A_7 = arith.constant 0 : index
    %get3A_8 = vector.load %arg4[%get3A_6, %get3A_7] : memref<64x128xf32, #tpu.memory_space<vmem>>, vector<64x128xf32>
    %broadcast_in_dim3A = vector.shape_cast %get3A_8 : vector<64x128xf32> to vector<64x1x128xf32>
    %add3A = vector.broadcast %broadcast_in_dim3A : vector<64x1x128xf32> to vector<64x128x128xf32>
    %add3A_9 = arith.addf %reshape3A, %add3A : vector<64x128x128xf32>
    %reshape3A_10 = vector.shape_cast %add3A_9 : vector<64x128x128xf32> to vector<8192x128xf32>
    %max3A = arith.constant 0.000000e+00 : f32
    %max3A_11 = vector.broadcast %max3A : f32 to vector<8192x128xf32>
    %max3A_12 = arith.maximumf %reshape3A_10, %max3A_11 : vector<8192x128xf32>
    %get3A_13 = arith.constant 0 : index
    %get3A_14 = arith.constant 0 : index
    %get3A_15 = vector.load %arg2[%get3A_13, %get3A_14] : memref<128x128xf32, #tpu.memory_space<vmem>>, vector<128x128xf32>
    %dot_general3A = arith.constant dense<0.000000e+00> : vector<8192x128xf32>
    %dot_general3A_16 = tpu.matmul %max3A_12, %get3A_15, %dot_general3A {dimension_numbers = #tpu.dot_dimension_numbers<[1], [0], [0], [1], [0, 0, 1, 1], [], []>, transpose_lhs_hint = false} : vector<8192x128xf32>, vector<128x128xf32>, vector<8192x128xf32> -> vector<8192x128xf32>
    %swap3A = arith.constant 0 : index
    %swap3A_17 = arith.constant 0 : index
    %swap3A_18 = vector.load %arg5[%swap3A, %swap3A_17] : memref<8192x128xf32, #tpu.memory_space<vmem>>, vector<8192x128xf32>
    tpu.vector_store %arg5[%swap3A, %swap3A_17], %dot_general3A_16 {strides = array<i32>} : memref<8192x128xf32, #tpu.memory_space<vmem>>, vector<8192x128xf32>,
    %eq3A = arith.constant 0 : i32
    %eq3A_19 = arith.cmpi eq, %arg0, %eq3A : i32
    %convert_element_type3A = arith.extui %eq3A_19 : i1 to i32
    %cond3A = arith.constant 0 : i32
    %cond3A_20 = arith.cmpi ne, %convert_element_type3A, %cond3A : i32
    scf.if %cond3A_20 {
      %broadcast_in_dim3A_41 = arith.constant 0.000000e+00 : f32
      %broadcast_in_dim3A_42 = vector.broadcast %broadcast_in_dim3A_41 : f32 to vector<8x128xf32>
      %swap3A_43 = arith.constant 0 : index
      %swap3A_44 = arith.constant 0 : index
      %swap3A_45 = vector.load %arg6[%swap3A_43, %swap3A_44] : memref<8x128xf32, #tpu.memory_space<vmem>>, vector<8x128xf32>
      tpu.vector_store %arg6[%swap3A_43, %swap3A_44], %broadcast_in_dim3A_42 {strides = array<i32>} : memref<8x128xf32, #tpu.memory_space<vmem>>, vector<8x128xf32>,
    } else {
    }
    %get3A_21 = arith.constant 0 : index
    %get3A_22 = arith.constant 0 : index
    %get3A_23 = vector.load %arg6[%get3A_21, %get3A_22] : memref<8x128xf32, #tpu.memory_space<vmem>>, vector<1x128xf32>
    %reduce_sum3A = arith.constant dense<0.000000e+00> : vector<128xf32>
    %reduce_sum3A_24 = vector.multi_reduction <add>, %dot_general3A_16, %reduce_sum3A [0] : vector<8192x128xf32> to vector<128xf32>
    %broadcast_in_dim3A_25 = vector.shape_cast %reduce_sum3A_24 : vector<128xf32> to vector<1x128xf32>
    %add3A_26 = arith.addf %get3A_23, %broadcast_in_dim3A_25 : vector<1x128xf32>
    %swap3A_27 = arith.constant 0 : index
    %swap3A_28 = arith.constant 0 : index
    %swap3A_29 = vector.load %arg6[%swap3A_27, %swap3A_28] : memref<8x128xf32, #tpu.memory_space<vmem>>, vector<1x128xf32>
    tpu.vector_store %arg6[%swap3A_27, %swap3A_28], %add3A_26 {strides = array<i32>} : memref<8x128xf32, #tpu.memory_space<vmem>>, vector<1x128xf32>,
    %get3A_30 = arith.constant 1 : index
    %get3A_31 = arith.constant 0 : index
    %get3A_32 = vector.load %arg6[%get3A_30, %get3A_31] : memref<8x128xf32, #tpu.memory_space<vmem>>, vector<1x128xf32>
    %mul3A_33 = arith.mulf %dot_general3A_16, %dot_general3A_16 : vector<8192x128xf32>
    %reduce_sum3A_34 = arith.constant dense<0.000000e+00> : vector<128xf32>
    %reduce_sum3A_35 = vector.multi_reduction <add>, %mul3A_33, %reduce_sum3A_34 [0] : vector<8192x128xf32> to vector<128xf32>
    %broadcast_in_dim3A_36 = vector.shape_cast %reduce_sum3A_35 : vector<128xf32> to vector<1x128xf32>
    %add3A_37 = arith.addf %get3A_32, %broadcast_in_dim3A_36 : vector<1x128xf32>
    %swap3A_38 = arith.constant 1 : index
    %swap3A_39 = arith.constant 0 : index
    %swap3A_40 = vector.load %arg6[%swap3A_38, %swap3A_39] : memref<8x128xf32, #tpu.memory_space<vmem>>, vector<1x128xf32>
    tpu.vector_store %arg6[%swap3A_38, %swap3A_39], %add3A_37 {strides = array<i32>} : memref<8x128xf32, #tpu.memory_space<vmem>>, vector<1x128xf32>,
    return
  }
  func.func @transform_0(%arg0: i32) -> (i32, i32) {
    %c0_i32 = arith.constant 0 : i32
    %c0_i32_0 = arith.constant 0 : i32
    return %arg0, %c0_i32 : i32, i32
  }
  func.func @transform_1(%arg0: i32) -> (i32, i32) {
    %c0_i32 = arith.constant 0 : i32
    %c0_i32_0 = arith.constant 0 : i32
    %c0_i32_1 = arith.constant 0 : i32
    return %c0_i32, %c0_i32_0 : i32, i32
  }
  func.func @transform_2(%arg0: i32) -> (i32, i32) {
    %c0_i32 = arith.constant 0 : i32
    %c0_i32_0 = arith.constant 0 : i32
    %c0_i32_1 = arith.constant 0 : i32
    return %c0_i32, %c0_i32_0 : i32, i32
  }
  func.func @transform_3(%arg0: i32) -> (i32, i32) {
    %c0_i32 = arith.constant 0 : i32
    %c0_i32_0 = arith.constant 0 : i32
    return %arg0, %c0_i32 : i32, i32
  }
  func.func @transform_4(%arg0: i32) -> (i32, i32) {
    %c0_i32 = arith.constant 0 : i32
    %c0_i32_0 = arith.constant 0 : i32
    return %arg0, %c0_i32 : i32, i32
  }
  func.func @transform_5(%arg0: i32) -> (i32, i32) {
    %c0_i32 = arith.constant 0 : i32
    %c0_i32_0 = arith.constant 0 : i32
    %c0_i32_1 = arith.constant 0 : i32
    return %c0_i32, %c0_i32_0 : i32, i32
  }
}

module attributes {stable_mosaic.version = 14 : i64} {
  func.func @body(%arg0: i32, %arg1: memref<8192x128xf32, #tpu.memory_space<vmem>>, %arg2: memref<128x256xf32, #tpu.memory_space<vmem>>, %arg3: memref<1x128xf32, #tpu.memory_space<vmem>>, %arg4: memref<1x128xf32, #tpu.memory_space<vmem>>, %arg5: memref<64x256xf32, #tpu.memory_space<vmem>>, %arg6: memref<8x256xf32, #tpu.memory_space<vmem>>) attributes {dimension_semantics = [#tpu.dimension_semantics<arbitrary>], iteration_bounds = array<i64: 16>, scalar_prefetch = 0 : i64, scratch_operands = 0 : i64, tpu.core_type = #tpu.core_type<tc>, window_params = [{transform_indices = @transform_0, window_bounds = array<i64: 8192, 128>}, {pipeline_mode = #tpu.pipeline_mode<synchronous>, transform_indices = @transform_1, window_bounds = array<i64: 128, 256>}, {pipeline_mode = #tpu.pipeline_mode<synchronous>, transform_indices = @transform_2, window_bounds = array<i64: 1, 128>}, {pipeline_mode = #tpu.pipeline_mode<synchronous>, transform_indices = @transform_3, window_bounds = array<i64: 1, 128>}, {transform_indices = @transform_4, window_bounds = array<i64: 64, 256>}, {pipeline_mode = #tpu.pipeline_mode<synchronous>, transform_indices = @transform_5, window_bounds = array<i64: 8, 256>}]} {
    %get3A = arith.constant 0 : index
    %get3A_0 = arith.constant 0 : index
    %get3A_1 = vector.load %arg1[%get3A, %get3A_0] : memref<8192x128xf32, #tpu.memory_space<vmem>>, vector<8192x128xf32>
    %get3A_2 = arith.constant 0 : index
    %get3A_3 = arith.constant 0 : index
    %get3A_4 = vector.load %arg3[%get3A_2, %get3A_3] : memref<1x128xf32, #tpu.memory_space<vmem>>, vector<1x128xf32>
    %mul3A = vector.broadcast %get3A_4 : vector<1x128xf32> to vector<8192x128xf32>
    %mul3A_5 = arith.mulf %get3A_1, %mul3A : vector<8192x128xf32>
    %get3A_6 = arith.constant 0 : index
    %get3A_7 = arith.constant 0 : index
    %get3A_8 = vector.load %arg4[%get3A_6, %get3A_7] : memref<1x128xf32, #tpu.memory_space<vmem>>, vector<1x128xf32>
    %add3A = vector.broadcast %get3A_8 : vector<1x128xf32> to vector<8192x128xf32>
    %add3A_9 = arith.addf %mul3A_5, %add3A : vector<8192x128xf32>
    %max3A = arith.constant 0.000000e+00 : f32
    %max3A_10 = vector.broadcast %max3A : f32 to vector<8192x128xf32>
    %max3A_11 = arith.maximumf %add3A_9, %max3A_10 : vector<8192x128xf32>
    %get3A_12 = arith.constant 0 : index
    %get3A_13 = arith.constant 0 : index
    %get3A_14 = vector.load %arg2[%get3A_12, %get3A_13] : memref<128x256xf32, #tpu.memory_space<vmem>>, vector<128x256xf32>
    %dot_general3A = arith.constant dense<0.000000e+00> : vector<8192x256xf32>
    %dot_general3A_15 = tpu.matmul %max3A_11, %get3A_14, %dot_general3A {dimension_numbers = #tpu.dot_dimension_numbers<[1], [0], [0], [1], [0, 0, 1, 1], [], []>, transpose_lhs_hint = false} : vector<8192x128xf32>, vector<128x256xf32>, vector<8192x256xf32> -> vector<8192x256xf32>
    %reshape3A = vector.shape_cast %dot_general3A_15 : vector<8192x256xf32> to vector<64x128x256xf32>
    %reduce_max3A = arith.constant dense<0xFF800000> : vector<64x256xf32>
    %reduce_max3A_16 = vector.multi_reduction <maximumf>, %reshape3A, %reduce_max3A [1] : vector<64x128x256xf32> to vector<64x256xf32>
    %swap3A = arith.constant 0 : index
    %swap3A_17 = arith.constant 0 : index
    %swap3A_18 = vector.load %arg5[%swap3A, %swap3A_17] : memref<64x256xf32, #tpu.memory_space<vmem>>, vector<64x256xf32>
    tpu.vector_store %arg5[%swap3A, %swap3A_17], %reduce_max3A_16 {strides = array<i32>} : memref<64x256xf32, #tpu.memory_space<vmem>>, vector<64x256xf32>,
    %eq3A = arith.constant 0 : i32
    %eq3A_19 = arith.cmpi eq, %arg0, %eq3A : i32
    %convert_element_type3A = arith.extui %eq3A_19 : i1 to i32
    %cond3A = arith.constant 0 : i32
    %cond3A_20 = arith.cmpi ne, %convert_element_type3A, %cond3A : i32
    scf.if %cond3A_20 {
      %broadcast_in_dim3A_40 = arith.constant 0.000000e+00 : f32
      %broadcast_in_dim3A_41 = vector.broadcast %broadcast_in_dim3A_40 : f32 to vector<8x256xf32>
      %swap3A_42 = arith.constant 0 : index
      %swap3A_43 = arith.constant 0 : index
      %swap3A_44 = vector.load %arg6[%swap3A_42, %swap3A_43] : memref<8x256xf32, #tpu.memory_space<vmem>>, vector<8x256xf32>
      tpu.vector_store %arg6[%swap3A_42, %swap3A_43], %broadcast_in_dim3A_41 {strides = array<i32>} : memref<8x256xf32, #tpu.memory_space<vmem>>, vector<8x256xf32>,
    } else {
    }
    %get3A_21 = arith.constant 0 : index
    %get3A_22 = arith.constant 0 : index
    %get3A_23 = vector.load %arg6[%get3A_21, %get3A_22] : memref<8x256xf32, #tpu.memory_space<vmem>>, vector<1x256xf32>
    %reduce_sum3A = arith.constant dense<0.000000e+00> : vector<256xf32>
    %reduce_sum3A_24 = vector.multi_reduction <add>, %dot_general3A_15, %reduce_sum3A [0] : vector<8192x256xf32> to vector<256xf32>
    %broadcast_in_dim3A = vector.shape_cast %reduce_sum3A_24 : vector<256xf32> to vector<1x256xf32>
    %add3A_25 = arith.addf %get3A_23, %broadcast_in_dim3A : vector<1x256xf32>
    %swap3A_26 = arith.constant 0 : index
    %swap3A_27 = arith.constant 0 : index
    %swap3A_28 = vector.load %arg6[%swap3A_26, %swap3A_27] : memref<8x256xf32, #tpu.memory_space<vmem>>, vector<1x256xf32>
    tpu.vector_store %arg6[%swap3A_26, %swap3A_27], %add3A_25 {strides = array<i32>} : memref<8x256xf32, #tpu.memory_space<vmem>>, vector<1x256xf32>,
    %get3A_29 = arith.constant 1 : index
    %get3A_30 = arith.constant 0 : index
    %get3A_31 = vector.load %arg6[%get3A_29, %get3A_30] : memref<8x256xf32, #tpu.memory_space<vmem>>, vector<1x256xf32>
    %mul3A_32 = arith.mulf %dot_general3A_15, %dot_general3A_15 : vector<8192x256xf32>
    %reduce_sum3A_33 = arith.constant dense<0.000000e+00> : vector<256xf32>
    %reduce_sum3A_34 = vector.multi_reduction <add>, %mul3A_32, %reduce_sum3A_33 [0] : vector<8192x256xf32> to vector<256xf32>
    %broadcast_in_dim3A_35 = vector.shape_cast %reduce_sum3A_34 : vector<256xf32> to vector<1x256xf32>
    %add3A_36 = arith.addf %get3A_31, %broadcast_in_dim3A_35 : vector<1x256xf32>
    %swap3A_37 = arith.constant 1 : index
    %swap3A_38 = arith.constant 0 : index
    %swap3A_39 = vector.load %arg6[%swap3A_37, %swap3A_38] : memref<8x256xf32, #tpu.memory_space<vmem>>, vector<1x256xf32>
    tpu.vector_store %arg6[%swap3A_37, %swap3A_38], %add3A_36 {strides = array<i32>} : memref<8x256xf32, #tpu.memory_space<vmem>>, vector<1x256xf32>,
    return
  }
  func.func @transform_0(%arg0: i32) -> (i32, i32) {
    %c0_i32 = arith.constant 0 : i32
    %c0_i32_0 = arith.constant 0 : i32
    return %arg0, %c0_i32 : i32, i32
  }
  func.func @transform_1(%arg0: i32) -> (i32, i32) {
    %c0_i32 = arith.constant 0 : i32
    %c0_i32_0 = arith.constant 0 : i32
    %c0_i32_1 = arith.constant 0 : i32
    return %c0_i32, %c0_i32_0 : i32, i32
  }
  func.func @transform_2(%arg0: i32) -> (i32, i32) {
    %c0_i32 = arith.constant 0 : i32
    %c0_i32_0 = arith.constant 0 : i32
    %c0_i32_1 = arith.constant 0 : i32
    return %c0_i32, %c0_i32_0 : i32, i32
  }
  func.func @transform_3(%arg0: i32) -> (i32, i32) {
    %c0_i32 = arith.constant 0 : i32
    %c0_i32_0 = arith.constant 0 : i32
    %c0_i32_1 = arith.constant 0 : i32
    return %c0_i32, %c0_i32_0 : i32, i32
  }
  func.func @transform_4(%arg0: i32) -> (i32, i32) {
    %c0_i32 = arith.constant 0 : i32
    %c0_i32_0 = arith.constant 0 : i32
    return %arg0, %c0_i32 : i32, i32
  }
  func.func @transform_5(%arg0: i32) -> (i32, i32) {
    %c0_i32 = arith.constant 0 : i32
    %c0_i32_0 = arith.constant 0 : i32
    %c0_i32_1 = arith.constant 0 : i32
    return %c0_i32, %c0_i32_0 : i32, i32
  }
}

module attributes {stable_mosaic.version = 14 : i64} {
  func.func @body(%arg0: i32, %arg1: memref<8192x128xf32, #tpu.memory_space<vmem>>, %arg2: memref<128x128xf32, #tpu.memory_space<vmem>>, %arg3: memref<8x128xf32, #tpu.memory_space<vmem>>) attributes {dimension_semantics = [#tpu.dimension_semantics<arbitrary>], iteration_bounds = array<i64: 8>, scalar_prefetch = 0 : i64, scratch_operands = 0 : i64, tpu.core_type = #tpu.core_type<tc>, window_params = [{transform_indices = @transform_0, window_bounds = array<i64: 8192, 128>}, {transform_indices = @transform_1, window_bounds = array<i64: 128, 128>}, {pipeline_mode = #tpu.pipeline_mode<synchronous>, transform_indices = @transform_2, window_bounds = array<i64: 8, 128>}]} {
    %get3A = arith.constant 0 : index
    %get3A_0 = arith.constant 0 : index
    %get3A_1 = vector.load %arg1[%get3A, %get3A_0] : memref<8192x128xf32, #tpu.memory_space<vmem>>, vector<8192x128xf32>
    %reshape3A = vector.shape_cast %get3A_1 : vector<8192x128xf32> to vector<128x64x128xf32>
    %get3A_2 = arith.constant 0 : index
    %get3A_3 = arith.constant 0 : index
    %get3A_4 = vector.load %arg2[%get3A_2, %get3A_3] : memref<128x128xf32, #tpu.memory_space<vmem>>, vector<128x128xf32>
    %broadcast_in_dim3A = vector.shape_cast %get3A_4 : vector<128x128xf32> to vector<128x1x128xf32>
    %add3A = vector.broadcast %broadcast_in_dim3A : vector<128x1x128xf32> to vector<128x64x128xf32>
    %add3A_5 = arith.addf %reshape3A, %add3A : vector<128x64x128xf32>
    %reshape3A_6 = vector.shape_cast %add3A_5 : vector<128x64x128xf32> to vector<8192x128xf32>
    %eq3A = arith.constant 0 : i32
    %eq3A_7 = arith.cmpi eq, %arg0, %eq3A : i32
    %convert_element_type3A = arith.extui %eq3A_7 : i1 to i32
    %cond3A = arith.constant 0 : i32
    %cond3A_8 = arith.cmpi ne, %convert_element_type3A, %cond3A : i32
    scf.if %cond3A_8 {
      %broadcast_in_dim3A_27 = arith.constant 0.000000e+00 : f32
      %broadcast_in_dim3A_28 = vector.broadcast %broadcast_in_dim3A_27 : f32 to vector<8x128xf32>
      %swap3A_29 = arith.constant 0 : index
      %swap3A_30 = arith.constant 0 : index
      %swap3A_31 = vector.load %arg3[%swap3A_29, %swap3A_30] : memref<8x128xf32, #tpu.memory_space<vmem>>, vector<8x128xf32>
      tpu.vector_store %arg3[%swap3A_29, %swap3A_30], %broadcast_in_dim3A_28 {strides = array<i32>} : memref<8x128xf32, #tpu.memory_space<vmem>>, vector<8x128xf32>,
    } else {
    }
    %get3A_9 = arith.constant 0 : index
    %get3A_10 = arith.constant 0 : index
    %get3A_11 = vector.load %arg3[%get3A_9, %get3A_10] : memref<8x128xf32, #tpu.memory_space<vmem>>, vector<1x128xf32>
    %reduce_sum3A = arith.constant dense<0.000000e+00> : vector<128xf32>
    %reduce_sum3A_12 = vector.multi_reduction <add>, %reshape3A_6, %reduce_sum3A [0] : vector<8192x128xf32> to vector<128xf32>
    %broadcast_in_dim3A_13 = vector.shape_cast %reduce_sum3A_12 : vector<128xf32> to vector<1x128xf32>
    %add3A_14 = arith.addf %get3A_11, %broadcast_in_dim3A_13 : vector<1x128xf32>
    %swap3A = arith.constant 0 : index
    %swap3A_15 = arith.constant 0 : index
    %swap3A_16 = vector.load %arg3[%swap3A, %swap3A_15] : memref<8x128xf32, #tpu.memory_space<vmem>>, vector<1x128xf32>
    tpu.vector_store %arg3[%swap3A, %swap3A_15], %add3A_14 {strides = array<i32>} : memref<8x128xf32, #tpu.memory_space<vmem>>, vector<1x128xf32>,
    %get3A_17 = arith.constant 1 : index
    %get3A_18 = arith.constant 0 : index
    %get3A_19 = vector.load %arg3[%get3A_17, %get3A_18] : memref<8x128xf32, #tpu.memory_space<vmem>>, vector<1x128xf32>
    %mul3A = arith.mulf %reshape3A_6, %reshape3A_6 : vector<8192x128xf32>
    %reduce_sum3A_20 = arith.constant dense<0.000000e+00> : vector<128xf32>
    %reduce_sum3A_21 = vector.multi_reduction <add>, %mul3A, %reduce_sum3A_20 [0] : vector<8192x128xf32> to vector<128xf32>
    %broadcast_in_dim3A_22 = vector.shape_cast %reduce_sum3A_21 : vector<128xf32> to vector<1x128xf32>
    %add3A_23 = arith.addf %get3A_19, %broadcast_in_dim3A_22 : vector<1x128xf32>
    %swap3A_24 = arith.constant 1 : index
    %swap3A_25 = arith.constant 0 : index
    %swap3A_26 = vector.load %arg3[%swap3A_24, %swap3A_25] : memref<8x128xf32, #tpu.memory_space<vmem>>, vector<1x128xf32>
    tpu.vector_store %arg3[%swap3A_24, %swap3A_25], %add3A_23 {strides = array<i32>} : memref<8x128xf32, #tpu.memory_space<vmem>>, vector<1x128xf32>,
    return
  }
  func.func @transform_0(%arg0: i32) -> (i32, i32) {
    %c0_i32 = arith.constant 0 : i32
    %c0_i32_0 = arith.constant 0 : i32
    return %arg0, %c0_i32 : i32, i32
  }
  func.func @transform_1(%arg0: i32) -> (i32, i32) {
    %c0_i32 = arith.constant 0 : i32
    %c0_i32_0 = arith.constant 0 : i32
    return %arg0, %c0_i32 : i32, i32
  }
  func.func @transform_2(%arg0: i32) -> (i32, i32) {
    %c0_i32 = arith.constant 0 : i32
    %c0_i32_0 = arith.constant 0 : i32
    %c0_i32_1 = arith.constant 0 : i32
    return %c0_i32, %c0_i32_0 : i32, i32
  }
}

module attributes {stable_mosaic.version = 14 : i64} {
  func.func @body(%arg0: i32, %arg1: memref<8192x128xf32, #tpu.memory_space<vmem>>, %arg2: memref<128x128xf32, #tpu.memory_space<vmem>>, %arg3: memref<1x128xf32, #tpu.memory_space<vmem>>, %arg4: memref<128x128xf32, #tpu.memory_space<vmem>>, %arg5: memref<8192x128xf32, #tpu.memory_space<vmem>>, %arg6: memref<8x128xf32, #tpu.memory_space<vmem>>) attributes {dimension_semantics = [#tpu.dimension_semantics<arbitrary>], iteration_bounds = array<i64: 8>, scalar_prefetch = 0 : i64, scratch_operands = 0 : i64, tpu.core_type = #tpu.core_type<tc>, window_params = [{transform_indices = @transform_0, window_bounds = array<i64: 8192, 128>}, {pipeline_mode = #tpu.pipeline_mode<synchronous>, transform_indices = @transform_1, window_bounds = array<i64: 128, 128>}, {pipeline_mode = #tpu.pipeline_mode<synchronous>, transform_indices = @transform_2, window_bounds = array<i64: 1, 128>}, {transform_indices = @transform_3, window_bounds = array<i64: 128, 128>}, {transform_indices = @transform_4, window_bounds = array<i64: 8192, 128>}, {pipeline_mode = #tpu.pipeline_mode<synchronous>, transform_indices = @transform_5, window_bounds = array<i64: 8, 128>}]} {
    %get3A = arith.constant 0 : index
    %get3A_0 = arith.constant 0 : index
    %get3A_1 = vector.load %arg1[%get3A, %get3A_0] : memref<8192x128xf32, #tpu.memory_space<vmem>>, vector<8192x128xf32>
    %get3A_2 = arith.constant 0 : index
    %get3A_3 = arith.constant 0 : index
    %get3A_4 = vector.load %arg3[%get3A_2, %get3A_3] : memref<1x128xf32, #tpu.memory_space<vmem>>, vector<1x128xf32>
    %mul3A = vector.broadcast %get3A_4 : vector<1x128xf32> to vector<8192x128xf32>
    %mul3A_5 = arith.mulf %get3A_1, %mul3A : vector<8192x128xf32>
    %reshape3A = vector.shape_cast %mul3A_5 : vector<8192x128xf32> to vector<128x64x128xf32>
    %get3A_6 = arith.constant 0 : index
    %get3A_7 = arith.constant 0 : index
    %get3A_8 = vector.load %arg4[%get3A_6, %get3A_7] : memref<128x128xf32, #tpu.memory_space<vmem>>, vector<128x128xf32>
    %broadcast_in_dim3A = vector.shape_cast %get3A_8 : vector<128x128xf32> to vector<128x1x128xf32>
    %add3A = vector.broadcast %broadcast_in_dim3A : vector<128x1x128xf32> to vector<128x64x128xf32>
    %add3A_9 = arith.addf %reshape3A, %add3A : vector<128x64x128xf32>
    %reshape3A_10 = vector.shape_cast %add3A_9 : vector<128x64x128xf32> to vector<8192x128xf32>
    %max3A = arith.constant 0.000000e+00 : f32
    %max3A_11 = vector.broadcast %max3A : f32 to vector<8192x128xf32>
    %max3A_12 = arith.maximumf %reshape3A_10, %max3A_11 : vector<8192x128xf32>
    %get3A_13 = arith.constant 0 : index
    %get3A_14 = arith.constant 0 : index
    %get3A_15 = vector.load %arg2[%get3A_13, %get3A_14] : memref<128x128xf32, #tpu.memory_space<vmem>>, vector<128x128xf32>
    %dot_general3A = arith.constant dense<0.000000e+00> : vector<8192x128xf32>
    %dot_general3A_16 = tpu.matmul %max3A_12, %get3A_15, %dot_general3A {dimension_numbers = #tpu.dot_dimension_numbers<[1], [0], [0], [1], [0, 0, 1, 1], [], []>, transpose_lhs_hint = false} : vector<8192x128xf32>, vector<128x128xf32>, vector<8192x128xf32> -> vector<8192x128xf32>
    %swap3A = arith.constant 0 : index
    %swap3A_17 = arith.constant 0 : index
    %swap3A_18 = vector.load %arg5[%swap3A, %swap3A_17] : memref<8192x128xf32, #tpu.memory_space<vmem>>, vector<8192x128xf32>
    tpu.vector_store %arg5[%swap3A, %swap3A_17], %dot_general3A_16 {strides = array<i32>} : memref<8192x128xf32, #tpu.memory_space<vmem>>, vector<8192x128xf32>,
    %eq3A = arith.constant 0 : i32
    %eq3A_19 = arith.cmpi eq, %arg0, %eq3A : i32
    %convert_element_type3A = arith.extui %eq3A_19 : i1 to i32
    %cond3A = arith.constant 0 : i32
    %cond3A_20 = arith.cmpi ne, %convert_element_type3A, %cond3A : i32
    scf.if %cond3A_20 {
      %broadcast_in_dim3A_41 = arith.constant 0.000000e+00 : f32
      %broadcast_in_dim3A_42 = vector.broadcast %broadcast_in_dim3A_41 : f32 to vector<8x128xf32>
      %swap3A_43 = arith.constant 0 : index
      %swap3A_44 = arith.constant 0 : index
      %swap3A_45 = vector.load %arg6[%swap3A_43, %swap3A_44] : memref<8x128xf32, #tpu.memory_space<vmem>>, vector<8x128xf32>
      tpu.vector_store %arg6[%swap3A_43, %swap3A_44], %broadcast_in_dim3A_42 {strides = array<i32>} : memref<8x128xf32, #tpu.memory_space<vmem>>, vector<8x128xf32>,
    } else {
    }
    %get3A_21 = arith.constant 0 : index
    %get3A_22 = arith.constant 0 : index
    %get3A_23 = vector.load %arg6[%get3A_21, %get3A_22] : memref<8x128xf32, #tpu.memory_space<vmem>>, vector<1x128xf32>
    %reduce_sum3A = arith.constant dense<0.000000e+00> : vector<128xf32>
    %reduce_sum3A_24 = vector.multi_reduction <add>, %dot_general3A_16, %reduce_sum3A [0] : vector<8192x128xf32> to vector<128xf32>
    %broadcast_in_dim3A_25 = vector.shape_cast %reduce_sum3A_24 : vector<128xf32> to vector<1x128xf32>
    %add3A_26 = arith.addf %get3A_23, %broadcast_in_dim3A_25 : vector<1x128xf32>
    %swap3A_27 = arith.constant 0 : index
    %swap3A_28 = arith.constant 0 : index
    %swap3A_29 = vector.load %arg6[%swap3A_27, %swap3A_28] : memref<8x128xf32, #tpu.memory_space<vmem>>, vector<1x128xf32>
    tpu.vector_store %arg6[%swap3A_27, %swap3A_28], %add3A_26 {strides = array<i32>} : memref<8x128xf32, #tpu.memory_space<vmem>>, vector<1x128xf32>,
    %get3A_30 = arith.constant 1 : index
    %get3A_31 = arith.constant 0 : index
    %get3A_32 = vector.load %arg6[%get3A_30, %get3A_31] : memref<8x128xf32, #tpu.memory_space<vmem>>, vector<1x128xf32>
    %mul3A_33 = arith.mulf %dot_general3A_16, %dot_general3A_16 : vector<8192x128xf32>
    %reduce_sum3A_34 = arith.constant dense<0.000000e+00> : vector<128xf32>
    %reduce_sum3A_35 = vector.multi_reduction <add>, %mul3A_33, %reduce_sum3A_34 [0] : vector<8192x128xf32> to vector<128xf32>
    %broadcast_in_dim3A_36 = vector.shape_cast %reduce_sum3A_35 : vector<128xf32> to vector<1x128xf32>
    %add3A_37 = arith.addf %get3A_32, %broadcast_in_dim3A_36 : vector<1x128xf32>
    %swap3A_38 = arith.constant 1 : index
    %swap3A_39 = arith.constant 0 : index
    %swap3A_40 = vector.load %arg6[%swap3A_38, %swap3A_39] : memref<8x128xf32, #tpu.memory_space<vmem>>, vector<1x128xf32>
    tpu.vector_store %arg6[%swap3A_38, %swap3A_39], %add3A_37 {strides = array<i32>} : memref<8x128xf32, #tpu.memory_space<vmem>>, vector<1x128xf32>,
    return
  }
  func.func @transform_0(%arg0: i32) -> (i32, i32) {
    %c0_i32 = arith.constant 0 : i32
    %c0_i32_0 = arith.constant 0 : i32
    return %arg0, %c0_i32 : i32, i32
  }
  func.func @transform_1(%arg0: i32) -> (i32, i32) {
    %c0_i32 = arith.constant 0 : i32
    %c0_i32_0 = arith.constant 0 : i32
    %c0_i32_1 = arith.constant 0 : i32
    return %c0_i32, %c0_i32_0 : i32, i32
  }
  func.func @transform_2(%arg0: i32) -> (i32, i32) {
    %c0_i32 = arith.constant 0 : i32
    %c0_i32_0 = arith.constant 0 : i32
    %c0_i32_1 = arith.constant 0 : i32
    return %c0_i32, %c0_i32_0 : i32, i32
  }
  func.func @transform_3(%arg0: i32) -> (i32, i32) {
    %c0_i32 = arith.constant 0 : i32
    %c0_i32_0 = arith.constant 0 : i32
    return %arg0, %c0_i32 : i32, i32
  }
  func.func @transform_4(%arg0: i32) -> (i32, i32) {
    %c0_i32 = arith.constant 0 : i32
    %c0_i32_0 = arith.constant 0 : i32
    return %arg0, %c0_i32 : i32, i32
  }
  func.func @transform_5(%arg0: i32) -> (i32, i32) {
    %c0_i32 = arith.constant 0 : i32
    %c0_i32_0 = arith.constant 0 : i32
    %c0_i32_1 = arith.constant 0 : i32
    return %c0_i32, %c0_i32_0 : i32, i32
  }
}

module attributes {stable_mosaic.version = 14 : i64} {
  func.func @body(%arg0: i32, %arg1: memref<8192x128xf32, #tpu.memory_space<vmem>>, %arg2: memref<128x256xf32, #tpu.memory_space<vmem>>, %arg3: memref<1x128xf32, #tpu.memory_space<vmem>>, %arg4: memref<1x128xf32, #tpu.memory_space<vmem>>, %arg5: memref<128x256xf32, #tpu.memory_space<vmem>>, %arg6: memref<8x256xf32, #tpu.memory_space<vmem>>) attributes {dimension_semantics = [#tpu.dimension_semantics<arbitrary>], iteration_bounds = array<i64: 8>, scalar_prefetch = 0 : i64, scratch_operands = 0 : i64, tpu.core_type = #tpu.core_type<tc>, window_params = [{transform_indices = @transform_0, window_bounds = array<i64: 8192, 128>}, {pipeline_mode = #tpu.pipeline_mode<synchronous>, transform_indices = @transform_1, window_bounds = array<i64: 128, 256>}, {pipeline_mode = #tpu.pipeline_mode<synchronous>, transform_indices = @transform_2, window_bounds = array<i64: 1, 128>}, {pipeline_mode = #tpu.pipeline_mode<synchronous>, transform_indices = @transform_3, window_bounds = array<i64: 1, 128>}, {transform_indices = @transform_4, window_bounds = array<i64: 128, 256>}, {pipeline_mode = #tpu.pipeline_mode<synchronous>, transform_indices = @transform_5, window_bounds = array<i64: 8, 256>}]} {
    %get3A = arith.constant 0 : index
    %get3A_0 = arith.constant 0 : index
    %get3A_1 = vector.load %arg1[%get3A, %get3A_0] : memref<8192x128xf32, #tpu.memory_space<vmem>>, vector<8192x128xf32>
    %get3A_2 = arith.constant 0 : index
    %get3A_3 = arith.constant 0 : index
    %get3A_4 = vector.load %arg3[%get3A_2, %get3A_3] : memref<1x128xf32, #tpu.memory_space<vmem>>, vector<1x128xf32>
    %mul3A = vector.broadcast %get3A_4 : vector<1x128xf32> to vector<8192x128xf32>
    %mul3A_5 = arith.mulf %get3A_1, %mul3A : vector<8192x128xf32>
    %get3A_6 = arith.constant 0 : index
    %get3A_7 = arith.constant 0 : index
    %get3A_8 = vector.load %arg4[%get3A_6, %get3A_7] : memref<1x128xf32, #tpu.memory_space<vmem>>, vector<1x128xf32>
    %add3A = vector.broadcast %get3A_8 : vector<1x128xf32> to vector<8192x128xf32>
    %add3A_9 = arith.addf %mul3A_5, %add3A : vector<8192x128xf32>
    %max3A = arith.constant 0.000000e+00 : f32
    %max3A_10 = vector.broadcast %max3A : f32 to vector<8192x128xf32>
    %max3A_11 = arith.maximumf %add3A_9, %max3A_10 : vector<8192x128xf32>
    %get3A_12 = arith.constant 0 : index
    %get3A_13 = arith.constant 0 : index
    %get3A_14 = vector.load %arg2[%get3A_12, %get3A_13] : memref<128x256xf32, #tpu.memory_space<vmem>>, vector<128x256xf32>
    %dot_general3A = arith.constant dense<0.000000e+00> : vector<8192x256xf32>
    %dot_general3A_15 = tpu.matmul %max3A_11, %get3A_14, %dot_general3A {dimension_numbers = #tpu.dot_dimension_numbers<[1], [0], [0], [1], [0, 0, 1, 1], [], []>, transpose_lhs_hint = false} : vector<8192x128xf32>, vector<128x256xf32>, vector<8192x256xf32> -> vector<8192x256xf32>
    %reshape3A = vector.shape_cast %dot_general3A_15 : vector<8192x256xf32> to vector<128x64x256xf32>
    %reduce_max3A = arith.constant dense<0xFF800000> : vector<128x256xf32>
    %reduce_max3A_16 = vector.multi_reduction <maximumf>, %reshape3A, %reduce_max3A [1] : vector<128x64x256xf32> to vector<128x256xf32>
    %swap3A = arith.constant 0 : index
    %swap3A_17 = arith.constant 0 : index
    %swap3A_18 = vector.load %arg5[%swap3A, %swap3A_17] : memref<128x256xf32, #tpu.memory_space<vmem>>, vector<128x256xf32>
    tpu.vector_store %arg5[%swap3A, %swap3A_17], %reduce_max3A_16 {strides = array<i32>} : memref<128x256xf32, #tpu.memory_space<vmem>>, vector<128x256xf32>,
    %eq3A = arith.constant 0 : i32
    %eq3A_19 = arith.cmpi eq, %arg0, %eq3A : i32
    %convert_element_type3A = arith.extui %eq3A_19 : i1 to i32
    %cond3A = arith.constant 0 : i32
    %cond3A_20 = arith.cmpi ne, %convert_element_type3A, %cond3A : i32
    scf.if %cond3A_20 {
      %broadcast_in_dim3A_40 = arith.constant 0.000000e+00 : f32
      %broadcast_in_dim3A_41 = vector.broadcast %broadcast_in_dim3A_40 : f32 to vector<8x256xf32>
      %swap3A_42 = arith.constant 0 : index
      %swap3A_43 = arith.constant 0 : index
      %swap3A_44 = vector.load %arg6[%swap3A_42, %swap3A_43] : memref<8x256xf32, #tpu.memory_space<vmem>>, vector<8x256xf32>
      tpu.vector_store %arg6[%swap3A_42, %swap3A_43], %broadcast_in_dim3A_41 {strides = array<i32>} : memref<8x256xf32, #tpu.memory_space<vmem>>, vector<8x256xf32>,
    } else {
    }
    %get3A_21 = arith.constant 0 : index
    %get3A_22 = arith.constant 0 : index
    %get3A_23 = vector.load %arg6[%get3A_21, %get3A_22] : memref<8x256xf32, #tpu.memory_space<vmem>>, vector<1x256xf32>
    %reduce_sum3A = arith.constant dense<0.000000e+00> : vector<256xf32>
    %reduce_sum3A_24 = vector.multi_reduction <add>, %dot_general3A_15, %reduce_sum3A [0] : vector<8192x256xf32> to vector<256xf32>
    %broadcast_in_dim3A = vector.shape_cast %reduce_sum3A_24 : vector<256xf32> to vector<1x256xf32>
    %add3A_25 = arith.addf %get3A_23, %broadcast_in_dim3A : vector<1x256xf32>
    %swap3A_26 = arith.constant 0 : index
    %swap3A_27 = arith.constant 0 : index
    %swap3A_28 = vector.load %arg6[%swap3A_26, %swap3A_27] : memref<8x256xf32, #tpu.memory_space<vmem>>, vector<1x256xf32>
    tpu.vector_store %arg6[%swap3A_26, %swap3A_27], %add3A_25 {strides = array<i32>} : memref<8x256xf32, #tpu.memory_space<vmem>>, vector<1x256xf32>,
    %get3A_29 = arith.constant 1 : index
    %get3A_30 = arith.constant 0 : index
    %get3A_31 = vector.load %arg6[%get3A_29, %get3A_30] : memref<8x256xf32, #tpu.memory_space<vmem>>, vector<1x256xf32>
    %mul3A_32 = arith.mulf %dot_general3A_15, %dot_general3A_15 : vector<8192x256xf32>
    %reduce_sum3A_33 = arith.constant dense<0.000000e+00> : vector<256xf32>
    %reduce_sum3A_34 = vector.multi_reduction <add>, %mul3A_32, %reduce_sum3A_33 [0] : vector<8192x256xf32> to vector<256xf32>
    %broadcast_in_dim3A_35 = vector.shape_cast %reduce_sum3A_34 : vector<256xf32> to vector<1x256xf32>
    %add3A_36 = arith.addf %get3A_31, %broadcast_in_dim3A_35 : vector<1x256xf32>
    %swap3A_37 = arith.constant 1 : index
    %swap3A_38 = arith.constant 0 : index
    %swap3A_39 = vector.load %arg6[%swap3A_37, %swap3A_38] : memref<8x256xf32, #tpu.memory_space<vmem>>, vector<1x256xf32>
    tpu.vector_store %arg6[%swap3A_37, %swap3A_38], %add3A_36 {strides = array<i32>} : memref<8x256xf32, #tpu.memory_space<vmem>>, vector<1x256xf32>,
    return
  }
  func.func @transform_0(%arg0: i32) -> (i32, i32) {
    %c0_i32 = arith.constant 0 : i32
    %c0_i32_0 = arith.constant 0 : i32
    return %arg0, %c0_i32 : i32, i32
  }
  func.func @transform_1(%arg0: i32) -> (i32, i32) {
    %c0_i32 = arith.constant 0 : i32
    %c0_i32_0 = arith.constant 0 : i32
    %c0_i32_1 = arith.constant 0 : i32
    return %c0_i32, %c0_i32_0 : i32, i32
  }
  func.func @transform_2(%arg0: i32) -> (i32, i32) {
    %c0_i32 = arith.constant 0 : i32
    %c0_i32_0 = arith.constant 0 : i32
    %c0_i32_1 = arith.constant 0 : i32
    return %c0_i32, %c0_i32_0 : i32, i32
  }
  func.func @transform_3(%arg0: i32) -> (i32, i32) {
    %c0_i32 = arith.constant 0 : i32
    %c0_i32_0 = arith.constant 0 : i32
    %c0_i32_1 = arith.constant 0 : i32
    return %c0_i32, %c0_i32_0 : i32, i32
  }
  func.func @transform_4(%arg0: i32) -> (i32, i32) {
    %c0_i32 = arith.constant 0 : i32
    %c0_i32_0 = arith.constant 0 : i32
    return %arg0, %c0_i32 : i32, i32
  }
  func.func @transform_5(%arg0: i32) -> (i32, i32) {
    %c0_i32 = arith.constant 0 : i32
    %c0_i32_0 = arith.constant 0 : i32
    %c0_i32_1 = arith.constant 0 : i32
    return %c0_i32, %c0_i32_0 : i32, i32
  }
}

module attributes {stable_mosaic.version = 14 : i64} {
  func.func @body(%arg0: i32, %arg1: memref<8192x64xf32, #tpu.memory_space<vmem>>, %arg2: memref<256x64xf32, #tpu.memory_space<vmem>>, %arg3: memref<8x64xf32, #tpu.memory_space<vmem>>) attributes {dimension_semantics = [#tpu.dimension_semantics<arbitrary>], iteration_bounds = array<i64: 4>, scalar_prefetch = 0 : i64, scratch_operands = 0 : i64, tpu.core_type = #tpu.core_type<tc>, window_params = [{transform_indices = @transform_0, window_bounds = array<i64: 8192, 64>}, {transform_indices = @transform_1, window_bounds = array<i64: 256, 64>}, {pipeline_mode = #tpu.pipeline_mode<synchronous>, transform_indices = @transform_2, window_bounds = array<i64: 8, 64>}]} {
    %get3A = arith.constant 0 : index
    %get3A_0 = arith.constant 0 : index
    %get3A_1 = vector.load %arg1[%get3A, %get3A_0] : memref<8192x64xf32, #tpu.memory_space<vmem>>, vector<8192x64xf32>
    %reshape3A = vector.shape_cast %get3A_1 : vector<8192x64xf32> to vector<256x32x64xf32>
    %get3A_2 = arith.constant 0 : index
    %get3A_3 = arith.constant 0 : index
    %get3A_4 = vector.load %arg2[%get3A_2, %get3A_3] : memref<256x64xf32, #tpu.memory_space<vmem>>, vector<256x64xf32>
    %broadcast_in_dim3A = vector.shape_cast %get3A_4 : vector<256x64xf32> to vector<256x1x64xf32>
    %add3A = vector.broadcast %broadcast_in_dim3A : vector<256x1x64xf32> to vector<256x32x64xf32>
    %add3A_5 = arith.addf %reshape3A, %add3A : vector<256x32x64xf32>
    %reshape3A_6 = vector.shape_cast %add3A_5 : vector<256x32x64xf32> to vector<8192x64xf32>
    %eq3A = arith.constant 0 : i32
    %eq3A_7 = arith.cmpi eq, %arg0, %eq3A : i32
    %convert_element_type3A = arith.extui %eq3A_7 : i1 to i32
    %cond3A = arith.constant 0 : i32
    %cond3A_8 = arith.cmpi ne, %convert_element_type3A, %cond3A : i32
    scf.if %cond3A_8 {
      %broadcast_in_dim3A_27 = arith.constant 0.000000e+00 : f32
      %broadcast_in_dim3A_28 = vector.broadcast %broadcast_in_dim3A_27 : f32 to vector<8x64xf32>
      %swap3A_29 = arith.constant 0 : index
      %swap3A_30 = arith.constant 0 : index
      %swap3A_31 = vector.load %arg3[%swap3A_29, %swap3A_30] : memref<8x64xf32, #tpu.memory_space<vmem>>, vector<8x64xf32>
      tpu.vector_store %arg3[%swap3A_29, %swap3A_30], %broadcast_in_dim3A_28 {strides = array<i32>} : memref<8x64xf32, #tpu.memory_space<vmem>>, vector<8x64xf32>,
    } else {
    }
    %get3A_9 = arith.constant 0 : index
    %get3A_10 = arith.constant 0 : index
    %get3A_11 = vector.load %arg3[%get3A_9, %get3A_10] : memref<8x64xf32, #tpu.memory_space<vmem>>, vector<1x64xf32>
    %reduce_sum3A = arith.constant dense<0.000000e+00> : vector<64xf32>
    %reduce_sum3A_12 = vector.multi_reduction <add>, %reshape3A_6, %reduce_sum3A [0] : vector<8192x64xf32> to vector<64xf32>
    %broadcast_in_dim3A_13 = vector.shape_cast %reduce_sum3A_12 : vector<64xf32> to vector<1x64xf32>
    %add3A_14 = arith.addf %get3A_11, %broadcast_in_dim3A_13 : vector<1x64xf32>
    %swap3A = arith.constant 0 : index
    %swap3A_15 = arith.constant 0 : index
    %swap3A_16 = vector.load %arg3[%swap3A, %swap3A_15] : memref<8x64xf32, #tpu.memory_space<vmem>>, vector<1x64xf32>
    tpu.vector_store %arg3[%swap3A, %swap3A_15], %add3A_14 {strides = array<i32>} : memref<8x64xf32, #tpu.memory_space<vmem>>, vector<1x64xf32>,
    %get3A_17 = arith.constant 1 : index
    %get3A_18 = arith.constant 0 : index
    %get3A_19 = vector.load %arg3[%get3A_17, %get3A_18] : memref<8x64xf32, #tpu.memory_space<vmem>>, vector<1x64xf32>
    %mul3A = arith.mulf %reshape3A_6, %reshape3A_6 : vector<8192x64xf32>
    %reduce_sum3A_20 = arith.constant dense<0.000000e+00> : vector<64xf32>
    %reduce_sum3A_21 = vector.multi_reduction <add>, %mul3A, %reduce_sum3A_20 [0] : vector<8192x64xf32> to vector<64xf32>
    %broadcast_in_dim3A_22 = vector.shape_cast %reduce_sum3A_21 : vector<64xf32> to vector<1x64xf32>
    %add3A_23 = arith.addf %get3A_19, %broadcast_in_dim3A_22 : vector<1x64xf32>
    %swap3A_24 = arith.constant 1 : index
    %swap3A_25 = arith.constant 0 : index
    %swap3A_26 = vector.load %arg3[%swap3A_24, %swap3A_25] : memref<8x64xf32, #tpu.memory_space<vmem>>, vector<1x64xf32>
    tpu.vector_store %arg3[%swap3A_24, %swap3A_25], %add3A_23 {strides = array<i32>} : memref<8x64xf32, #tpu.memory_space<vmem>>, vector<1x64xf32>,
    return
  }
  func.func @transform_0(%arg0: i32) -> (i32, i32) {
    %c0_i32 = arith.constant 0 : i32
    %c0_i32_0 = arith.constant 0 : i32
    return %arg0, %c0_i32 : i32, i32
  }
  func.func @transform_1(%arg0: i32) -> (i32, i32) {
    %c0_i32 = arith.constant 0 : i32
    %c0_i32_0 = arith.constant 0 : i32
    return %arg0, %c0_i32 : i32, i32
  }
  func.func @transform_2(%arg0: i32) -> (i32, i32) {
    %c0_i32 = arith.constant 0 : i32
    %c0_i32_0 = arith.constant 0 : i32
    %c0_i32_1 = arith.constant 0 : i32
    return %c0_i32, %c0_i32_0 : i32, i32
  }
}

module attributes {stable_mosaic.version = 14 : i64} {
  func.func @body(%arg0: i32, %arg1: memref<8192x64xf32, #tpu.memory_space<vmem>>, %arg2: memref<64x64xf32, #tpu.memory_space<vmem>>, %arg3: memref<1x64xf32, #tpu.memory_space<vmem>>, %arg4: memref<256x64xf32, #tpu.memory_space<vmem>>, %arg5: memref<8192x64xf32, #tpu.memory_space<vmem>>, %arg6: memref<8x64xf32, #tpu.memory_space<vmem>>) attributes {dimension_semantics = [#tpu.dimension_semantics<arbitrary>], iteration_bounds = array<i64: 4>, scalar_prefetch = 0 : i64, scratch_operands = 0 : i64, tpu.core_type = #tpu.core_type<tc>, window_params = [{transform_indices = @transform_0, window_bounds = array<i64: 8192, 64>}, {pipeline_mode = #tpu.pipeline_mode<synchronous>, transform_indices = @transform_1, window_bounds = array<i64: 64, 64>}, {pipeline_mode = #tpu.pipeline_mode<synchronous>, transform_indices = @transform_2, window_bounds = array<i64: 1, 64>}, {transform_indices = @transform_3, window_bounds = array<i64: 256, 64>}, {transform_indices = @transform_4, window_bounds = array<i64: 8192, 64>}, {pipeline_mode = #tpu.pipeline_mode<synchronous>, transform_indices = @transform_5, window_bounds = array<i64: 8, 64>}]} {
    %get3A = arith.constant 0 : index
    %get3A_0 = arith.constant 0 : index
    %get3A_1 = vector.load %arg1[%get3A, %get3A_0] : memref<8192x64xf32, #tpu.memory_space<vmem>>, vector<8192x64xf32>
    %get3A_2 = arith.constant 0 : index
    %get3A_3 = arith.constant 0 : index
    %get3A_4 = vector.load %arg3[%get3A_2, %get3A_3] : memref<1x64xf32, #tpu.memory_space<vmem>>, vector<1x64xf32>
    %mul3A = vector.broadcast %get3A_4 : vector<1x64xf32> to vector<8192x64xf32>
    %mul3A_5 = arith.mulf %get3A_1, %mul3A : vector<8192x64xf32>
    %reshape3A = vector.shape_cast %mul3A_5 : vector<8192x64xf32> to vector<256x32x64xf32>
    %get3A_6 = arith.constant 0 : index
    %get3A_7 = arith.constant 0 : index
    %get3A_8 = vector.load %arg4[%get3A_6, %get3A_7] : memref<256x64xf32, #tpu.memory_space<vmem>>, vector<256x64xf32>
    %broadcast_in_dim3A = vector.shape_cast %get3A_8 : vector<256x64xf32> to vector<256x1x64xf32>
    %add3A = vector.broadcast %broadcast_in_dim3A : vector<256x1x64xf32> to vector<256x32x64xf32>
    %add3A_9 = arith.addf %reshape3A, %add3A : vector<256x32x64xf32>
    %reshape3A_10 = vector.shape_cast %add3A_9 : vector<256x32x64xf32> to vector<8192x64xf32>
    %max3A = arith.constant 0.000000e+00 : f32
    %max3A_11 = vector.broadcast %max3A : f32 to vector<8192x64xf32>
    %max3A_12 = arith.maximumf %reshape3A_10, %max3A_11 : vector<8192x64xf32>
    %get3A_13 = arith.constant 0 : index
    %get3A_14 = arith.constant 0 : index
    %get3A_15 = vector.load %arg2[%get3A_13, %get3A_14] : memref<64x64xf32, #tpu.memory_space<vmem>>, vector<64x64xf32>
    %dot_general3A = arith.constant dense<0.000000e+00> : vector<8192x64xf32>
    %dot_general3A_16 = tpu.matmul %max3A_12, %get3A_15, %dot_general3A {dimension_numbers = #tpu.dot_dimension_numbers<[1], [0], [0], [1], [0, 0, 1, 1], [], []>, transpose_lhs_hint = false} : vector<8192x64xf32>, vector<64x64xf32>, vector<8192x64xf32> -> vector<8192x64xf32>
    %swap3A = arith.constant 0 : index
    %swap3A_17 = arith.constant 0 : index
    %swap3A_18 = vector.load %arg5[%swap3A, %swap3A_17] : memref<8192x64xf32, #tpu.memory_space<vmem>>, vector<8192x64xf32>
    tpu.vector_store %arg5[%swap3A, %swap3A_17], %dot_general3A_16 {strides = array<i32>} : memref<8192x64xf32, #tpu.memory_space<vmem>>, vector<8192x64xf32>,
    %eq3A = arith.constant 0 : i32
    %eq3A_19 = arith.cmpi eq, %arg0, %eq3A : i32
    %convert_element_type3A = arith.extui %eq3A_19 : i1 to i32
    %cond3A = arith.constant 0 : i32
    %cond3A_20 = arith.cmpi ne, %convert_element_type3A, %cond3A : i32
    scf.if %cond3A_20 {
      %broadcast_in_dim3A_41 = arith.constant 0.000000e+00 : f32
      %broadcast_in_dim3A_42 = vector.broadcast %broadcast_in_dim3A_41 : f32 to vector<8x64xf32>
      %swap3A_43 = arith.constant 0 : index
      %swap3A_44 = arith.constant 0 : index
      %swap3A_45 = vector.load %arg6[%swap3A_43, %swap3A_44] : memref<8x64xf32, #tpu.memory_space<vmem>>, vector<8x64xf32>
      tpu.vector_store %arg6[%swap3A_43, %swap3A_44], %broadcast_in_dim3A_42 {strides = array<i32>} : memref<8x64xf32, #tpu.memory_space<vmem>>, vector<8x64xf32>,
    } else {
    }
    %get3A_21 = arith.constant 0 : index
    %get3A_22 = arith.constant 0 : index
    %get3A_23 = vector.load %arg6[%get3A_21, %get3A_22] : memref<8x64xf32, #tpu.memory_space<vmem>>, vector<1x64xf32>
    %reduce_sum3A = arith.constant dense<0.000000e+00> : vector<64xf32>
    %reduce_sum3A_24 = vector.multi_reduction <add>, %dot_general3A_16, %reduce_sum3A [0] : vector<8192x64xf32> to vector<64xf32>
    %broadcast_in_dim3A_25 = vector.shape_cast %reduce_sum3A_24 : vector<64xf32> to vector<1x64xf32>
    %add3A_26 = arith.addf %get3A_23, %broadcast_in_dim3A_25 : vector<1x64xf32>
    %swap3A_27 = arith.constant 0 : index
    %swap3A_28 = arith.constant 0 : index
    %swap3A_29 = vector.load %arg6[%swap3A_27, %swap3A_28] : memref<8x64xf32, #tpu.memory_space<vmem>>, vector<1x64xf32>
    tpu.vector_store %arg6[%swap3A_27, %swap3A_28], %add3A_26 {strides = array<i32>} : memref<8x64xf32, #tpu.memory_space<vmem>>, vector<1x64xf32>,
    %get3A_30 = arith.constant 1 : index
    %get3A_31 = arith.constant 0 : index
    %get3A_32 = vector.load %arg6[%get3A_30, %get3A_31] : memref<8x64xf32, #tpu.memory_space<vmem>>, vector<1x64xf32>
    %mul3A_33 = arith.mulf %dot_general3A_16, %dot_general3A_16 : vector<8192x64xf32>
    %reduce_sum3A_34 = arith.constant dense<0.000000e+00> : vector<64xf32>
    %reduce_sum3A_35 = vector.multi_reduction <add>, %mul3A_33, %reduce_sum3A_34 [0] : vector<8192x64xf32> to vector<64xf32>
    %broadcast_in_dim3A_36 = vector.shape_cast %reduce_sum3A_35 : vector<64xf32> to vector<1x64xf32>
    %add3A_37 = arith.addf %get3A_32, %broadcast_in_dim3A_36 : vector<1x64xf32>
    %swap3A_38 = arith.constant 1 : index
    %swap3A_39 = arith.constant 0 : index
    %swap3A_40 = vector.load %arg6[%swap3A_38, %swap3A_39] : memref<8x64xf32, #tpu.memory_space<vmem>>, vector<1x64xf32>
    tpu.vector_store %arg6[%swap3A_38, %swap3A_39], %add3A_37 {strides = array<i32>} : memref<8x64xf32, #tpu.memory_space<vmem>>, vector<1x64xf32>,
    return
  }
  func.func @transform_0(%arg0: i32) -> (i32, i32) {
    %c0_i32 = arith.constant 0 : i32
    %c0_i32_0 = arith.constant 0 : i32
    return %arg0, %c0_i32 : i32, i32
  }
  func.func @transform_1(%arg0: i32) -> (i32, i32) {
    %c0_i32 = arith.constant 0 : i32
    %c0_i32_0 = arith.constant 0 : i32
    %c0_i32_1 = arith.constant 0 : i32
    return %c0_i32, %c0_i32_0 : i32, i32
  }
  func.func @transform_2(%arg0: i32) -> (i32, i32) {
    %c0_i32 = arith.constant 0 : i32
    %c0_i32_0 = arith.constant 0 : i32
    %c0_i32_1 = arith.constant 0 : i32
    return %c0_i32, %c0_i32_0 : i32, i32
  }
  func.func @transform_3(%arg0: i32) -> (i32, i32) {
    %c0_i32 = arith.constant 0 : i32
    %c0_i32_0 = arith.constant 0 : i32
    return %arg0, %c0_i32 : i32, i32
  }
  func.func @transform_4(%arg0: i32) -> (i32, i32) {
    %c0_i32 = arith.constant 0 : i32
    %c0_i32_0 = arith.constant 0 : i32
    return %arg0, %c0_i32 : i32, i32
  }
  func.func @transform_5(%arg0: i32) -> (i32, i32) {
    %c0_i32 = arith.constant 0 : i32
    %c0_i32_0 = arith.constant 0 : i32
    %c0_i32_1 = arith.constant 0 : i32
    return %c0_i32, %c0_i32_0 : i32, i32
  }
}

module attributes {stable_mosaic.version = 14 : i64} {
  func.func @body(%arg0: i32, %arg1: memref<8192x64xf32, #tpu.memory_space<vmem>>, %arg2: memref<64x128xf32, #tpu.memory_space<vmem>>, %arg3: memref<1x64xf32, #tpu.memory_space<vmem>>, %arg4: memref<1x64xf32, #tpu.memory_space<vmem>>, %arg5: memref<256x128xf32, #tpu.memory_space<vmem>>, %arg6: memref<8x128xf32, #tpu.memory_space<vmem>>) attributes {dimension_semantics = [#tpu.dimension_semantics<arbitrary>], iteration_bounds = array<i64: 4>, scalar_prefetch = 0 : i64, scratch_operands = 0 : i64, tpu.core_type = #tpu.core_type<tc>, window_params = [{transform_indices = @transform_0, window_bounds = array<i64: 8192, 64>}, {pipeline_mode = #tpu.pipeline_mode<synchronous>, transform_indices = @transform_1, window_bounds = array<i64: 64, 128>}, {pipeline_mode = #tpu.pipeline_mode<synchronous>, transform_indices = @transform_2, window_bounds = array<i64: 1, 64>}, {pipeline_mode = #tpu.pipeline_mode<synchronous>, transform_indices = @transform_3, window_bounds = array<i64: 1, 64>}, {transform_indices = @transform_4, window_bounds = array<i64: 256, 128>}, {pipeline_mode = #tpu.pipeline_mode<synchronous>, transform_indices = @transform_5, window_bounds = array<i64: 8, 128>}]} {
    %get3A = arith.constant 0 : index
    %get3A_0 = arith.constant 0 : index
    %get3A_1 = vector.load %arg1[%get3A, %get3A_0] : memref<8192x64xf32, #tpu.memory_space<vmem>>, vector<8192x64xf32>
    %get3A_2 = arith.constant 0 : index
    %get3A_3 = arith.constant 0 : index
    %get3A_4 = vector.load %arg3[%get3A_2, %get3A_3] : memref<1x64xf32, #tpu.memory_space<vmem>>, vector<1x64xf32>
    %mul3A = vector.broadcast %get3A_4 : vector<1x64xf32> to vector<8192x64xf32>
    %mul3A_5 = arith.mulf %get3A_1, %mul3A : vector<8192x64xf32>
    %get3A_6 = arith.constant 0 : index
    %get3A_7 = arith.constant 0 : index
    %get3A_8 = vector.load %arg4[%get3A_6, %get3A_7] : memref<1x64xf32, #tpu.memory_space<vmem>>, vector<1x64xf32>
    %add3A = vector.broadcast %get3A_8 : vector<1x64xf32> to vector<8192x64xf32>
    %add3A_9 = arith.addf %mul3A_5, %add3A : vector<8192x64xf32>
    %max3A = arith.constant 0.000000e+00 : f32
    %max3A_10 = vector.broadcast %max3A : f32 to vector<8192x64xf32>
    %max3A_11 = arith.maximumf %add3A_9, %max3A_10 : vector<8192x64xf32>
    %get3A_12 = arith.constant 0 : index
    %get3A_13 = arith.constant 0 : index
    %get3A_14 = vector.load %arg2[%get3A_12, %get3A_13] : memref<64x128xf32, #tpu.memory_space<vmem>>, vector<64x128xf32>
    %dot_general3A = arith.constant dense<0.000000e+00> : vector<8192x128xf32>
    %dot_general3A_15 = tpu.matmul %max3A_11, %get3A_14, %dot_general3A {dimension_numbers = #tpu.dot_dimension_numbers<[1], [0], [0], [1], [0, 0, 1, 1], [], []>, transpose_lhs_hint = false} : vector<8192x64xf32>, vector<64x128xf32>, vector<8192x128xf32> -> vector<8192x128xf32>
    %reshape3A = vector.shape_cast %dot_general3A_15 : vector<8192x128xf32> to vector<256x32x128xf32>
    %reduce_max3A = arith.constant dense<0xFF800000> : vector<256x128xf32>
    %reduce_max3A_16 = vector.multi_reduction <maximumf>, %reshape3A, %reduce_max3A [1] : vector<256x32x128xf32> to vector<256x128xf32>
    %swap3A = arith.constant 0 : index
    %swap3A_17 = arith.constant 0 : index
    %swap3A_18 = vector.load %arg5[%swap3A, %swap3A_17] : memref<256x128xf32, #tpu.memory_space<vmem>>, vector<256x128xf32>
    tpu.vector_store %arg5[%swap3A, %swap3A_17], %reduce_max3A_16 {strides = array<i32>} : memref<256x128xf32, #tpu.memory_space<vmem>>, vector<256x128xf32>,
    %eq3A = arith.constant 0 : i32
    %eq3A_19 = arith.cmpi eq, %arg0, %eq3A : i32
    %convert_element_type3A = arith.extui %eq3A_19 : i1 to i32
    %cond3A = arith.constant 0 : i32
    %cond3A_20 = arith.cmpi ne, %convert_element_type3A, %cond3A : i32
    scf.if %cond3A_20 {
      %broadcast_in_dim3A_40 = arith.constant 0.000000e+00 : f32
      %broadcast_in_dim3A_41 = vector.broadcast %broadcast_in_dim3A_40 : f32 to vector<8x128xf32>
      %swap3A_42 = arith.constant 0 : index
      %swap3A_43 = arith.constant 0 : index
      %swap3A_44 = vector.load %arg6[%swap3A_42, %swap3A_43] : memref<8x128xf32, #tpu.memory_space<vmem>>, vector<8x128xf32>
      tpu.vector_store %arg6[%swap3A_42, %swap3A_43], %broadcast_in_dim3A_41 {strides = array<i32>} : memref<8x128xf32, #tpu.memory_space<vmem>>, vector<8x128xf32>,
    } else {
    }
    %get3A_21 = arith.constant 0 : index
    %get3A_22 = arith.constant 0 : index
    %get3A_23 = vector.load %arg6[%get3A_21, %get3A_22] : memref<8x128xf32, #tpu.memory_space<vmem>>, vector<1x128xf32>
    %reduce_sum3A = arith.constant dense<0.000000e+00> : vector<128xf32>
    %reduce_sum3A_24 = vector.multi_reduction <add>, %dot_general3A_15, %reduce_sum3A [0] : vector<8192x128xf32> to vector<128xf32>
    %broadcast_in_dim3A = vector.shape_cast %reduce_sum3A_24 : vector<128xf32> to vector<1x128xf32>
    %add3A_25 = arith.addf %get3A_23, %broadcast_in_dim3A : vector<1x128xf32>
    %swap3A_26 = arith.constant 0 : index
    %swap3A_27 = arith.constant 0 : index
    %swap3A_28 = vector.load %arg6[%swap3A_26, %swap3A_27] : memref<8x128xf32, #tpu.memory_space<vmem>>, vector<1x128xf32>
    tpu.vector_store %arg6[%swap3A_26, %swap3A_27], %add3A_25 {strides = array<i32>} : memref<8x128xf32, #tpu.memory_space<vmem>>, vector<1x128xf32>,
    %get3A_29 = arith.constant 1 : index
    %get3A_30 = arith.constant 0 : index
    %get3A_31 = vector.load %arg6[%get3A_29, %get3A_30] : memref<8x128xf32, #tpu.memory_space<vmem>>, vector<1x128xf32>
    %mul3A_32 = arith.mulf %dot_general3A_15, %dot_general3A_15 : vector<8192x128xf32>
    %reduce_sum3A_33 = arith.constant dense<0.000000e+00> : vector<128xf32>
    %reduce_sum3A_34 = vector.multi_reduction <add>, %mul3A_32, %reduce_sum3A_33 [0] : vector<8192x128xf32> to vector<128xf32>
    %broadcast_in_dim3A_35 = vector.shape_cast %reduce_sum3A_34 : vector<128xf32> to vector<1x128xf32>
    %add3A_36 = arith.addf %get3A_31, %broadcast_in_dim3A_35 : vector<1x128xf32>
    %swap3A_37 = arith.constant 1 : index
    %swap3A_38 = arith.constant 0 : index
    %swap3A_39 = vector.load %arg6[%swap3A_37, %swap3A_38] : memref<8x128xf32, #tpu.memory_space<vmem>>, vector<1x128xf32>
    tpu.vector_store %arg6[%swap3A_37, %swap3A_38], %add3A_36 {strides = array<i32>} : memref<8x128xf32, #tpu.memory_space<vmem>>, vector<1x128xf32>,
    return
  }
  func.func @transform_0(%arg0: i32) -> (i32, i32) {
    %c0_i32 = arith.constant 0 : i32
    %c0_i32_0 = arith.constant 0 : i32
    return %arg0, %c0_i32 : i32, i32
  }
  func.func @transform_1(%arg0: i32) -> (i32, i32) {
    %c0_i32 = arith.constant 0 : i32
    %c0_i32_0 = arith.constant 0 : i32
    %c0_i32_1 = arith.constant 0 : i32
    return %c0_i32, %c0_i32_0 : i32, i32
  }
  func.func @transform_2(%arg0: i32) -> (i32, i32) {
    %c0_i32 = arith.constant 0 : i32
    %c0_i32_0 = arith.constant 0 : i32
    %c0_i32_1 = arith.constant 0 : i32
    return %c0_i32, %c0_i32_0 : i32, i32
  }
  func.func @transform_3(%arg0: i32) -> (i32, i32) {
    %c0_i32 = arith.constant 0 : i32
    %c0_i32_0 = arith.constant 0 : i32
    %c0_i32_1 = arith.constant 0 : i32
    return %c0_i32, %c0_i32_0 : i32, i32
  }
  func.func @transform_4(%arg0: i32) -> (i32, i32) {
    %c0_i32 = arith.constant 0 : i32
    %c0_i32_0 = arith.constant 0 : i32
    return %arg0, %c0_i32 : i32, i32
  }
  func.func @transform_5(%arg0: i32) -> (i32, i32) {
    %c0_i32 = arith.constant 0 : i32
    %c0_i32_0 = arith.constant 0 : i32
    %c0_i32_1 = arith.constant 0 : i32
    return %c0_i32, %c0_i32_0 : i32, i32
  }
}

module attributes {stable_mosaic.version = 14 : i64} {
  func.func @body(%arg0: memref<1024x256xf32, #tpu.memory_space<vmem>>, %arg1: memref<1x256xf32, #tpu.memory_space<vmem>>, %arg2: memref<1x256xf32, #tpu.memory_space<vmem>>, %arg3: memref<1024x256xf32, #tpu.memory_space<vmem>>) attributes {dimension_semantics = [], scalar_prefetch = 0 : i64, scratch_operands = 0 : i64, tpu.core_type = #tpu.core_type<tc>} {
    %get3A = arith.constant 0 : index
    %get3A_0 = arith.constant 0 : index
    %get3A_1 = vector.load %arg0[%get3A, %get3A_0] : memref<1024x256xf32, #tpu.memory_space<vmem>>, vector<1024x256xf32>
    %get3A_2 = arith.constant 0 : index
    %get3A_3 = arith.constant 0 : index
    %get3A_4 = vector.load %arg1[%get3A_2, %get3A_3] : memref<1x256xf32, #tpu.memory_space<vmem>>, vector<1x256xf32>
    %mul3A = vector.broadcast %get3A_4 : vector<1x256xf32> to vector<1024x256xf32>
    %mul3A_5 = arith.mulf %get3A_1, %mul3A : vector<1024x256xf32>
    %get3A_6 = arith.constant 0 : index
    %get3A_7 = arith.constant 0 : index
    %get3A_8 = vector.load %arg2[%get3A_6, %get3A_7] : memref<1x256xf32, #tpu.memory_space<vmem>>, vector<1x256xf32>
    %add3A = vector.broadcast %get3A_8 : vector<1x256xf32> to vector<1024x256xf32>
    %add3A_9 = arith.addf %mul3A_5, %add3A : vector<1024x256xf32>
    %max3A = arith.constant 0.000000e+00 : f32
    %max3A_10 = vector.broadcast %max3A : f32 to vector<1024x256xf32>
    %max3A_11 = arith.maximumf %add3A_9, %max3A_10 : vector<1024x256xf32>
    %swap3A = arith.constant 0 : index
    %swap3A_12 = arith.constant 0 : index
    %swap3A_13 = vector.load %arg3[%swap3A, %swap3A_12] : memref<1024x256xf32, #tpu.memory_space<vmem>>, vector<1024x256xf32>
    tpu.vector_store %arg3[%swap3A, %swap3A_12], %max3A_11 {strides = array<i32>} : memref<1024x256xf32, #tpu.memory_space<vmem>>, vector<1024x256xf32>,
    return
  }
}

module attributes {stable_mosaic.version = 14 : i64} {
  func.func @body(%arg0: memref<1024x128xf32, #tpu.memory_space<vmem>>, %arg1: memref<1x128xf32, #tpu.memory_space<vmem>>, %arg2: memref<1x128xf32, #tpu.memory_space<vmem>>, %arg3: memref<1024x128xf32, #tpu.memory_space<vmem>>) attributes {dimension_semantics = [], scalar_prefetch = 0 : i64, scratch_operands = 0 : i64, tpu.core_type = #tpu.core_type<tc>} {
    %get3A = arith.constant 0 : index
    %get3A_0 = arith.constant 0 : index
    %get3A_1 = vector.load %arg0[%get3A, %get3A_0] : memref<1024x128xf32, #tpu.memory_space<vmem>>, vector<1024x128xf32>
    %get3A_2 = arith.constant 0 : index
    %get3A_3 = arith.constant 0 : index
    %get3A_4 = vector.load %arg1[%get3A_2, %get3A_3] : memref<1x128xf32, #tpu.memory_space<vmem>>, vector<1x128xf32>
    %mul3A = vector.broadcast %get3A_4 : vector<1x128xf32> to vector<1024x128xf32>
    %mul3A_5 = arith.mulf %get3A_1, %mul3A : vector<1024x128xf32>
    %get3A_6 = arith.constant 0 : index
    %get3A_7 = arith.constant 0 : index
    %get3A_8 = vector.load %arg2[%get3A_6, %get3A_7] : memref<1x128xf32, #tpu.memory_space<vmem>>, vector<1x128xf32>
    %add3A = vector.broadcast %get3A_8 : vector<1x128xf32> to vector<1024x128xf32>
    %add3A_9 = arith.addf %mul3A_5, %add3A : vector<1024x128xf32>
    %max3A = arith.constant 0.000000e+00 : f32
    %max3A_10 = vector.broadcast %max3A : f32 to vector<1024x128xf32>
    %max3A_11 = arith.maximumf %add3A_9, %max3A_10 : vector<1024x128xf32>
    %swap3A = arith.constant 0 : index
    %swap3A_12 = arith.constant 0 : index
    %swap3A_13 = vector.load %arg3[%swap3A, %swap3A_12] : memref<1024x128xf32, #tpu.memory_space<vmem>>, vector<1024x128xf32>
    tpu.vector_store %arg3[%swap3A, %swap3A_12], %max3A_11 {strides = array<i32>} : memref<1024x128xf32, #tpu.memory_space<vmem>>, vector<1024x128xf32>,
    return
  }
}

module attributes {stable_mosaic.version = 14 : i64} {
  func.func @body(%arg0: i32, %arg1: memref<1024x768xf32, #tpu.memory_space<vmem>>, %arg2: memref<768x256xf32, #tpu.memory_space<vmem>>, %arg3: memref<1024x256xf32, #tpu.memory_space<vmem>>, %arg4: memref<8x256xf32, #tpu.memory_space<vmem>>) attributes {dimension_semantics = [#tpu.dimension_semantics<arbitrary>], iteration_bounds = array<i64: 1>, scalar_prefetch = 0 : i64, scratch_operands = 0 : i64, tpu.core_type = #tpu.core_type<tc>, window_params = [{transform_indices = @transform_0, window_bounds = array<i64: 1024, 768>}, {pipeline_mode = #tpu.pipeline_mode<synchronous>, transform_indices = @transform_1, window_bounds = array<i64: 768, 256>}, {transform_indices = @transform_2, window_bounds = array<i64: 1024, 256>}, {pipeline_mode = #tpu.pipeline_mode<synchronous>, transform_indices = @transform_3, window_bounds = array<i64: 8, 256>}]} {
    %get3A = arith.constant 0 : index
    %get3A_0 = arith.constant 0 : index
    %get3A_1 = vector.load %arg1[%get3A, %get3A_0] : memref<1024x768xf32, #tpu.memory_space<vmem>>, vector<1024x768xf32>
    %get3A_2 = arith.constant 0 : index
    %get3A_3 = arith.constant 0 : index
    %get3A_4 = vector.load %arg2[%get3A_2, %get3A_3] : memref<768x256xf32, #tpu.memory_space<vmem>>, vector<768x256xf32>
    %dot_general3A = arith.constant dense<0.000000e+00> : vector<1024x256xf32>
    %dot_general3A_5 = tpu.matmul %get3A_1, %get3A_4, %dot_general3A {dimension_numbers = #tpu.dot_dimension_numbers<[1], [0], [0], [1], [0, 0, 1, 1], [], []>, transpose_lhs_hint = false} : vector<1024x768xf32>, vector<768x256xf32>, vector<1024x256xf32> -> vector<1024x256xf32>
    %swap3A = arith.constant 0 : index
    %swap3A_6 = arith.constant 0 : index
    %swap3A_7 = vector.load %arg3[%swap3A, %swap3A_6] : memref<1024x256xf32, #tpu.memory_space<vmem>>, vector<1024x256xf32>
    tpu.vector_store %arg3[%swap3A, %swap3A_6], %dot_general3A_5 {strides = array<i32>} : memref<1024x256xf32, #tpu.memory_space<vmem>>, vector<1024x256xf32>,
    %eq3A = arith.constant 0 : i32
    %eq3A_8 = arith.cmpi eq, %arg0, %eq3A : i32
    %convert_element_type3A = arith.extui %eq3A_8 : i1 to i32
    %cond3A = arith.constant 0 : i32
    %cond3A_9 = arith.cmpi ne, %convert_element_type3A, %cond3A : i32
    scf.if %cond3A_9 {
      %broadcast_in_dim3A_27 = arith.constant 0.000000e+00 : f32
      %broadcast_in_dim3A_28 = vector.broadcast %broadcast_in_dim3A_27 : f32 to vector<8x256xf32>
      %swap3A_29 = arith.constant 0 : index
      %swap3A_30 = arith.constant 0 : index
      %swap3A_31 = vector.load %arg4[%swap3A_29, %swap3A_30] : memref<8x256xf32, #tpu.memory_space<vmem>>, vector<8x256xf32>
      tpu.vector_store %arg4[%swap3A_29, %swap3A_30], %broadcast_in_dim3A_28 {strides = array<i32>} : memref<8x256xf32, #tpu.memory_space<vmem>>, vector<8x256xf32>,
    } else {
    }
    %get3A_10 = arith.constant 0 : index
    %get3A_11 = arith.constant 0 : index
    %get3A_12 = vector.load %arg4[%get3A_10, %get3A_11] : memref<8x256xf32, #tpu.memory_space<vmem>>, vector<1x256xf32>
    %reduce_sum3A = arith.constant dense<0.000000e+00> : vector<256xf32>
    %reduce_sum3A_13 = vector.multi_reduction <add>, %dot_general3A_5, %reduce_sum3A [0] : vector<1024x256xf32> to vector<256xf32>
    %broadcast_in_dim3A = vector.shape_cast %reduce_sum3A_13 : vector<256xf32> to vector<1x256xf32>
    %add3A = arith.addf %get3A_12, %broadcast_in_dim3A : vector<1x256xf32>
    %swap3A_14 = arith.constant 0 : index
    %swap3A_15 = arith.constant 0 : index
    %swap3A_16 = vector.load %arg4[%swap3A_14, %swap3A_15] : memref<8x256xf32, #tpu.memory_space<vmem>>, vector<1x256xf32>
    tpu.vector_store %arg4[%swap3A_14, %swap3A_15], %add3A {strides = array<i32>} : memref<8x256xf32, #tpu.memory_space<vmem>>, vector<1x256xf32>,
    %get3A_17 = arith.constant 1 : index
    %get3A_18 = arith.constant 0 : index
    %get3A_19 = vector.load %arg4[%get3A_17, %get3A_18] : memref<8x256xf32, #tpu.memory_space<vmem>>, vector<1x256xf32>
    %mul3A = arith.mulf %dot_general3A_5, %dot_general3A_5 : vector<1024x256xf32>
    %reduce_sum3A_20 = arith.constant dense<0.000000e+00> : vector<256xf32>
    %reduce_sum3A_21 = vector.multi_reduction <add>, %mul3A, %reduce_sum3A_20 [0] : vector<1024x256xf32> to vector<256xf32>
    %broadcast_in_dim3A_22 = vector.shape_cast %reduce_sum3A_21 : vector<256xf32> to vector<1x256xf32>
    %add3A_23 = arith.addf %get3A_19, %broadcast_in_dim3A_22 : vector<1x256xf32>
    %swap3A_24 = arith.constant 1 : index
    %swap3A_25 = arith.constant 0 : index
    %swap3A_26 = vector.load %arg4[%swap3A_24, %swap3A_25] : memref<8x256xf32, #tpu.memory_space<vmem>>, vector<1x256xf32>
    tpu.vector_store %arg4[%swap3A_24, %swap3A_25], %add3A_23 {strides = array<i32>} : memref<8x256xf32, #tpu.memory_space<vmem>>, vector<1x256xf32>,
    return
  }
  func.func @transform_0(%arg0: i32) -> (i32, i32) {
    %c0_i32 = arith.constant 0 : i32
    %c0_i32_0 = arith.constant 0 : i32
    return %arg0, %c0_i32 : i32, i32
  }
  func.func @transform_1(%arg0: i32) -> (i32, i32) {
    %c0_i32 = arith.constant 0 : i32
    %c0_i32_0 = arith.constant 0 : i32
    %c0_i32_1 = arith.constant 0 : i32
    return %c0_i32, %c0_i32_0 : i32, i32
  }
  func.func @transform_2(%arg0: i32) -> (i32, i32) {
    %c0_i32 = arith.constant 0 : i32
    %c0_i32_0 = arith.constant 0 : i32
    return %arg0, %c0_i32 : i32, i32
  }
  func.func @transform_3(%arg0: i32) -> (i32, i32) {
    %c0_i32 = arith.constant 0 : i32
    %c0_i32_0 = arith.constant 0 : i32
    %c0_i32_1 = arith.constant 0 : i32
    return %c0_i32, %c0_i32_0 : i32, i32
  }
}

module attributes {stable_mosaic.version = 14 : i64} {
  func.func @body(%arg0: i32, %arg1: memref<1024x256xf32, #tpu.memory_space<vmem>>, %arg2: memref<256x512xf32, #tpu.memory_space<vmem>>, %arg3: memref<1x256xf32, #tpu.memory_space<vmem>>, %arg4: memref<1x256xf32, #tpu.memory_space<vmem>>, %arg5: memref<1024x512xf32, #tpu.memory_space<vmem>>, %arg6: memref<8x512xf32, #tpu.memory_space<vmem>>) attributes {dimension_semantics = [#tpu.dimension_semantics<arbitrary>], iteration_bounds = array<i64: 1>, scalar_prefetch = 0 : i64, scratch_operands = 0 : i64, tpu.core_type = #tpu.core_type<tc>, window_params = [{transform_indices = @transform_0, window_bounds = array<i64: 1024, 256>}, {pipeline_mode = #tpu.pipeline_mode<synchronous>, transform_indices = @transform_1, window_bounds = array<i64: 256, 512>}, {pipeline_mode = #tpu.pipeline_mode<synchronous>, transform_indices = @transform_2, window_bounds = array<i64: 1, 256>}, {pipeline_mode = #tpu.pipeline_mode<synchronous>, transform_indices = @transform_3, window_bounds = array<i64: 1, 256>}, {transform_indices = @transform_4, window_bounds = array<i64: 1024, 512>}, {pipeline_mode = #tpu.pipeline_mode<synchronous>, transform_indices = @transform_5, window_bounds = array<i64: 8, 512>}]} {
    %get3A = arith.constant 0 : index
    %get3A_0 = arith.constant 0 : index
    %get3A_1 = vector.load %arg1[%get3A, %get3A_0] : memref<1024x256xf32, #tpu.memory_space<vmem>>, vector<1024x256xf32>
    %get3A_2 = arith.constant 0 : index
    %get3A_3 = arith.constant 0 : index
    %get3A_4 = vector.load %arg3[%get3A_2, %get3A_3] : memref<1x256xf32, #tpu.memory_space<vmem>>, vector<1x256xf32>
    %mul3A = vector.broadcast %get3A_4 : vector<1x256xf32> to vector<1024x256xf32>
    %mul3A_5 = arith.mulf %get3A_1, %mul3A : vector<1024x256xf32>
    %get3A_6 = arith.constant 0 : index
    %get3A_7 = arith.constant 0 : index
    %get3A_8 = vector.load %arg4[%get3A_6, %get3A_7] : memref<1x256xf32, #tpu.memory_space<vmem>>, vector<1x256xf32>
    %add3A = vector.broadcast %get3A_8 : vector<1x256xf32> to vector<1024x256xf32>
    %add3A_9 = arith.addf %mul3A_5, %add3A : vector<1024x256xf32>
    %max3A = arith.constant 0.000000e+00 : f32
    %max3A_10 = vector.broadcast %max3A : f32 to vector<1024x256xf32>
    %max3A_11 = arith.maximumf %add3A_9, %max3A_10 : vector<1024x256xf32>
    %get3A_12 = arith.constant 0 : index
    %get3A_13 = arith.constant 0 : index
    %get3A_14 = vector.load %arg2[%get3A_12, %get3A_13] : memref<256x512xf32, #tpu.memory_space<vmem>>, vector<256x512xf32>
    %dot_general3A = arith.constant dense<0.000000e+00> : vector<1024x512xf32>
    %dot_general3A_15 = tpu.matmul %max3A_11, %get3A_14, %dot_general3A {dimension_numbers = #tpu.dot_dimension_numbers<[1], [0], [0], [1], [0, 0, 1, 1], [], []>, transpose_lhs_hint = false} : vector<1024x256xf32>, vector<256x512xf32>, vector<1024x512xf32> -> vector<1024x512xf32>
    %swap3A = arith.constant 0 : index
    %swap3A_16 = arith.constant 0 : index
    %swap3A_17 = vector.load %arg5[%swap3A, %swap3A_16] : memref<1024x512xf32, #tpu.memory_space<vmem>>, vector<1024x512xf32>
    tpu.vector_store %arg5[%swap3A, %swap3A_16], %dot_general3A_15 {strides = array<i32>} : memref<1024x512xf32, #tpu.memory_space<vmem>>, vector<1024x512xf32>,
    %eq3A = arith.constant 0 : i32
    %eq3A_18 = arith.cmpi eq, %arg0, %eq3A : i32
    %convert_element_type3A = arith.extui %eq3A_18 : i1 to i32
    %cond3A = arith.constant 0 : i32
    %cond3A_19 = arith.cmpi ne, %convert_element_type3A, %cond3A : i32
    scf.if %cond3A_19 {
      %broadcast_in_dim3A_39 = arith.constant 0.000000e+00 : f32
      %broadcast_in_dim3A_40 = vector.broadcast %broadcast_in_dim3A_39 : f32 to vector<8x512xf32>
      %swap3A_41 = arith.constant 0 : index
      %swap3A_42 = arith.constant 0 : index
      %swap3A_43 = vector.load %arg6[%swap3A_41, %swap3A_42] : memref<8x512xf32, #tpu.memory_space<vmem>>, vector<8x512xf32>
      tpu.vector_store %arg6[%swap3A_41, %swap3A_42], %broadcast_in_dim3A_40 {strides = array<i32>} : memref<8x512xf32, #tpu.memory_space<vmem>>, vector<8x512xf32>,
    } else {
    }
    %get3A_20 = arith.constant 0 : index
    %get3A_21 = arith.constant 0 : index
    %get3A_22 = vector.load %arg6[%get3A_20, %get3A_21] : memref<8x512xf32, #tpu.memory_space<vmem>>, vector<1x512xf32>
    %reduce_sum3A = arith.constant dense<0.000000e+00> : vector<512xf32>
    %reduce_sum3A_23 = vector.multi_reduction <add>, %dot_general3A_15, %reduce_sum3A [0] : vector<1024x512xf32> to vector<512xf32>
    %broadcast_in_dim3A = vector.shape_cast %reduce_sum3A_23 : vector<512xf32> to vector<1x512xf32>
    %add3A_24 = arith.addf %get3A_22, %broadcast_in_dim3A : vector<1x512xf32>
    %swap3A_25 = arith.constant 0 : index
    %swap3A_26 = arith.constant 0 : index
    %swap3A_27 = vector.load %arg6[%swap3A_25, %swap3A_26] : memref<8x512xf32, #tpu.memory_space<vmem>>, vector<1x512xf32>
    tpu.vector_store %arg6[%swap3A_25, %swap3A_26], %add3A_24 {strides = array<i32>} : memref<8x512xf32, #tpu.memory_space<vmem>>, vector<1x512xf32>,
    %get3A_28 = arith.constant 1 : index
    %get3A_29 = arith.constant 0 : index
    %get3A_30 = vector.load %arg6[%get3A_28, %get3A_29] : memref<8x512xf32, #tpu.memory_space<vmem>>, vector<1x512xf32>
    %mul3A_31 = arith.mulf %dot_general3A_15, %dot_general3A_15 : vector<1024x512xf32>
    %reduce_sum3A_32 = arith.constant dense<0.000000e+00> : vector<512xf32>
    %reduce_sum3A_33 = vector.multi_reduction <add>, %mul3A_31, %reduce_sum3A_32 [0] : vector<1024x512xf32> to vector<512xf32>
    %broadcast_in_dim3A_34 = vector.shape_cast %reduce_sum3A_33 : vector<512xf32> to vector<1x512xf32>
    %add3A_35 = arith.addf %get3A_30, %broadcast_in_dim3A_34 : vector<1x512xf32>
    %swap3A_36 = arith.constant 1 : index
    %swap3A_37 = arith.constant 0 : index
    %swap3A_38 = vector.load %arg6[%swap3A_36, %swap3A_37] : memref<8x512xf32, #tpu.memory_space<vmem>>, vector<1x512xf32>
    tpu.vector_store %arg6[%swap3A_36, %swap3A_37], %add3A_35 {strides = array<i32>} : memref<8x512xf32, #tpu.memory_space<vmem>>, vector<1x512xf32>,
    return
  }
  func.func @transform_0(%arg0: i32) -> (i32, i32) {
    %c0_i32 = arith.constant 0 : i32
    %c0_i32_0 = arith.constant 0 : i32
    return %arg0, %c0_i32 : i32, i32
  }
  func.func @transform_1(%arg0: i32) -> (i32, i32) {
    %c0_i32 = arith.constant 0 : i32
    %c0_i32_0 = arith.constant 0 : i32
    %c0_i32_1 = arith.constant 0 : i32
    return %c0_i32, %c0_i32_0 : i32, i32
  }
  func.func @transform_2(%arg0: i32) -> (i32, i32) {
    %c0_i32 = arith.constant 0 : i32
    %c0_i32_0 = arith.constant 0 : i32
    %c0_i32_1 = arith.constant 0 : i32
    return %c0_i32, %c0_i32_0 : i32, i32
  }
  func.func @transform_3(%arg0: i32) -> (i32, i32) {
    %c0_i32 = arith.constant 0 : i32
    %c0_i32_0 = arith.constant 0 : i32
    %c0_i32_1 = arith.constant 0 : i32
    return %c0_i32, %c0_i32_0 : i32, i32
  }
  func.func @transform_4(%arg0: i32) -> (i32, i32) {
    %c0_i32 = arith.constant 0 : i32
    %c0_i32_0 = arith.constant 0 : i32
    return %arg0, %c0_i32 : i32, i32
  }
  func.func @transform_5(%arg0: i32) -> (i32, i32) {
    %c0_i32 = arith.constant 0 : i32
    %c0_i32_0 = arith.constant 0 : i32
    %c0_i32_1 = arith.constant 0 : i32
    return %c0_i32, %c0_i32_0 : i32, i32
  }
}

module attributes {stable_mosaic.version = 14 : i64} {
  func.func @body(%arg0: i32, %arg1: memref<1024x512xf32, #tpu.memory_space<vmem>>, %arg2: memref<512x1024xf32, #tpu.memory_space<vmem>>, %arg3: memref<1x512xf32, #tpu.memory_space<vmem>>, %arg4: memref<1x512xf32, #tpu.memory_space<vmem>>, %arg5: memref<8x1024xf32, #tpu.memory_space<vmem>>, %arg6: memref<8x1024xf32, #tpu.memory_space<vmem>>) attributes {dimension_semantics = [#tpu.dimension_semantics<arbitrary>], iteration_bounds = array<i64: 1>, scalar_prefetch = 0 : i64, scratch_operands = 0 : i64, tpu.core_type = #tpu.core_type<tc>, window_params = [{transform_indices = @transform_0, window_bounds = array<i64: 1024, 512>}, {pipeline_mode = #tpu.pipeline_mode<synchronous>, transform_indices = @transform_1, window_bounds = array<i64: 512, 1024>}, {pipeline_mode = #tpu.pipeline_mode<synchronous>, transform_indices = @transform_2, window_bounds = array<i64: 1, 512>}, {pipeline_mode = #tpu.pipeline_mode<synchronous>, transform_indices = @transform_3, window_bounds = array<i64: 1, 512>}, {transform_indices = @transform_4, window_bounds = array<i64: 8, 1024>}, {pipeline_mode = #tpu.pipeline_mode<synchronous>, transform_indices = @transform_5, window_bounds = array<i64: 8, 1024>}]} {
    %get3A = arith.constant 0 : index
    %get3A_0 = arith.constant 0 : index
    %get3A_1 = vector.load %arg1[%get3A, %get3A_0] : memref<1024x512xf32, #tpu.memory_space<vmem>>, vector<1024x512xf32>
    %get3A_2 = arith.constant 0 : index
    %get3A_3 = arith.constant 0 : index
    %get3A_4 = vector.load %arg3[%get3A_2, %get3A_3] : memref<1x512xf32, #tpu.memory_space<vmem>>, vector<1x512xf32>
    %mul3A = vector.broadcast %get3A_4 : vector<1x512xf32> to vector<1024x512xf32>
    %mul3A_5 = arith.mulf %get3A_1, %mul3A : vector<1024x512xf32>
    %get3A_6 = arith.constant 0 : index
    %get3A_7 = arith.constant 0 : index
    %get3A_8 = vector.load %arg4[%get3A_6, %get3A_7] : memref<1x512xf32, #tpu.memory_space<vmem>>, vector<1x512xf32>
    %add3A = vector.broadcast %get3A_8 : vector<1x512xf32> to vector<1024x512xf32>
    %add3A_9 = arith.addf %mul3A_5, %add3A : vector<1024x512xf32>
    %max3A = arith.constant 0.000000e+00 : f32
    %max3A_10 = vector.broadcast %max3A : f32 to vector<1024x512xf32>
    %max3A_11 = arith.maximumf %add3A_9, %max3A_10 : vector<1024x512xf32>
    %get3A_12 = arith.constant 0 : index
    %get3A_13 = arith.constant 0 : index
    %get3A_14 = vector.load %arg2[%get3A_12, %get3A_13] : memref<512x1024xf32, #tpu.memory_space<vmem>>, vector<512x1024xf32>
    %dot_general3A = arith.constant dense<0.000000e+00> : vector<1024x1024xf32>
    %dot_general3A_15 = tpu.matmul %max3A_11, %get3A_14, %dot_general3A {dimension_numbers = #tpu.dot_dimension_numbers<[1], [0], [0], [1], [0, 0, 1, 1], [], []>, transpose_lhs_hint = false} : vector<1024x512xf32>, vector<512x1024xf32>, vector<1024x1024xf32> -> vector<1024x1024xf32>
    %reshape3A = vector.shape_cast %dot_general3A_15 : vector<1024x1024xf32> to vector<8x128x1024xf32>
    %reduce_max3A = arith.constant dense<0xFF800000> : vector<8x1024xf32>
    %reduce_max3A_16 = vector.multi_reduction <maximumf>, %reshape3A, %reduce_max3A [1] : vector<8x128x1024xf32> to vector<8x1024xf32>
    %swap3A = arith.constant 0 : index
    %swap3A_17 = arith.constant 0 : index
    %swap3A_18 = vector.load %arg5[%swap3A, %swap3A_17] : memref<8x1024xf32, #tpu.memory_space<vmem>>, vector<8x1024xf32>
    tpu.vector_store %arg5[%swap3A, %swap3A_17], %reduce_max3A_16 {strides = array<i32>} : memref<8x1024xf32, #tpu.memory_space<vmem>>, vector<8x1024xf32>,
    %eq3A = arith.constant 0 : i32
    %eq3A_19 = arith.cmpi eq, %arg0, %eq3A : i32
    %convert_element_type3A = arith.extui %eq3A_19 : i1 to i32
    %cond3A = arith.constant 0 : i32
    %cond3A_20 = arith.cmpi ne, %convert_element_type3A, %cond3A : i32
    scf.if %cond3A_20 {
      %broadcast_in_dim3A_40 = arith.constant 0.000000e+00 : f32
      %broadcast_in_dim3A_41 = vector.broadcast %broadcast_in_dim3A_40 : f32 to vector<8x1024xf32>
      %swap3A_42 = arith.constant 0 : index
      %swap3A_43 = arith.constant 0 : index
      %swap3A_44 = vector.load %arg6[%swap3A_42, %swap3A_43] : memref<8x1024xf32, #tpu.memory_space<vmem>>, vector<8x1024xf32>
      tpu.vector_store %arg6[%swap3A_42, %swap3A_43], %broadcast_in_dim3A_41 {strides = array<i32>} : memref<8x1024xf32, #tpu.memory_space<vmem>>, vector<8x1024xf32>,
    } else {
    }
    %get3A_21 = arith.constant 0 : index
    %get3A_22 = arith.constant 0 : index
    %get3A_23 = vector.load %arg6[%get3A_21, %get3A_22] : memref<8x1024xf32, #tpu.memory_space<vmem>>, vector<1x1024xf32>
    %reduce_sum3A = arith.constant dense<0.000000e+00> : vector<1024xf32>
    %reduce_sum3A_24 = vector.multi_reduction <add>, %dot_general3A_15, %reduce_sum3A [0] : vector<1024x1024xf32> to vector<1024xf32>
    %broadcast_in_dim3A = vector.shape_cast %reduce_sum3A_24 : vector<1024xf32> to vector<1x1024xf32>
    %add3A_25 = arith.addf %get3A_23, %broadcast_in_dim3A : vector<1x1024xf32>
    %swap3A_26 = arith.constant 0 : index
    %swap3A_27 = arith.constant 0 : index
    %swap3A_28 = vector.load %arg6[%swap3A_26, %swap3A_27] : memref<8x1024xf32, #tpu.memory_space<vmem>>, vector<1x1024xf32>
    tpu.vector_store %arg6[%swap3A_26, %swap3A_27], %add3A_25 {strides = array<i32>} : memref<8x1024xf32, #tpu.memory_space<vmem>>, vector<1x1024xf32>,
    %get3A_29 = arith.constant 1 : index
    %get3A_30 = arith.constant 0 : index
    %get3A_31 = vector.load %arg6[%get3A_29, %get3A_30] : memref<8x1024xf32, #tpu.memory_space<vmem>>, vector<1x1024xf32>
    %mul3A_32 = arith.mulf %dot_general3A_15, %dot_general3A_15 : vector<1024x1024xf32>
    %reduce_sum3A_33 = arith.constant dense<0.000000e+00> : vector<1024xf32>
    %reduce_sum3A_34 = vector.multi_reduction <add>, %mul3A_32, %reduce_sum3A_33 [0] : vector<1024x1024xf32> to vector<1024xf32>
    %broadcast_in_dim3A_35 = vector.shape_cast %reduce_sum3A_34 : vector<1024xf32> to vector<1x1024xf32>
    %add3A_36 = arith.addf %get3A_31, %broadcast_in_dim3A_35 : vector<1x1024xf32>
    %swap3A_37 = arith.constant 1 : index
    %swap3A_38 = arith.constant 0 : index
    %swap3A_39 = vector.load %arg6[%swap3A_37, %swap3A_38] : memref<8x1024xf32, #tpu.memory_space<vmem>>, vector<1x1024xf32>
    tpu.vector_store %arg6[%swap3A_37, %swap3A_38], %add3A_36 {strides = array<i32>} : memref<8x1024xf32, #tpu.memory_space<vmem>>, vector<1x1024xf32>,
    return
  }
  func.func @transform_0(%arg0: i32) -> (i32, i32) {
    %c0_i32 = arith.constant 0 : i32
    %c0_i32_0 = arith.constant 0 : i32
    return %arg0, %c0_i32 : i32, i32
  }
  func.func @transform_1(%arg0: i32) -> (i32, i32) {
    %c0_i32 = arith.constant 0 : i32
    %c0_i32_0 = arith.constant 0 : i32
    %c0_i32_1 = arith.constant 0 : i32
    return %c0_i32, %c0_i32_0 : i32, i32
  }
  func.func @transform_2(%arg0: i32) -> (i32, i32) {
    %c0_i32 = arith.constant 0 : i32
    %c0_i32_0 = arith.constant 0 : i32
    %c0_i32_1 = arith.constant 0 : i32
    return %c0_i32, %c0_i32_0 : i32, i32
  }
  func.func @transform_3(%arg0: i32) -> (i32, i32) {
    %c0_i32 = arith.constant 0 : i32
    %c0_i32_0 = arith.constant 0 : i32
    %c0_i32_1 = arith.constant 0 : i32
    return %c0_i32, %c0_i32_0 : i32, i32
  }
  func.func @transform_4(%arg0: i32) -> (i32, i32) {
    %c0_i32 = arith.constant 0 : i32
    %c0_i32_0 = arith.constant 0 : i32
    return %arg0, %c0_i32 : i32, i32
  }
  func.func @transform_5(%arg0: i32) -> (i32, i32) {
    %c0_i32 = arith.constant 0 : i32
    %c0_i32_0 = arith.constant 0 : i32
    %c0_i32_1 = arith.constant 0 : i32
    return %c0_i32, %c0_i32_0 : i32, i32
  }
}

module attributes {stable_mosaic.version = 14 : i64} {
  func.func @body(%arg0: memref<8x1024xf32, #tpu.memory_space<vmem>>, %arg1: memref<1x1024xf32, #tpu.memory_space<vmem>>, %arg2: memref<1x1024xf32, #tpu.memory_space<vmem>>, %arg3: memref<8x1024xf32, #tpu.memory_space<vmem>>) attributes {dimension_semantics = [], scalar_prefetch = 0 : i64, scratch_operands = 0 : i64, tpu.core_type = #tpu.core_type<tc>} {
    %get3A = arith.constant 0 : index
    %get3A_0 = arith.constant 0 : index
    %get3A_1 = vector.load %arg0[%get3A, %get3A_0] : memref<8x1024xf32, #tpu.memory_space<vmem>>, vector<8x1024xf32>
    %get3A_2 = arith.constant 0 : index
    %get3A_3 = arith.constant 0 : index
    %get3A_4 = vector.load %arg1[%get3A_2, %get3A_3] : memref<1x1024xf32, #tpu.memory_space<vmem>>, vector<1x1024xf32>
    %mul3A = vector.broadcast %get3A_4 : vector<1x1024xf32> to vector<8x1024xf32>
    %mul3A_5 = arith.mulf %get3A_1, %mul3A : vector<8x1024xf32>
    %get3A_6 = arith.constant 0 : index
    %get3A_7 = arith.constant 0 : index
    %get3A_8 = vector.load %arg2[%get3A_6, %get3A_7] : memref<1x1024xf32, #tpu.memory_space<vmem>>, vector<1x1024xf32>
    %add3A = vector.broadcast %get3A_8 : vector<1x1024xf32> to vector<8x1024xf32>
    %add3A_9 = arith.addf %mul3A_5, %add3A : vector<8x1024xf32>
    %max3A = arith.constant 0.000000e+00 : f32
    %max3A_10 = vector.broadcast %max3A : f32 to vector<8x1024xf32>
    %max3A_11 = arith.maximumf %add3A_9, %max3A_10 : vector<8x1024xf32>
    %swap3A = arith.constant 0 : index
    %swap3A_12 = arith.constant 0 : index
    %swap3A_13 = vector.load %arg3[%swap3A, %swap3A_12] : memref<8x1024xf32, #tpu.memory_space<vmem>>, vector<8x1024xf32>
    tpu.vector_store %arg3[%swap3A, %swap3A_12], %max3A_11 {strides = array<i32>} : memref<8x1024xf32, #tpu.memory_space<vmem>>, vector<8x1024xf32>,
    return
  }
}

</mosaic_0001>

<sc_bundles>
// kernel: kernel.42.cloned.1.call-start
scs
__scs_entry_jumppad:
0x0: {  	(pc) =	sbr.rel $0x88, $3  }
0x1: {  	(tag) =	ssettag $0x0;
	lr =	simm.s32 $0x1  }
0x2: {  	[smem:$0x3F8B] =	sst lr;
	_ =	strace $0xD0000000  }
0x3: {  	_ = 	snop  }
0x4: {  	_ = 	snop  }
0x5: {  	_ = 	snop  }
0x6: {  	_ = 	snop  }
0x7: {  	_ = 	snop  }
__scs_overlays_trampoline_lowered:
0x8: {  	[smem:$0x3F9A] =	sst s0  }
0x9: {  	[smem:$0x3F9B] =	sst s1  }
0xa: {  	[smem:$0x3F9C] =	sst s2  }
0xb: {  	[smem:$0x3F9D] =	sst s3  }
0xc: {  	[smem:$0x3F9E] =	sst s4  }
0xd: {  	[smem:$0x3F9F] =	sst s5  }
0xe: {  	[smem:$0x3FA0] =	sst s6  }
0xf: {  	[smem:$0x3FA1] =	sst s7  }
0x10: {  	[smem:$0x3FA2] =	sst s8  }
0x11: {  	[smem:$0x3FA3] =	sst s9;
	s0 =	simm.s32 @!p0 $0x0  }
0x12: {  	s1 =	sld [smem:$0x3F89];
	s0 =	simm.s32 @p0 $0x1  }
0x13: {  	[smem:$0x3FA4] =	sst s0;
	s0 =	simm.s32 @!p1 $0x0  }
0x14: {  	s2 =	sld [smem:$0x3F88];
	s0 =	simm.s32 @p1 $0x1  }
0x15: {  	[smem:$0x3FA5] =	sst s0;
	s0 =	simm.s32 @!p2 $0x0  }
0x16: {  	s3 =	sld [smem:$0x3FDB];
	s0 =	simm.s32 @p2 $0x1  }
0x17: {  	s4 =	simm.s32 $0x1BF5;
	[smem:$0x3FA7] =	sst s0  }
0x18: {  	s0 =	sld [smem:$0x3F8A];
	_ =	swait.ge [sflag:s4], $0x0  }
0x19: {  	s7 =	sld [smem:$0x3F8B]  }
0x1a: {  	s8 =	sadd.s32 $0xFFFFE003, lr  }
0x1b: {  	s9 =	sadd.s32 $0xFFFFFEF7, lr;
	s5 =	simm.s32 $0xFFFFFFFF;
	p2 =	slt.u32 s8, $0xFFFFF086  }
0x1c: {  	p1 =	slt.u32 s9, $0xF7A;
	s5 =	simm.s32 @!p2 $0x0  }
0x1d: {  	s5 =	simm.s32 @p1 $0x1;
	p0 =	seq.s32 s7, s2  }
0x1e: {  	s7 =	smul.u32 @!p0 $0xF7A, s2;
	p2 =	seq.s32 @!p0 s5, $0x0  }
0x1f: {  	s9 =	smul.u32 $0xF7A, s1;
	s8 =	simm.s32 @!p0 $0x1BF5;
	p2 =	por !p2, p0  }
0x20: {  	[sflag:s8] =	ssyncset.s32 @!p0 $0xFFFFF086;
	s6 =	sadd.s32 @!p0 s3, s7;
	s7 =	simm.s32 @!p0 $0x108  }
0x21: {  	s3 =	sadd.s32 s3, s9;
	s6 =	sadd.s32 @!p0 $0x88, s6;
	s7 =	simm.s32 @p2 $0x1082  }
0x22: {  	[simem:s7], [sflag:s8] =	dma.local @!p0 [hbm:s6], $0xF7A  }
0x23: {  	s9 =	sor.u32 $0xD0000000, s2;
	s6 =	simm.s32 $0x108;
	_ =	swait.ge @!p0 [sflag:s8], $0x0  }
0x24: {  	s3 =	sadd.s32 $0x88, s3;
	s6 =	simm.s32 @!p1 $0x1082;
	[sflag:s4] =	ssyncset.s32 $0xFFFFF086  }
0x25: {  	[simem:s6], [sflag:s4] =	dma.local [hbm:s3], $0xF7A  }
0x26: {  	[smem:$0x3F8B] =	sst s1;
	(tag) =	ssettag s2;
	_ =	strace s9  }
0x27: {  	s1 =	sld [smem:$0x3F9B]  }
0x28: {  	s2 =	sld [smem:$0x3F9C]  }
0x29: {  	s4 =	sld [smem:$0x3F9E]  }
0x2a: {  	p0 =	seq.s32 s5, $0x0;
	s5 =	sld [smem:$0x3F9F]  }
0x2b: {  	s6 =	sld [smem:$0x3FA0]  }
0x2c: {  	s7 =	sld [smem:$0x3FA1]  }
0x2d: {  	s3 =	simm.s32 $0x108;
	s8 =	sld [smem:$0x3FA2]  }
0x2e: {  	s3 =	simm.s32 @!p0 $0x1082;
	s9 =	sld [smem:$0x3FA3]  }
0x2f: {  	lr =	sadd.s32 s0, s3;
	s0 =	sld [smem:$0x3F9A]  }
0x30: {  	s3 =	sld [smem:$0x3F9D]  }
0x31: {  	[smem:$0x3FA6] =	sst s10  }
0x32: {  	s10 =	sld [smem:$0x3FA4];
	_ =	sdelay $0x3  }
0x33: {  	p0 =	seq.s32 s10, $0x1;
	s10 =	sld [smem:$0x3FA6];
	_ =	sdelay $0x3  }
0x34: {  	[smem:$0x3FA6] =	sst s10  }
0x35: {  	s10 =	sld [smem:$0x3FA5];
	_ =	sdelay $0x3  }
0x36: {  	p1 =	seq.s32 s10, $0x1;
	s10 =	sld [smem:$0x3FA6];
	_ =	sdelay $0x3  }
0x37: {  	[smem:$0x3FA6] =	sst s10  }
0x38: {  	s10 =	sld [smem:$0x3FA7]  }
0x39: {  	_ = 	snop;
	(pc) =	sbr.ind lr, $3  }
0x3a: {  	_ = 	snop  }
0x3b: {  	_ = 	snop  }
0x3c: {  	p2 =	seq.s32 s10, $0x1;
	s10 =	sld [smem:$0x3FA6]  }
0x3d: {  	_ =	shalt  }
0x3e: {  	_ =	shalt  }
0x3f: {  	_ =	shalt  }
0x40: {  	_ =	shalt  }
0x41: {  	_ =	shalt  }
0x42: {  	_ =	shalt  }
0x43: {  	_ =	shalt  }
0x44: {  	_ =	shalt  }
0x45: {  	_ =	shalt  }
0x46: {  	_ =	shalt  }
0x47: {  	_ =	shalt  }
0x48: {  	_ =	shalt  }
0x49: {  	_ =	shalt  }
0x4a: {  	_ =	shalt  }
0x4b: {  	_ =	shalt  }
0x4c: {  	_ =	shalt  }
0x4d: {  	_ =	shalt  }
0x4e: {  	_ =	shalt  }
0x4f: {  	_ =	shalt  }
0x50: {  	_ =	shalt  }
0x51: {  	_ =	shalt  }
0x52: {  	_ =	shalt  }
0x53: {  	_ =	shalt  }
0x54: {  	_ =	shalt  }
0x55: {  	_ =	shalt  }
0x56: {  	_ =	shalt  }
0x57: {  	_ =	shalt  }
0x58: {  	_ =	shalt  }
0x59: {  	_ =	shalt  }
0x5a: {  	_ =	shalt  }
0x5b: {  	_ =	shalt  }
0x5c: {  	_ =	shalt  }
0x5d: {  	_ =	shalt  }
0x5e: {  	_ =	shalt  }
0x5f: {  	_ =	shalt  }
0x60: {  	_ =	shalt  }
0x61: {  	_ =	shalt  }
0x62: {  	_ =	shalt  }
0x63: {  	_ =	shalt  }
0x64: {  	_ =	shalt  }
0x65: {  	_ =	shalt  }
0x66: {  	_ =	shalt  }
0x67: {  	_ =	shalt  }
0x68: {  	_ =	shalt  }
0x69: {  	_ =	shalt  }
0x6a: {  	_ =	shalt  }
0x6b: {  	_ =	shalt  }
0x6c: {  	_ =	shalt  }
0x6d: {  	_ =	shalt  }
0x6e: {  	_ =	shalt  }
0x6f: {  	_ =	shalt  }
0x70: {  	_ =	shalt  }
0x71: {  	_ =	shalt  }
0x72: {  	_ =	shalt  }
0x73: {  	_ =	shalt  }
0x74: {  	_ =	shalt  }
0x75: {  	_ =	shalt  }
0x76: {  	_ =	shalt  }
0x77: {  	_ =	shalt  }
0x78: {  	_ =	shalt  }
0x79: {  	_ =	shalt  }
0x7a: {  	_ =	shalt  }
0x7b: {  	_ =	shalt  }
0x7c: {  	_ =	shalt  }
0x7d: {  	_ =	shalt  }
0x7e: {  	_ =	shalt  }
0x7f: {  	_ =	shalt  }
0x80: {  	_ =	shalt  }
0x81: {  	_ =	shalt  }
0x82: {  	_ =	shalt  }
0x83: {  	_ =	shalt  }
0x84: {  	_ =	shalt  }
0x85: {  	_ =	shalt  }
0x86: {  	_ =	shalt  }
0x87: {  	_ =	shalt  }
.Lfunc_end0:
.L_simem_size_0:
called_computation.1_lowered:
.L_overlay_start_0:
0x88: {  	s2 =	sld [smem:$0x3FD9]  }
0x89: {  	s3 =	sld [smem:$0x3FFE];
	_ =	sdelay $0x1  }
0x8a: {  	s1 =	srdreg.scid  }
0x8b: {  	s0 =	sand.u32 $0x1, s1  }
0x8c: {  	s16 =	sshll.u32 s0, $0xA;
	s2 =	sadd.s32 s3, s2  }
0x8d: {  	s2 =	sadd.s32 s2, s16  }
0x8e: {  	[smem:$0x3FB2] =	sst s2  }
0x8f: {  	_ = 	snop  }
0x90: {  	(tm) =	ssettm $0x1  }
0x91: {  	s17 =	sld [smem:$0x3FFB];
	_ =	sdelay $0x3  }
0x92: {  	_ =	strace s17  }
0x93: {  	s2 =	sld [smem:$0x3FFC];
	_ =	sdelay $0x3  }
0x94: {  	_ =	strace s2  }
0x95: {  	s2 =	sld [smem:$0x3FFD];
	_ =	sdelay $0x3  }
0x96: {  	_ =	strace s2  }
0x97: {  	_ =	strace $0x8FFFFFFF  }
0x98: {  	s18 =	sld [smem:$0x3FDB];
	_ =	sdelay $0x1  }
0x99: {  	s19 =	simm.s32 $_scs_section_size  }
0x9a: {  	s4 =	simm.s32 $_size__tile_overlayer_lowered;
	s5 =	simm.s32 $_tile_overlayer_lowered  }
0x9b: {  	s22 =	simm.s32 $0x1BFF;
	s21 =	sshll.u32 s5, $0x1;
	s2 =	sadd.s32 s19, s18  }
0x9c: {  	s6 =	simm.s32 $0x0;
	s20 =	sshll.u32 s4, $0x1;
	s4 =	sadd.s32 s21, s2  }
0x9d: {  	[timem:s6], [sflag:s22] =	dma.local [hbm:s4], s20  }
0x9e: {  	_ =	swait.ge [sflag:s22], s20  }
0x9f: {  	s3 =	ssub.s32 $0x0, s20;
	[sflag:s22] =	ssyncset.done $0x0  }
0xa0: {  	[sflag:s22] =	ssyncadd.s32 s3;
	_ =	sdelay $0x1  }
0xa1: {  	s23 =	simm.s32 $0x1B8B  }
0xa2: {  	_ =	swait.ge [sflag:s23], $0x1  }
0xa3: {  	[sflag:s23] =	ssyncset.done $0x0  }
0xa4: {  	s25 =	simm.s32 $0x1B8E;
	s24 =	sld [smem:$0x3FFE];
	[sflag:s23] =	ssyncadd.s32 $0xFFFFFFFF  }
0xa5: {  	s26 =	simm.s32 $execute0_lowered;
	[smem:$0x3FD2] =	sst s25  }
0xa6: {  	s4 =	sshll.u32 s26, $0x1;
	_ =	strace $0x80000049;
	[dreg:$0x1] =	wrdreg $0xFFFFFFFF  }
0xa7: {  	s28 =	simm.s32 $_size_execute0_lowered;
	s2 =	sadd.s32 s2, s4;
	[dreg:$0x0] =	wrdreg $0x0  }
0xa8: {  	s4 =	sshll.u32 s28, $0x1;
	[dreg:$0x2] =	wrdreg s2  }
0xa9: {  	[dreg:$0x3] =	wrdreg s4  }
0xaa: {  	[dreg:$0x4] =	wrdreg $0xC0  }
0xab: {  	_ =	task [dreg:s6], $0x5FFFF  }
0xac: {  	[dreg:$0x1] =	wrdreg $0xFFFFFFFF  }
0xad: {  	[dreg:$0x0] =	wrdreg $0x60  }
0xae: {  	[dreg:$0x2] =	wrdreg s24  }
0xaf: {  	[dreg:$0x3] =	wrdreg $0x9  }
0xb0: {  	_ =	task.clear_ibuf [dreg:s6], $0x4FFFF;
	_ =	strace $0x90000049  }
0xb1: {  	s29 =	simm.s32 $0x9;
	_ =	strace $0x8000004B  }
0xb2: {  	_ =	swait.ge [sflag:s29], $0x1  }
0xb3: {  	[sflag:s29] =	ssyncadd.s32 $0xFFFFFFFF  }
0xb4: {  	_ =	strace $0x9000004B  }
0xb5: {  	_ =	sfence  }
0xb6: {  	s30 =	sld [smem:$0x0];
	_ =	sdelay $0x2  }
0xb7: {  	s31 =	sshll.u32 s1, $0xD;
	s1 =	sshrl.u32 s1, $0x2  }
0xb8: {  	s3 =	sand.u32 $0x4000, s31;
	s1 =	sadd.s32 s1, s30  }
0xb9: {  	s0 =	sor.u32 s3, s0;
	s1 =	sshll.u32 s1, $0x11  }
0xba: {  	s0 =	sor.u32 s1, s0  }
0xbb: {  	s0 =	sadd.s32 $0x8F2B, s0  }
0xbc: {  	[sflag:s0] =	ssyncadd.remote.s32 $0x1  }
0xbd: {  	_ =	sfence.sel $0xFFFF  }
0xbe: {  	[dreg:$0x0] =	wrdreg $0xFFFFFFFF;
	(pc) =	sbr.abs _section_cstart, $3  }
0xbf: {  	[dreg:$0x1] =	wrdreg $0xFFFFFFFF  }
0xc0: {  	_ =	task.clear_ibuf [dreg:s6], $0x2FFFF;
	_ =	strace $0x9FFFFFFF  }
0xc1: {  	(tm) =	ssettm $0x7FFFFFFF  }
tec
execute0_lowered:
.L_overlay_start_1:
0x0: {  	(tag) =	ssettag $0x1  }
0x1: {  	s0 =	srdreg.scid;
	s10 =	stileid.u32  }
0x2: {  	s1 =	rddreg [dreg:$0x0];
	s2 =	simm.s32 $0x0;
	s11 =	simm.s32 $0x1  }
0x3: {  	s12 =	simm.s32 $0x2000;
	s13 =	simm.s32 $0x10;
	s14 =	simm.s32 $0x2010  }
0x4: {  	s15 =	simm.s32 $0x2020;
	s16 =	simm.s32 $0x5;
	s17 =	simm.s32 $0x20A0  }
0x5: {  	s18 =	simm.s32 $0x20;
	s19 =	simm.s32 $0x20C0;
	s20 =	simm.s32 $0x20E0  }
0x6: {  	s21 =	simm.s32 $0x21E0;
	s22 =	simm.s32 $0x80;
	s23 =	simm.s32 $0x2260  }
0x7: {  	s24 =	simm.s32 $0x22E0;
	s29 =	simm.s32 $0x0;
	s0 =	sand.u32 $0x1, s0  }
0x8: {  	s3 =	sshll.u32 s10, $0x8;
	[smem:$0x7FF] =	sst s2;
	s5 =	sadd.s32 $0xB4600, s1  }
0x9: {  	s6 =	sadd.s32 $0x94600, s1;
	s4 =	sshll.u32 s0, $0x7;
	s0 =	ssub.s32 $0x2, s0  }
0xa: {  	s7 =	sadd.s32 $0x14600, s1;
	s3 =	sor.u32 s4, s3;
	s9 =	sshrl.u32 s0, $0x1  }
0xb: {  	v0 =	vlaneseq.u32;
	s30 =	sshll.u32 s10, $0xB;
	s4 =	sshll.u32 s3, $0x9;
	s0 =	ssub.s32 s0, s9  }
0xc: {  	v2 =	vimm.s32 $0x0;
	v3 =	vor.u32 $0x10, v0;
	v4 =	vor.u32 $0x20, v0;
	_ =	strace $0x8000004A;
	s8 =	sadd.s32 s4, s1;
	s0 =	smax.u32 s0, $0x1  }
0xd: {  	v5 =	vor.u32 $0x30, v0;
	v6 =	vor.u32 $0x40, v0;
	v7 =	vor.u32 $0x50, v0;
	s31 =	sand.u32 $0x7000, s30;
	s8 =	sadd.s32 $0x214600, s8;
	[dreg:$0x3] =	wrdreg s0  }
0xe: {  	v8 =	vor.u32 $0x60, v0;
	v9 =	vor.u32 $0x70, v0;
	v1 =	vmov s31;
	s9 =	sadd.s32 $0x214800, s1;
	s4 =	sadd.s32 $0x414600, s1;
	[dreg:$0x2] =	wrdreg s8  }
.LBB2_1:
0xf: {  	s0 =	rddreg [dreg:$0x2];
	p0 =	por $0x0, $0x0;
	s30 =	simm.s32 $0x0  }
0x10: {  	[tilespmem:s2], [sflag:$0x1] =	stream.linear.gather [hbm4b:s0+s2], $0x1000, $0x38;
	[tilespmem:$0x26E0] =	vst v63  }
.LBB2_2:
0x11: {  	s1 =	simm.s32 $0x1  }
0x12: {  	s31 =	sor.u32 s3, s30;
	_ =	swait.ge [sflag:s11], $0x1000;
	s0 =	sadd.s32 $0x1, s30  }
0x13: {  	p1 =	seq.s32 s30, $0x7F;
	s1 =	simm.s32 @!p0 $0x0;
	[sflag:s11] =	ssyncset.done $0x0  }
0x14: {  	s8 =	sshll.u32 @!p1 s31, $0x9;
	s10 =	sshll.u32 @!p1 s0, $0xC;
	s25 =	simm.s32 @!p1 $0x0  }
0x15: {  	[sflag:s11] =	ssyncadd.s32 $0xFFFFF000;
	s10 =	sand.u32 @!p1 $0x1000, s10;
	s8 =	sadd.s32 @!p1 s8, s9  }
0x16: {  	[tilespmem:s10], [sflag:$0x1] =	stream.linear.gather @!p1 [hbm4b:s8+s25], $0x1000, $0x38;
	[tilespmem:$0x26E0] =	vst v63  }
0x17: {  	s26 =	simm.s32 $0x0;
	s25 =	sshll.u32 s1, $0xC  }
0x18: {  	s8 =	simm.s32 $0x0;
	s10 =	simm.s32 $0x0;
	s1 =	smov.u32 s25  }
.LBB2_3:
0x19: {  	v10 =	vld [tilespmem:s1+$0x0];
	_ =	sdelay $0x4  }
0x1a: {  	vm0 =	vlt.f32 v10, $9.999999770e-03  }
0x1b: {  	v10 =	vsel vm0, $0x1, v2  }
0x1c: {  	(xrf0) =	vadd.scan.msk.s32 $0xffff, v10;
	_ =	sdelay $0x5  }
0x1d: {  	v10, _, _ =	vpop (xrf0)  }
0x1e: {  	(v2sf) =	vpush v10, $0xF;
	_ =	sdelay $0xd  }
0x1f: {  	s28 =	sadd.s32 $0xFFFFFFFF, s8  }
0x20: {  	v10 =	vadd.s32 s28, v10;
	s28 =	spop (v2sf)  }
0x21: {  	p1 =	sgt.u32 s26, $0xFE;
	vm1 =	vlt.s32 v10, $0x10;
	s8 =	sadd.s32 s8, s28  }
0x22: {  	vm0 =	vmand vm0, vm1;
	p2 =	slt.s32 @!p1 s8, $0x10  }
0x23: {  	p1 =	por p1, !p2  }
.Ltmp0:
0x24: {  	_ = 	snop;
	(pc) =	sbr.rel @!p1 .LBB2_3-.Ltmp0, $3  }
0x25: {  	_ =	sdelay $0x1  }
0x26: {  	v11 =	vor.u32 s10, v0  }
0x27: {  	s26 =	sadd.s32 $0x1, s26;
	s1 =	sadd.s32 $0x10, s1;
	s10 =	sadd.s32 $0x10, s10;
	[tilespmem:v10+s12+$0x0] =	vst.idx.msk vm0, v11  }
0x28: {  	v10 =	vld [tilespmem:$0x2000];
	_ =	sdelay $0x1  }
0x29: {  	p1 =	slt.s32 s8, $0x10  }
0x2a: {  	v11 =	vmov s8;
	s8 =	simm.s32 @!p1 $0x10  }
0x2b: {  	v12 =	vmov s8  }
0x2c: {  	vm0 =	vgt.s32 v12, v0;
	v63 =	vxor.u32 $0x80000000, v10  }
0x2d: {  	v12 =	vnsel vm0, $0xC0000000, v63  }
0x2e: {  	(xrf0) =	vmin.scan.msk.u32 $0xffff, v12;
	_ =	sdelay $0x5  }
0x2f: {  	v12, _, _ =	vpop (xrf0)  }
0x30: {  	(v2sf) =	vpush v12, $0xF;
	_ =	sdelay $0xe  }
0x31: {  	s1 =	spop (v2sf)  }
0x32: {  	vm15 =	vgt.s32 v11, v0;
	s1 =	sxor.u32 $0x80000000, s1  }
0x33: {  	v10 =	vnsel vm15, s1, v10  }
0x34: {  	p1 =	seq.s32 s30, $0x0;
	v10 =	vadd.s32 v1, v10  }
0x35: {  	s1 =	simm.s32 @!p1 $0x2;
	[tilespmem:$0x2010] =	vst v10  }
0x36: {  	_ =	swait.ge @!p1 [sflag:s1], $0x80  }
0x37: {  	[sflag:s1] =	ssyncset.done @!p1 $0x0  }
0x38: {  	[sflag:s1] =	ssyncadd.s32 @!p1 $0xFFFFFF80  }
0x39: {  	[tilespmem:s15], [sflag:$0x5] =	stream.indirect.gather [hbm4b:s4+s13], $0x8, s14, s13, $0xb8;
	[tilespmem:$0x26E0] =	vst v63  }
0x3a: {  	_ =	swait.ge [sflag:s16], $0x80  }
0x3b: {  	s28 =	sshll.u32 s31, $0x4;
	[sflag:s16] =	ssyncset.done $0x0  }
0x3c: {  	s30 =	simm.s32 $0x0;
	s1 =	sadd.s32 s5, s28;
	[sflag:s16] =	ssyncadd.s32 $0xFFFFFF80  }
0x3d: {  	[hbm4b:s1+s30] =	stream.linear.scatter [tilespmem:s15], [sflag:$0x2], $0x80, $0x38;
	[tilespmem:$0x26E0] =	vst v63  }
0x3e: {  	s10 =	simm.s32 $0x0;
	s8 =	simm.s32 $0x0;
	s1 =	smov.u32 s25  }
.LBB2_5:
0x3f: {  	v10 =	vld [tilespmem:s1+$0x0];
	_ =	sdelay $0x4  }
0x40: {  	vm0 =	vlt.f32 v10, $3.999999910e-02  }
0x41: {  	v10 =	vsel vm0, $0x1, v2  }
0x42: {  	(xrf0) =	vadd.scan.msk.s32 $0xffff, v10;
	_ =	sdelay $0x5  }
0x43: {  	v10, _, _ =	vpop (xrf0)  }
0x44: {  	(v2sf) =	vpush v10, $0xF;
	_ =	sdelay $0xd  }
0x45: {  	s26 =	sadd.s32 $0xFFFFFFFF, s30  }
0x46: {  	v10 =	vadd.s32 s26, v10;
	s28 =	spop (v2sf)  }
0x47: {  	p2 =	sgt.u32 s10, $0xFE;
	vm1 =	vlt.s32 v10, $0x20;
	s30 =	sadd.s32 s30, s28  }
0x48: {  	vm0 =	vmand vm0, vm1;
	p3 =	slt.s32 @!p2 s30, $0x20  }
0x49: {  	p2 =	por p2, !p3  }
.Ltmp1:
0x4a: {  	_ = 	snop;
	(pc) =	sbr.rel @!p2 .LBB2_5-.Ltmp1, $3  }
0x4b: {  	_ =	sdelay $0x1  }
0x4c: {  	v11 =	vor.u32 s8, v0  }
0x4d: {  	s10 =	sadd.s32 $0x1, s10;
	s1 =	sadd.s32 $0x10, s1;
	s8 =	sadd.s32 $0x10, s8;
	[tilespmem:v10+s17+$0x0] =	vst.idx.msk vm0, v11  }
0x4e: {  	v10 =	vld [tilespmem:$0x20A0];
	_ =	sdelay $0x1  }
0x4f: {  	p2 =	slt.s32 s30, $0x10  }
0x50: {  	v11 =	vmov s30;
	s30 =	simm.s32 @!p2 $0x10  }
0x51: {  	v12 =	vmov s30  }
0x52: {  	vm0 =	vgt.s32 v12, v0;
	v62 =	vxor.u32 $0x80000000, v10  }
0x53: {  	v12 =	vnsel vm0, $0xC0000000, v62  }
0x54: {  	(xrf0) =	vmin.scan.msk.u32 $0xffff, v12;
	_ =	sdelay $0x5  }
0x55: {  	v12, _, _ =	vpop (xrf0)  }
0x56: {  	(v2sf) =	vpush v12, $0xF;
	_ =	sdelay $0xc  }
0x57: {  	v63 =	vld [tilespmem:$0x20B0];
	_ =	sdelay $0x1  }
0x58: {  	s1 =	spop (v2sf)  }
0x59: {  	vm14 =	vgt.s32 v11, v0;
	s1 =	sxor.u32 $0x80000000, s1  }
0x5a: {  	vm15 =	vgt.s32 v11, v3;
	v10 =	vnsel vm14, s1, v10  }
0x5b: {  	v11 =	vnsel vm15, s1, v63;
	v10 =	vadd.s32 v1, v10  }
0x5c: {  	[tilespmem:$0x20C0] =	vst v10;
	v10 =	vadd.s32 v1, v11  }
0x5d: {  	s1 =	simm.s32 @!p1 $0x3;
	[tilespmem:$0x20D0] =	vst v10  }
0x5e: {  	_ =	swait.ge @!p1 [sflag:s1], $0x100  }
0x5f: {  	[sflag:s1] =	ssyncset.done @!p1 $0x0  }
0x60: {  	[sflag:s1] =	ssyncadd.s32 @!p1 $0xFFFFFF00  }
0x61: {  	[tilespmem:s20], [sflag:$0x5] =	stream.indirect.gather [hbm4b:s4+s18], $0x8, s19, s18, $0xb8;
	[tilespmem:$0x26E0] =	vst v63  }
0x62: {  	_ =	swait.ge [sflag:s16], $0x100  }
0x63: {  	s30 =	sshll.u32 s31, $0x5;
	[sflag:s16] =	ssyncset.done $0x0  }
0x64: {  	s8 =	simm.s32 $0x0;
	s1 =	sadd.s32 s6, s30;
	[sflag:s16] =	ssyncadd.s32 $0xFFFFFF00  }
0x65: {  	[hbm4b:s1+s8] =	stream.linear.scatter [tilespmem:s20], [sflag:$0x3], $0x100, $0x38;
	[tilespmem:$0x26E0] =	vst v63  }
0x66: {  	s10 =	simm.s32 $0x0;
	s1 =	simm.s32 $0x0  }
.LBB2_7:
0x67: {  	v10 =	vld [tilespmem:s25+$0x0];
	_ =	sdelay $0x4  }
0x68: {  	vm0 =	vlt.f32 v10, $1.599999960e-01  }
0x69: {  	v10 =	vsel vm0, $0x1, v2  }
0x6a: {  	(xrf0) =	vadd.scan.msk.s32 $0xffff, v10;
	_ =	sdelay $0x5  }
0x6b: {  	v10, _, _ =	vpop (xrf0)  }
0x6c: {  	(v2sf) =	vpush v10, $0xF;
	_ =	sdelay $0xd  }
0x6d: {  	s26 =	sadd.s32 $0xFFFFFFFF, s8  }
0x6e: {  	v10 =	vadd.s32 s26, v10;
	s30 =	spop (v2sf)  }
0x6f: {  	p2 =	sgt.u32 s10, $0xFE;
	vm1 =	vlt.s32 v10, $0x80;
	s8 =	sadd.s32 s8, s30  }
0x70: {  	vm0 =	vmand vm0, vm1;
	p3 =	slt.s32 @!p2 s8, $0x80  }
0x71: {  	p2 =	por p2, !p3  }
.Ltmp2:
0x72: {  	_ = 	snop;
	(pc) =	sbr.rel @!p2 .LBB2_7-.Ltmp2, $3  }
0x73: {  	_ =	sdelay $0x1  }
0x74: {  	v11 =	vor.u32 s1, v0  }
0x75: {  	s10 =	sadd.s32 $0x1, s10;
	s25 =	sadd.s32 $0x10, s25;
	s1 =	sadd.s32 $0x10, s1;
	[tilespmem:v10+s21+$0x0] =	vst.idx.msk vm0, v11  }
0x76: {  	v10 =	vld [tilespmem:$0x21E0];
	_ =	sdelay $0x1  }
0x77: {  	p2 =	slt.s32 s8, $0x10  }
0x78: {  	v11 =	vmov s8;
	s8 =	simm.s32 @!p2 $0x10  }
0x79: {  	v12 =	vmov s8  }
0x7a: {  	vm0 =	vgt.s32 v12, v0;
	v57 =	vxor.u32 $0x80000000, v10  }
0x7b: {  	v12 =	vnsel vm0, $0xC0000000, v57  }
0x7c: {  	(xrf0) =	vmin.scan.msk.u32 $0xffff, v12;
	_ =	sdelay $0x5  }
0x7d: {  	v12, _, _ =	vpop (xrf0)  }
0x7e: {  	(v2sf) =	vpush v12, $0xF;
	_ =	sdelay $0xc  }
0x7f: {  	v58 =	vld [tilespmem:$0x21F0]  }
0x80: {  	v13 =	vld [tilespmem:$0x2200]  }
0x81: {  	v14 =	vld [tilespmem:$0x2210];
	s1 =	spop (v2sf)  }
0x82: {  	v15 =	vld [tilespmem:$0x2220];
	vm8 =	vgt.s32 v11, v0;
	s1 =	sxor.u32 $0x80000000, s1  }
0x83: {  	v16 =	vld [tilespmem:$0x2230];
	vm9 =	vgt.s32 v11, v3;
	v10 =	vnsel vm8, s1, v10  }
0x84: {  	v17 =	vld [tilespmem:$0x2240];
	vm10 =	vgt.s32 v11, v4;
	v12 =	vnsel vm9, s1, v58;
	v10 =	vadd.s32 v1, v10  }
0x85: {  	v60 =	vld [tilespmem:$0x2250];
	vm11 =	vgt.s32 v11, v5;
	v59 =	vnsel vm10, s1, v13;
	[tilespmem:$0x2260] =	vst v10;
	v10 =	vadd.s32 v1, v12  }
0x86: {  	vm12 =	vgt.s32 v11, v6;
	v61 =	vnsel vm11, s1, v14;
	[tilespmem:$0x2270] =	vst v10;
	v10 =	vadd.s32 v1, v59  }
0x87: {  	vm13 =	vgt.s32 v11, v7;
	v62 =	vnsel vm12, s1, v15;
	[tilespmem:$0x2280] =	vst v10;
	v10 =	vadd.s32 v1, v61  }
0x88: {  	vm14 =	vgt.s32 v11, v8;
	v63 =	vnsel vm13, s1, v16;
	[tilespmem:$0x2290] =	vst v10;
	v10 =	vadd.s32 v1, v62  }
0x89: {  	vm15 =	vgt.s32 v11, v9;
	v11 =	vadd.s32 v1, v63;
	[tilespmem:$0x22A0] =	vst v10;
	v10 =	vnsel vm14, s1, v17  }
0x8a: {  	[tilespmem:$0x22B0] =	vst v11;
	v11 =	vnsel vm15, s1, v60;
	v10 =	vadd.s32 v1, v10  }
0x8b: {  	[tilespmem:$0x22C0] =	vst v10;
	v10 =	vadd.s32 v1, v11  }
0x8c: {  	s1 =	simm.s32 @!p1 $0x4;
	[tilespmem:$0x22D0] =	vst v10  }
0x8d: {  	_ =	swait.ge @!p1 [sflag:s1], $0x400  }
0x8e: {  	[sflag:s1] =	ssyncset.done @!p1 $0x0  }
0x8f: {  	[sflag:s1] =	ssyncadd.s32 @!p1 $0xFFFFFC00;
	p1 =	sne.s32 s0, $0x80  }
0x90: {  	[tilespmem:s24], [sflag:$0x5] =	stream.indirect.gather [hbm4b:s4+s22], $0x8, s23, s22, $0xb8;
	[tilespmem:$0x26E0] =	vst v63  }
.Ltmp3:
0x91: {  	_ = 	snop;
	(pc) =	sbr.rel @p1 .LBB2_2-.Ltmp3, $4  }
0x92: {  	_ =	swait.ge [sflag:s16], $0x400  }
0x93: {  	s31 =	sshll.u32 s31, $0x7;
	p0 =	por !p0, !p0;
	[sflag:s16] =	ssyncset.done $0x0  }
0x94: {  	s30 =	smov.u32 s0;
	s1 =	sadd.s32 s7, s31;
	[sflag:s16] =	ssyncadd.s32 $0xFFFFFC00  }
0x95: {  	[hbm4b:s1+s2] =	stream.linear.scatter [tilespmem:s24], [sflag:$0x4], $0x400, $0x38;
	[tilespmem:$0x26E0] =	vst v63  }
0x96: {  	s0 =	simm.s32 $0x2  }
0x97: {  	_ =	swait.ge [sflag:s0], $0x80  }
0x98: {  	[sflag:s0] =	ssyncset.done $0x0  }
0x99: {  	s30 =	simm.s32 $0x3;
	[sflag:s0] =	ssyncadd.s32 $0xFFFFFF80  }
0x9a: {  	_ =	swait.ge [sflag:s30], $0x100  }
0x9b: {  	[sflag:s30] =	ssyncset.done $0x0  }
0x9c: {  	s1 =	simm.s32 $0x4;
	[sflag:s30] =	ssyncadd.s32 $0xFFFFFF00  }
0x9d: {  	_ =	swait.ge [sflag:s1], $0x400  }
0x9e: {  	s29 =	sadd.s32 $0x1, s29;
	s31 =	rddreg [dreg:$0x3]  }
0x9f: {  	p0 =	sne.s32 s29, s31  }
.Ltmp4:
0xa0: {  	_ = 	snop;
	(pc) =	sbr.rel @p0 .LBB2_1-.Ltmp4, $3  }
0xa1: {  	_ =	sdelay $0x1  }
0xa2: {  	[sflag:s1] =	ssyncset.done $0x0  }
0xa3: {  	[sflag:s1] =	ssyncadd.s32 $0xFFFFFC00  }
0xa4: {  	_ =	sfence.sel $0x180000  }
0xa5: {  	[bflag:$0x0] =	sbarrier.arrive $0xFFFF  }
0xa6: {  	_ =	strace $0x9000004A  }
0xa7: {  	s0 =	stileid.u32;
	[bflag:$0x2] =	sbarrier.arrive $0xFFFF  }
0xa8: {  	p0 =	sne.s32 s0, $0x0;
	s0 =	rddreg [dreg:$0x1]  }
0xa9: {  	s0 =	sadd.s32 @!p0 $0x100000, s0  }
0xaa: {  	[sflag:s0] =	ssyncadd.tile.s32 @!p0 $0x1;
	_ =	shalt  }
.Lfunc_end2:
_tile_overlayer_lowered:
.L_overlay_start_2:
0xab: {  	(tag) =	ssettag $0x2  }
0xac: {  	s0 =	rddreg [dreg:$0x0];
	s2 =	stileid.u32  }
0xad: {  	s1 =	rddreg [dreg:$0x1];
	p0 =	sne.s32 s2, $0x0  }
0xae: {  	s3 =	rddreg [dreg:$0x2];
	[bflag:$0x3] =	sbarrier.arrive $0xFFFF;
	s2 =	simm.s32 @!p0 $0x1C06  }
0xaf: {  	[timem:s3], [sflag:s2] =	dma.local @!p0 [hbm:s0], s1  }
0xb0: {  	s0 =	simm.s32 @!p0 $0x6  }
0xb1: {  	_ =	swait.ge @!p0 [sflag:s0], s1  }
0xb2: {  	s1 =	ssub.s32 @!p0 $0x0, s1;
	[sflag:s0] =	ssyncset.done @!p0 $0x0  }
0xb3: {  	[sflag:s0] =	ssyncadd.s32 @!p0 s1  }
0xb4: {  	[bflag:$0x3] =	sbarrier.arrive $0xFFFF  }
0xb5: {  	_ =	shalt  }

// kernel: kernel.45.cloned.1.call-start
scs
__scs_entry_jumppad:
0x0: {  	(pc) =	sbr.rel $0x88, $3  }
0x1: {  	(tag) =	ssettag $0x0;
	lr =	simm.s32 $0x1  }
0x2: {  	[smem:$0x3F8B] =	sst lr;
	_ =	strace $0xD0000000  }
0x3: {  	_ = 	snop  }
0x4: {  	_ = 	snop  }
0x5: {  	_ = 	snop  }
0x6: {  	_ = 	snop  }
0x7: {  	_ = 	snop  }
__scs_overlays_trampoline_lowered:
0x8: {  	[smem:$0x3F9A] =	sst s0  }
0x9: {  	[smem:$0x3F9B] =	sst s1  }
0xa: {  	[smem:$0x3F9C] =	sst s2  }
0xb: {  	[smem:$0x3F9D] =	sst s3  }
0xc: {  	[smem:$0x3F9E] =	sst s4  }
0xd: {  	[smem:$0x3F9F] =	sst s5  }
0xe: {  	[smem:$0x3FA0] =	sst s6  }
0xf: {  	[smem:$0x3FA1] =	sst s7  }
0x10: {  	[smem:$0x3FA2] =	sst s8  }
0x11: {  	[smem:$0x3FA3] =	sst s9;
	s0 =	simm.s32 @!p0 $0x0  }
0x12: {  	s1 =	sld [smem:$0x3F89];
	s0 =	simm.s32 @p0 $0x1  }
0x13: {  	[smem:$0x3FA4] =	sst s0;
	s0 =	simm.s32 @!p1 $0x0  }
0x14: {  	s2 =	sld [smem:$0x3F88];
	s0 =	simm.s32 @p1 $0x1  }
0x15: {  	[smem:$0x3FA5] =	sst s0;
	s0 =	simm.s32 @!p2 $0x0  }
0x16: {  	s3 =	sld [smem:$0x3FDB];
	s0 =	simm.s32 @p2 $0x1  }
0x17: {  	s4 =	simm.s32 $0x1BF5;
	[smem:$0x3FA7] =	sst s0  }
0x18: {  	s0 =	sld [smem:$0x3F8A];
	_ =	swait.ge [sflag:s4], $0x0  }
0x19: {  	s7 =	sld [smem:$0x3F8B]  }
0x1a: {  	s8 =	sadd.s32 $0xFFFFE003, lr  }
0x1b: {  	s9 =	sadd.s32 $0xFFFFFEF7, lr;
	s5 =	simm.s32 $0xFFFFFFFF;
	p2 =	slt.u32 s8, $0xFFFFF086  }
0x1c: {  	p1 =	slt.u32 s9, $0xF7A;
	s5 =	simm.s32 @!p2 $0x0  }
0x1d: {  	s5 =	simm.s32 @p1 $0x1;
	p0 =	seq.s32 s7, s2  }
0x1e: {  	s7 =	smul.u32 @!p0 $0xF7A, s2;
	p2 =	seq.s32 @!p0 s5, $0x0  }
0x1f: {  	s9 =	smul.u32 $0xF7A, s1;
	s8 =	simm.s32 @!p0 $0x1BF5;
	p2 =	por !p2, p0  }
0x20: {  	[sflag:s8] =	ssyncset.s32 @!p0 $0xFFFFF086;
	s6 =	sadd.s32 @!p0 s3, s7;
	s7 =	simm.s32 @!p0 $0x108  }
0x21: {  	s3 =	sadd.s32 s3, s9;
	s6 =	sadd.s32 @!p0 $0x88, s6;
	s7 =	simm.s32 @p2 $0x1082  }
0x22: {  	[simem:s7], [sflag:s8] =	dma.local @!p0 [hbm:s6], $0xF7A  }
0x23: {  	s9 =	sor.u32 $0xD0000000, s2;
	s6 =	simm.s32 $0x108;
	_ =	swait.ge @!p0 [sflag:s8], $0x0  }
0x24: {  	s3 =	sadd.s32 $0x88, s3;
	s6 =	simm.s32 @!p1 $0x1082;
	[sflag:s4] =	ssyncset.s32 $0xFFFFF086  }
0x25: {  	[simem:s6], [sflag:s4] =	dma.local [hbm:s3], $0xF7A  }
0x26: {  	[smem:$0x3F8B] =	sst s1;
	(tag) =	ssettag s2;
	_ =	strace s9  }
0x27: {  	s1 =	sld [smem:$0x3F9B]  }
0x28: {  	s2 =	sld [smem:$0x3F9C]  }
0x29: {  	s4 =	sld [smem:$0x3F9E]  }
0x2a: {  	p0 =	seq.s32 s5, $0x0;
	s5 =	sld [smem:$0x3F9F]  }
0x2b: {  	s6 =	sld [smem:$0x3FA0]  }
0x2c: {  	s7 =	sld [smem:$0x3FA1]  }
0x2d: {  	s3 =	simm.s32 $0x108;
	s8 =	sld [smem:$0x3FA2]  }
0x2e: {  	s3 =	simm.s32 @!p0 $0x1082;
	s9 =	sld [smem:$0x3FA3]  }
0x2f: {  	lr =	sadd.s32 s0, s3;
	s0 =	sld [smem:$0x3F9A]  }
0x30: {  	s3 =	sld [smem:$0x3F9D]  }
0x31: {  	[smem:$0x3FA6] =	sst s10  }
0x32: {  	s10 =	sld [smem:$0x3FA4];
	_ =	sdelay $0x3  }
0x33: {  	p0 =	seq.s32 s10, $0x1;
	s10 =	sld [smem:$0x3FA6];
	_ =	sdelay $0x3  }
0x34: {  	[smem:$0x3FA6] =	sst s10  }
0x35: {  	s10 =	sld [smem:$0x3FA5];
	_ =	sdelay $0x3  }
0x36: {  	p1 =	seq.s32 s10, $0x1;
	s10 =	sld [smem:$0x3FA6];
	_ =	sdelay $0x3  }
0x37: {  	[smem:$0x3FA6] =	sst s10  }
0x38: {  	s10 =	sld [smem:$0x3FA7]  }
0x39: {  	_ = 	snop;
	(pc) =	sbr.ind lr, $3  }
0x3a: {  	_ = 	snop  }
0x3b: {  	_ = 	snop  }
0x3c: {  	p2 =	seq.s32 s10, $0x1;
	s10 =	sld [smem:$0x3FA6]  }
0x3d: {  	_ =	shalt  }
0x3e: {  	_ =	shalt  }
0x3f: {  	_ =	shalt  }
0x40: {  	_ =	shalt  }
0x41: {  	_ =	shalt  }
0x42: {  	_ =	shalt  }
0x43: {  	_ =	shalt  }
0x44: {  	_ =	shalt  }
0x45: {  	_ =	shalt  }
0x46: {  	_ =	shalt  }
0x47: {  	_ =	shalt  }
0x48: {  	_ =	shalt  }
0x49: {  	_ =	shalt  }
0x4a: {  	_ =	shalt  }
0x4b: {  	_ =	shalt  }
0x4c: {  	_ =	shalt  }
0x4d: {  	_ =	shalt  }
0x4e: {  	_ =	shalt  }
0x4f: {  	_ =	shalt  }
0x50: {  	_ =	shalt  }
0x51: {  	_ =	shalt  }
0x52: {  	_ =	shalt  }
0x53: {  	_ =	shalt  }
0x54: {  	_ =	shalt  }
0x55: {  	_ =	shalt  }
0x56: {  	_ =	shalt  }
0x57: {  	_ =	shalt  }
0x58: {  	_ =	shalt  }
0x59: {  	_ =	shalt  }
0x5a: {  	_ =	shalt  }
0x5b: {  	_ =	shalt  }
0x5c: {  	_ =	shalt  }
0x5d: {  	_ =	shalt  }
0x5e: {  	_ =	shalt  }
0x5f: {  	_ =	shalt  }
0x60: {  	_ =	shalt  }
0x61: {  	_ =	shalt  }
0x62: {  	_ =	shalt  }
0x63: {  	_ =	shalt  }
0x64: {  	_ =	shalt  }
0x65: {  	_ =	shalt  }
0x66: {  	_ =	shalt  }
0x67: {  	_ =	shalt  }
0x68: {  	_ =	shalt  }
0x69: {  	_ =	shalt  }
0x6a: {  	_ =	shalt  }
0x6b: {  	_ =	shalt  }
0x6c: {  	_ =	shalt  }
0x6d: {  	_ =	shalt  }
0x6e: {  	_ =	shalt  }
0x6f: {  	_ =	shalt  }
0x70: {  	_ =	shalt  }
0x71: {  	_ =	shalt  }
0x72: {  	_ =	shalt  }
0x73: {  	_ =	shalt  }
0x74: {  	_ =	shalt  }
0x75: {  	_ =	shalt  }
0x76: {  	_ =	shalt  }
0x77: {  	_ =	shalt  }
0x78: {  	_ =	shalt  }
0x79: {  	_ =	shalt  }
0x7a: {  	_ =	shalt  }
0x7b: {  	_ =	shalt  }
0x7c: {  	_ =	shalt  }
0x7d: {  	_ =	shalt  }
0x7e: {  	_ =	shalt  }
0x7f: {  	_ =	shalt  }
0x80: {  	_ =	shalt  }
0x81: {  	_ =	shalt  }
0x82: {  	_ =	shalt  }
0x83: {  	_ =	shalt  }
0x84: {  	_ =	shalt  }
0x85: {  	_ =	shalt  }
0x86: {  	_ =	shalt  }
0x87: {  	_ =	shalt  }
.Lfunc_end0:
.L_simem_size_0:
called_computation.2_lowered:
.L_overlay_start_0:
0x88: {  	s2 =	sld [smem:$0x3FD9]  }
0x89: {  	s3 =	sld [smem:$0x3FFE];
	_ =	sdelay $0x1  }
0x8a: {  	s1 =	srdreg.scid  }
0x8b: {  	s0 =	sand.u32 $0x1, s1  }
0x8c: {  	s16 =	sshll.u32 s0, $0xA;
	s2 =	sadd.s32 s3, s2  }
0x8d: {  	s2 =	sadd.s32 s2, s16  }
0x8e: {  	[smem:$0x3FB2] =	sst s2  }
0x8f: {  	_ = 	snop  }
0x90: {  	(tm) =	ssettm $0x1  }
0x91: {  	s17 =	sld [smem:$0x3FFB];
	_ =	sdelay $0x3  }
0x92: {  	_ =	strace s17  }
0x93: {  	s2 =	sld [smem:$0x3FFC];
	_ =	sdelay $0x3  }
0x94: {  	_ =	strace s2  }
0x95: {  	s2 =	sld [smem:$0x3FFD];
	_ =	sdelay $0x3  }
0x96: {  	_ =	strace s2  }
0x97: {  	_ =	strace $0x8FFFFFFF  }
0x98: {  	s18 =	sld [smem:$0x3FDB];
	_ =	sdelay $0x1  }
0x99: {  	s19 =	simm.s32 $_scs_section_size  }
0x9a: {  	s4 =	simm.s32 $_size__tile_overlayer_lowered;
	s5 =	simm.s32 $_tile_overlayer_lowered  }
0x9b: {  	s22 =	simm.s32 $0x1BFF;
	s21 =	sshll.u32 s5, $0x1;
	s2 =	sadd.s32 s19, s18  }
0x9c: {  	s6 =	simm.s32 $0x0;
	s20 =	sshll.u32 s4, $0x1;
	s4 =	sadd.s32 s21, s2  }
0x9d: {  	[timem:s6], [sflag:s22] =	dma.local [hbm:s4], s20  }
0x9e: {  	_ =	swait.ge [sflag:s22], s20  }
0x9f: {  	s3 =	ssub.s32 $0x0, s20;
	[sflag:s22] =	ssyncset.done $0x0  }
0xa0: {  	[sflag:s22] =	ssyncadd.s32 s3;
	_ =	sdelay $0x1  }
0xa1: {  	s23 =	simm.s32 $0x1B8B  }
0xa2: {  	_ =	swait.ge [sflag:s23], $0x1  }
0xa3: {  	[sflag:s23] =	ssyncset.done $0x0  }
0xa4: {  	s25 =	simm.s32 $0x1B8E;
	s24 =	sld [smem:$0x3FFE];
	[sflag:s23] =	ssyncadd.s32 $0xFFFFFFFF  }
0xa5: {  	s26 =	simm.s32 $execute0_lowered;
	[smem:$0x3FD2] =	sst s25  }
0xa6: {  	s4 =	sshll.u32 s26, $0x1;
	_ =	strace $0x8000004C;
	[dreg:$0x1] =	wrdreg $0xFFFFFFFF  }
0xa7: {  	s28 =	simm.s32 $_size_execute0_lowered;
	s2 =	sadd.s32 s2, s4;
	[dreg:$0x0] =	wrdreg $0x0  }
0xa8: {  	s4 =	sshll.u32 s28, $0x1;
	[dreg:$0x2] =	wrdreg s2  }
0xa9: {  	[dreg:$0x3] =	wrdreg s4  }
0xaa: {  	[dreg:$0x4] =	wrdreg $0xC0  }
0xab: {  	_ =	task [dreg:s6], $0x5FFFF  }
0xac: {  	[dreg:$0x1] =	wrdreg $0xFFFFFFFF  }
0xad: {  	[dreg:$0x0] =	wrdreg $0x60  }
0xae: {  	[dreg:$0x2] =	wrdreg s24  }
0xaf: {  	[dreg:$0x3] =	wrdreg $0x9  }
0xb0: {  	_ =	task.clear_ibuf [dreg:s6], $0x4FFFF;
	_ =	strace $0x9000004C  }
0xb1: {  	s29 =	simm.s32 $0x9;
	_ =	strace $0x8000004E  }
0xb2: {  	_ =	swait.ge [sflag:s29], $0x1  }
0xb3: {  	[sflag:s29] =	ssyncadd.s32 $0xFFFFFFFF  }
0xb4: {  	_ =	strace $0x9000004E  }
0xb5: {  	_ =	sfence  }
0xb6: {  	s30 =	sld [smem:$0x0];
	_ =	sdelay $0x2  }
0xb7: {  	s31 =	sshll.u32 s1, $0xD;
	s1 =	sshrl.u32 s1, $0x2  }
0xb8: {  	s3 =	sand.u32 $0x4000, s31;
	s1 =	sadd.s32 s1, s30  }
0xb9: {  	s0 =	sor.u32 s3, s0;
	s1 =	sshll.u32 s1, $0x11  }
0xba: {  	s0 =	sor.u32 s1, s0  }
0xbb: {  	s0 =	sadd.s32 $0x8F2B, s0  }
0xbc: {  	[sflag:s0] =	ssyncadd.remote.s32 $0x1  }
0xbd: {  	_ =	sfence.sel $0xFFFF  }
0xbe: {  	[dreg:$0x0] =	wrdreg $0xFFFFFFFF;
	(pc) =	sbr.abs _section_cstart, $3  }
0xbf: {  	[dreg:$0x1] =	wrdreg $0xFFFFFFFF  }
0xc0: {  	_ =	task.clear_ibuf [dreg:s6], $0x2FFFF;
	_ =	strace $0x9FFFFFFF  }
0xc1: {  	(tm) =	ssettm $0x7FFFFFFF  }
tec
execute0_lowered:
.L_overlay_start_1:
0x0: {  	(tag) =	ssettag $0x1  }
0x1: {  	s0 =	rddreg [dreg:$0x0]  }
0x2: {  	s1 =	srdreg.scid;
	s2 =	stileid.u32;
	s5 =	simm.s32 $0x0  }
0x3: {  	s13 =	simm.s32 $0x1;
	s14 =	simm.s32 $0x400;
	s15 =	simm.s32 $0x20  }
0x4: {  	s16 =	simm.s32 $0x420;
	s17 =	simm.s32 $0x440;
	s18 =	simm.s32 $0x5  }
0x5: {  	s19 =	simm.s32 $0xC40;
	s20 =	simm.s32 $0x40;
	s21 =	simm.s32 $0xC80  }
0x6: {  	s22 =	simm.s32 $0xCC0;
	s23 =	simm.s32 $0x2CC0;
	s24 =	simm.s32 $0x80  }
0x7: {  	s25 =	simm.s32 $0x2D40;
	s26 =	simm.s32 $0x2DC0;
	s1 =	sand.u32 $0x1, s1  }
0x8: {  	s3 =	sshll.u32 s2, $0x6;
	[smem:$0x7FF] =	sst s5;
	s5 =	sadd.s32 $0x29600, s0  }
0x9: {  	s6 =	sadd.s32 $0x19600, s0;
	s7 =	sadd.s32 $0x39600, s0;
	s8 =	sadd.s32 $0x314600, s0  }
0xa: {  	s9 =	sadd.s32 $0x114600, s0;
	s4 =	sshll.u32 s1, $0x5;
	s1 =	ssub.s32 $0x2, s1  }
0xb: {  	s30 =	sshll.u32 s2, $0x8;
	s3 =	sor.u32 s4, s3;
	s11 =	sshrl.u32 s1, $0x1  }
0xc: {  	v0 =	vlaneseq.u32;
	s2 =	simm.s32 $0x0;
	s4 =	sshll.u32 s3, $0x6;
	s1 =	ssub.s32 s1, s11  }
0xd: {  	v2 =	vimm.s32 $0x0;
	v3 =	vor.u32 $0x10, v0;
	v4 =	vor.u32 $0x20, v0;
	_ =	strace $0x8000004D;
	s10 =	sadd.s32 s4, s0;
	s1 =	smax.u32 s1, $0x1  }
0xe: {  	v5 =	vor.u32 $0x30, v0;
	v6 =	vor.u32 $0x40, v0;
	v7 =	vor.u32 $0x50, v0;
	s31 =	sand.u32 $0xE00, s30;
	s10 =	sadd.s32 $0x104600, s10;
	[dreg:$0x3] =	wrdreg s1  }
0xf: {  	v8 =	vor.u32 $0x60, v0;
	v9 =	vor.u32 $0x70, v0;
	v1 =	vmov s31;
	s11 =	sadd.s32 $0x104640, s0;
	s4 =	sadd.s32 $0x11600, s0;
	[dreg:$0x2] =	wrdreg s10  }
.LBB2_1:
0x10: {  	s0 =	simm.s32 $0x0;
	s1 =	rddreg [dreg:$0x2]  }
0x11: {  	[tilespmem:s0], [sflag:$0x1] =	stream.linear.gather [hbm4b:s1+s0], $0x200, $0x38;
	[tilespmem:$0x6DC0] =	vst v63  }
0x12: {  	[dreg:$0x4] =	wrdreg s2;
	p0 =	por $0x0, $0x0;
	s0 =	simm.s32 $0x0  }
.LBB2_2:
0x13: {  	s10 =	simm.s32 $0x1  }
0x14: {  	s1 =	sor.u32 s3, s0;
	_ =	swait.ge [sflag:s13], $0x200;
	s12 =	sadd.s32 $0x1, s0  }
0x15: {  	p1 =	seq.s32 s0, $0x1F;
	s10 =	simm.s32 @!p0 $0x0;
	[sflag:s13] =	ssyncset.done $0x0  }
0x16: {  	s28 =	sshll.u32 @!p1 s1, $0x6;
	s29 =	sshll.u32 @!p1 s12, $0x9;
	s30 =	simm.s32 @!p1 $0x0  }
0x17: {  	[sflag:s13] =	ssyncadd.s32 $0xFFFFFE00;
	s29 =	sand.u32 @!p1 $0x200, s29;
	s28 =	sadd.s32 @!p1 s28, s11  }
0x18: {  	[tilespmem:s29], [sflag:$0x1] =	stream.linear.gather @!p1 [hbm4b:s28+s30], $0x200, $0x38;
	[tilespmem:$0x6DC0] =	vst v63  }
0x19: {  	s31 =	simm.s32 $0x0;
	s30 =	sshll.u32 s10, $0x9  }
0x1a: {  	s28 =	simm.s32 $0x0;
	s29 =	simm.s32 $0x0;
	s10 =	smov.u32 s30  }
.LBB2_3:
0x1b: {  	v10 =	vld [tilespmem:s10+$0x0];
	_ =	sdelay $0x4  }
0x1c: {  	vm0 =	vlt.f32 v10, $3.999999910e-02  }
0x1d: {  	v10 =	vsel vm0, $0x1, v2  }
0x1e: {  	(xrf0) =	vadd.scan.msk.s32 $0xffff, v10;
	_ =	sdelay $0x5  }
0x1f: {  	v10, _, _ =	vpop (xrf0)  }
0x20: {  	(v2sf) =	vpush v10, $0xF;
	_ =	sdelay $0xd  }
0x21: {  	s2 =	sadd.s32 $0xFFFFFFFF, s28  }
0x22: {  	v10 =	vadd.s32 s2, v10;
	s2 =	spop (v2sf)  }
0x23: {  	p1 =	sgt.u32 s31, $0x1E;
	vm1 =	vlt.s32 v10, $0x20;
	s28 =	sadd.s32 s28, s2  }
0x24: {  	vm0 =	vmand vm0, vm1;
	p2 =	slt.s32 @!p1 s28, $0x20  }
0x25: {  	p1 =	por p1, !p2  }
.Ltmp0:
0x26: {  	_ = 	snop;
	(pc) =	sbr.rel @!p1 .LBB2_3-.Ltmp0, $3  }
0x27: {  	_ =	sdelay $0x1  }
0x28: {  	v11 =	vor.u32 s29, v0  }
0x29: {  	s31 =	sadd.s32 $0x1, s31;
	s10 =	sadd.s32 $0x10, s10;
	s29 =	sadd.s32 $0x10, s29;
	[tilespmem:v10+s14+$0x0] =	vst.idx.msk vm0, v11  }
0x2a: {  	v10 =	vld [tilespmem:$0x400];
	_ =	sdelay $0x1  }
0x2b: {  	p1 =	slt.s32 s28, $0x10  }
0x2c: {  	v11 =	vmov s28;
	s28 =	simm.s32 @!p1 $0x10  }
0x2d: {  	v12 =	vmov s28  }
0x2e: {  	vm0 =	vgt.s32 v12, v0;
	v62 =	vxor.u32 $0x80000000, v10  }
0x2f: {  	v12 =	vnsel vm0, $0xC0000000, v62  }
0x30: {  	(xrf0) =	vmin.scan.msk.u32 $0xffff, v12;
	_ =	sdelay $0x5  }
0x31: {  	v12, _, _ =	vpop (xrf0)  }
0x32: {  	(v2sf) =	vpush v12, $0xF;
	_ =	sdelay $0xc  }
0x33: {  	v63 =	vld [tilespmem:$0x410];
	_ =	sdelay $0x1  }
0x34: {  	s2 =	spop (v2sf)  }
0x35: {  	vm14 =	vgt.s32 v11, v0;
	s2 =	sxor.u32 $0x80000000, s2  }
0x36: {  	vm15 =	vgt.s32 v11, v3;
	v10 =	vnsel vm14, s2, v10  }
0x37: {  	v11 =	vnsel vm15, s2, v63;
	v10 =	vadd.s32 v1, v10  }
0x38: {  	p1 =	seq.s32 s0, $0x0;
	[tilespmem:$0x420] =	vst v10;
	v10 =	vadd.s32 v1, v11  }
0x39: {  	s0 =	simm.s32 @!p1 $0x2;
	[tilespmem:$0x430] =	vst v10  }
0x3a: {  	_ =	swait.ge @!p1 [sflag:s0], $0x800  }
0x3b: {  	[sflag:s0] =	ssyncset.done @!p1 $0x0  }
0x3c: {  	[sflag:s0] =	ssyncadd.s32 @!p1 $0xFFFFF800  }
0x3d: {  	[tilespmem:s17], [sflag:$0x5] =	stream.indirect.gather [hbm4b:s4+s15], $0x40, s16, s15, $0xb8;
	[tilespmem:$0x6DC0] =	vst v63  }
0x3e: {  	s10 =	sshll.u32 s1, $0x8;
	s29 =	simm.s32 $0x0;
	_ =	swait.ge [sflag:s18], $0x800  }
0x3f: {  	s31 =	sadd.s32 s7, s10;
	s10 =	smov.u32 s30;
	[sflag:s18] =	ssyncset.done $0x0  }
0x40: {  	s28 =	simm.s32 $0x0;
	s0 =	simm.s32 $0x0;
	[sflag:s18] =	ssyncadd.s32 $0xFFFFF800  }
0x41: {  	[hbm4b:s31+s0] =	stream.linear.scatter [tilespmem:s17], [sflag:$0x2], $0x800, $0x38;
	[tilespmem:$0x6DC0] =	vst v63  }
.LBB2_5:
0x42: {  	v10 =	vld [tilespmem:s10+$0x0];
	_ =	sdelay $0x4  }
0x43: {  	vm0 =	vlt.f32 v10, $1.599999960e-01  }
0x44: {  	v10 =	vsel vm0, $0x1, v2  }
0x45: {  	(xrf0) =	vadd.scan.msk.s32 $0xffff, v10;
	_ =	sdelay $0x5  }
0x46: {  	v10, _, _ =	vpop (xrf0)  }
0x47: {  	(v2sf) =	vpush v10, $0xF;
	_ =	sdelay $0xd  }
0x48: {  	s2 =	sadd.s32 $0xFFFFFFFF, s0  }
0x49: {  	v10 =	vadd.s32 s2, v10;
	s31 =	spop (v2sf)  }
0x4a: {  	p2 =	sgt.u32 s29, $0x1E;
	vm1 =	vlt.s32 v10, $0x40;
	s0 =	sadd.s32 s0, s31  }
0x4b: {  	vm0 =	vmand vm0, vm1;
	p3 =	slt.s32 @!p2 s0, $0x40  }
0x4c: {  	p2 =	por p2, !p3  }
.Ltmp1:
0x4d: {  	_ = 	snop;
	(pc) =	sbr.rel @!p2 .LBB2_5-.Ltmp1, $3  }
0x4e: {  	_ =	sdelay $0x1  }
0x4f: {  	v11 =	vor.u32 s28, v0  }
0x50: {  	s29 =	sadd.s32 $0x1, s29;
	s10 =	sadd.s32 $0x10, s10;
	s28 =	sadd.s32 $0x10, s28;
	[tilespmem:v10+s19+$0x0] =	vst.idx.msk vm0, v11  }
0x51: {  	v10 =	vld [tilespmem:$0xC40];
	_ =	sdelay $0x1  }
0x52: {  	p2 =	slt.s32 s0, $0x10  }
0x53: {  	v11 =	vmov s0;
	s0 =	simm.s32 @!p2 $0x10  }
0x54: {  	v12 =	vmov s0  }
0x55: {  	vm0 =	vgt.s32 v12, v0;
	v62 =	vxor.u32 $0x80000000, v10  }
0x56: {  	v12 =	vnsel vm0, $0xC0000000, v62  }
0x57: {  	(xrf0) =	vmin.scan.msk.u32 $0xffff, v12;
	_ =	sdelay $0x5  }
0x58: {  	v12, _, _ =	vpop (xrf0)  }
0x59: {  	(v2sf) =	vpush v12, $0xF;
	_ =	sdelay $0xc  }
0x5a: {  	v63 =	vld [tilespmem:$0xC50]  }
0x5b: {  	v13 =	vld [tilespmem:$0xC60]  }
0x5c: {  	v14 =	vld [tilespmem:$0xC70];
	s29 =	spop (v2sf)  }
0x5d: {  	vm12 =	vgt.s32 v11, v0;
	s0 =	sxor.u32 $0x80000000, s29  }
0x5e: {  	vm13 =	vgt.s32 v11, v3;
	v10 =	vnsel vm12, s0, v10  }
0x5f: {  	vm14 =	vgt.s32 v11, v4;
	v12 =	vnsel vm13, s0, v63;
	v10 =	vadd.s32 v1, v10  }
0x60: {  	vm15 =	vgt.s32 v11, v5;
	v11 =	vadd.s32 v1, v12;
	[tilespmem:$0xC80] =	vst v10;
	v10 =	vnsel vm14, s0, v13  }
0x61: {  	[tilespmem:$0xC90] =	vst v11;
	v11 =	vnsel vm15, s0, v14;
	v10 =	vadd.s32 v1, v10  }
0x62: {  	[tilespmem:$0xCA0] =	vst v10;
	v10 =	vadd.s32 v1, v11  }
0x63: {  	s0 =	simm.s32 @!p1 $0x3;
	[tilespmem:$0xCB0] =	vst v10  }
0x64: {  	_ =	swait.ge @!p1 [sflag:s0], $0x2000  }
0x65: {  	[sflag:s0] =	ssyncset.done @!p1 $0x0  }
0x66: {  	[sflag:s0] =	ssyncadd.s32 @!p1 $0xFFFFE000  }
0x67: {  	[tilespmem:s22], [sflag:$0x5] =	stream.indirect.gather [hbm4b:s5+s20], $0x80, s21, s20, $0xb8;
	[tilespmem:$0x6DC0] =	vst v63  }
0x68: {  	s31 =	sshll.u32 s1, $0xA;
	_ =	swait.ge [sflag:s18], $0x2000  }
0x69: {  	s10 =	simm.s32 $0x0;
	s28 =	simm.s32 $0x0;
	[sflag:s18] =	ssyncset.done $0x0  }
0x6a: {  	s2 =	sadd.s32 s8, s31;
	s0 =	simm.s32 $0x0;
	[sflag:s18] =	ssyncadd.s32 $0xFFFFE000  }
0x6b: {  	[hbm4b:s2+s0] =	stream.linear.scatter [tilespmem:s22], [sflag:$0x3], $0x2000, $0x38;
	[tilespmem:$0x6DC0] =	vst v63  }
.LBB2_7:
0x6c: {  	v10 =	vld [tilespmem:s30+$0x0];
	_ =	sdelay $0x4  }
0x6d: {  	vm0 =	vlt.f32 v10, $6.399999860e-01  }
0x6e: {  	v10 =	vsel vm0, $0x1, v2  }
0x6f: {  	(xrf0) =	vadd.scan.msk.s32 $0xffff, v10;
	_ =	sdelay $0x5  }
0x70: {  	v10, _, _ =	vpop (xrf0)  }
0x71: {  	(v2sf) =	vpush v10, $0xF;
	_ =	sdelay $0xd  }
0x72: {  	s2 =	sadd.s32 $0xFFFFFFFF, s0  }
0x73: {  	v10 =	vadd.s32 s2, v10;
	s31 =	spop (v2sf)  }
0x74: {  	p2 =	sgt.u32 s28, $0x1E;
	vm1 =	vlt.s32 v10, $0x80;
	s0 =	sadd.s32 s0, s31  }
0x75: {  	vm0 =	vmand vm0, vm1;
	p3 =	slt.s32 @!p2 s0, $0x80  }
0x76: {  	p2 =	por p2, !p3  }
.Ltmp2:
0x77: {  	_ = 	snop;
	(pc) =	sbr.rel @!p2 .LBB2_7-.Ltmp2, $3  }
0x78: {  	_ =	sdelay $0x1  }
0x79: {  	v11 =	vor.u32 s10, v0  }
0x7a: {  	s28 =	sadd.s32 $0x1, s28;
	s30 =	sadd.s32 $0x10, s30;
	s10 =	sadd.s32 $0x10, s10;
	[tilespmem:v10+s23+$0x0] =	vst.idx.msk vm0, v11  }
0x7b: {  	v10 =	vld [tilespmem:$0x2CC0];
	_ =	sdelay $0x1  }
0x7c: {  	p2 =	slt.s32 s0, $0x10  }
0x7d: {  	v11 =	vmov s0;
	s0 =	simm.s32 @!p2 $0x10  }
0x7e: {  	v12 =	vmov s0  }
0x7f: {  	vm0 =	vgt.s32 v12, v0;
	v57 =	vxor.u32 $0x80000000, v10  }
0x80: {  	v12 =	vnsel vm0, $0xC0000000, v57  }
0x81: {  	(xrf0) =	vmin.scan.msk.u32 $0xffff, v12;
	_ =	sdelay $0x5  }
0x82: {  	v12, _, _ =	vpop (xrf0)  }
0x83: {  	(v2sf) =	vpush v12, $0xF;
	_ =	sdelay $0xc  }
0x84: {  	v58 =	vld [tilespmem:$0x2CD0]  }
0x85: {  	v13 =	vld [tilespmem:$0x2CE0]  }
0x86: {  	v14 =	vld [tilespmem:$0x2CF0];
	s29 =	spop (v2sf)  }
0x87: {  	v15 =	vld [tilespmem:$0x2D00];
	vm8 =	vgt.s32 v11, v0;
	s0 =	sxor.u32 $0x80000000, s29  }
0x88: {  	v16 =	vld [tilespmem:$0x2D10];
	vm9 =	vgt.s32 v11, v3;
	v10 =	vnsel vm8, s0, v10  }
0x89: {  	v17 =	vld [tilespmem:$0x2D20];
	vm10 =	vgt.s32 v11, v4;
	v12 =	vnsel vm9, s0, v58;
	v10 =	vadd.s32 v1, v10  }
0x8a: {  	v60 =	vld [tilespmem:$0x2D30];
	vm11 =	vgt.s32 v11, v5;
	v59 =	vnsel vm10, s0, v13;
	[tilespmem:$0x2D40] =	vst v10;
	v10 =	vadd.s32 v1, v12  }
0x8b: {  	vm12 =	vgt.s32 v11, v6;
	v61 =	vnsel vm11, s0, v14;
	[tilespmem:$0x2D50] =	vst v10;
	v10 =	vadd.s32 v1, v59  }
0x8c: {  	vm13 =	vgt.s32 v11, v7;
	v62 =	vnsel vm12, s0, v15;
	[tilespmem:$0x2D60] =	vst v10;
	v10 =	vadd.s32 v1, v61  }
0x8d: {  	vm14 =	vgt.s32 v11, v8;
	v63 =	vnsel vm13, s0, v16;
	[tilespmem:$0x2D70] =	vst v10;
	v10 =	vadd.s32 v1, v62  }
0x8e: {  	vm15 =	vgt.s32 v11, v9;
	v11 =	vadd.s32 v1, v63;
	[tilespmem:$0x2D80] =	vst v10;
	v10 =	vnsel vm14, s0, v17  }
0x8f: {  	[tilespmem:$0x2D90] =	vst v11;
	v11 =	vnsel vm15, s0, v60;
	v10 =	vadd.s32 v1, v10  }
0x90: {  	[tilespmem:$0x2DA0] =	vst v10;
	v10 =	vadd.s32 v1, v11  }
0x91: {  	s0 =	simm.s32 @!p1 $0x4;
	[tilespmem:$0x2DB0] =	vst v10  }
0x92: {  	_ =	swait.ge @!p1 [sflag:s0], $0x4000  }
0x93: {  	[sflag:s0] =	ssyncset.done @!p1 $0x0  }
0x94: {  	[sflag:s0] =	ssyncadd.s32 @!p1 $0xFFFFC000;
	p1 =	sne.s32 s12, $0x20  }
0x95: {  	[tilespmem:s26], [sflag:$0x5] =	stream.indirect.gather [hbm4b:s6+s24], $0x80, s25, s24, $0xb8;
	[tilespmem:$0x6DC0] =	vst v63  }
.Ltmp3:
0x96: {  	_ =	swait.ge [sflag:s18], $0x4000;
	(pc) =	sbr.rel @p1 .LBB2_2-.Ltmp3, $4  }
0x97: {  	s30 =	sshll.u32 s1, $0xB;
	[sflag:s18] =	ssyncset.done $0x0  }
0x98: {  	s31 =	simm.s32 $0x0;
	s0 =	sadd.s32 s9, s30;
	[sflag:s18] =	ssyncadd.s32 $0xFFFFC000  }
0x99: {  	[hbm4b:s0+s31] =	stream.linear.scatter [tilespmem:s26], [sflag:$0x4], $0x4000, $0x38;
	[tilespmem:$0x6DC0] =	vst v63  }
0x9a: {  	p0 =	por !p0, !p0;
	s0 =	smov.u32 s12  }
0x9b: {  	s0 =	simm.s32 $0x2  }
0x9c: {  	_ =	swait.ge [sflag:s0], $0x800  }
0x9d: {  	[sflag:s0] =	ssyncset.done $0x0  }
0x9e: {  	s30 =	simm.s32 $0x3;
	[sflag:s0] =	ssyncadd.s32 $0xFFFFF800  }
0x9f: {  	_ =	swait.ge [sflag:s30], $0x2000  }
0xa0: {  	[sflag:s30] =	ssyncset.done $0x0  }
0xa1: {  	s1 =	simm.s32 $0x4;
	[sflag:s30] =	ssyncadd.s32 $0xFFFFE000  }
0xa2: {  	_ =	swait.ge [sflag:s1], $0x4000  }
0xa3: {  	s2 =	rddreg [dreg:$0x4]  }
0xa4: {  	s31 =	rddreg [dreg:$0x3];
	s2 =	sadd.s32 $0x1, s2  }
0xa5: {  	p0 =	sne.s32 s2, s31  }
.Ltmp4:
0xa6: {  	_ = 	snop;
	(pc) =	sbr.rel @p0 .LBB2_1-.Ltmp4, $3  }
0xa7: {  	_ =	sdelay $0x1  }
0xa8: {  	[sflag:s1] =	ssyncset.done $0x0  }
0xa9: {  	[sflag:s1] =	ssyncadd.s32 $0xFFFFC000  }
0xaa: {  	_ =	sfence.sel $0x180000  }
0xab: {  	[bflag:$0x0] =	sbarrier.arrive $0xFFFF  }
0xac: {  	_ =	strace $0x9000004D  }
0xad: {  	s0 =	stileid.u32;
	[bflag:$0x2] =	sbarrier.arrive $0xFFFF  }
0xae: {  	p0 =	sne.s32 s0, $0x0;
	s0 =	rddreg [dreg:$0x1]  }
0xaf: {  	s0 =	sadd.s32 @!p0 $0x100000, s0  }
0xb0: {  	[sflag:s0] =	ssyncadd.tile.s32 @!p0 $0x1;
	_ =	shalt  }
.Lfunc_end2:
_tile_overlayer_lowered:
.L_overlay_start_2:
0xb1: {  	(tag) =	ssettag $0x2  }
0xb2: {  	s0 =	rddreg [dreg:$0x0];
	s2 =	stileid.u32  }
0xb3: {  	s1 =	rddreg [dreg:$0x1];
	p0 =	sne.s32 s2, $0x0  }
0xb4: {  	s3 =	rddreg [dreg:$0x2];
	[bflag:$0x3] =	sbarrier.arrive $0xFFFF;
	s2 =	simm.s32 @!p0 $0x1C06  }
0xb5: {  	[timem:s3], [sflag:s2] =	dma.local @!p0 [hbm:s0], s1  }
0xb6: {  	s0 =	simm.s32 @!p0 $0x6  }
0xb7: {  	_ =	swait.ge @!p0 [sflag:s0], s1  }
0xb8: {  	s1 =	ssub.s32 @!p0 $0x0, s1;
	[sflag:s0] =	ssyncset.done @!p0 $0x0  }
0xb9: {  	[sflag:s0] =	ssyncadd.s32 @!p0 s1  }
0xba: {  	[bflag:$0x3] =	sbarrier.arrive $0xFFFF  }
0xbb: {  	_ =	shalt  }

// kernel: sparse-core-data-format-call.cloned.1.call-start
scs
called_computation_lowered:
.L_overlay_start_0:
0x0: {  	s1 =	sld [smem:$0x3FD9]  }
0x1: {  	s2 =	sld [smem:$0x3FFE];
	_ =	sdelay $0x1  }
0x2: {  	s3 =	srdreg.scid  }
0x3: {  	s0 =	sand.u32 $0x1, s3  }
0x4: {  	s17 =	sshll.u32 s0, $0xA;
	s1 =	sadd.s32 s2, s1  }
0x5: {  	s1 =	sadd.s32 s1, s17  }
0x6: {  	[smem:$0x3FB2] =	sst s1  }
0x7: {  	_ = 	snop  }
0x8: {  	(tm) =	ssettm $0x1  }
0x9: {  	s18 =	sld [smem:$0x3FFB];
	_ =	sdelay $0x3  }
0xa: {  	_ =	strace s18  }
0xb: {  	s1 =	sld [smem:$0x3FFC];
	_ =	sdelay $0x3  }
0xc: {  	_ =	strace s1  }
0xd: {  	s1 =	sld [smem:$0x3FFD];
	_ =	sdelay $0x3  }
0xe: {  	_ =	strace s1  }
0xf: {  	_ =	strace $0x8FFFFFFF  }
0x10: {  	s19 =	sld [smem:$0x3FDB];
	_ =	sdelay $0x1  }
0x11: {  	s20 =	simm.s32 $_scs_section_size  }
0x12: {  	s4 =	simm.s32 $_size__tile_overlayer_lowered;
	s5 =	simm.s32 $_tile_overlayer_lowered  }
0x13: {  	s23 =	simm.s32 $0x1BFF;
	s22 =	sshll.u32 s5, $0x1;
	s1 =	sadd.s32 s20, s19  }
0x14: {  	s6 =	simm.s32 $0x0;
	s21 =	sshll.u32 s4, $0x1;
	s4 =	sadd.s32 s22, s1  }
0x15: {  	[timem:s6], [sflag:s23] =	dma.local [hbm:s4], s21  }
0x16: {  	_ =	swait.ge [sflag:s23], s21  }
0x17: {  	s2 =	ssub.s32 $0x0, s21;
	[sflag:s23] =	ssyncset.done $0x0  }
0x18: {  	[sflag:s23] =	ssyncadd.s32 s2;
	_ =	sdelay $0x1  }
0x19: {  	s24 =	simm.s32 $0x1B8B  }
0x1a: {  	_ =	swait.ge [sflag:s24], $0x1  }
0x1b: {  	[sflag:s24] =	ssyncset.done $0x0  }
0x1c: {  	s26 =	simm.s32 $0x1B8E;
	s25 =	sld [smem:$0x3FFE];
	[sflag:s24] =	ssyncadd.s32 $0xFFFFFFFF  }
0x1d: {  	s27 =	simm.s32 $execute0_lowered;
	[smem:$0x3FD2] =	sst s26  }
0x1e: {  	s4 =	sshll.u32 s27, $0x1;
	_ =	strace $0x80000046;
	[dreg:$0x1] =	wrdreg $0xFFFFFFFF  }
0x1f: {  	s28 =	simm.s32 $_size_execute0_lowered;
	s1 =	sadd.s32 s1, s4;
	[dreg:$0x0] =	wrdreg $0x0  }
0x20: {  	s4 =	sshll.u32 s28, $0x1;
	[dreg:$0x2] =	wrdreg s1  }
0x21: {  	[dreg:$0x3] =	wrdreg s4  }
0x22: {  	[dreg:$0x4] =	wrdreg $0xC0  }
0x23: {  	_ =	task [dreg:s6], $0x5FFFF  }
0x24: {  	[dreg:$0x1] =	wrdreg $0xFFFFFFFF  }
0x25: {  	[dreg:$0x0] =	wrdreg $0x60  }
0x26: {  	[dreg:$0x2] =	wrdreg s25  }
0x27: {  	[dreg:$0x3] =	wrdreg $0x9  }
0x28: {  	_ =	task.clear_ibuf [dreg:s6], $0x4FFFF;
	_ =	strace $0x90000046  }
0x29: {  	s29 =	simm.s32 $0x9;
	_ =	strace $0x80000048  }
0x2a: {  	_ =	swait.ge [sflag:s29], $0x1  }
0x2b: {  	[sflag:s29] =	ssyncadd.s32 $0xFFFFFFFF  }
0x2c: {  	_ =	strace $0x90000048  }
0x2d: {  	_ =	sfence  }
0x2e: {  	s30 =	sld [smem:$0x0];
	_ =	sdelay $0x2  }
0x2f: {  	s31 =	sshll.u32 s3, $0xD;
	s3 =	sshrl.u32 s3, $0x2  }
0x30: {  	s2 =	sand.u32 $0x4000, s31;
	s1 =	sadd.s32 s3, s30  }
0x31: {  	s0 =	sor.u32 s2, s0;
	s1 =	sshll.u32 s1, $0x11  }
0x32: {  	s0 =	sor.u32 s1, s0  }
0x33: {  	s0 =	sadd.s32 $0x8F2B, s0  }
0x34: {  	[sflag:s0] =	ssyncadd.remote.s32 $0x1  }
0x35: {  	_ =	sfence.sel $0xFFFF  }
0x36: {  	[dreg:$0x0] =	wrdreg $0xFFFFFFFF;
	(pc) =	sbr.abs _section_cstart, $3  }
0x37: {  	[dreg:$0x1] =	wrdreg $0xFFFFFFFF  }
0x38: {  	_ =	task.clear_ibuf [dreg:s6], $0x2FFFF;
	_ =	strace $0x9FFFFFFF  }
0x39: {  	(tm) =	ssettm $0x7FFFFFFF  }
tec
execute0_lowered:
.L_overlay_start_1:
0x0: {  	(tag) =	ssettag $0x1  }
0x1: {  	s1 =	rddreg [dreg:$0x0]  }
0x2: {  	s0 =	rddreg [dreg:$0x1]  }
0x3: {  	_ =	strace $0x80000047;
	s4 =	srdreg.scid;
	s6 =	simm.s32 $0x2  }
0x4: {  	s11 =	simm.s32 $0x0;
	p0 =	por $0x0, $0x0;
	s7 =	simm.s32 $0x1000  }
.Ltmp0:
0x5: {  	s12 =	simm.s32 $0x0;
	s9 =	simm.s32 $0x0;
	(pc) =	sbr.rel .LBB1_1-.Ltmp0, $4  }
0x6: {  	s2 =	sadd.s32 $0x14600, s1;
	s3 =	sadd.s32 $0x214600, s1;
	s5 =	sshll.u32 s4, $0x4  }
0x7: {  	s1 =	stileid.u32;
	s4 =	simm.s32 $0x1;
	s5 =	sand.u32 $0x10, s5  }
0x8: {  	s8 =	simm.s32 $0x0;
	[sflag:s4] =	ssyncpa.u1 $0x0;
	s5 =	sor.u32 s1, s5  }
0x9: {  	[sflag:s6] =	ssyncpa.u1 $0x0;
	s6 =	simm.s32 $0x800;
	s10 =	smov.u32 s5  }
.LBB1_7:
0xa: {  	s13 =	sadd.s32 $0x10, s9  }
0xb: {  	s11 =	sadd.s32 $0x20, s10;
	s15 =	smov.u32 s10;
	p2 =	sgt.s32 s13, $0x1F  }
0xc: {  	p1 =	slt.u32 s8, $0x2;
	s15 =	smov.u32 @p2 s11  }
0xd: {  	s8 =	sadd.s32 $0x1, s8;
	s13 =	simm.s32 @p2 $0x0;
	p2 =	sgt.s32 s15, $0x1FF  }
0xe: {  	s15 =	smov.u32 @p2 s5;
	p2 =	sne.s32 s8, $0x22  }
.Ltmp1:
0xf: {  	_ = 	snop;
	(pc) =	sbr.rel @!p2 .LBB1_8-.Ltmp1, $4  }
0x10: {  	s14 =	simm.s32 @!p1 $0x2  }
0x11: {  	s12 =	smov.u32 s10;
	_ =	swait.ge @!p1 [sflag:s14], $0x4000  }
0x12: {  	p0 =	por !p0, !p0;
	s11 =	smov.u32 s9;
	[sflag:s14] =	ssyncset.done @!p1 $0x0  }
0x13: {  	s9 =	smov.u32 s13;
	[sflag:s14] =	ssyncadd.s32 @!p1 $0xFFFFC000;
	s10 =	smov.u32 s15  }
.LBB1_1:
0x14: {  	p1 =	sgt.u32 s8, $0x1F  }
0x15: {  	s13 =	sxor.u32 @!p1 $0xFFFFFFFF, s8;
	s14 =	sshll.u32 @!p1 s10, $0xC  }
0x16: {  	s15 =	sshll.u32 @!p1 s9, $0x7;
	s13 =	sshll.u32 @!p1 s13, $0xE;
	s14 =	sadd.s32 @!p1 s2, s14  }
0x17: {  	s13 =	sand.u32 @!p1 $0x4000, s13;
	s14 =	sadd.s32 @!p1 s15, s14;
	s15 =	simm.s32 @!p1 $0x0  }
0x18: {  	[tilespmem:s13], [sflag:$0x1] =	stream.linear.gather @!p1 [hbm4b:s14+s15], $0x4000, $0x38;
	[tilespmem:$0x10000] =	vst v63  }
0x19: {  	p1 =	seq.s32 s8, $0x0  }
0x1a: {  	p2 =	seq.s32 @!p1 s8, $0x21  }
0x1b: {  	p1 =	por p1, p2  }
.Ltmp2:
0x1c: {  	_ = 	snop;
	(pc) =	sbr.rel @p1 .LBB1_7-.Ltmp2, $1  }
0x1d: {  	_ =	sdelay $0x3  }
0x1e: {  	s13 =	simm.s32 $0x1;
	_ =	swait.ge [sflag:s4], $0x4000;
	s16 =	sshll.u32 s8, $0xE  }
0x1f: {  	s13 =	simm.s32 @!p0 $0x0;
	[sflag:s4] =	ssyncset.done $0x0;
	s31 =	sand.u32 $0x4000, s16  }
0x20: {  	s16 =	simm.s32 $0x0;
	s14 =	sshll.u32 s13, $0xE;
	[sflag:s4] =	ssyncadd.s32 $0xFFFFC000  }
0x21: {  	s13 =	sor.u32 $0x8040, s14;
	s15 =	sor.u32 $0x40, s14;
	s14 =	sor.u32 $0x8000, s31  }
.LBB1_3:
0x22: {  	v0 =	vmov s15;
	_ =	sdelay $0x3  }
0x23: {  	s18 =	simm.s32 $0x0  }
0x24: {  	v6 =	vld.idx.msk [tilespmem:v0+s18+$0x30 ss:$0x1], $0xffff  }
0x25: {  	v7 =	vld.idx.msk [tilespmem:v0+s18+$0xFFFFFFC0 ss:$0x1], $0xffff  }
0x26: {  	v5 =	vld.idx.msk [tilespmem:v0+s18+$0xFFFFFFD0 ss:$0x1], $0xffff  }
0x27: {  	v4 =	vld.idx.msk [tilespmem:v0+s18+$0xFFFFFFE0 ss:$0x1], $0xffff  }
0x28: {  	v3 =	vld.idx.msk [tilespmem:v0+s18+$0xFFFFFFF0 ss:$0x1], $0xffff  }
0x29: {  	v1 =	vld.idx.msk [tilespmem:v0+s18+$0x0 ss:$0x1], $0xffff  }
0x2a: {  	v2 =	vld.idx.msk [tilespmem:v0+s18+$0x10 ss:$0x1], $0xffff;
	[tilespmem:s13+$0x30] =	vst v6  }
0x2b: {  	s17 =	simm.s32 $0x80;
	s19 =	simm.s32 $0x400;
	[tilespmem:s13+$0xFFFFFFC0] =	vst v7;
	v6 =	vld.idx.msk [tilespmem:v0+s18+$0x20 ss:$0x1], $0xffff;
	s18 =	smov.u32 s13  }
.LBB1_4:
0x2c: {  	p1 =	sne.s32 s19, $0xE00;
	v7 =	vld.idx.msk [tilespmem:v0+s17+$0x30 ss:$0x1], $0xffff;
	[tilespmem:s18+$0xFFFFFFD0] =	vst v5  }
0x2d: {  	v8 =	vld.idx.msk [tilespmem:v0+s17+$0xFFFFFFC0 ss:$0x1], $0xffff;
	[tilespmem:s18+$0xFFFFFFE0] =	vst v4  }
0x2e: {  	v5 =	vld.idx.msk [tilespmem:v0+s17+$0xFFFFFFD0 ss:$0x1], $0xffff;
	[tilespmem:s18+$0xFFFFFFF0] =	vst v3  }
.Ltmp3:
0x2f: {  	v4 =	vld.idx.msk [tilespmem:v0+s17+$0xFFFFFFE0 ss:$0x1], $0xffff;
	[tilespmem:s18+$0x0] =	vst v1;
	(pc) =	sbr.rel @p1 .LBB1_4-.Ltmp3, $4  }
0x30: {  	v3 =	vld.idx.msk [tilespmem:v0+s17+$0xFFFFFFF0 ss:$0x1], $0xffff;
	[tilespmem:s18+$0x10] =	vst v2  }
0x31: {  	v1 =	vld.idx.msk [tilespmem:v0+s17+$0x0 ss:$0x1], $0xffff;
	[tilespmem:s18+$0x20] =	vst v6;
	s18 =	sadd.s32 $0x800, s18  }
0x32: {  	v2 =	vld.idx.msk [tilespmem:v0+s17+$0x10 ss:$0x1], $0xffff;
	[tilespmem:s18+$0x30] =	vst v7  }
0x33: {  	[tilespmem:s18+$0xFFFFFFC0] =	vst v8;
	v6 =	vld.idx.msk [tilespmem:v0+s17+$0x20 ss:$0x1], $0xffff;
	s17 =	sshra.s32 s19, $0x2;
	s19 =	sadd.s32 $0x200, s19  }
0x34: {  	_ =	sdelay $0x2  }
0x35: {  	[tilespmem:s18+$0xFFFFFFD0] =	vst v5  }
0x36: {  	v56 =	vld.idx.msk [tilespmem:v0+s17+$0x30 ss:$0x1], $0xffff;
	[tilespmem:s18+$0xFFFFFFE0] =	vst v4  }
0x37: {  	v57 =	vld.idx.msk [tilespmem:v0+s17+$0xFFFFFFC0 ss:$0x1], $0xffff;
	[tilespmem:s18+$0xFFFFFFF0] =	vst v3  }
0x38: {  	v58 =	vld.idx.msk [tilespmem:v0+s17+$0xFFFFFFD0 ss:$0x1], $0xffff;
	[tilespmem:s18+$0x0] =	vst v1  }
0x39: {  	v59 =	vld.idx.msk [tilespmem:v0+s17+$0xFFFFFFE0 ss:$0x1], $0xffff;
	[tilespmem:s18+$0x10] =	vst v2  }
0x3a: {  	v60 =	vld.idx.msk [tilespmem:v0+s17+$0xFFFFFFF0 ss:$0x1], $0xffff;
	s31 =	sadd.s32 $0x800, s18;
	[tilespmem:s18+$0x20] =	vst v6  }
0x3b: {  	v61 =	vld.idx.msk [tilespmem:v0+s17+$0x0 ss:$0x1], $0xffff;
	[tilespmem:s31+$0x30] =	vst v56  }
0x3c: {  	v62 =	vld.idx.msk [tilespmem:v0+s17+$0x10 ss:$0x1], $0xffff;
	s16 =	sadd.s32 $0x1, s16;
	[tilespmem:s31+$0xFFFFFFC0] =	vst v57  }
0x3d: {  	v63 =	vld.idx.msk [tilespmem:v0+s17+$0x20 ss:$0x1], $0xffff;
	p1 =	sne.s32 s16, $0x10;
	[tilespmem:s31+$0xFFFFFFD0] =	vst v58  }
.Ltmp4:
0x3e: {  	[tilespmem:s31+$0xFFFFFFE0] =	vst v59;
	(pc) =	sbr.rel @p1 .LBB1_3-.Ltmp4, $4  }
0x3f: {  	[tilespmem:s31+$0xFFFFFFF0] =	vst v60  }
0x40: {  	[tilespmem:s31+$0x0] =	vst v61  }
0x41: {  	[tilespmem:s31+$0x10] =	vst v62  }
0x42: {  	s13 =	sadd.s32 $0x80, s13;
	s15 =	sadd.s32 $0x400, s15;
	[tilespmem:s31+$0x20] =	vst v63  }
.Ltmp5:
0x43: {  	(pc) =	sbr.rel .LBB1_7-.Ltmp5, $4  }
0x44: {  	s12 =	sshll.u32 s12, $0xC;
	s11 =	sshll.u32 s11, $0x4  }
0x45: {  	s11 =	sand.u32 $0x1F0, s11;
	s12 =	sadd.s32 s3, s12  }
0x46: {  	s11 =	sadd.s32 s11, s12  }
0x47: {  	[hbm4b:s11+s6] =	stream.strided.scatter [tilespmem:s14], [sflag:$0x2], $0x4000, s7, s6, $0x38;
	[tilespmem:$0x10000] =	vst v63  }
.LBB1_8:
0x48: {  	_ =	sfence.sel $0x180000  }
0x49: {  	s2 =	simm.s32 $0x1;
	[bflag:$0x0] =	sbarrier.arrive $0xFFFF  }
0x4a: {  	s31 =	simm.s32 $0x2;
	[sflag:s2] =	ssyncpa.u1 $0x1  }
0x4b: {  	[sflag:s31] =	ssyncpa.u1 $0x1  }
0x4c: {  	p0 =	sne.s32 s1, $0x0;
	_ =	strace $0x90000047  }
0x4d: {  	s0 =	sadd.s32 @!p0 $0x100000, s0;
	[bflag:$0x2] =	sbarrier.arrive $0xFFFF  }
0x4e: {  	[sflag:s0] =	ssyncadd.tile.s32 @!p0 $0x1;
	_ =	shalt  }
.Lfunc_end1:
_tile_overlayer_lowered:
.L_overlay_start_2:
0x4f: {  	(tag) =	ssettag $0x2  }
0x50: {  	s0 =	rddreg [dreg:$0x0];
	s2 =	stileid.u32  }
0x51: {  	s1 =	rddreg [dreg:$0x1];
	p0 =	sne.s32 s2, $0x0  }
0x52: {  	s3 =	rddreg [dreg:$0x2];
	[bflag:$0x3] =	sbarrier.arrive $0xFFFF;
	s2 =	simm.s32 @!p0 $0x1C01  }
0x53: {  	[timem:s3], [sflag:s2] =	dma.local @!p0 [hbm:s0], s1  }
0x54: {  	s0 =	simm.s32 @!p0 $0x1  }
0x55: {  	_ =	swait.ge @!p0 [sflag:s0], s1  }
0x56: {  	s1 =	ssub.s32 @!p0 $0x0, s1;
	[sflag:s0] =	ssyncset.done @!p0 $0x0  }
0x57: {  	[sflag:s0] =	ssyncadd.s32 @!p0 s1  }
0x58: {  	[bflag:$0x3] =	sbarrier.arrive $0xFFFF  }
0x59: {  	_ =	shalt  }

</sc_bundles>
